<compile_context>
chip_gen: v7x
topology: tpu7x:2x2x1
jax: 0.10.2.dev20260603
libtpu: 0.0.44.dev20260713+nightly
codegen_flags: <defaults>
</compile_context>

<pallas_src>
import functools

import jax
import jax.numpy as jnp
from jax import lax
from jax.experimental import pallas as pl
from jax.experimental.pallas import tpu as pltpu
from jax.experimental.pallas import tpu_sc as plsc

D_MODEL = 768
B_TOTAL = 4 * 4096
NUM_WORKERS = 32
B_PER_W = B_TOTAL // NUM_WORKERS
CHUNK = 32
NCHUNK = B_PER_W // CHUNK
NBUF = 3
SBUF = 2
NS = 16

_mesh = plsc.VectorSubcoreMesh(core_axis_name="c", subcore_axis_name="s")


@functools.partial(
    pl.kernel,
    mesh=_mesh,
    out_type=jax.ShapeDtypeStruct((B_TOTAL, D_MODEL), jnp.float32),
    scratch_types=[
        pltpu.VMEM((NCHUNK, CHUNK), jnp.int32),
        pltpu.VMEM((NBUF, CHUNK, D_MODEL), jnp.float32),
        pltpu.VMEM_SHARED((NS, SBUF, CHUNK, D_MODEL), jnp.float32),
        pltpu.SemaphoreType.DMA((NBUF,)),
        pltpu.SemaphoreType.DMA((NBUF,)),
        pltpu.SemaphoreType.DMA((SBUF,)),
    ],
)
def _gather_kernel(idx_hbm, table_hbm, out_hbm, idx_v, bufs, shared,
                   gsem, csem, ssem):
    sid = lax.axis_index("s")
    wid = sid * 2 + lax.axis_index("c")
    base = wid * B_PER_W
    pltpu.sync_copy(idx_hbm.at[pl.ds(wid * NCHUNK, NCHUNK)], idx_v)

    a_h = [None] * NBUF
    b_h = [None] * NBUF
    c_h = [None] * SBUF

    def stage_a(i):
        b = i % NBUF
        a_h[b] = pltpu.async_copy(
            table_hbm.at[idx_v.at[i]], bufs.at[b], gsem.at[b])

    def stage_b(i):
        b = i % NBUF
        s = i % SBUF
        a_h[b].wait()
        if c_h[s] is not None:
            c_h[s].wait()
        b_h[b] = pltpu.async_copy(
            bufs.at[b], shared.at[sid].at[s], csem.at[b])

    def stage_c(i):
        b = i % NBUF
        s = i % SBUF
        b_h[b].wait()
        c_h[s] = pltpu.async_copy(
            shared.at[sid].at[s],
            out_hbm.at[pl.ds(base + i * CHUNK, CHUNK)],
            ssem.at[s])

    for step in range(NCHUNK + 2):
        if step < NCHUNK:
            stage_a(step)
        if step >= 1 and step - 1 < NCHUNK:
            stage_b(step - 1)
        if step >= 2:
            stage_c(step - 2)
    for s in range(SBUF):
        if c_h[s] is not None:
            c_h[s].wait()


def kernel(input_ids, table):
    ids = input_ids.reshape(-1, CHUNK).astype(jnp.int32)
    out = _gather_kernel(ids, table)
    return out.reshape(input_ids.shape + (D_MODEL,))

# --- scband reference (transcript-rebuilt; emitter-appended) ---
"""Pipeline reference for scband-fmembeddings-19516331393352 (READ-ONLY COPY).

The authoritative reference and input builder live on the scoring server;
editing this copy changes nothing except your own understanding.
"""

import jax, jax.numpy as jnp
import numpy as np

VOCAB = 100000
D_MODEL = 768
PAD_ID = 0

def setup_inputs(seed: int = 0) -> dict:
    key = jax.random.key(seed)
    k1, k2 = jax.random.split(key)
    input_ids = jax.random.randint(k1, (4, 4096), 0, VOCAB, dtype=jnp.int64 if jax.config.jax_enable_x64 else jnp.int32)
    table = jax.random.normal(k2, (VOCAB, D_MODEL), dtype=jnp.float32)
    # emulate padding_idx: row pad_token_id is zeroed
    table = table.at[PAD_ID].set(0.0)
    return {"input_ids": input_ids, "table": table}

def reference(input_ids, table):
    # nn.Embedding forward: simple row gather
    return jnp.take(table, input_ids, axis=0)

if __name__ == "__main__":
    import jax
    _d = setup_inputs()
    print(jax.jit(kernel)(*tuple(_d.values())))

</pallas_src>

<mosaic_0001>
#map = affine_map<(d0, d1) -> (0, 0)>
module attributes {stable_mosaic.version = 14 : i64} {
  func.func @_gather_kernel(%arg0: i32, %arg1: i32, %arg2: memref<512x32xi32, #tpu.memory_space<hbm>>, %arg3: memref<100000x768xf32, #tpu.memory_space<hbm>>, %arg4: memref<16384x768xf32, #tpu.memory_space<hbm>>, %arg5: memref<16x32xi32, #tpu.memory_space<vmem>>, %arg6: memref<3x32x768xf32, #tpu.memory_space<vmem>>, %arg7: memref<16x2x32x768xf32, #tpu.memory_space<vmem_shared>>, %arg8: memref<3x!tpu.dma_semaphore, #tpu.memory_space<semaphore_mem>>, %arg9: memref<3x!tpu.dma_semaphore, #tpu.memory_space<semaphore_mem>>, %arg10: memref<2x!tpu.dma_semaphore, #tpu.memory_space<semaphore_mem>>) attributes {dimension_semantics = [#tpu.dimension_semantics<core_parallel>, #tpu.dimension_semantics<subcore_parallel>], iteration_bounds = array<i64: 2, 16>, scalar_prefetch = 0 : i64, scratch_operands = 6 : i64, tpu.core_type = #tpu.core_type<sc_vector_subcore>, window_params = [{transform_indices = #map}, {transform_indices = #map}, {transform_indices = #map}]} {
    %mul3A = arith.constant 2 : i32
    %mul3A_0 = arith.muli %arg1, %mul3A : i32
    %add3A = arith.addi %mul3A_0, %arg0 : i32
    %mul3A_1 = arith.constant 512 : i32
    %mul3A_2 = arith.muli %add3A, %mul3A_1 : i32
    %mul3A_3 = arith.constant 16 : i32
    %mul3A_4 = arith.muli %add3A, %mul3A_3 : i32
    "tpu.region"() ({
      %run_scoped3A = tpu.sem_alloc : memref<!tpu.dma_semaphore, #tpu.memory_space<semaphore_mem>>
      %dma_start3A_1987 = arith.constant 0 : i32
      %dma_start3A_1988 = tpu.memref_slice %arg2[%mul3A_4, %dma_start3A_1987] : memref<512x32xi32, #tpu.memory_space<hbm>> -> memref<16x32xi32, #tpu.memory_space<hbm>>
      %dma_start3A_1989 = arith.constant 0 : i32
      %dma_start3A_1990 = tpu.memref_slice %arg2[%mul3A_4, %dma_start3A_1989] : memref<512x32xi32, #tpu.memory_space<hbm>> -> memref<16x32xi32, #tpu.memory_space<hbm>>
      tpu.enqueue_dma source(%dma_start3A_1990 : memref<16x32xi32, #tpu.memory_space<hbm>>) target(%arg5 : memref<16x32xi32, #tpu.memory_space<vmem>>) target_semaphore(%run_scoped3A : memref<!tpu.dma_semaphore, #tpu.memory_space<semaphore_mem>>)
      %dma_wait3A_1991 = arith.constant 0 : i32
      %dma_wait3A_1992 = tpu.memref_slice %arg2[%mul3A_4, %dma_wait3A_1991] : memref<512x32xi32, #tpu.memory_space<hbm>> -> memref<16x32xi32, #tpu.memory_space<hbm>>
      %dma_wait3A_1993 = arith.constant 0 : i32
      %dma_wait3A_1994 = tpu.memref_slice %arg2[%mul3A_4, %dma_wait3A_1993] : memref<512x32xi32, #tpu.memory_space<hbm>> -> memref<16x32xi32, #tpu.memory_space<hbm>>
      tpu.wait_dma2 semaphore(%run_scoped3A : memref<!tpu.dma_semaphore, #tpu.memory_space<semaphore_mem>>) src(%dma_wait3A_1994 : memref<16x32xi32, #tpu.memory_space<hbm>>) dst(%arg5 : memref<16x32xi32, #tpu.memory_space<vmem>>)
      tpu.yield
    }) : () -> ()
    %dma_start3A = arith.constant 0 : i32
    %dma_start3A_5 = arith.constant 0 : i32
    %dma_start3A_6 = arith.constant 0 : i32
    %dma_start3A_7 = arith.constant 0 : i32
    %dma_start3A_8 = arith.constant 0 : i32
    %dma_start3A_9 = tpu.memref_slice %arg6[%dma_start3A_5, %dma_start3A_7, %dma_start3A_8] : memref<3x32x768xf32, #tpu.memory_space<vmem>> -> memref<1x32x768xf32, #tpu.memory_space<vmem>>
    %dma_start3A_10 = tpu.memref_squeeze %dma_start3A_9 : memref<1x32x768xf32, #tpu.memory_space<vmem>> -> memref<32x768xf32, #tpu.memory_space<vmem>>
    %dma_start3A_11 = arith.constant 0 : i32
    %dma_start3A_12 = tpu.memref_slice %arg5[%dma_start3A, %dma_start3A_11] : memref<16x32xi32, #tpu.memory_space<vmem>> -> memref<1x32xi32, #tpu.memory_space<vmem>>
    %dma_start3A_13 = tpu.memref_squeeze %dma_start3A_12 : memref<1x32xi32, #tpu.memory_space<vmem>> -> memref<32xi32, #tpu.memory_space<vmem>>
    %dma_start3A_14 = arith.constant 0 : i32
    %dma_start3A_15 = arith.constant 0 : i32
    %dma_start3A_16 = tpu.memref_slice %arg3[%dma_start3A_14, %dma_start3A_15] : memref<100000x768xf32, #tpu.memory_space<hbm>> -> memref<100000x768xf32, #tpu.memory_space<hbm>>
    %dma_start3A_17 = tpu.memref_slice %arg8[%dma_start3A_6] : memref<3x!tpu.dma_semaphore, #tpu.memory_space<semaphore_mem>> -> memref<1x!tpu.dma_semaphore, #tpu.memory_space<semaphore_mem>>
    %dma_start3A_18 = tpu.memref_squeeze %dma_start3A_17 : memref<1x!tpu.dma_semaphore, #tpu.memory_space<semaphore_mem>> -> memref<!tpu.dma_semaphore, #tpu.memory_space<semaphore_mem>>
    tpu.enqueue_indirect_dma source(%dma_start3A_16 : memref<100000x768xf32, #tpu.memory_space<hbm>>) target(%dma_start3A_10 : memref<32x768xf32, #tpu.memory_space<vmem>>) offsets(%dma_start3A_13 : memref<32xi32, #tpu.memory_space<vmem>>) semaphore(%dma_start3A_18 : memref<!tpu.dma_semaphore, #tpu.memory_space<semaphore_mem>>)
    %dma_start3A_19 = arith.constant 1 : i32
    %dma_start3A_20 = arith.constant 1 : i32
    %dma_start3A_21 = arith.constant 1 : i32
    %dma_start3A_22 = arith.constant 0 : i32
    %dma_start3A_23 = arith.constant 0 : i32
    %dma_start3A_24 = tpu.memref_slice %arg6[%dma_start3A_20, %dma_start3A_22, %dma_start3A_23] : memref<3x32x768xf32, #tpu.memory_space<vmem>> -> memref<1x32x768xf32, #tpu.memory_space<vmem>>
    %dma_start3A_25 = tpu.memref_squeeze %dma_start3A_24 : memref<1x32x768xf32, #tpu.memory_space<vmem>> -> memref<32x768xf32, #tpu.memory_space<vmem>>
    %dma_start3A_26 = arith.constant 0 : i32
    %dma_start3A_27 = tpu.memref_slice %arg5[%dma_start3A_19, %dma_start3A_26] : memref<16x32xi32, #tpu.memory_space<vmem>> -> memref<1x32xi32, #tpu.memory_space<vmem>>
    %dma_start3A_28 = tpu.memref_squeeze %dma_start3A_27 : memref<1x32xi32, #tpu.memory_space<vmem>> -> memref<32xi32, #tpu.memory_space<vmem>>
    %dma_start3A_29 = arith.constant 0 : i32
    %dma_start3A_30 = arith.constant 0 : i32
    %dma_start3A_31 = tpu.memref_slice %arg3[%dma_start3A_29, %dma_start3A_30] : memref<100000x768xf32, #tpu.memory_space<hbm>> -> memref<100000x768xf32, #tpu.memory_space<hbm>>
    %dma_start3A_32 = tpu.memref_slice %arg8[%dma_start3A_21] : memref<3x!tpu.dma_semaphore, #tpu.memory_space<semaphore_mem>> -> memref<1x!tpu.dma_semaphore, #tpu.memory_space<semaphore_mem>>
    %dma_start3A_33 = tpu.memref_squeeze %dma_start3A_32 : memref<1x!tpu.dma_semaphore, #tpu.memory_space<semaphore_mem>> -> memref<!tpu.dma_semaphore, #tpu.memory_space<semaphore_mem>>
    tpu.enqueue_indirect_dma source(%dma_start3A_31 : memref<100000x768xf32, #tpu.memory_space<hbm>>) target(%dma_start3A_25 : memref<32x768xf32, #tpu.memory_space<vmem>>) offsets(%dma_start3A_28 : memref<32xi32, #tpu.memory_space<vmem>>) semaphore(%dma_start3A_33 : memref<!tpu.dma_semaphore, #tpu.memory_space<semaphore_mem>>)
    %dma_wait3A = arith.constant 0 : i32
    %dma_wait3A_34 = arith.constant 0 : i32
    %dma_wait3A_35 = arith.constant 0 : i32
    %dma_wait3A_36 = arith.constant 0 : i32
    %dma_wait3A_37 = arith.constant 0 : i32
    %dma_wait3A_38 = tpu.memref_slice %arg6[%dma_wait3A_34, %dma_wait3A_36, %dma_wait3A_37] : memref<3x32x768xf32, #tpu.memory_space<vmem>> -> memref<1x32x768xf32, #tpu.memory_space<vmem>>
    %dma_wait3A_39 = tpu.memref_squeeze %dma_wait3A_38 : memref<1x32x768xf32, #tpu.memory_space<vmem>> -> memref<32x768xf32, #tpu.memory_space<vmem>>
    %dma_wait3A_40 = arith.constant 0 : i32
    %dma_wait3A_41 = tpu.memref_slice %arg5[%dma_wait3A, %dma_wait3A_40] : memref<16x32xi32, #tpu.memory_space<vmem>> -> memref<1x32xi32, #tpu.memory_space<vmem>>
    %dma_wait3A_42 = tpu.memref_squeeze %dma_wait3A_41 : memref<1x32xi32, #tpu.memory_space<vmem>> -> memref<32xi32, #tpu.memory_space<vmem>>
    %dma_wait3A_43 = arith.constant 0 : i32
    %dma_wait3A_44 = arith.constant 0 : i32
    %dma_wait3A_45 = tpu.memref_slice %arg3[%dma_wait3A_43, %dma_wait3A_44] : memref<100000x768xf32, #tpu.memory_space<hbm>> -> memref<100000x768xf32, #tpu.memory_space<hbm>>
    %dma_wait3A_46 = tpu.memref_slice %arg8[%dma_wait3A_35] : memref<3x!tpu.dma_semaphore, #tpu.memory_space<semaphore_mem>> -> memref<1x!tpu.dma_semaphore, #tpu.memory_space<semaphore_mem>>
    %dma_wait3A_47 = tpu.memref_squeeze %dma_wait3A_46 : memref<1x!tpu.dma_semaphore, #tpu.memory_space<semaphore_mem>> -> memref<!tpu.dma_semaphore, #tpu.memory_space<semaphore_mem>>
    tpu.wait_indirect_dma semaphore(%dma_wait3A_47 : memref<!tpu.dma_semaphore, #tpu.memory_space<semaphore_mem>>) src(%dma_wait3A_45 : memref<100000x768xf32, #tpu.memory_space<hbm>>) dst(%dma_wait3A_39 : memref<32x768xf32, #tpu.memory_space<vmem>>)
    %dma_start3A_48 = arith.constant 0 : i32
    %dma_start3A_49 = arith.constant 0 : i32
    %dma_start3A_50 = arith.constant 0 : i32
    %dma_start3A_51 = arith.constant 0 : i32
    %dma_start3A_52 = arith.constant 0 : i32
    %dma_start3A_53 = tpu.memref_slice %arg6[%dma_start3A_48, %dma_start3A_51, %dma_start3A_52] : memref<3x32x768xf32, #tpu.memory_space<vmem>> -> memref<1x32x768xf32, #tpu.memory_space<vmem>>
    %dma_start3A_54 = tpu.memref_squeeze %dma_start3A_53 : memref<1x32x768xf32, #tpu.memory_space<vmem>> -> memref<32x768xf32, #tpu.memory_space<vmem>>
    %dma_start3A_55 = arith.constant 0 : i32
    %dma_start3A_56 = arith.constant 0 : i32
    %dma_start3A_57 = arith.constant 0 : i32
    %dma_start3A_58 = tpu.memref_slice %arg7[%arg1, %dma_start3A_55, %dma_start3A_56, %dma_start3A_57] : memref<16x2x32x768xf32, #tpu.memory_space<vmem_shared>> -> memref<1x2x32x768xf32, #tpu.memory_space<vmem_shared>>
    %dma_start3A_59 = tpu.memref_squeeze %dma_start3A_58 : memref<1x2x32x768xf32, #tpu.memory_space<vmem_shared>> -> memref<2x32x768xf32, #tpu.memory_space<vmem_shared>>
    %dma_start3A_60 = arith.constant 0 : i32
    %dma_start3A_61 = arith.constant 0 : i32
    %dma_start3A_62 = tpu.memref_slice %dma_start3A_59[%dma_start3A_49, %dma_start3A_60, %dma_start3A_61] : memref<2x32x768xf32, #tpu.memory_space<vmem_shared>> -> memref<1x32x768xf32, #tpu.memory_space<vmem_shared>>
    %dma_start3A_63 = tpu.memref_squeeze %dma_start3A_62 : memref<1x32x768xf32, #tpu.memory_space<vmem_shared>> -> memref<32x768xf32, #tpu.memory_space<vmem_shared>>
    %dma_start3A_64 = tpu.memref_slice %arg9[%dma_start3A_50] : memref<3x!tpu.dma_semaphore, #tpu.memory_space<semaphore_mem>> -> memref<1x!tpu.dma_semaphore, #tpu.memory_space<semaphore_mem>>
    %dma_start3A_65 = tpu.memref_squeeze %dma_start3A_64 : memref<1x!tpu.dma_semaphore, #tpu.memory_space<semaphore_mem>> -> memref<!tpu.dma_semaphore, #tpu.memory_space<semaphore_mem>>
    %dma_start3A_66 = arith.constant 0 : i32
    %dma_start3A_67 = arith.constant 0 : i32
    %dma_start3A_68 = arith.constant 0 : i32
    %dma_start3A_69 = tpu.memref_slice %arg7[%arg1, %dma_start3A_66, %dma_start3A_67, %dma_start3A_68] : memref<16x2x32x768xf32, #tpu.memory_space<vmem_shared>> -> memref<1x2x32x768xf32, #tpu.memory_space<vmem_shared>>
    %dma_start3A_70 = tpu.memref_squeeze %dma_start3A_69 : memref<1x2x32x768xf32, #tpu.memory_space<vmem_shared>> -> memref<2x32x768xf32, #tpu.memory_space<vmem_shared>>
    %dma_start3A_71 = arith.constant 0 : i32
    %dma_start3A_72 = arith.constant 0 : i32
    %dma_start3A_73 = tpu.memref_slice %dma_start3A_70[%dma_start3A_49, %dma_start3A_71, %dma_start3A_72] : memref<2x32x768xf32, #tpu.memory_space<vmem_shared>> -> memref<1x32x768xf32, #tpu.memory_space<vmem_shared>>
    %dma_start3A_74 = tpu.memref_squeeze %dma_start3A_73 : memref<1x32x768xf32, #tpu.memory_space<vmem_shared>> -> memref<32x768xf32, #tpu.memory_space<vmem_shared>>
    %dma_start3A_75 = arith.constant 0 : i32
    %dma_start3A_76 = arith.constant 0 : i32
    %dma_start3A_77 = tpu.memref_slice %arg6[%dma_start3A_48, %dma_start3A_75, %dma_start3A_76] : memref<3x32x768xf32, #tpu.memory_space<vmem>> -> memref<1x32x768xf32, #tpu.memory_space<vmem>>
    %dma_start3A_78 = tpu.memref_squeeze %dma_start3A_77 : memref<1x32x768xf32, #tpu.memory_space<vmem>> -> memref<32x768xf32, #tpu.memory_space<vmem>>
    tpu.enqueue_dma source(%dma_start3A_78 : memref<32x768xf32, #tpu.memory_space<vmem>>) target(%dma_start3A_74 : memref<32x768xf32, #tpu.memory_space<vmem_shared>>) target_semaphore(%dma_start3A_65 : memref<!tpu.dma_semaphore, #tpu.memory_space<semaphore_mem>>)
    %dma_start3A_79 = arith.constant 2 : i32
    %dma_start3A_80 = arith.constant 2 : i32
    %dma_start3A_81 = arith.constant 2 : i32
    %dma_start3A_82 = arith.constant 0 : i32
    %dma_start3A_83 = arith.constant 0 : i32
    %dma_start3A_84 = tpu.memref_slice %arg6[%dma_start3A_80, %dma_start3A_82, %dma_start3A_83] : memref<3x32x768xf32, #tpu.memory_space<vmem>> -> memref<1x32x768xf32, #tpu.memory_space<vmem>>
    %dma_start3A_85 = tpu.memref_squeeze %dma_start3A_84 : memref<1x32x768xf32, #tpu.memory_space<vmem>> -> memref<32x768xf32, #tpu.memory_space<vmem>>
    %dma_start3A_86 = arith.constant 0 : i32
    %dma_start3A_87 = tpu.memref_slice %arg5[%dma_start3A_79, %dma_start3A_86] : memref<16x32xi32, #tpu.memory_space<vmem>> -> memref<1x32xi32, #tpu.memory_space<vmem>>
    %dma_start3A_88 = tpu.memref_squeeze %dma_start3A_87 : memref<1x32xi32, #tpu.memory_space<vmem>> -> memref<32xi32, #tpu.memory_space<vmem>>
    %dma_start3A_89 = arith.constant 0 : i32
    %dma_start3A_90 = arith.constant 0 : i32
    %dma_start3A_91 = tpu.memref_slice %arg3[%dma_start3A_89, %dma_start3A_90] : memref<100000x768xf32, #tpu.memory_space<hbm>> -> memref<100000x768xf32, #tpu.memory_space<hbm>>
    %dma_start3A_92 = tpu.memref_slice %arg8[%dma_start3A_81] : memref<3x!tpu.dma_semaphore, #tpu.memory_space<semaphore_mem>> -> memref<1x!tpu.dma_semaphore, #tpu.memory_space<semaphore_mem>>
    %dma_start3A_93 = tpu.memref_squeeze %dma_start3A_92 : memref<1x!tpu.dma_semaphore, #tpu.memory_space<semaphore_mem>> -> memref<!tpu.dma_semaphore, #tpu.memory_space<semaphore_mem>>
    tpu.enqueue_indirect_dma source(%dma_start3A_91 : memref<100000x768xf32, #tpu.memory_space<hbm>>) target(%dma_start3A_85 : memref<32x768xf32, #tpu.memory_space<vmem>>) offsets(%dma_start3A_88 : memref<32xi32, #tpu.memory_space<vmem>>) semaphore(%dma_start3A_93 : memref<!tpu.dma_semaphore, #tpu.memory_space<semaphore_mem>>)
    %dma_wait3A_94 = arith.constant 1 : i32
    %dma_wait3A_95 = arith.constant 1 : i32
    %dma_wait3A_96 = arith.constant 1 : i32
    %dma_wait3A_97 = arith.constant 0 : i32
    %dma_wait3A_98 = arith.constant 0 : i32
    %dma_wait3A_99 = tpu.memref_slice %arg6[%dma_wait3A_95, %dma_wait3A_97, %dma_wait3A_98] : memref<3x32x768xf32, #tpu.memory_space<vmem>> -> memref<1x32x768xf32, #tpu.memory_space<vmem>>
    %dma_wait3A_100 = tpu.memref_squeeze %dma_wait3A_99 : memref<1x32x768xf32, #tpu.memory_space<vmem>> -> memref<32x768xf32, #tpu.memory_space<vmem>>
    %dma_wait3A_101 = arith.constant 0 : i32
    %dma_wait3A_102 = tpu.memref_slice %arg5[%dma_wait3A_94, %dma_wait3A_101] : memref<16x32xi32, #tpu.memory_space<vmem>> -> memref<1x32xi32, #tpu.memory_space<vmem>>
    %dma_wait3A_103 = tpu.memref_squeeze %dma_wait3A_102 : memref<1x32xi32, #tpu.memory_space<vmem>> -> memref<32xi32, #tpu.memory_space<vmem>>
    %dma_wait3A_104 = arith.constant 0 : i32
    %dma_wait3A_105 = arith.constant 0 : i32
    %dma_wait3A_106 = tpu.memref_slice %arg3[%dma_wait3A_104, %dma_wait3A_105] : memref<100000x768xf32, #tpu.memory_space<hbm>> -> memref<100000x768xf32, #tpu.memory_space<hbm>>
    %dma_wait3A_107 = tpu.memref_slice %arg8[%dma_wait3A_96] : memref<3x!tpu.dma_semaphore, #tpu.memory_space<semaphore_mem>> -> memref<1x!tpu.dma_semaphore, #tpu.memory_space<semaphore_mem>>
    %dma_wait3A_108 = tpu.memref_squeeze %dma_wait3A_107 : memref<1x!tpu.dma_semaphore, #tpu.memory_space<semaphore_mem>> -> memref<!tpu.dma_semaphore, #tpu.memory_space<semaphore_mem>>
    tpu.wait_indirect_dma semaphore(%dma_wait3A_108 : memref<!tpu.dma_semaphore, #tpu.memory_space<semaphore_mem>>) src(%dma_wait3A_106 : memref<100000x768xf32, #tpu.memory_space<hbm>>) dst(%dma_wait3A_100 : memref<32x768xf32, #tpu.memory_space<vmem>>)
    %dma_start3A_109 = arith.constant 1 : i32
    %dma_start3A_110 = arith.constant 1 : i32
    %dma_start3A_111 = arith.constant 1 : i32
    %dma_start3A_112 = arith.constant 0 : i32
    %dma_start3A_113 = arith.constant 0 : i32
    %dma_start3A_114 = tpu.memref_slice %arg6[%dma_start3A_109, %dma_start3A_112, %dma_start3A_113] : memref<3x32x768xf32, #tpu.memory_space<vmem>> -> memref<1x32x768xf32, #tpu.memory_space<vmem>>
    %dma_start3A_115 = tpu.memref_squeeze %dma_start3A_114 : memref<1x32x768xf32, #tpu.memory_space<vmem>> -> memref<32x768xf32, #tpu.memory_space<vmem>>
    %dma_start3A_116 = arith.constant 0 : i32
    %dma_start3A_117 = arith.constant 0 : i32
    %dma_start3A_118 = arith.constant 0 : i32
    %dma_start3A_119 = tpu.memref_slice %arg7[%arg1, %dma_start3A_116, %dma_start3A_117, %dma_start3A_118] : memref<16x2x32x768xf32, #tpu.memory_space<vmem_shared>> -> memref<1x2x32x768xf32, #tpu.memory_space<vmem_shared>>
    %dma_start3A_120 = tpu.memref_squeeze %dma_start3A_119 : memref<1x2x32x768xf32, #tpu.memory_space<vmem_shared>> -> memref<2x32x768xf32, #tpu.memory_space<vmem_shared>>
    %dma_start3A_121 = arith.constant 0 : i32
    %dma_start3A_122 = arith.constant 0 : i32
    %dma_start3A_123 = tpu.memref_slice %dma_start3A_120[%dma_start3A_110, %dma_start3A_121, %dma_start3A_122] : memref<2x32x768xf32, #tpu.memory_space<vmem_shared>> -> memref<1x32x768xf32, #tpu.memory_space<vmem_shared>>
    %dma_start3A_124 = tpu.memref_squeeze %dma_start3A_123 : memref<1x32x768xf32, #tpu.memory_space<vmem_shared>> -> memref<32x768xf32, #tpu.memory_space<vmem_shared>>
    %dma_start3A_125 = tpu.memref_slice %arg9[%dma_start3A_111] : memref<3x!tpu.dma_semaphore, #tpu.memory_space<semaphore_mem>> -> memref<1x!tpu.dma_semaphore, #tpu.memory_space<semaphore_mem>>
    %dma_start3A_126 = tpu.memref_squeeze %dma_start3A_125 : memref<1x!tpu.dma_semaphore, #tpu.memory_space<semaphore_mem>> -> memref<!tpu.dma_semaphore, #tpu.memory_space<semaphore_mem>>
    %dma_start3A_127 = arith.constant 0 : i32
    %dma_start3A_128 = arith.constant 0 : i32
    %dma_start3A_129 = arith.constant 0 : i32
    %dma_start3A_130 = tpu.memref_slice %arg7[%arg1, %dma_start3A_127, %dma_start3A_128, %dma_start3A_129] : memref<16x2x32x768xf32, #tpu.memory_space<vmem_shared>> -> memref<1x2x32x768xf32, #tpu.memory_space<vmem_shared>>
    %dma_start3A_131 = tpu.memref_squeeze %dma_start3A_130 : memref<1x2x32x768xf32, #tpu.memory_space<vmem_shared>> -> memref<2x32x768xf32, #tpu.memory_space<vmem_shared>>
    %dma_start3A_132 = arith.constant 0 : i32
    %dma_start3A_133 = arith.constant 0 : i32
    %dma_start3A_134 = tpu.memref_slice %dma_start3A_131[%dma_start3A_110, %dma_start3A_132, %dma_start3A_133] : memref<2x32x768xf32, #tpu.memory_space<vmem_shared>> -> memref<1x32x768xf32, #tpu.memory_space<vmem_shared>>
    %dma_start3A_135 = tpu.memref_squeeze %dma_start3A_134 : memref<1x32x768xf32, #tpu.memory_space<vmem_shared>> -> memref<32x768xf32, #tpu.memory_space<vmem_shared>>
    %dma_start3A_136 = arith.constant 0 : i32
    %dma_start3A_137 = arith.constant 0 : i32
    %dma_start3A_138 = tpu.memref_slice %arg6[%dma_start3A_109, %dma_start3A_136, %dma_start3A_137] : memref<3x32x768xf32, #tpu.memory_space<vmem>> -> memref<1x32x768xf32, #tpu.memory_space<vmem>>
    %dma_start3A_139 = tpu.memref_squeeze %dma_start3A_138 : memref<1x32x768xf32, #tpu.memory_space<vmem>> -> memref<32x768xf32, #tpu.memory_space<vmem>>
    tpu.enqueue_dma source(%dma_start3A_139 : memref<32x768xf32, #tpu.memory_space<vmem>>) target(%dma_start3A_135 : memref<32x768xf32, #tpu.memory_space<vmem_shared>>) target_semaphore(%dma_start3A_126 : memref<!tpu.dma_semaphore, #tpu.memory_space<semaphore_mem>>)
    %dma_wait3A_140 = arith.constant 0 : i32
    %dma_wait3A_141 = arith.constant 0 : i32
    %dma_wait3A_142 = arith.constant 0 : i32
    %dma_wait3A_143 = arith.constant 0 : i32
    %dma_wait3A_144 = arith.constant 0 : i32
    %dma_wait3A_145 = tpu.memref_slice %arg6[%dma_wait3A_140, %dma_wait3A_143, %dma_wait3A_144] : memref<3x32x768xf32, #tpu.memory_space<vmem>> -> memref<1x32x768xf32, #tpu.memory_space<vmem>>
    %dma_wait3A_146 = tpu.memref_squeeze %dma_wait3A_145 : memref<1x32x768xf32, #tpu.memory_space<vmem>> -> memref<32x768xf32, #tpu.memory_space<vmem>>
    %dma_wait3A_147 = arith.constant 0 : i32
    %dma_wait3A_148 = arith.constant 0 : i32
    %dma_wait3A_149 = arith.constant 0 : i32
    %dma_wait3A_150 = tpu.memref_slice %arg7[%arg1, %dma_wait3A_147, %dma_wait3A_148, %dma_wait3A_149] : memref<16x2x32x768xf32, #tpu.memory_space<vmem_shared>> -> memref<1x2x32x768xf32, #tpu.memory_space<vmem_shared>>
    %dma_wait3A_151 = tpu.memref_squeeze %dma_wait3A_150 : memref<1x2x32x768xf32, #tpu.memory_space<vmem_shared>> -> memref<2x32x768xf32, #tpu.memory_space<vmem_shared>>
    %dma_wait3A_152 = arith.constant 0 : i32
    %dma_wait3A_153 = arith.constant 0 : i32
    %dma_wait3A_154 = tpu.memref_slice %dma_wait3A_151[%dma_wait3A_141, %dma_wait3A_152, %dma_wait3A_153] : memref<2x32x768xf32, #tpu.memory_space<vmem_shared>> -> memref<1x32x768xf32, #tpu.memory_space<vmem_shared>>
    %dma_wait3A_155 = tpu.memref_squeeze %dma_wait3A_154 : memref<1x32x768xf32, #tpu.memory_space<vmem_shared>> -> memref<32x768xf32, #tpu.memory_space<vmem_shared>>
    %dma_wait3A_156 = tpu.memref_slice %arg9[%dma_wait3A_142] : memref<3x!tpu.dma_semaphore, #tpu.memory_space<semaphore_mem>> -> memref<1x!tpu.dma_semaphore, #tpu.memory_space<semaphore_mem>>
    %dma_wait3A_157 = tpu.memref_squeeze %dma_wait3A_156 : memref<1x!tpu.dma_semaphore, #tpu.memory_space<semaphore_mem>> -> memref<!tpu.dma_semaphore, #tpu.memory_space<semaphore_mem>>
    %dma_wait3A_158 = arith.constant 0 : i32
    %dma_wait3A_159 = arith.constant 0 : i32
    %dma_wait3A_160 = arith.constant 0 : i32
    %dma_wait3A_161 = tpu.memref_slice %arg7[%arg1, %dma_wait3A_158, %dma_wait3A_159, %dma_wait3A_160] : memref<16x2x32x768xf32, #tpu.memory_space<vmem_shared>> -> memref<1x2x32x768xf32, #tpu.memory_space<vmem_shared>>
    %dma_wait3A_162 = tpu.memref_squeeze %dma_wait3A_161 : memref<1x2x32x768xf32, #tpu.memory_space<vmem_shared>> -> memref<2x32x768xf32, #tpu.memory_space<vmem_shared>>
    %dma_wait3A_163 = arith.constant 0 : i32
    %dma_wait3A_164 = arith.constant 0 : i32
    %dma_wait3A_165 = tpu.memref_slice %dma_wait3A_162[%dma_wait3A_141, %dma_wait3A_163, %dma_wait3A_164] : memref<2x32x768xf32, #tpu.memory_space<vmem_shared>> -> memref<1x32x768xf32, #tpu.memory_space<vmem_shared>>
    %dma_wait3A_166 = tpu.memref_squeeze %dma_wait3A_165 : memref<1x32x768xf32, #tpu.memory_space<vmem_shared>> -> memref<32x768xf32, #tpu.memory_space<vmem_shared>>
    %dma_wait3A_167 = arith.constant 0 : i32
    %dma_wait3A_168 = arith.constant 0 : i32
    %dma_wait3A_169 = tpu.memref_slice %arg6[%dma_wait3A_140, %dma_wait3A_167, %dma_wait3A_168] : memref<3x32x768xf32, #tpu.memory_space<vmem>> -> memref<1x32x768xf32, #tpu.memory_space<vmem>>
    %dma_wait3A_170 = tpu.memref_squeeze %dma_wait3A_169 : memref<1x32x768xf32, #tpu.memory_space<vmem>> -> memref<32x768xf32, #tpu.memory_space<vmem>>
    tpu.wait_dma2 semaphore(%dma_wait3A_157 : memref<!tpu.dma_semaphore, #tpu.memory_space<semaphore_mem>>) src(%dma_wait3A_170 : memref<32x768xf32, #tpu.memory_space<vmem>>) dst(%dma_wait3A_166 : memref<32x768xf32, #tpu.memory_space<vmem_shared>>)
    %add3A_171 = arith.constant 0 : i32
    %add3A_172 = arith.addi %mul3A_2, %add3A_171 : i32
    %dma_start3A_173 = arith.constant 0 : i32
    %dma_start3A_174 = arith.constant 0 : i32
    %dma_start3A_175 = tpu.memref_slice %arg10[%dma_start3A_174] : memref<2x!tpu.dma_semaphore, #tpu.memory_space<semaphore_mem>> -> memref<1x!tpu.dma_semaphore, #tpu.memory_space<semaphore_mem>>
    %dma_start3A_176 = tpu.memref_squeeze %dma_start3A_175 : memref<1x!tpu.dma_semaphore, #tpu.memory_space<semaphore_mem>> -> memref<!tpu.dma_semaphore, #tpu.memory_space<semaphore_mem>>
    %dma_start3A_177 = arith.constant 0 : i32
    %dma_start3A_178 = tpu.memref_slice %arg4[%add3A_172, %dma_start3A_177] : memref<16384x768xf32, #tpu.memory_space<hbm>> -> memref<32x768xf32, #tpu.memory_space<hbm>>
    %dma_start3A_179 = arith.constant 0 : i32
    %dma_start3A_180 = arith.constant 0 : i32
    %dma_start3A_181 = arith.constant 0 : i32
    %dma_start3A_182 = tpu.memref_slice %arg7[%arg1, %dma_start3A_179, %dma_start3A_180, %dma_start3A_181] : memref<16x2x32x768xf32, #tpu.memory_space<vmem_shared>> -> memref<1x2x32x768xf32, #tpu.memory_space<vmem_shared>>
    %dma_start3A_183 = tpu.memref_squeeze %dma_start3A_182 : memref<1x2x32x768xf32, #tpu.memory_space<vmem_shared>> -> memref<2x32x768xf32, #tpu.memory_space<vmem_shared>>
    %dma_start3A_184 = arith.constant 0 : i32
    %dma_start3A_185 = arith.constant 0 : i32
    %dma_start3A_186 = tpu.memref_slice %dma_start3A_183[%dma_start3A_173, %dma_start3A_184, %dma_start3A_185] : memref<2x32x768xf32, #tpu.memory_space<vmem_shared>> -> memref<1x32x768xf32, #tpu.memory_space<vmem_shared>>
    %dma_start3A_187 = tpu.memref_squeeze %dma_start3A_186 : memref<1x32x768xf32, #tpu.memory_space<vmem_shared>> -> memref<32x768xf32, #tpu.memory_space<vmem_shared>>
    tpu.enqueue_dma source(%dma_start3A_187 : memref<32x768xf32, #tpu.memory_space<vmem_shared>>) target(%dma_start3A_178 : memref<32x768xf32, #tpu.memory_space<hbm>>) target_semaphore(%dma_start3A_176 : memref<!tpu.dma_semaphore, #tpu.memory_space<semaphore_mem>>)
    %dma_start3A_188 = arith.constant 3 : i32
    %dma_start3A_189 = arith.constant 0 : i32
    %dma_start3A_190 = arith.constant 0 : i32
    %dma_start3A_191 = arith.constant 0 : i32
    %dma_start3A_192 = arith.constant 0 : i32
    %dma_start3A_193 = tpu.memref_slice %arg6[%dma_start3A_189, %dma_start3A_191, %dma_start3A_192] : memref<3x32x768xf32, #tpu.memory_space<vmem>> -> memref<1x32x768xf32, #tpu.memory_space<vmem>>
    %dma_start3A_194 = tpu.memref_squeeze %dma_start3A_193 : memref<1x32x768xf32, #tpu.memory_space<vmem>> -> memref<32x768xf32, #tpu.memory_space<vmem>>
    %dma_start3A_195 = arith.constant 0 : i32
    %dma_start3A_196 = tpu.memref_slice %arg5[%dma_start3A_188, %dma_start3A_195] : memref<16x32xi32, #tpu.memory_space<vmem>> -> memref<1x32xi32, #tpu.memory_space<vmem>>
    %dma_start3A_197 = tpu.memref_squeeze %dma_start3A_196 : memref<1x32xi32, #tpu.memory_space<vmem>> -> memref<32xi32, #tpu.memory_space<vmem>>
    %dma_start3A_198 = arith.constant 0 : i32
    %dma_start3A_199 = arith.constant 0 : i32
    %dma_start3A_200 = tpu.memref_slice %arg3[%dma_start3A_198, %dma_start3A_199] : memref<100000x768xf32, #tpu.memory_space<hbm>> -> memref<100000x768xf32, #tpu.memory_space<hbm>>
    %dma_start3A_201 = tpu.memref_slice %arg8[%dma_start3A_190] : memref<3x!tpu.dma_semaphore, #tpu.memory_space<semaphore_mem>> -> memref<1x!tpu.dma_semaphore, #tpu.memory_space<semaphore_mem>>
    %dma_start3A_202 = tpu.memref_squeeze %dma_start3A_201 : memref<1x!tpu.dma_semaphore, #tpu.memory_space<semaphore_mem>> -> memref<!tpu.dma_semaphore, #tpu.memory_space<semaphore_mem>>
    tpu.enqueue_indirect_dma source(%dma_start3A_200 : memref<100000x768xf32, #tpu.memory_space<hbm>>) target(%dma_start3A_194 : memref<32x768xf32, #tpu.memory_space<vmem>>) offsets(%dma_start3A_197 : memref<32xi32, #tpu.memory_space<vmem>>) semaphore(%dma_start3A_202 : memref<!tpu.dma_semaphore, #tpu.memory_space<semaphore_mem>>)
    %dma_wait3A_203 = arith.constant 2 : i32
    %dma_wait3A_204 = arith.constant 2 : i32
    %dma_wait3A_205 = arith.constant 2 : i32
    %dma_wait3A_206 = arith.constant 0 : i32
    %dma_wait3A_207 = arith.constant 0 : i32
    %dma_wait3A_208 = tpu.memref_slice %arg6[%dma_wait3A_204, %dma_wait3A_206, %dma_wait3A_207] : memref<3x32x768xf32, #tpu.memory_space<vmem>> -> memref<1x32x768xf32, #tpu.memory_space<vmem>>
    %dma_wait3A_209 = tpu.memref_squeeze %dma_wait3A_208 : memref<1x32x768xf32, #tpu.memory_space<vmem>> -> memref<32x768xf32, #tpu.memory_space<vmem>>
    %dma_wait3A_210 = arith.constant 0 : i32
    %dma_wait3A_211 = tpu.memref_slice %arg5[%dma_wait3A_203, %dma_wait3A_210] : memref<16x32xi32, #tpu.memory_space<vmem>> -> memref<1x32xi32, #tpu.memory_space<vmem>>
    %dma_wait3A_212 = tpu.memref_squeeze %dma_wait3A_211 : memref<1x32xi32, #tpu.memory_space<vmem>> -> memref<32xi32, #tpu.memory_space<vmem>>
    %dma_wait3A_213 = arith.constant 0 : i32
    %dma_wait3A_214 = arith.constant 0 : i32
    %dma_wait3A_215 = tpu.memref_slice %arg3[%dma_wait3A_213, %dma_wait3A_214] : memref<100000x768xf32, #tpu.memory_space<hbm>> -> memref<100000x768xf32, #tpu.memory_space<hbm>>
    %dma_wait3A_216 = tpu.memref_slice %arg8[%dma_wait3A_205] : memref<3x!tpu.dma_semaphore, #tpu.memory_space<semaphore_mem>> -> memref<1x!tpu.dma_semaphore, #tpu.memory_space<semaphore_mem>>
    %dma_wait3A_217 = tpu.memref_squeeze %dma_wait3A_216 : memref<1x!tpu.dma_semaphore, #tpu.memory_space<semaphore_mem>> -> memref<!tpu.dma_semaphore, #tpu.memory_space<semaphore_mem>>
    tpu.wait_indirect_dma semaphore(%dma_wait3A_217 : memref<!tpu.dma_semaphore, #tpu.memory_space<semaphore_mem>>) src(%dma_wait3A_215 : memref<100000x768xf32, #tpu.memory_space<hbm>>) dst(%dma_wait3A_209 : memref<32x768xf32, #tpu.memory_space<vmem>>)
    %dma_wait3A_218 = arith.constant 0 : i32
    %dma_wait3A_219 = arith.constant 0 : i32
    %dma_wait3A_220 = tpu.memref_slice %arg10[%dma_wait3A_219] : memref<2x!tpu.dma_semaphore, #tpu.memory_space<semaphore_mem>> -> memref<1x!tpu.dma_semaphore, #tpu.memory_space<semaphore_mem>>
    %dma_wait3A_221 = tpu.memref_squeeze %dma_wait3A_220 : memref<1x!tpu.dma_semaphore, #tpu.memory_space<semaphore_mem>> -> memref<!tpu.dma_semaphore, #tpu.memory_space<semaphore_mem>>
    %dma_wait3A_222 = arith.constant 0 : i32
    %dma_wait3A_223 = tpu.memref_slice %arg4[%add3A_172, %dma_wait3A_222] : memref<16384x768xf32, #tpu.memory_space<hbm>> -> memref<32x768xf32, #tpu.memory_space<hbm>>
    %dma_wait3A_224 = arith.constant 0 : i32
    %dma_wait3A_225 = arith.constant 0 : i32
    %dma_wait3A_226 = arith.constant 0 : i32
    %dma_wait3A_227 = tpu.memref_slice %arg7[%arg1, %dma_wait3A_224, %dma_wait3A_225, %dma_wait3A_226] : memref<16x2x32x768xf32, #tpu.memory_space<vmem_shared>> -> memref<1x2x32x768xf32, #tpu.memory_space<vmem_shared>>
    %dma_wait3A_228 = tpu.memref_squeeze %dma_wait3A_227 : memref<1x2x32x768xf32, #tpu.memory_space<vmem_shared>> -> memref<2x32x768xf32, #tpu.memory_space<vmem_shared>>
    %dma_wait3A_229 = arith.constant 0 : i32
    %dma_wait3A_230 = arith.constant 0 : i32
    %dma_wait3A_231 = tpu.memref_slice %dma_wait3A_228[%dma_wait3A_218, %dma_wait3A_229, %dma_wait3A_230] : memref<2x32x768xf32, #tpu.memory_space<vmem_shared>> -> memref<1x32x768xf32, #tpu.memory_space<vmem_shared>>
    %dma_wait3A_232 = tpu.memref_squeeze %dma_wait3A_231 : memref<1x32x768xf32, #tpu.memory_space<vmem_shared>> -> memref<32x768xf32, #tpu.memory_space<vmem_shared>>
    tpu.wait_dma2 semaphore(%dma_wait3A_221 : memref<!tpu.dma_semaphore, #tpu.memory_space<semaphore_mem>>) src(%dma_wait3A_232 : memref<32x768xf32, #tpu.memory_space<vmem_shared>>) dst(%dma_wait3A_223 : memref<32x768xf32, #tpu.memory_space<hbm>>)
    %dma_start3A_233 = arith.constant 2 : i32
    %dma_start3A_234 = arith.constant 0 : i32
    %dma_start3A_235 = arith.constant 2 : i32
    %dma_start3A_236 = arith.constant 0 : i32
    %dma_start3A_237 = arith.constant 0 : i32
    %dma_start3A_238 = tpu.memref_slice %arg6[%dma_start3A_233, %dma_start3A_236, %dma_start3A_237] : memref<3x32x768xf32, #tpu.memory_space<vmem>> -> memref<1x32x768xf32, #tpu.memory_space<vmem>>
    %dma_start3A_239 = tpu.memref_squeeze %dma_start3A_238 : memref<1x32x768xf32, #tpu.memory_space<vmem>> -> memref<32x768xf32, #tpu.memory_space<vmem>>
    %dma_start3A_240 = arith.constant 0 : i32
    %dma_start3A_241 = arith.constant 0 : i32
    %dma_start3A_242 = arith.constant 0 : i32
    %dma_start3A_243 = tpu.memref_slice %arg7[%arg1, %dma_start3A_240, %dma_start3A_241, %dma_start3A_242] : memref<16x2x32x768xf32, #tpu.memory_space<vmem_shared>> -> memref<1x2x32x768xf32, #tpu.memory_space<vmem_shared>>
    %dma_start3A_244 = tpu.memref_squeeze %dma_start3A_243 : memref<1x2x32x768xf32, #tpu.memory_space<vmem_shared>> -> memref<2x32x768xf32, #tpu.memory_space<vmem_shared>>
    %dma_start3A_245 = arith.constant 0 : i32
    %dma_start3A_246 = arith.constant 0 : i32
    %dma_start3A_247 = tpu.memref_slice %dma_start3A_244[%dma_start3A_234, %dma_start3A_245, %dma_start3A_246] : memref<2x32x768xf32, #tpu.memory_space<vmem_shared>> -> memref<1x32x768xf32, #tpu.memory_space<vmem_shared>>
    %dma_start3A_248 = tpu.memref_squeeze %dma_start3A_247 : memref<1x32x768xf32, #tpu.memory_space<vmem_shared>> -> memref<32x768xf32, #tpu.memory_space<vmem_shared>>
    %dma_start3A_249 = tpu.memref_slice %arg9[%dma_start3A_235] : memref<3x!tpu.dma_semaphore, #tpu.memory_space<semaphore_mem>> -> memref<1x!tpu.dma_semaphore, #tpu.memory_space<semaphore_mem>>
    %dma_start3A_250 = tpu.memref_squeeze %dma_start3A_249 : memref<1x!tpu.dma_semaphore, #tpu.memory_space<semaphore_mem>> -> memref<!tpu.dma_semaphore, #tpu.memory_space<semaphore_mem>>
    %dma_start3A_251 = arith.constant 0 : i32
    %dma_start3A_252 = arith.constant 0 : i32
    %dma_start3A_253 = arith.constant 0 : i32
    %dma_start3A_254 = tpu.memref_slice %arg7[%arg1, %dma_start3A_251, %dma_start3A_252, %dma_start3A_253] : memref<16x2x32x768xf32, #tpu.memory_space<vmem_shared>> -> memref<1x2x32x768xf32, #tpu.memory_space<vmem_shared>>
    %dma_start3A_255 = tpu.memref_squeeze %dma_start3A_254 : memref<1x2x32x768xf32, #tpu.memory_space<vmem_shared>> -> memref<2x32x768xf32, #tpu.memory_space<vmem_shared>>
    %dma_start3A_256 = arith.constant 0 : i32
    %dma_start3A_257 = arith.constant 0 : i32
    %dma_start3A_258 = tpu.memref_slice %dma_start3A_255[%dma_start3A_234, %dma_start3A_256, %dma_start3A_257] : memref<2x32x768xf32, #tpu.memory_space<vmem_shared>> -> memref<1x32x768xf32, #tpu.memory_space<vmem_shared>>
    %dma_start3A_259 = tpu.memref_squeeze %dma_start3A_258 : memref<1x32x768xf32, #tpu.memory_space<vmem_shared>> -> memref<32x768xf32, #tpu.memory_space<vmem_shared>>
    %dma_start3A_260 = arith.constant 0 : i32
    %dma_start3A_261 = arith.constant 0 : i32
    %dma_start3A_262 = tpu.memref_slice %arg6[%dma_start3A_233, %dma_start3A_260, %dma_start3A_261] : memref<3x32x768xf32, #tpu.memory_space<vmem>> -> memref<1x32x768xf32, #tpu.memory_space<vmem>>
    %dma_start3A_263 = tpu.memref_squeeze %dma_start3A_262 : memref<1x32x768xf32, #tpu.memory_space<vmem>> -> memref<32x768xf32, #tpu.memory_space<vmem>>
    tpu.enqueue_dma source(%dma_start3A_263 : memref<32x768xf32, #tpu.memory_space<vmem>>) target(%dma_start3A_259 : memref<32x768xf32, #tpu.memory_space<vmem_shared>>) target_semaphore(%dma_start3A_250 : memref<!tpu.dma_semaphore, #tpu.memory_space<semaphore_mem>>)
    %dma_wait3A_264 = arith.constant 1 : i32
    %dma_wait3A_265 = arith.constant 1 : i32
    %dma_wait3A_266 = arith.constant 1 : i32
    %dma_wait3A_267 = arith.constant 0 : i32
    %dma_wait3A_268 = arith.constant 0 : i32
    %dma_wait3A_269 = tpu.memref_slice %arg6[%dma_wait3A_264, %dma_wait3A_267, %dma_wait3A_268] : memref<3x32x768xf32, #tpu.memory_space<vmem>> -> memref<1x32x768xf32, #tpu.memory_space<vmem>>
    %dma_wait3A_270 = tpu.memref_squeeze %dma_wait3A_269 : memref<1x32x768xf32, #tpu.memory_space<vmem>> -> memref<32x768xf32, #tpu.memory_space<vmem>>
    %dma_wait3A_271 = arith.constant 0 : i32
    %dma_wait3A_272 = arith.constant 0 : i32
    %dma_wait3A_273 = arith.constant 0 : i32
    %dma_wait3A_274 = tpu.memref_slice %arg7[%arg1, %dma_wait3A_271, %dma_wait3A_272, %dma_wait3A_273] : memref<16x2x32x768xf32, #tpu.memory_space<vmem_shared>> -> memref<1x2x32x768xf32, #tpu.memory_space<vmem_shared>>
    %dma_wait3A_275 = tpu.memref_squeeze %dma_wait3A_274 : memref<1x2x32x768xf32, #tpu.memory_space<vmem_shared>> -> memref<2x32x768xf32, #tpu.memory_space<vmem_shared>>
    %dma_wait3A_276 = arith.constant 0 : i32
    %dma_wait3A_277 = arith.constant 0 : i32
    %dma_wait3A_278 = tpu.memref_slice %dma_wait3A_275[%dma_wait3A_265, %dma_wait3A_276, %dma_wait3A_277] : memref<2x32x768xf32, #tpu.memory_space<vmem_shared>> -> memref<1x32x768xf32, #tpu.memory_space<vmem_shared>>
    %dma_wait3A_279 = tpu.memref_squeeze %dma_wait3A_278 : memref<1x32x768xf32, #tpu.memory_space<vmem_shared>> -> memref<32x768xf32, #tpu.memory_space<vmem_shared>>
    %dma_wait3A_280 = tpu.memref_slice %arg9[%dma_wait3A_266] : memref<3x!tpu.dma_semaphore, #tpu.memory_space<semaphore_mem>> -> memref<1x!tpu.dma_semaphore, #tpu.memory_space<semaphore_mem>>
    %dma_wait3A_281 = tpu.memref_squeeze %dma_wait3A_280 : memref<1x!tpu.dma_semaphore, #tpu.memory_space<semaphore_mem>> -> memref<!tpu.dma_semaphore, #tpu.memory_space<semaphore_mem>>
    %dma_wait3A_282 = arith.constant 0 : i32
    %dma_wait3A_283 = arith.constant 0 : i32
    %dma_wait3A_284 = arith.constant 0 : i32
    %dma_wait3A_285 = tpu.memref_slice %arg7[%arg1, %dma_wait3A_282, %dma_wait3A_283, %dma_wait3A_284] : memref<16x2x32x768xf32, #tpu.memory_space<vmem_shared>> -> memref<1x2x32x768xf32, #tpu.memory_space<vmem_shared>>
    %dma_wait3A_286 = tpu.memref_squeeze %dma_wait3A_285 : memref<1x2x32x768xf32, #tpu.memory_space<vmem_shared>> -> memref<2x32x768xf32, #tpu.memory_space<vmem_shared>>
    %dma_wait3A_287 = arith.constant 0 : i32
    %dma_wait3A_288 = arith.constant 0 : i32
    %dma_wait3A_289 = tpu.memref_slice %dma_wait3A_286[%dma_wait3A_265, %dma_wait3A_287, %dma_wait3A_288] : memref<2x32x768xf32, #tpu.memory_space<vmem_shared>> -> memref<1x32x768xf32, #tpu.memory_space<vmem_shared>>
    %dma_wait3A_290 = tpu.memref_squeeze %dma_wait3A_289 : memref<1x32x768xf32, #tpu.memory_space<vmem_shared>> -> memref<32x768xf32, #tpu.memory_space<vmem_shared>>
    %dma_wait3A_291 = arith.constant 0 : i32
    %dma_wait3A_292 = arith.constant 0 : i32
    %dma_wait3A_293 = tpu.memref_slice %arg6[%dma_wait3A_264, %dma_wait3A_291, %dma_wait3A_292] : memref<3x32x768xf32, #tpu.memory_space<vmem>> -> memref<1x32x768xf32, #tpu.memory_space<vmem>>
    %dma_wait3A_294 = tpu.memref_squeeze %dma_wait3A_293 : memref<1x32x768xf32, #tpu.memory_space<vmem>> -> memref<32x768xf32, #tpu.memory_space<vmem>>
    tpu.wait_dma2 semaphore(%dma_wait3A_281 : memref<!tpu.dma_semaphore, #tpu.memory_space<semaphore_mem>>) src(%dma_wait3A_294 : memref<32x768xf32, #tpu.memory_space<vmem>>) dst(%dma_wait3A_290 : memref<32x768xf32, #tpu.memory_space<vmem_shared>>)
    %add3A_295 = arith.constant 32 : i32
    %add3A_296 = arith.addi %mul3A_2, %add3A_295 : i32
    %dma_start3A_297 = arith.constant 1 : i32
    %dma_start3A_298 = arith.constant 1 : i32
    %dma_start3A_299 = tpu.memref_slice %arg10[%dma_start3A_298] : memref<2x!tpu.dma_semaphore, #tpu.memory_space<semaphore_mem>> -> memref<1x!tpu.dma_semaphore, #tpu.memory_space<semaphore_mem>>
    %dma_start3A_300 = tpu.memref_squeeze %dma_start3A_299 : memref<1x!tpu.dma_semaphore, #tpu.memory_space<semaphore_mem>> -> memref<!tpu.dma_semaphore, #tpu.memory_space<semaphore_mem>>
    %dma_start3A_301 = arith.constant 0 : i32
    %dma_start3A_302 = tpu.memref_slice %arg4[%add3A_296, %dma_start3A_301] : memref<16384x768xf32, #tpu.memory_space<hbm>> -> memref<32x768xf32, #tpu.memory_space<hbm>>
    %dma_start3A_303 = arith.constant 0 : i32
    %dma_start3A_304 = arith.constant 0 : i32
    %dma_start3A_305 = arith.constant 0 : i32
    %dma_start3A_306 = tpu.memref_slice %arg7[%arg1, %dma_start3A_303, %dma_start3A_304, %dma_start3A_305] : memref<16x2x32x768xf32, #tpu.memory_space<vmem_shared>> -> memref<1x2x32x768xf32, #tpu.memory_space<vmem_shared>>
    %dma_start3A_307 = tpu.memref_squeeze %dma_start3A_306 : memref<1x2x32x768xf32, #tpu.memory_space<vmem_shared>> -> memref<2x32x768xf32, #tpu.memory_space<vmem_shared>>
    %dma_start3A_308 = arith.constant 0 : i32
    %dma_start3A_309 = arith.constant 0 : i32
    %dma_start3A_310 = tpu.memref_slice %dma_start3A_307[%dma_start3A_297, %dma_start3A_308, %dma_start3A_309] : memref<2x32x768xf32, #tpu.memory_space<vmem_shared>> -> memref<1x32x768xf32, #tpu.memory_space<vmem_shared>>
    %dma_start3A_311 = tpu.memref_squeeze %dma_start3A_310 : memref<1x32x768xf32, #tpu.memory_space<vmem_shared>> -> memref<32x768xf32, #tpu.memory_space<vmem_shared>>
    tpu.enqueue_dma source(%dma_start3A_311 : memref<32x768xf32, #tpu.memory_space<vmem_shared>>) target(%dma_start3A_302 : memref<32x768xf32, #tpu.memory_space<hbm>>) target_semaphore(%dma_start3A_300 : memref<!tpu.dma_semaphore, #tpu.memory_space<semaphore_mem>>)
    %dma_start3A_312 = arith.constant 4 : i32
    %dma_start3A_313 = arith.constant 1 : i32
    %dma_start3A_314 = arith.constant 1 : i32
    %dma_start3A_315 = arith.constant 0 : i32
    %dma_start3A_316 = arith.constant 0 : i32
    %dma_start3A_317 = tpu.memref_slice %arg6[%dma_start3A_313, %dma_start3A_315, %dma_start3A_316] : memref<3x32x768xf32, #tpu.memory_space<vmem>> -> memref<1x32x768xf32, #tpu.memory_space<vmem>>
    %dma_start3A_318 = tpu.memref_squeeze %dma_start3A_317 : memref<1x32x768xf32, #tpu.memory_space<vmem>> -> memref<32x768xf32, #tpu.memory_space<vmem>>
    %dma_start3A_319 = arith.constant 0 : i32
    %dma_start3A_320 = tpu.memref_slice %arg5[%dma_start3A_312, %dma_start3A_319] : memref<16x32xi32, #tpu.memory_space<vmem>> -> memref<1x32xi32, #tpu.memory_space<vmem>>
    %dma_start3A_321 = tpu.memref_squeeze %dma_start3A_320 : memref<1x32xi32, #tpu.memory_space<vmem>> -> memref<32xi32, #tpu.memory_space<vmem>>
    %dma_start3A_322 = arith.constant 0 : i32
    %dma_start3A_323 = arith.constant 0 : i32
    %dma_start3A_324 = tpu.memref_slice %arg3[%dma_start3A_322, %dma_start3A_323] : memref<100000x768xf32, #tpu.memory_space<hbm>> -> memref<100000x768xf32, #tpu.memory_space<hbm>>
    %dma_start3A_325 = tpu.memref_slice %arg8[%dma_start3A_314] : memref<3x!tpu.dma_semaphore, #tpu.memory_space<semaphore_mem>> -> memref<1x!tpu.dma_semaphore, #tpu.memory_space<semaphore_mem>>
    %dma_start3A_326 = tpu.memref_squeeze %dma_start3A_325 : memref<1x!tpu.dma_semaphore, #tpu.memory_space<semaphore_mem>> -> memref<!tpu.dma_semaphore, #tpu.memory_space<semaphore_mem>>
    tpu.enqueue_indirect_dma source(%dma_start3A_324 : memref<100000x768xf32, #tpu.memory_space<hbm>>) target(%dma_start3A_318 : memref<32x768xf32, #tpu.memory_space<vmem>>) offsets(%dma_start3A_321 : memref<32xi32, #tpu.memory_space<vmem>>) semaphore(%dma_start3A_326 : memref<!tpu.dma_semaphore, #tpu.memory_space<semaphore_mem>>)
    %dma_wait3A_327 = arith.constant 3 : i32
    %dma_wait3A_328 = arith.constant 0 : i32
    %dma_wait3A_329 = arith.constant 0 : i32
    %dma_wait3A_330 = arith.constant 0 : i32
    %dma_wait3A_331 = arith.constant 0 : i32
    %dma_wait3A_332 = tpu.memref_slice %arg6[%dma_wait3A_328, %dma_wait3A_330, %dma_wait3A_331] : memref<3x32x768xf32, #tpu.memory_space<vmem>> -> memref<1x32x768xf32, #tpu.memory_space<vmem>>
    %dma_wait3A_333 = tpu.memref_squeeze %dma_wait3A_332 : memref<1x32x768xf32, #tpu.memory_space<vmem>> -> memref<32x768xf32, #tpu.memory_space<vmem>>
    %dma_wait3A_334 = arith.constant 0 : i32
    %dma_wait3A_335 = tpu.memref_slice %arg5[%dma_wait3A_327, %dma_wait3A_334] : memref<16x32xi32, #tpu.memory_space<vmem>> -> memref<1x32xi32, #tpu.memory_space<vmem>>
    %dma_wait3A_336 = tpu.memref_squeeze %dma_wait3A_335 : memref<1x32xi32, #tpu.memory_space<vmem>> -> memref<32xi32, #tpu.memory_space<vmem>>
    %dma_wait3A_337 = arith.constant 0 : i32
    %dma_wait3A_338 = arith.constant 0 : i32
    %dma_wait3A_339 = tpu.memref_slice %arg3[%dma_wait3A_337, %dma_wait3A_338] : memref<100000x768xf32, #tpu.memory_space<hbm>> -> memref<100000x768xf32, #tpu.memory_space<hbm>>
    %dma_wait3A_340 = tpu.memref_slice %arg8[%dma_wait3A_329] : memref<3x!tpu.dma_semaphore, #tpu.memory_space<semaphore_mem>> -> memref<1x!tpu.dma_semaphore, #tpu.memory_space<semaphore_mem>>
    %dma_wait3A_341 = tpu.memref_squeeze %dma_wait3A_340 : memref<1x!tpu.dma_semaphore, #tpu.memory_space<semaphore_mem>> -> memref<!tpu.dma_semaphore, #tpu.memory_space<semaphore_mem>>
    tpu.wait_indirect_dma semaphore(%dma_wait3A_341 : memref<!tpu.dma_semaphore, #tpu.memory_space<semaphore_mem>>) src(%dma_wait3A_339 : memref<100000x768xf32, #tpu.memory_space<hbm>>) dst(%dma_wait3A_333 : memref<32x768xf32, #tpu.memory_space<vmem>>)
    %dma_wait3A_342 = arith.constant 1 : i32
    %dma_wait3A_343 = arith.constant 1 : i32
    %dma_wait3A_344 = tpu.memref_slice %arg10[%dma_wait3A_343] : memref<2x!tpu.dma_semaphore, #tpu.memory_space<semaphore_mem>> -> memref<1x!tpu.dma_semaphore, #tpu.memory_space<semaphore_mem>>
    %dma_wait3A_345 = tpu.memref_squeeze %dma_wait3A_344 : memref<1x!tpu.dma_semaphore, #tpu.memory_space<semaphore_mem>> -> memref<!tpu.dma_semaphore, #tpu.memory_space<semaphore_mem>>
    %dma_wait3A_346 = arith.constant 0 : i32
    %dma_wait3A_347 = tpu.memref_slice %arg4[%add3A_296, %dma_wait3A_346] : memref<16384x768xf32, #tpu.memory_space<hbm>> -> memref<32x768xf32, #tpu.memory_space<hbm>>
    %dma_wait3A_348 = arith.constant 0 : i32
    %dma_wait3A_349 = arith.constant 0 : i32
    %dma_wait3A_350 = arith.constant 0 : i32
    %dma_wait3A_351 = tpu.memref_slice %arg7[%arg1, %dma_wait3A_348, %dma_wait3A_349, %dma_wait3A_350] : memref<16x2x32x768xf32, #tpu.memory_space<vmem_shared>> -> memref<1x2x32x768xf32, #tpu.memory_space<vmem_shared>>
    %dma_wait3A_352 = tpu.memref_squeeze %dma_wait3A_351 : memref<1x2x32x768xf32, #tpu.memory_space<vmem_shared>> -> memref<2x32x768xf32, #tpu.memory_space<vmem_shared>>
    %dma_wait3A_353 = arith.constant 0 : i32
    %dma_wait3A_354 = arith.constant 0 : i32
    %dma_wait3A_355 = tpu.memref_slice %dma_wait3A_352[%dma_wait3A_342, %dma_wait3A_353, %dma_wait3A_354] : memref<2x32x768xf32, #tpu.memory_space<vmem_shared>> -> memref<1x32x768xf32, #tpu.memory_space<vmem_shared>>
    %dma_wait3A_356 = tpu.memref_squeeze %dma_wait3A_355 : memref<1x32x768xf32, #tpu.memory_space<vmem_shared>> -> memref<32x768xf32, #tpu.memory_space<vmem_shared>>
    tpu.wait_dma2 semaphore(%dma_wait3A_345 : memref<!tpu.dma_semaphore, #tpu.memory_space<semaphore_mem>>) src(%dma_wait3A_356 : memref<32x768xf32, #tpu.memory_space<vmem_shared>>) dst(%dma_wait3A_347 : memref<32x768xf32, #tpu.memory_space<hbm>>)
    %dma_start3A_357 = arith.constant 0 : i32
    %dma_start3A_358 = arith.constant 1 : i32
    %dma_start3A_359 = arith.constant 0 : i32
    %dma_start3A_360 = arith.constant 0 : i32
    %dma_start3A_361 = arith.constant 0 : i32
    %dma_start3A_362 = tpu.memref_slice %arg6[%dma_start3A_357, %dma_start3A_360, %dma_start3A_361] : memref<3x32x768xf32, #tpu.memory_space<vmem>> -> memref<1x32x768xf32, #tpu.memory_space<vmem>>
    %dma_start3A_363 = tpu.memref_squeeze %dma_start3A_362 : memref<1x32x768xf32, #tpu.memory_space<vmem>> -> memref<32x768xf32, #tpu.memory_space<vmem>>
    %dma_start3A_364 = arith.constant 0 : i32
    %dma_start3A_365 = arith.constant 0 : i32
    %dma_start3A_366 = arith.constant 0 : i32
    %dma_start3A_367 = tpu.memref_slice %arg7[%arg1, %dma_start3A_364, %dma_start3A_365, %dma_start3A_366] : memref<16x2x32x768xf32, #tpu.memory_space<vmem_shared>> -> memref<1x2x32x768xf32, #tpu.memory_space<vmem_shared>>
    %dma_start3A_368 = tpu.memref_squeeze %dma_start3A_367 : memref<1x2x32x768xf32, #tpu.memory_space<vmem_shared>> -> memref<2x32x768xf32, #tpu.memory_space<vmem_shared>>
    %dma_start3A_369 = arith.constant 0 : i32
    %dma_start3A_370 = arith.constant 0 : i32
    %dma_start3A_371 = tpu.memref_slice %dma_start3A_368[%dma_start3A_358, %dma_start3A_369, %dma_start3A_370] : memref<2x32x768xf32, #tpu.memory_space<vmem_shared>> -> memref<1x32x768xf32, #tpu.memory_space<vmem_shared>>
    %dma_start3A_372 = tpu.memref_squeeze %dma_start3A_371 : memref<1x32x768xf32, #tpu.memory_space<vmem_shared>> -> memref<32x768xf32, #tpu.memory_space<vmem_shared>>
    %dma_start3A_373 = tpu.memref_slice %arg9[%dma_start3A_359] : memref<3x!tpu.dma_semaphore, #tpu.memory_space<semaphore_mem>> -> memref<1x!tpu.dma_semaphore, #tpu.memory_space<semaphore_mem>>
    %dma_start3A_374 = tpu.memref_squeeze %dma_start3A_373 : memref<1x!tpu.dma_semaphore, #tpu.memory_space<semaphore_mem>> -> memref<!tpu.dma_semaphore, #tpu.memory_space<semaphore_mem>>
    %dma_start3A_375 = arith.constant 0 : i32
    %dma_start3A_376 = arith.constant 0 : i32
    %dma_start3A_377 = arith.constant 0 : i32
    %dma_start3A_378 = tpu.memref_slice %arg7[%arg1, %dma_start3A_375, %dma_start3A_376, %dma_start3A_377] : memref<16x2x32x768xf32, #tpu.memory_space<vmem_shared>> -> memref<1x2x32x768xf32, #tpu.memory_space<vmem_shared>>
    %dma_start3A_379 = tpu.memref_squeeze %dma_start3A_378 : memref<1x2x32x768xf32, #tpu.memory_space<vmem_shared>> -> memref<2x32x768xf32, #tpu.memory_space<vmem_shared>>
    %dma_start3A_380 = arith.constant 0 : i32
    %dma_start3A_381 = arith.constant 0 : i32
    %dma_start3A_382 = tpu.memref_slice %dma_start3A_379[%dma_start3A_358, %dma_start3A_380, %dma_start3A_381] : memref<2x32x768xf32, #tpu.memory_space<vmem_shared>> -> memref<1x32x768xf32, #tpu.memory_space<vmem_shared>>
    %dma_start3A_383 = tpu.memref_squeeze %dma_start3A_382 : memref<1x32x768xf32, #tpu.memory_space<vmem_shared>> -> memref<32x768xf32, #tpu.memory_space<vmem_shared>>
    %dma_start3A_384 = arith.constant 0 : i32
    %dma_start3A_385 = arith.constant 0 : i32
    %dma_start3A_386 = tpu.memref_slice %arg6[%dma_start3A_357, %dma_start3A_384, %dma_start3A_385] : memref<3x32x768xf32, #tpu.memory_space<vmem>> -> memref<1x32x768xf32, #tpu.memory_space<vmem>>
    %dma_start3A_387 = tpu.memref_squeeze %dma_start3A_386 : memref<1x32x768xf32, #tpu.memory_space<vmem>> -> memref<32x768xf32, #tpu.memory_space<vmem>>
    tpu.enqueue_dma source(%dma_start3A_387 : memref<32x768xf32, #tpu.memory_space<vmem>>) target(%dma_start3A_383 : memref<32x768xf32, #tpu.memory_space<vmem_shared>>) target_semaphore(%dma_start3A_374 : memref<!tpu.dma_semaphore, #tpu.memory_space<semaphore_mem>>)
    %dma_wait3A_388 = arith.constant 2 : i32
    %dma_wait3A_389 = arith.constant 0 : i32
    %dma_wait3A_390 = arith.constant 2 : i32
    %dma_wait3A_391 = arith.constant 0 : i32
    %dma_wait3A_392 = arith.constant 0 : i32
    %dma_wait3A_393 = tpu.memref_slice %arg6[%dma_wait3A_388, %dma_wait3A_391, %dma_wait3A_392] : memref<3x32x768xf32, #tpu.memory_space<vmem>> -> memref<1x32x768xf32, #tpu.memory_space<vmem>>
    %dma_wait3A_394 = tpu.memref_squeeze %dma_wait3A_393 : memref<1x32x768xf32, #tpu.memory_space<vmem>> -> memref<32x768xf32, #tpu.memory_space<vmem>>
    %dma_wait3A_395 = arith.constant 0 : i32
    %dma_wait3A_396 = arith.constant 0 : i32
    %dma_wait3A_397 = arith.constant 0 : i32
    %dma_wait3A_398 = tpu.memref_slice %arg7[%arg1, %dma_wait3A_395, %dma_wait3A_396, %dma_wait3A_397] : memref<16x2x32x768xf32, #tpu.memory_space<vmem_shared>> -> memref<1x2x32x768xf32, #tpu.memory_space<vmem_shared>>
    %dma_wait3A_399 = tpu.memref_squeeze %dma_wait3A_398 : memref<1x2x32x768xf32, #tpu.memory_space<vmem_shared>> -> memref<2x32x768xf32, #tpu.memory_space<vmem_shared>>
    %dma_wait3A_400 = arith.constant 0 : i32
    %dma_wait3A_401 = arith.constant 0 : i32
    %dma_wait3A_402 = tpu.memref_slice %dma_wait3A_399[%dma_wait3A_389, %dma_wait3A_400, %dma_wait3A_401] : memref<2x32x768xf32, #tpu.memory_space<vmem_shared>> -> memref<1x32x768xf32, #tpu.memory_space<vmem_shared>>
    %dma_wait3A_403 = tpu.memref_squeeze %dma_wait3A_402 : memref<1x32x768xf32, #tpu.memory_space<vmem_shared>> -> memref<32x768xf32, #tpu.memory_space<vmem_shared>>
    %dma_wait3A_404 = tpu.memref_slice %arg9[%dma_wait3A_390] : memref<3x!tpu.dma_semaphore, #tpu.memory_space<semaphore_mem>> -> memref<1x!tpu.dma_semaphore, #tpu.memory_space<semaphore_mem>>
    %dma_wait3A_405 = tpu.memref_squeeze %dma_wait3A_404 : memref<1x!tpu.dma_semaphore, #tpu.memory_space<semaphore_mem>> -> memref<!tpu.dma_semaphore, #tpu.memory_space<semaphore_mem>>
    %dma_wait3A_406 = arith.constant 0 : i32
    %dma_wait3A_407 = arith.constant 0 : i32
    %dma_wait3A_408 = arith.constant 0 : i32
    %dma_wait3A_409 = tpu.memref_slice %arg7[%arg1, %dma_wait3A_406, %dma_wait3A_407, %dma_wait3A_408] : memref<16x2x32x768xf32, #tpu.memory_space<vmem_shared>> -> memref<1x2x32x768xf32, #tpu.memory_space<vmem_shared>>
    %dma_wait3A_410 = tpu.memref_squeeze %dma_wait3A_409 : memref<1x2x32x768xf32, #tpu.memory_space<vmem_shared>> -> memref<2x32x768xf32, #tpu.memory_space<vmem_shared>>
    %dma_wait3A_411 = arith.constant 0 : i32
    %dma_wait3A_412 = arith.constant 0 : i32
    %dma_wait3A_413 = tpu.memref_slice %dma_wait3A_410[%dma_wait3A_389, %dma_wait3A_411, %dma_wait3A_412] : memref<2x32x768xf32, #tpu.memory_space<vmem_shared>> -> memref<1x32x768xf32, #tpu.memory_space<vmem_shared>>
    %dma_wait3A_414 = tpu.memref_squeeze %dma_wait3A_413 : memref<1x32x768xf32, #tpu.memory_space<vmem_shared>> -> memref<32x768xf32, #tpu.memory_space<vmem_shared>>
    %dma_wait3A_415 = arith.constant 0 : i32
    %dma_wait3A_416 = arith.constant 0 : i32
    %dma_wait3A_417 = tpu.memref_slice %arg6[%dma_wait3A_388, %dma_wait3A_415, %dma_wait3A_416] : memref<3x32x768xf32, #tpu.memory_space<vmem>> -> memref<1x32x768xf32, #tpu.memory_space<vmem>>
    %dma_wait3A_418 = tpu.memref_squeeze %dma_wait3A_417 : memref<1x32x768xf32, #tpu.memory_space<vmem>> -> memref<32x768xf32, #tpu.memory_space<vmem>>
    tpu.wait_dma2 semaphore(%dma_wait3A_405 : memref<!tpu.dma_semaphore, #tpu.memory_space<semaphore_mem>>) src(%dma_wait3A_418 : memref<32x768xf32, #tpu.memory_space<vmem>>) dst(%dma_wait3A_414 : memref<32x768xf32, #tpu.memory_space<vmem_shared>>)
    %add3A_419 = arith.constant 64 : i32
    %add3A_420 = arith.addi %mul3A_2, %add3A_419 : i32
    %dma_start3A_421 = arith.constant 0 : i32
    %dma_start3A_422 = arith.constant 0 : i32
    %dma_start3A_423 = tpu.memref_slice %arg10[%dma_start3A_422] : memref<2x!tpu.dma_semaphore, #tpu.memory_space<semaphore_mem>> -> memref<1x!tpu.dma_semaphore, #tpu.memory_space<semaphore_mem>>
    %dma_start3A_424 = tpu.memref_squeeze %dma_start3A_423 : memref<1x!tpu.dma_semaphore, #tpu.memory_space<semaphore_mem>> -> memref<!tpu.dma_semaphore, #tpu.memory_space<semaphore_mem>>
    %dma_start3A_425 = arith.constant 0 : i32
    %dma_start3A_426 = tpu.memref_slice %arg4[%add3A_420, %dma_start3A_425] : memref<16384x768xf32, #tpu.memory_space<hbm>> -> memref<32x768xf32, #tpu.memory_space<hbm>>
    %dma_start3A_427 = arith.constant 0 : i32
    %dma_start3A_428 = arith.constant 0 : i32
    %dma_start3A_429 = arith.constant 0 : i32
    %dma_start3A_430 = tpu.memref_slice %arg7[%arg1, %dma_start3A_427, %dma_start3A_428, %dma_start3A_429] : memref<16x2x32x768xf32, #tpu.memory_space<vmem_shared>> -> memref<1x2x32x768xf32, #tpu.memory_space<vmem_shared>>
    %dma_start3A_431 = tpu.memref_squeeze %dma_start3A_430 : memref<1x2x32x768xf32, #tpu.memory_space<vmem_shared>> -> memref<2x32x768xf32, #tpu.memory_space<vmem_shared>>
    %dma_start3A_432 = arith.constant 0 : i32
    %dma_start3A_433 = arith.constant 0 : i32
    %dma_start3A_434 = tpu.memref_slice %dma_start3A_431[%dma_start3A_421, %dma_start3A_432, %dma_start3A_433] : memref<2x32x768xf32, #tpu.memory_space<vmem_shared>> -> memref<1x32x768xf32, #tpu.memory_space<vmem_shared>>
    %dma_start3A_435 = tpu.memref_squeeze %dma_start3A_434 : memref<1x32x768xf32, #tpu.memory_space<vmem_shared>> -> memref<32x768xf32, #tpu.memory_space<vmem_shared>>
    tpu.enqueue_dma source(%dma_start3A_435 : memref<32x768xf32, #tpu.memory_space<vmem_shared>>) target(%dma_start3A_426 : memref<32x768xf32, #tpu.memory_space<hbm>>) target_semaphore(%dma_start3A_424 : memref<!tpu.dma_semaphore, #tpu.memory_space<semaphore_mem>>)
    %dma_start3A_436 = arith.constant 5 : i32
    %dma_start3A_437 = arith.constant 2 : i32
    %dma_start3A_438 = arith.constant 2 : i32
    %dma_start3A_439 = arith.constant 0 : i32
    %dma_start3A_440 = arith.constant 0 : i32
    %dma_start3A_441 = tpu.memref_slice %arg6[%dma_start3A_437, %dma_start3A_439, %dma_start3A_440] : memref<3x32x768xf32, #tpu.memory_space<vmem>> -> memref<1x32x768xf32, #tpu.memory_space<vmem>>
    %dma_start3A_442 = tpu.memref_squeeze %dma_start3A_441 : memref<1x32x768xf32, #tpu.memory_space<vmem>> -> memref<32x768xf32, #tpu.memory_space<vmem>>
    %dma_start3A_443 = arith.constant 0 : i32
    %dma_start3A_444 = tpu.memref_slice %arg5[%dma_start3A_436, %dma_start3A_443] : memref<16x32xi32, #tpu.memory_space<vmem>> -> memref<1x32xi32, #tpu.memory_space<vmem>>
    %dma_start3A_445 = tpu.memref_squeeze %dma_start3A_444 : memref<1x32xi32, #tpu.memory_space<vmem>> -> memref<32xi32, #tpu.memory_space<vmem>>
    %dma_start3A_446 = arith.constant 0 : i32
    %dma_start3A_447 = arith.constant 0 : i32
    %dma_start3A_448 = tpu.memref_slice %arg3[%dma_start3A_446, %dma_start3A_447] : memref<100000x768xf32, #tpu.memory_space<hbm>> -> memref<100000x768xf32, #tpu.memory_space<hbm>>
    %dma_start3A_449 = tpu.memref_slice %arg8[%dma_start3A_438] : memref<3x!tpu.dma_semaphore, #tpu.memory_space<semaphore_mem>> -> memref<1x!tpu.dma_semaphore, #tpu.memory_space<semaphore_mem>>
    %dma_start3A_450 = tpu.memref_squeeze %dma_start3A_449 : memref<1x!tpu.dma_semaphore, #tpu.memory_space<semaphore_mem>> -> memref<!tpu.dma_semaphore, #tpu.memory_space<semaphore_mem>>
    tpu.enqueue_indirect_dma source(%dma_start3A_448 : memref<100000x768xf32, #tpu.memory_space<hbm>>) target(%dma_start3A_442 : memref<32x768xf32, #tpu.memory_space<vmem>>) offsets(%dma_start3A_445 : memref<32xi32, #tpu.memory_space<vmem>>) semaphore(%dma_start3A_450 : memref<!tpu.dma_semaphore, #tpu.memory_space<semaphore_mem>>)
    %dma_wait3A_451 = arith.constant 4 : i32
    %dma_wait3A_452 = arith.constant 1 : i32
    %dma_wait3A_453 = arith.constant 1 : i32
    %dma_wait3A_454 = arith.constant 0 : i32
    %dma_wait3A_455 = arith.constant 0 : i32
    %dma_wait3A_456 = tpu.memref_slice %arg6[%dma_wait3A_452, %dma_wait3A_454, %dma_wait3A_455] : memref<3x32x768xf32, #tpu.memory_space<vmem>> -> memref<1x32x768xf32, #tpu.memory_space<vmem>>
    %dma_wait3A_457 = tpu.memref_squeeze %dma_wait3A_456 : memref<1x32x768xf32, #tpu.memory_space<vmem>> -> memref<32x768xf32, #tpu.memory_space<vmem>>
    %dma_wait3A_458 = arith.constant 0 : i32
    %dma_wait3A_459 = tpu.memref_slice %arg5[%dma_wait3A_451, %dma_wait3A_458] : memref<16x32xi32, #tpu.memory_space<vmem>> -> memref<1x32xi32, #tpu.memory_space<vmem>>
    %dma_wait3A_460 = tpu.memref_squeeze %dma_wait3A_459 : memref<1x32xi32, #tpu.memory_space<vmem>> -> memref<32xi32, #tpu.memory_space<vmem>>
    %dma_wait3A_461 = arith.constant 0 : i32
    %dma_wait3A_462 = arith.constant 0 : i32
    %dma_wait3A_463 = tpu.memref_slice %arg3[%dma_wait3A_461, %dma_wait3A_462] : memref<100000x768xf32, #tpu.memory_space<hbm>> -> memref<100000x768xf32, #tpu.memory_space<hbm>>
    %dma_wait3A_464 = tpu.memref_slice %arg8[%dma_wait3A_453] : memref<3x!tpu.dma_semaphore, #tpu.memory_space<semaphore_mem>> -> memref<1x!tpu.dma_semaphore, #tpu.memory_space<semaphore_mem>>
    %dma_wait3A_465 = tpu.memref_squeeze %dma_wait3A_464 : memref<1x!tpu.dma_semaphore, #tpu.memory_space<semaphore_mem>> -> memref<!tpu.dma_semaphore, #tpu.memory_space<semaphore_mem>>
    tpu.wait_indirect_dma semaphore(%dma_wait3A_465 : memref<!tpu.dma_semaphore, #tpu.memory_space<semaphore_mem>>) src(%dma_wait3A_463 : memref<100000x768xf32, #tpu.memory_space<hbm>>) dst(%dma_wait3A_457 : memref<32x768xf32, #tpu.memory_space<vmem>>)
    %dma_wait3A_466 = arith.constant 0 : i32
    %dma_wait3A_467 = arith.constant 0 : i32
    %dma_wait3A_468 = tpu.memref_slice %arg10[%dma_wait3A_467] : memref<2x!tpu.dma_semaphore, #tpu.memory_space<semaphore_mem>> -> memref<1x!tpu.dma_semaphore, #tpu.memory_space<semaphore_mem>>
    %dma_wait3A_469 = tpu.memref_squeeze %dma_wait3A_468 : memref<1x!tpu.dma_semaphore, #tpu.memory_space<semaphore_mem>> -> memref<!tpu.dma_semaphore, #tpu.memory_space<semaphore_mem>>
    %dma_wait3A_470 = arith.constant 0 : i32
    %dma_wait3A_471 = tpu.memref_slice %arg4[%add3A_420, %dma_wait3A_470] : memref<16384x768xf32, #tpu.memory_space<hbm>> -> memref<32x768xf32, #tpu.memory_space<hbm>>
    %dma_wait3A_472 = arith.constant 0 : i32
    %dma_wait3A_473 = arith.constant 0 : i32
    %dma_wait3A_474 = arith.constant 0 : i32
    %dma_wait3A_475 = tpu.memref_slice %arg7[%arg1, %dma_wait3A_472, %dma_wait3A_473, %dma_wait3A_474] : memref<16x2x32x768xf32, #tpu.memory_space<vmem_shared>> -> memref<1x2x32x768xf32, #tpu.memory_space<vmem_shared>>
    %dma_wait3A_476 = tpu.memref_squeeze %dma_wait3A_475 : memref<1x2x32x768xf32, #tpu.memory_space<vmem_shared>> -> memref<2x32x768xf32, #tpu.memory_space<vmem_shared>>
    %dma_wait3A_477 = arith.constant 0 : i32
    %dma_wait3A_478 = arith.constant 0 : i32
    %dma_wait3A_479 = tpu.memref_slice %dma_wait3A_476[%dma_wait3A_466, %dma_wait3A_477, %dma_wait3A_478] : memref<2x32x768xf32, #tpu.memory_space<vmem_shared>> -> memref<1x32x768xf32, #tpu.memory_space<vmem_shared>>
    %dma_wait3A_480 = tpu.memref_squeeze %dma_wait3A_479 : memref<1x32x768xf32, #tpu.memory_space<vmem_shared>> -> memref<32x768xf32, #tpu.memory_space<vmem_shared>>
    tpu.wait_dma2 semaphore(%dma_wait3A_469 : memref<!tpu.dma_semaphore, #tpu.memory_space<semaphore_mem>>) src(%dma_wait3A_480 : memref<32x768xf32, #tpu.memory_space<vmem_shared>>) dst(%dma_wait3A_471 : memref<32x768xf32, #tpu.memory_space<hbm>>)
    %dma_start3A_481 = arith.constant 1 : i32
    %dma_start3A_482 = arith.constant 0 : i32
    %dma_start3A_483 = arith.constant 1 : i32
    %dma_start3A_484 = arith.constant 0 : i32
    %dma_start3A_485 = arith.constant 0 : i32
    %dma_start3A_486 = tpu.memref_slice %arg6[%dma_start3A_481, %dma_start3A_484, %dma_start3A_485] : memref<3x32x768xf32, #tpu.memory_space<vmem>> -> memref<1x32x768xf32, #tpu.memory_space<vmem>>
    %dma_start3A_487 = tpu.memref_squeeze %dma_start3A_486 : memref<1x32x768xf32, #tpu.memory_space<vmem>> -> memref<32x768xf32, #tpu.memory_space<vmem>>
    %dma_start3A_488 = arith.constant 0 : i32
    %dma_start3A_489 = arith.constant 0 : i32
    %dma_start3A_490 = arith.constant 0 : i32
    %dma_start3A_491 = tpu.memref_slice %arg7[%arg1, %dma_start3A_488, %dma_start3A_489, %dma_start3A_490] : memref<16x2x32x768xf32, #tpu.memory_space<vmem_shared>> -> memref<1x2x32x768xf32, #tpu.memory_space<vmem_shared>>
    %dma_start3A_492 = tpu.memref_squeeze %dma_start3A_491 : memref<1x2x32x768xf32, #tpu.memory_space<vmem_shared>> -> memref<2x32x768xf32, #tpu.memory_space<vmem_shared>>
    %dma_start3A_493 = arith.constant 0 : i32
    %dma_start3A_494 = arith.constant 0 : i32
    %dma_start3A_495 = tpu.memref_slice %dma_start3A_492[%dma_start3A_482, %dma_start3A_493, %dma_start3A_494] : memref<2x32x768xf32, #tpu.memory_space<vmem_shared>> -> memref<1x32x768xf32, #tpu.memory_space<vmem_shared>>
    %dma_start3A_496 = tpu.memref_squeeze %dma_start3A_495 : memref<1x32x768xf32, #tpu.memory_space<vmem_shared>> -> memref<32x768xf32, #tpu.memory_space<vmem_shared>>
    %dma_start3A_497 = tpu.memref_slice %arg9[%dma_start3A_483] : memref<3x!tpu.dma_semaphore, #tpu.memory_space<semaphore_mem>> -> memref<1x!tpu.dma_semaphore, #tpu.memory_space<semaphore_mem>>
    %dma_start3A_498 = tpu.memref_squeeze %dma_start3A_497 : memref<1x!tpu.dma_semaphore, #tpu.memory_space<semaphore_mem>> -> memref<!tpu.dma_semaphore, #tpu.memory_space<semaphore_mem>>
    %dma_start3A_499 = arith.constant 0 : i32
    %dma_start3A_500 = arith.constant 0 : i32
    %dma_start3A_501 = arith.constant 0 : i32
    %dma_start3A_502 = tpu.memref_slice %arg7[%arg1, %dma_start3A_499, %dma_start3A_500, %dma_start3A_501] : memref<16x2x32x768xf32, #tpu.memory_space<vmem_shared>> -> memref<1x2x32x768xf32, #tpu.memory_space<vmem_shared>>
    %dma_start3A_503 = tpu.memref_squeeze %dma_start3A_502 : memref<1x2x32x768xf32, #tpu.memory_space<vmem_shared>> -> memref<2x32x768xf32, #tpu.memory_space<vmem_shared>>
    %dma_start3A_504 = arith.constant 0 : i32
    %dma_start3A_505 = arith.constant 0 : i32
    %dma_start3A_506 = tpu.memref_slice %dma_start3A_503[%dma_start3A_482, %dma_start3A_504, %dma_start3A_505] : memref<2x32x768xf32, #tpu.memory_space<vmem_shared>> -> memref<1x32x768xf32, #tpu.memory_space<vmem_shared>>
    %dma_start3A_507 = tpu.memref_squeeze %dma_start3A_506 : memref<1x32x768xf32, #tpu.memory_space<vmem_shared>> -> memref<32x768xf32, #tpu.memory_space<vmem_shared>>
    %dma_start3A_508 = arith.constant 0 : i32
    %dma_start3A_509 = arith.constant 0 : i32
    %dma_start3A_510 = tpu.memref_slice %arg6[%dma_start3A_481, %dma_start3A_508, %dma_start3A_509] : memref<3x32x768xf32, #tpu.memory_space<vmem>> -> memref<1x32x768xf32, #tpu.memory_space<vmem>>
    %dma_start3A_511 = tpu.memref_squeeze %dma_start3A_510 : memref<1x32x768xf32, #tpu.memory_space<vmem>> -> memref<32x768xf32, #tpu.memory_space<vmem>>
    tpu.enqueue_dma source(%dma_start3A_511 : memref<32x768xf32, #tpu.memory_space<vmem>>) target(%dma_start3A_507 : memref<32x768xf32, #tpu.memory_space<vmem_shared>>) target_semaphore(%dma_start3A_498 : memref<!tpu.dma_semaphore, #tpu.memory_space<semaphore_mem>>)
    %dma_wait3A_512 = arith.constant 0 : i32
    %dma_wait3A_513 = arith.constant 1 : i32
    %dma_wait3A_514 = arith.constant 0 : i32
    %dma_wait3A_515 = arith.constant 0 : i32
    %dma_wait3A_516 = arith.constant 0 : i32
    %dma_wait3A_517 = tpu.memref_slice %arg6[%dma_wait3A_512, %dma_wait3A_515, %dma_wait3A_516] : memref<3x32x768xf32, #tpu.memory_space<vmem>> -> memref<1x32x768xf32, #tpu.memory_space<vmem>>
    %dma_wait3A_518 = tpu.memref_squeeze %dma_wait3A_517 : memref<1x32x768xf32, #tpu.memory_space<vmem>> -> memref<32x768xf32, #tpu.memory_space<vmem>>
    %dma_wait3A_519 = arith.constant 0 : i32
    %dma_wait3A_520 = arith.constant 0 : i32
    %dma_wait3A_521 = arith.constant 0 : i32
    %dma_wait3A_522 = tpu.memref_slice %arg7[%arg1, %dma_wait3A_519, %dma_wait3A_520, %dma_wait3A_521] : memref<16x2x32x768xf32, #tpu.memory_space<vmem_shared>> -> memref<1x2x32x768xf32, #tpu.memory_space<vmem_shared>>
    %dma_wait3A_523 = tpu.memref_squeeze %dma_wait3A_522 : memref<1x2x32x768xf32, #tpu.memory_space<vmem_shared>> -> memref<2x32x768xf32, #tpu.memory_space<vmem_shared>>
    %dma_wait3A_524 = arith.constant 0 : i32
    %dma_wait3A_525 = arith.constant 0 : i32
    %dma_wait3A_526 = tpu.memref_slice %dma_wait3A_523[%dma_wait3A_513, %dma_wait3A_524, %dma_wait3A_525] : memref<2x32x768xf32, #tpu.memory_space<vmem_shared>> -> memref<1x32x768xf32, #tpu.memory_space<vmem_shared>>
    %dma_wait3A_527 = tpu.memref_squeeze %dma_wait3A_526 : memref<1x32x768xf32, #tpu.memory_space<vmem_shared>> -> memref<32x768xf32, #tpu.memory_space<vmem_shared>>
    %dma_wait3A_528 = tpu.memref_slice %arg9[%dma_wait3A_514] : memref<3x!tpu.dma_semaphore, #tpu.memory_space<semaphore_mem>> -> memref<1x!tpu.dma_semaphore, #tpu.memory_space<semaphore_mem>>
    %dma_wait3A_529 = tpu.memref_squeeze %dma_wait3A_528 : memref<1x!tpu.dma_semaphore, #tpu.memory_space<semaphore_mem>> -> memref<!tpu.dma_semaphore, #tpu.memory_space<semaphore_mem>>
    %dma_wait3A_530 = arith.constant 0 : i32
    %dma_wait3A_531 = arith.constant 0 : i32
    %dma_wait3A_532 = arith.constant 0 : i32
    %dma_wait3A_533 = tpu.memref_slice %arg7[%arg1, %dma_wait3A_530, %dma_wait3A_531, %dma_wait3A_532] : memref<16x2x32x768xf32, #tpu.memory_space<vmem_shared>> -> memref<1x2x32x768xf32, #tpu.memory_space<vmem_shared>>
    %dma_wait3A_534 = tpu.memref_squeeze %dma_wait3A_533 : memref<1x2x32x768xf32, #tpu.memory_space<vmem_shared>> -> memref<2x32x768xf32, #tpu.memory_space<vmem_shared>>
    %dma_wait3A_535 = arith.constant 0 : i32
    %dma_wait3A_536 = arith.constant 0 : i32
    %dma_wait3A_537 = tpu.memref_slice %dma_wait3A_534[%dma_wait3A_513, %dma_wait3A_535, %dma_wait3A_536] : memref<2x32x768xf32, #tpu.memory_space<vmem_shared>> -> memref<1x32x768xf32, #tpu.memory_space<vmem_shared>>
    %dma_wait3A_538 = tpu.memref_squeeze %dma_wait3A_537 : memref<1x32x768xf32, #tpu.memory_space<vmem_shared>> -> memref<32x768xf32, #tpu.memory_space<vmem_shared>>
    %dma_wait3A_539 = arith.constant 0 : i32
    %dma_wait3A_540 = arith.constant 0 : i32
    %dma_wait3A_541 = tpu.memref_slice %arg6[%dma_wait3A_512, %dma_wait3A_539, %dma_wait3A_540] : memref<3x32x768xf32, #tpu.memory_space<vmem>> -> memref<1x32x768xf32, #tpu.memory_space<vmem>>
    %dma_wait3A_542 = tpu.memref_squeeze %dma_wait3A_541 : memref<1x32x768xf32, #tpu.memory_space<vmem>> -> memref<32x768xf32, #tpu.memory_space<vmem>>
    tpu.wait_dma2 semaphore(%dma_wait3A_529 : memref<!tpu.dma_semaphore, #tpu.memory_space<semaphore_mem>>) src(%dma_wait3A_542 : memref<32x768xf32, #tpu.memory_space<vmem>>) dst(%dma_wait3A_538 : memref<32x768xf32, #tpu.memory_space<vmem_shared>>)
    %add3A_543 = arith.constant 96 : i32
    %add3A_544 = arith.addi %mul3A_2, %add3A_543 : i32
    %dma_start3A_545 = arith.constant 1 : i32
    %dma_start3A_546 = arith.constant 1 : i32
    %dma_start3A_547 = tpu.memref_slice %arg10[%dma_start3A_546] : memref<2x!tpu.dma_semaphore, #tpu.memory_space<semaphore_mem>> -> memref<1x!tpu.dma_semaphore, #tpu.memory_space<semaphore_mem>>
    %dma_start3A_548 = tpu.memref_squeeze %dma_start3A_547 : memref<1x!tpu.dma_semaphore, #tpu.memory_space<semaphore_mem>> -> memref<!tpu.dma_semaphore, #tpu.memory_space<semaphore_mem>>
    %dma_start3A_549 = arith.constant 0 : i32
    %dma_start3A_550 = tpu.memref_slice %arg4[%add3A_544, %dma_start3A_549] : memref<16384x768xf32, #tpu.memory_space<hbm>> -> memref<32x768xf32, #tpu.memory_space<hbm>>
    %dma_start3A_551 = arith.constant 0 : i32
    %dma_start3A_552 = arith.constant 0 : i32
    %dma_start3A_553 = arith.constant 0 : i32
    %dma_start3A_554 = tpu.memref_slice %arg7[%arg1, %dma_start3A_551, %dma_start3A_552, %dma_start3A_553] : memref<16x2x32x768xf32, #tpu.memory_space<vmem_shared>> -> memref<1x2x32x768xf32, #tpu.memory_space<vmem_shared>>
    %dma_start3A_555 = tpu.memref_squeeze %dma_start3A_554 : memref<1x2x32x768xf32, #tpu.memory_space<vmem_shared>> -> memref<2x32x768xf32, #tpu.memory_space<vmem_shared>>
    %dma_start3A_556 = arith.constant 0 : i32
    %dma_start3A_557 = arith.constant 0 : i32
    %dma_start3A_558 = tpu.memref_slice %dma_start3A_555[%dma_start3A_545, %dma_start3A_556, %dma_start3A_557] : memref<2x32x768xf32, #tpu.memory_space<vmem_shared>> -> memref<1x32x768xf32, #tpu.memory_space<vmem_shared>>
    %dma_start3A_559 = tpu.memref_squeeze %dma_start3A_558 : memref<1x32x768xf32, #tpu.memory_space<vmem_shared>> -> memref<32x768xf32, #tpu.memory_space<vmem_shared>>
    tpu.enqueue_dma source(%dma_start3A_559 : memref<32x768xf32, #tpu.memory_space<vmem_shared>>) target(%dma_start3A_550 : memref<32x768xf32, #tpu.memory_space<hbm>>) target_semaphore(%dma_start3A_548 : memref<!tpu.dma_semaphore, #tpu.memory_space<semaphore_mem>>)
    %dma_start3A_560 = arith.constant 6 : i32
    %dma_start3A_561 = arith.constant 0 : i32
    %dma_start3A_562 = arith.constant 0 : i32
    %dma_start3A_563 = arith.constant 0 : i32
    %dma_start3A_564 = arith.constant 0 : i32
    %dma_start3A_565 = tpu.memref_slice %arg6[%dma_start3A_561, %dma_start3A_563, %dma_start3A_564] : memref<3x32x768xf32, #tpu.memory_space<vmem>> -> memref<1x32x768xf32, #tpu.memory_space<vmem>>
    %dma_start3A_566 = tpu.memref_squeeze %dma_start3A_565 : memref<1x32x768xf32, #tpu.memory_space<vmem>> -> memref<32x768xf32, #tpu.memory_space<vmem>>
    %dma_start3A_567 = arith.constant 0 : i32
    %dma_start3A_568 = tpu.memref_slice %arg5[%dma_start3A_560, %dma_start3A_567] : memref<16x32xi32, #tpu.memory_space<vmem>> -> memref<1x32xi32, #tpu.memory_space<vmem>>
    %dma_start3A_569 = tpu.memref_squeeze %dma_start3A_568 : memref<1x32xi32, #tpu.memory_space<vmem>> -> memref<32xi32, #tpu.memory_space<vmem>>
    %dma_start3A_570 = arith.constant 0 : i32
    %dma_start3A_571 = arith.constant 0 : i32
    %dma_start3A_572 = tpu.memref_slice %arg3[%dma_start3A_570, %dma_start3A_571] : memref<100000x768xf32, #tpu.memory_space<hbm>> -> memref<100000x768xf32, #tpu.memory_space<hbm>>
    %dma_start3A_573 = tpu.memref_slice %arg8[%dma_start3A_562] : memref<3x!tpu.dma_semaphore, #tpu.memory_space<semaphore_mem>> -> memref<1x!tpu.dma_semaphore, #tpu.memory_space<semaphore_mem>>
    %dma_start3A_574 = tpu.memref_squeeze %dma_start3A_573 : memref<1x!tpu.dma_semaphore, #tpu.memory_space<semaphore_mem>> -> memref<!tpu.dma_semaphore, #tpu.memory_space<semaphore_mem>>
    tpu.enqueue_indirect_dma source(%dma_start3A_572 : memref<100000x768xf32, #tpu.memory_space<hbm>>) target(%dma_start3A_566 : memref<32x768xf32, #tpu.memory_space<vmem>>) offsets(%dma_start3A_569 : memref<32xi32, #tpu.memory_space<vmem>>) semaphore(%dma_start3A_574 : memref<!tpu.dma_semaphore, #tpu.memory_space<semaphore_mem>>)
    %dma_wait3A_575 = arith.constant 5 : i32
    %dma_wait3A_576 = arith.constant 2 : i32
    %dma_wait3A_577 = arith.constant 2 : i32
    %dma_wait3A_578 = arith.constant 0 : i32
    %dma_wait3A_579 = arith.constant 0 : i32
    %dma_wait3A_580 = tpu.memref_slice %arg6[%dma_wait3A_576, %dma_wait3A_578, %dma_wait3A_579] : memref<3x32x768xf32, #tpu.memory_space<vmem>> -> memref<1x32x768xf32, #tpu.memory_space<vmem>>
    %dma_wait3A_581 = tpu.memref_squeeze %dma_wait3A_580 : memref<1x32x768xf32, #tpu.memory_space<vmem>> -> memref<32x768xf32, #tpu.memory_space<vmem>>
    %dma_wait3A_582 = arith.constant 0 : i32
    %dma_wait3A_583 = tpu.memref_slice %arg5[%dma_wait3A_575, %dma_wait3A_582] : memref<16x32xi32, #tpu.memory_space<vmem>> -> memref<1x32xi32, #tpu.memory_space<vmem>>
    %dma_wait3A_584 = tpu.memref_squeeze %dma_wait3A_583 : memref<1x32xi32, #tpu.memory_space<vmem>> -> memref<32xi32, #tpu.memory_space<vmem>>
    %dma_wait3A_585 = arith.constant 0 : i32
    %dma_wait3A_586 = arith.constant 0 : i32
    %dma_wait3A_587 = tpu.memref_slice %arg3[%dma_wait3A_585, %dma_wait3A_586] : memref<100000x768xf32, #tpu.memory_space<hbm>> -> memref<100000x768xf32, #tpu.memory_space<hbm>>
    %dma_wait3A_588 = tpu.memref_slice %arg8[%dma_wait3A_577] : memref<3x!tpu.dma_semaphore, #tpu.memory_space<semaphore_mem>> -> memref<1x!tpu.dma_semaphore, #tpu.memory_space<semaphore_mem>>
    %dma_wait3A_589 = tpu.memref_squeeze %dma_wait3A_588 : memref<1x!tpu.dma_semaphore, #tpu.memory_space<semaphore_mem>> -> memref<!tpu.dma_semaphore, #tpu.memory_space<semaphore_mem>>
    tpu.wait_indirect_dma semaphore(%dma_wait3A_589 : memref<!tpu.dma_semaphore, #tpu.memory_space<semaphore_mem>>) src(%dma_wait3A_587 : memref<100000x768xf32, #tpu.memory_space<hbm>>) dst(%dma_wait3A_581 : memref<32x768xf32, #tpu.memory_space<vmem>>)
    %dma_wait3A_590 = arith.constant 1 : i32
    %dma_wait3A_591 = arith.constant 1 : i32
    %dma_wait3A_592 = tpu.memref_slice %arg10[%dma_wait3A_591] : memref<2x!tpu.dma_semaphore, #tpu.memory_space<semaphore_mem>> -> memref<1x!tpu.dma_semaphore, #tpu.memory_space<semaphore_mem>>
    %dma_wait3A_593 = tpu.memref_squeeze %dma_wait3A_592 : memref<1x!tpu.dma_semaphore, #tpu.memory_space<semaphore_mem>> -> memref<!tpu.dma_semaphore, #tpu.memory_space<semaphore_mem>>
    %dma_wait3A_594 = arith.constant 0 : i32
    %dma_wait3A_595 = tpu.memref_slice %arg4[%add3A_544, %dma_wait3A_594] : memref<16384x768xf32, #tpu.memory_space<hbm>> -> memref<32x768xf32, #tpu.memory_space<hbm>>
    %dma_wait3A_596 = arith.constant 0 : i32
    %dma_wait3A_597 = arith.constant 0 : i32
    %dma_wait3A_598 = arith.constant 0 : i32
    %dma_wait3A_599 = tpu.memref_slice %arg7[%arg1, %dma_wait3A_596, %dma_wait3A_597, %dma_wait3A_598] : memref<16x2x32x768xf32, #tpu.memory_space<vmem_shared>> -> memref<1x2x32x768xf32, #tpu.memory_space<vmem_shared>>
    %dma_wait3A_600 = tpu.memref_squeeze %dma_wait3A_599 : memref<1x2x32x768xf32, #tpu.memory_space<vmem_shared>> -> memref<2x32x768xf32, #tpu.memory_space<vmem_shared>>
    %dma_wait3A_601 = arith.constant 0 : i32
    %dma_wait3A_602 = arith.constant 0 : i32
    %dma_wait3A_603 = tpu.memref_slice %dma_wait3A_600[%dma_wait3A_590, %dma_wait3A_601, %dma_wait3A_602] : memref<2x32x768xf32, #tpu.memory_space<vmem_shared>> -> memref<1x32x768xf32, #tpu.memory_space<vmem_shared>>
    %dma_wait3A_604 = tpu.memref_squeeze %dma_wait3A_603 : memref<1x32x768xf32, #tpu.memory_space<vmem_shared>> -> memref<32x768xf32, #tpu.memory_space<vmem_shared>>
    tpu.wait_dma2 semaphore(%dma_wait3A_593 : memref<!tpu.dma_semaphore, #tpu.memory_space<semaphore_mem>>) src(%dma_wait3A_604 : memref<32x768xf32, #tpu.memory_space<vmem_shared>>) dst(%dma_wait3A_595 : memref<32x768xf32, #tpu.memory_space<hbm>>)
    %dma_start3A_605 = arith.constant 2 : i32
    %dma_start3A_606 = arith.constant 1 : i32
    %dma_start3A_607 = arith.constant 2 : i32
    %dma_start3A_608 = arith.constant 0 : i32
    %dma_start3A_609 = arith.constant 0 : i32
    %dma_start3A_610 = tpu.memref_slice %arg6[%dma_start3A_605, %dma_start3A_608, %dma_start3A_609] : memref<3x32x768xf32, #tpu.memory_space<vmem>> -> memref<1x32x768xf32, #tpu.memory_space<vmem>>
    %dma_start3A_611 = tpu.memref_squeeze %dma_start3A_610 : memref<1x32x768xf32, #tpu.memory_space<vmem>> -> memref<32x768xf32, #tpu.memory_space<vmem>>
    %dma_start3A_612 = arith.constant 0 : i32
    %dma_start3A_613 = arith.constant 0 : i32
    %dma_start3A_614 = arith.constant 0 : i32
    %dma_start3A_615 = tpu.memref_slice %arg7[%arg1, %dma_start3A_612, %dma_start3A_613, %dma_start3A_614] : memref<16x2x32x768xf32, #tpu.memory_space<vmem_shared>> -> memref<1x2x32x768xf32, #tpu.memory_space<vmem_shared>>
    %dma_start3A_616 = tpu.memref_squeeze %dma_start3A_615 : memref<1x2x32x768xf32, #tpu.memory_space<vmem_shared>> -> memref<2x32x768xf32, #tpu.memory_space<vmem_shared>>
    %dma_start3A_617 = arith.constant 0 : i32
    %dma_start3A_618 = arith.constant 0 : i32
    %dma_start3A_619 = tpu.memref_slice %dma_start3A_616[%dma_start3A_606, %dma_start3A_617, %dma_start3A_618] : memref<2x32x768xf32, #tpu.memory_space<vmem_shared>> -> memref<1x32x768xf32, #tpu.memory_space<vmem_shared>>
    %dma_start3A_620 = tpu.memref_squeeze %dma_start3A_619 : memref<1x32x768xf32, #tpu.memory_space<vmem_shared>> -> memref<32x768xf32, #tpu.memory_space<vmem_shared>>
    %dma_start3A_621 = tpu.memref_slice %arg9[%dma_start3A_607] : memref<3x!tpu.dma_semaphore, #tpu.memory_space<semaphore_mem>> -> memref<1x!tpu.dma_semaphore, #tpu.memory_space<semaphore_mem>>
    %dma_start3A_622 = tpu.memref_squeeze %dma_start3A_621 : memref<1x!tpu.dma_semaphore, #tpu.memory_space<semaphore_mem>> -> memref<!tpu.dma_semaphore, #tpu.memory_space<semaphore_mem>>
    %dma_start3A_623 = arith.constant 0 : i32
    %dma_start3A_624 = arith.constant 0 : i32
    %dma_start3A_625 = arith.constant 0 : i32
    %dma_start3A_626 = tpu.memref_slice %arg7[%arg1, %dma_start3A_623, %dma_start3A_624, %dma_start3A_625] : memref<16x2x32x768xf32, #tpu.memory_space<vmem_shared>> -> memref<1x2x32x768xf32, #tpu.memory_space<vmem_shared>>
    %dma_start3A_627 = tpu.memref_squeeze %dma_start3A_626 : memref<1x2x32x768xf32, #tpu.memory_space<vmem_shared>> -> memref<2x32x768xf32, #tpu.memory_space<vmem_shared>>
    %dma_start3A_628 = arith.constant 0 : i32
    %dma_start3A_629 = arith.constant 0 : i32
    %dma_start3A_630 = tpu.memref_slice %dma_start3A_627[%dma_start3A_606, %dma_start3A_628, %dma_start3A_629] : memref<2x32x768xf32, #tpu.memory_space<vmem_shared>> -> memref<1x32x768xf32, #tpu.memory_space<vmem_shared>>
    %dma_start3A_631 = tpu.memref_squeeze %dma_start3A_630 : memref<1x32x768xf32, #tpu.memory_space<vmem_shared>> -> memref<32x768xf32, #tpu.memory_space<vmem_shared>>
    %dma_start3A_632 = arith.constant 0 : i32
    %dma_start3A_633 = arith.constant 0 : i32
    %dma_start3A_634 = tpu.memref_slice %arg6[%dma_start3A_605, %dma_start3A_632, %dma_start3A_633] : memref<3x32x768xf32, #tpu.memory_space<vmem>> -> memref<1x32x768xf32, #tpu.memory_space<vmem>>
    %dma_start3A_635 = tpu.memref_squeeze %dma_start3A_634 : memref<1x32x768xf32, #tpu.memory_space<vmem>> -> memref<32x768xf32, #tpu.memory_space<vmem>>
    tpu.enqueue_dma source(%dma_start3A_635 : memref<32x768xf32, #tpu.memory_space<vmem>>) target(%dma_start3A_631 : memref<32x768xf32, #tpu.memory_space<vmem_shared>>) target_semaphore(%dma_start3A_622 : memref<!tpu.dma_semaphore, #tpu.memory_space<semaphore_mem>>)
    %dma_wait3A_636 = arith.constant 1 : i32
    %dma_wait3A_637 = arith.constant 0 : i32
    %dma_wait3A_638 = arith.constant 1 : i32
    %dma_wait3A_639 = arith.constant 0 : i32
    %dma_wait3A_640 = arith.constant 0 : i32
    %dma_wait3A_641 = tpu.memref_slice %arg6[%dma_wait3A_636, %dma_wait3A_639, %dma_wait3A_640] : memref<3x32x768xf32, #tpu.memory_space<vmem>> -> memref<1x32x768xf32, #tpu.memory_space<vmem>>
    %dma_wait3A_642 = tpu.memref_squeeze %dma_wait3A_641 : memref<1x32x768xf32, #tpu.memory_space<vmem>> -> memref<32x768xf32, #tpu.memory_space<vmem>>
    %dma_wait3A_643 = arith.constant 0 : i32
    %dma_wait3A_644 = arith.constant 0 : i32
    %dma_wait3A_645 = arith.constant 0 : i32
    %dma_wait3A_646 = tpu.memref_slice %arg7[%arg1, %dma_wait3A_643, %dma_wait3A_644, %dma_wait3A_645] : memref<16x2x32x768xf32, #tpu.memory_space<vmem_shared>> -> memref<1x2x32x768xf32, #tpu.memory_space<vmem_shared>>
    %dma_wait3A_647 = tpu.memref_squeeze %dma_wait3A_646 : memref<1x2x32x768xf32, #tpu.memory_space<vmem_shared>> -> memref<2x32x768xf32, #tpu.memory_space<vmem_shared>>
    %dma_wait3A_648 = arith.constant 0 : i32
    %dma_wait3A_649 = arith.constant 0 : i32
    %dma_wait3A_650 = tpu.memref_slice %dma_wait3A_647[%dma_wait3A_637, %dma_wait3A_648, %dma_wait3A_649] : memref<2x32x768xf32, #tpu.memory_space<vmem_shared>> -> memref<1x32x768xf32, #tpu.memory_space<vmem_shared>>
    %dma_wait3A_651 = tpu.memref_squeeze %dma_wait3A_650 : memref<1x32x768xf32, #tpu.memory_space<vmem_shared>> -> memref<32x768xf32, #tpu.memory_space<vmem_shared>>
    %dma_wait3A_652 = tpu.memref_slice %arg9[%dma_wait3A_638] : memref<3x!tpu.dma_semaphore, #tpu.memory_space<semaphore_mem>> -> memref<1x!tpu.dma_semaphore, #tpu.memory_space<semaphore_mem>>
    %dma_wait3A_653 = tpu.memref_squeeze %dma_wait3A_652 : memref<1x!tpu.dma_semaphore, #tpu.memory_space<semaphore_mem>> -> memref<!tpu.dma_semaphore, #tpu.memory_space<semaphore_mem>>
    %dma_wait3A_654 = arith.constant 0 : i32
    %dma_wait3A_655 = arith.constant 0 : i32
    %dma_wait3A_656 = arith.constant 0 : i32
    %dma_wait3A_657 = tpu.memref_slice %arg7[%arg1, %dma_wait3A_654, %dma_wait3A_655, %dma_wait3A_656] : memref<16x2x32x768xf32, #tpu.memory_space<vmem_shared>> -> memref<1x2x32x768xf32, #tpu.memory_space<vmem_shared>>
    %dma_wait3A_658 = tpu.memref_squeeze %dma_wait3A_657 : memref<1x2x32x768xf32, #tpu.memory_space<vmem_shared>> -> memref<2x32x768xf32, #tpu.memory_space<vmem_shared>>
    %dma_wait3A_659 = arith.constant 0 : i32
    %dma_wait3A_660 = arith.constant 0 : i32
    %dma_wait3A_661 = tpu.memref_slice %dma_wait3A_658[%dma_wait3A_637, %dma_wait3A_659, %dma_wait3A_660] : memref<2x32x768xf32, #tpu.memory_space<vmem_shared>> -> memref<1x32x768xf32, #tpu.memory_space<vmem_shared>>
    %dma_wait3A_662 = tpu.memref_squeeze %dma_wait3A_661 : memref<1x32x768xf32, #tpu.memory_space<vmem_shared>> -> memref<32x768xf32, #tpu.memory_space<vmem_shared>>
    %dma_wait3A_663 = arith.constant 0 : i32
    %dma_wait3A_664 = arith.constant 0 : i32
    %dma_wait3A_665 = tpu.memref_slice %arg6[%dma_wait3A_636, %dma_wait3A_663, %dma_wait3A_664] : memref<3x32x768xf32, #tpu.memory_space<vmem>> -> memref<1x32x768xf32, #tpu.memory_space<vmem>>
    %dma_wait3A_666 = tpu.memref_squeeze %dma_wait3A_665 : memref<1x32x768xf32, #tpu.memory_space<vmem>> -> memref<32x768xf32, #tpu.memory_space<vmem>>
    tpu.wait_dma2 semaphore(%dma_wait3A_653 : memref<!tpu.dma_semaphore, #tpu.memory_space<semaphore_mem>>) src(%dma_wait3A_666 : memref<32x768xf32, #tpu.memory_space<vmem>>) dst(%dma_wait3A_662 : memref<32x768xf32, #tpu.memory_space<vmem_shared>>)
    %add3A_667 = arith.constant 128 : i32
    %add3A_668 = arith.addi %mul3A_2, %add3A_667 : i32
    %dma_start3A_669 = arith.constant 0 : i32
    %dma_start3A_670 = arith.constant 0 : i32
    %dma_start3A_671 = tpu.memref_slice %arg10[%dma_start3A_670] : memref<2x!tpu.dma_semaphore, #tpu.memory_space<semaphore_mem>> -> memref<1x!tpu.dma_semaphore, #tpu.memory_space<semaphore_mem>>
    %dma_start3A_672 = tpu.memref_squeeze %dma_start3A_671 : memref<1x!tpu.dma_semaphore, #tpu.memory_space<semaphore_mem>> -> memref<!tpu.dma_semaphore, #tpu.memory_space<semaphore_mem>>
    %dma_start3A_673 = arith.constant 0 : i32
    %dma_start3A_674 = tpu.memref_slice %arg4[%add3A_668, %dma_start3A_673] : memref<16384x768xf32, #tpu.memory_space<hbm>> -> memref<32x768xf32, #tpu.memory_space<hbm>>
    %dma_start3A_675 = arith.constant 0 : i32
    %dma_start3A_676 = arith.constant 0 : i32
    %dma_start3A_677 = arith.constant 0 : i32
    %dma_start3A_678 = tpu.memref_slice %arg7[%arg1, %dma_start3A_675, %dma_start3A_676, %dma_start3A_677] : memref<16x2x32x768xf32, #tpu.memory_space<vmem_shared>> -> memref<1x2x32x768xf32, #tpu.memory_space<vmem_shared>>
    %dma_start3A_679 = tpu.memref_squeeze %dma_start3A_678 : memref<1x2x32x768xf32, #tpu.memory_space<vmem_shared>> -> memref<2x32x768xf32, #tpu.memory_space<vmem_shared>>
    %dma_start3A_680 = arith.constant 0 : i32
    %dma_start3A_681 = arith.constant 0 : i32
    %dma_start3A_682 = tpu.memref_slice %dma_start3A_679[%dma_start3A_669, %dma_start3A_680, %dma_start3A_681] : memref<2x32x768xf32, #tpu.memory_space<vmem_shared>> -> memref<1x32x768xf32, #tpu.memory_space<vmem_shared>>
    %dma_start3A_683 = tpu.memref_squeeze %dma_start3A_682 : memref<1x32x768xf32, #tpu.memory_space<vmem_shared>> -> memref<32x768xf32, #tpu.memory_space<vmem_shared>>
    tpu.enqueue_dma source(%dma_start3A_683 : memref<32x768xf32, #tpu.memory_space<vmem_shared>>) target(%dma_start3A_674 : memref<32x768xf32, #tpu.memory_space<hbm>>) target_semaphore(%dma_start3A_672 : memref<!tpu.dma_semaphore, #tpu.memory_space<semaphore_mem>>)
    %dma_start3A_684 = arith.constant 7 : i32
    %dma_start3A_685 = arith.constant 1 : i32
    %dma_start3A_686 = arith.constant 1 : i32
    %dma_start3A_687 = arith.constant 0 : i32
    %dma_start3A_688 = arith.constant 0 : i32
    %dma_start3A_689 = tpu.memref_slice %arg6[%dma_start3A_685, %dma_start3A_687, %dma_start3A_688] : memref<3x32x768xf32, #tpu.memory_space<vmem>> -> memref<1x32x768xf32, #tpu.memory_space<vmem>>
    %dma_start3A_690 = tpu.memref_squeeze %dma_start3A_689 : memref<1x32x768xf32, #tpu.memory_space<vmem>> -> memref<32x768xf32, #tpu.memory_space<vmem>>
    %dma_start3A_691 = arith.constant 0 : i32
    %dma_start3A_692 = tpu.memref_slice %arg5[%dma_start3A_684, %dma_start3A_691] : memref<16x32xi32, #tpu.memory_space<vmem>> -> memref<1x32xi32, #tpu.memory_space<vmem>>
    %dma_start3A_693 = tpu.memref_squeeze %dma_start3A_692 : memref<1x32xi32, #tpu.memory_space<vmem>> -> memref<32xi32, #tpu.memory_space<vmem>>
    %dma_start3A_694 = arith.constant 0 : i32
    %dma_start3A_695 = arith.constant 0 : i32
    %dma_start3A_696 = tpu.memref_slice %arg3[%dma_start3A_694, %dma_start3A_695] : memref<100000x768xf32, #tpu.memory_space<hbm>> -> memref<100000x768xf32, #tpu.memory_space<hbm>>
    %dma_start3A_697 = tpu.memref_slice %arg8[%dma_start3A_686] : memref<3x!tpu.dma_semaphore, #tpu.memory_space<semaphore_mem>> -> memref<1x!tpu.dma_semaphore, #tpu.memory_space<semaphore_mem>>
    %dma_start3A_698 = tpu.memref_squeeze %dma_start3A_697 : memref<1x!tpu.dma_semaphore, #tpu.memory_space<semaphore_mem>> -> memref<!tpu.dma_semaphore, #tpu.memory_space<semaphore_mem>>
    tpu.enqueue_indirect_dma source(%dma_start3A_696 : memref<100000x768xf32, #tpu.memory_space<hbm>>) target(%dma_start3A_690 : memref<32x768xf32, #tpu.memory_space<vmem>>) offsets(%dma_start3A_693 : memref<32xi32, #tpu.memory_space<vmem>>) semaphore(%dma_start3A_698 : memref<!tpu.dma_semaphore, #tpu.memory_space<semaphore_mem>>)
    %dma_wait3A_699 = arith.constant 6 : i32
    %dma_wait3A_700 = arith.constant 0 : i32
    %dma_wait3A_701 = arith.constant 0 : i32
    %dma_wait3A_702 = arith.constant 0 : i32
    %dma_wait3A_703 = arith.constant 0 : i32
    %dma_wait3A_704 = tpu.memref_slice %arg6[%dma_wait3A_700, %dma_wait3A_702, %dma_wait3A_703] : memref<3x32x768xf32, #tpu.memory_space<vmem>> -> memref<1x32x768xf32, #tpu.memory_space<vmem>>
    %dma_wait3A_705 = tpu.memref_squeeze %dma_wait3A_704 : memref<1x32x768xf32, #tpu.memory_space<vmem>> -> memref<32x768xf32, #tpu.memory_space<vmem>>
    %dma_wait3A_706 = arith.constant 0 : i32
    %dma_wait3A_707 = tpu.memref_slice %arg5[%dma_wait3A_699, %dma_wait3A_706] : memref<16x32xi32, #tpu.memory_space<vmem>> -> memref<1x32xi32, #tpu.memory_space<vmem>>
    %dma_wait3A_708 = tpu.memref_squeeze %dma_wait3A_707 : memref<1x32xi32, #tpu.memory_space<vmem>> -> memref<32xi32, #tpu.memory_space<vmem>>
    %dma_wait3A_709 = arith.constant 0 : i32
    %dma_wait3A_710 = arith.constant 0 : i32
    %dma_wait3A_711 = tpu.memref_slice %arg3[%dma_wait3A_709, %dma_wait3A_710] : memref<100000x768xf32, #tpu.memory_space<hbm>> -> memref<100000x768xf32, #tpu.memory_space<hbm>>
    %dma_wait3A_712 = tpu.memref_slice %arg8[%dma_wait3A_701] : memref<3x!tpu.dma_semaphore, #tpu.memory_space<semaphore_mem>> -> memref<1x!tpu.dma_semaphore, #tpu.memory_space<semaphore_mem>>
    %dma_wait3A_713 = tpu.memref_squeeze %dma_wait3A_712 : memref<1x!tpu.dma_semaphore, #tpu.memory_space<semaphore_mem>> -> memref<!tpu.dma_semaphore, #tpu.memory_space<semaphore_mem>>
    tpu.wait_indirect_dma semaphore(%dma_wait3A_713 : memref<!tpu.dma_semaphore, #tpu.memory_space<semaphore_mem>>) src(%dma_wait3A_711 : memref<100000x768xf32, #tpu.memory_space<hbm>>) dst(%dma_wait3A_705 : memref<32x768xf32, #tpu.memory_space<vmem>>)
    %dma_wait3A_714 = arith.constant 0 : i32
    %dma_wait3A_715 = arith.constant 0 : i32
    %dma_wait3A_716 = tpu.memref_slice %arg10[%dma_wait3A_715] : memref<2x!tpu.dma_semaphore, #tpu.memory_space<semaphore_mem>> -> memref<1x!tpu.dma_semaphore, #tpu.memory_space<semaphore_mem>>
    %dma_wait3A_717 = tpu.memref_squeeze %dma_wait3A_716 : memref<1x!tpu.dma_semaphore, #tpu.memory_space<semaphore_mem>> -> memref<!tpu.dma_semaphore, #tpu.memory_space<semaphore_mem>>
    %dma_wait3A_718 = arith.constant 0 : i32
    %dma_wait3A_719 = tpu.memref_slice %arg4[%add3A_668, %dma_wait3A_718] : memref<16384x768xf32, #tpu.memory_space<hbm>> -> memref<32x768xf32, #tpu.memory_space<hbm>>
    %dma_wait3A_720 = arith.constant 0 : i32
    %dma_wait3A_721 = arith.constant 0 : i32
    %dma_wait3A_722 = arith.constant 0 : i32
    %dma_wait3A_723 = tpu.memref_slice %arg7[%arg1, %dma_wait3A_720, %dma_wait3A_721, %dma_wait3A_722] : memref<16x2x32x768xf32, #tpu.memory_space<vmem_shared>> -> memref<1x2x32x768xf32, #tpu.memory_space<vmem_shared>>
    %dma_wait3A_724 = tpu.memref_squeeze %dma_wait3A_723 : memref<1x2x32x768xf32, #tpu.memory_space<vmem_shared>> -> memref<2x32x768xf32, #tpu.memory_space<vmem_shared>>
    %dma_wait3A_725 = arith.constant 0 : i32
    %dma_wait3A_726 = arith.constant 0 : i32
    %dma_wait3A_727 = tpu.memref_slice %dma_wait3A_724[%dma_wait3A_714, %dma_wait3A_725, %dma_wait3A_726] : memref<2x32x768xf32, #tpu.memory_space<vmem_shared>> -> memref<1x32x768xf32, #tpu.memory_space<vmem_shared>>
    %dma_wait3A_728 = tpu.memref_squeeze %dma_wait3A_727 : memref<1x32x768xf32, #tpu.memory_space<vmem_shared>> -> memref<32x768xf32, #tpu.memory_space<vmem_shared>>
    tpu.wait_dma2 semaphore(%dma_wait3A_717 : memref<!tpu.dma_semaphore, #tpu.memory_space<semaphore_mem>>) src(%dma_wait3A_728 : memref<32x768xf32, #tpu.memory_space<vmem_shared>>) dst(%dma_wait3A_719 : memref<32x768xf32, #tpu.memory_space<hbm>>)
    %dma_start3A_729 = arith.constant 0 : i32
    %dma_start3A_730 = arith.constant 0 : i32
    %dma_start3A_731 = arith.constant 0 : i32
    %dma_start3A_732 = arith.constant 0 : i32
    %dma_start3A_733 = arith.constant 0 : i32
    %dma_start3A_734 = tpu.memref_slice %arg6[%dma_start3A_729, %dma_start3A_732, %dma_start3A_733] : memref<3x32x768xf32, #tpu.memory_space<vmem>> -> memref<1x32x768xf32, #tpu.memory_space<vmem>>
    %dma_start3A_735 = tpu.memref_squeeze %dma_start3A_734 : memref<1x32x768xf32, #tpu.memory_space<vmem>> -> memref<32x768xf32, #tpu.memory_space<vmem>>
    %dma_start3A_736 = arith.constant 0 : i32
    %dma_start3A_737 = arith.constant 0 : i32
    %dma_start3A_738 = arith.constant 0 : i32
    %dma_start3A_739 = tpu.memref_slice %arg7[%arg1, %dma_start3A_736, %dma_start3A_737, %dma_start3A_738] : memref<16x2x32x768xf32, #tpu.memory_space<vmem_shared>> -> memref<1x2x32x768xf32, #tpu.memory_space<vmem_shared>>
    %dma_start3A_740 = tpu.memref_squeeze %dma_start3A_739 : memref<1x2x32x768xf32, #tpu.memory_space<vmem_shared>> -> memref<2x32x768xf32, #tpu.memory_space<vmem_shared>>
    %dma_start3A_741 = arith.constant 0 : i32
    %dma_start3A_742 = arith.constant 0 : i32
    %dma_start3A_743 = tpu.memref_slice %dma_start3A_740[%dma_start3A_730, %dma_start3A_741, %dma_start3A_742] : memref<2x32x768xf32, #tpu.memory_space<vmem_shared>> -> memref<1x32x768xf32, #tpu.memory_space<vmem_shared>>
    %dma_start3A_744 = tpu.memref_squeeze %dma_start3A_743 : memref<1x32x768xf32, #tpu.memory_space<vmem_shared>> -> memref<32x768xf32, #tpu.memory_space<vmem_shared>>
    %dma_start3A_745 = tpu.memref_slice %arg9[%dma_start3A_731] : memref<3x!tpu.dma_semaphore, #tpu.memory_space<semaphore_mem>> -> memref<1x!tpu.dma_semaphore, #tpu.memory_space<semaphore_mem>>
    %dma_start3A_746 = tpu.memref_squeeze %dma_start3A_745 : memref<1x!tpu.dma_semaphore, #tpu.memory_space<semaphore_mem>> -> memref<!tpu.dma_semaphore, #tpu.memory_space<semaphore_mem>>
    %dma_start3A_747 = arith.constant 0 : i32
    %dma_start3A_748 = arith.constant 0 : i32
    %dma_start3A_749 = arith.constant 0 : i32
    %dma_start3A_750 = tpu.memref_slice %arg7[%arg1, %dma_start3A_747, %dma_start3A_748, %dma_start3A_749] : memref<16x2x32x768xf32, #tpu.memory_space<vmem_shared>> -> memref<1x2x32x768xf32, #tpu.memory_space<vmem_shared>>
    %dma_start3A_751 = tpu.memref_squeeze %dma_start3A_750 : memref<1x2x32x768xf32, #tpu.memory_space<vmem_shared>> -> memref<2x32x768xf32, #tpu.memory_space<vmem_shared>>
    %dma_start3A_752 = arith.constant 0 : i32
    %dma_start3A_753 = arith.constant 0 : i32
    %dma_start3A_754 = tpu.memref_slice %dma_start3A_751[%dma_start3A_730, %dma_start3A_752, %dma_start3A_753] : memref<2x32x768xf32, #tpu.memory_space<vmem_shared>> -> memref<1x32x768xf32, #tpu.memory_space<vmem_shared>>
    %dma_start3A_755 = tpu.memref_squeeze %dma_start3A_754 : memref<1x32x768xf32, #tpu.memory_space<vmem_shared>> -> memref<32x768xf32, #tpu.memory_space<vmem_shared>>
    %dma_start3A_756 = arith.constant 0 : i32
    %dma_start3A_757 = arith.constant 0 : i32
    %dma_start3A_758 = tpu.memref_slice %arg6[%dma_start3A_729, %dma_start3A_756, %dma_start3A_757] : memref<3x32x768xf32, #tpu.memory_space<vmem>> -> memref<1x32x768xf32, #tpu.memory_space<vmem>>
    %dma_start3A_759 = tpu.memref_squeeze %dma_start3A_758 : memref<1x32x768xf32, #tpu.memory_space<vmem>> -> memref<32x768xf32, #tpu.memory_space<vmem>>
    tpu.enqueue_dma source(%dma_start3A_759 : memref<32x768xf32, #tpu.memory_space<vmem>>) target(%dma_start3A_755 : memref<32x768xf32, #tpu.memory_space<vmem_shared>>) target_semaphore(%dma_start3A_746 : memref<!tpu.dma_semaphore, #tpu.memory_space<semaphore_mem>>)
    %dma_wait3A_760 = arith.constant 2 : i32
    %dma_wait3A_761 = arith.constant 1 : i32
    %dma_wait3A_762 = arith.constant 2 : i32
    %dma_wait3A_763 = arith.constant 0 : i32
    %dma_wait3A_764 = arith.constant 0 : i32
    %dma_wait3A_765 = tpu.memref_slice %arg6[%dma_wait3A_760, %dma_wait3A_763, %dma_wait3A_764] : memref<3x32x768xf32, #tpu.memory_space<vmem>> -> memref<1x32x768xf32, #tpu.memory_space<vmem>>
    %dma_wait3A_766 = tpu.memref_squeeze %dma_wait3A_765 : memref<1x32x768xf32, #tpu.memory_space<vmem>> -> memref<32x768xf32, #tpu.memory_space<vmem>>
    %dma_wait3A_767 = arith.constant 0 : i32
    %dma_wait3A_768 = arith.constant 0 : i32
    %dma_wait3A_769 = arith.constant 0 : i32
    %dma_wait3A_770 = tpu.memref_slice %arg7[%arg1, %dma_wait3A_767, %dma_wait3A_768, %dma_wait3A_769] : memref<16x2x32x768xf32, #tpu.memory_space<vmem_shared>> -> memref<1x2x32x768xf32, #tpu.memory_space<vmem_shared>>
    %dma_wait3A_771 = tpu.memref_squeeze %dma_wait3A_770 : memref<1x2x32x768xf32, #tpu.memory_space<vmem_shared>> -> memref<2x32x768xf32, #tpu.memory_space<vmem_shared>>
    %dma_wait3A_772 = arith.constant 0 : i32
    %dma_wait3A_773 = arith.constant 0 : i32
    %dma_wait3A_774 = tpu.memref_slice %dma_wait3A_771[%dma_wait3A_761, %dma_wait3A_772, %dma_wait3A_773] : memref<2x32x768xf32, #tpu.memory_space<vmem_shared>> -> memref<1x32x768xf32, #tpu.memory_space<vmem_shared>>
    %dma_wait3A_775 = tpu.memref_squeeze %dma_wait3A_774 : memref<1x32x768xf32, #tpu.memory_space<vmem_shared>> -> memref<32x768xf32, #tpu.memory_space<vmem_shared>>
    %dma_wait3A_776 = tpu.memref_slice %arg9[%dma_wait3A_762] : memref<3x!tpu.dma_semaphore, #tpu.memory_space<semaphore_mem>> -> memref<1x!tpu.dma_semaphore, #tpu.memory_space<semaphore_mem>>
    %dma_wait3A_777 = tpu.memref_squeeze %dma_wait3A_776 : memref<1x!tpu.dma_semaphore, #tpu.memory_space<semaphore_mem>> -> memref<!tpu.dma_semaphore, #tpu.memory_space<semaphore_mem>>
    %dma_wait3A_778 = arith.constant 0 : i32
    %dma_wait3A_779 = arith.constant 0 : i32
    %dma_wait3A_780 = arith.constant 0 : i32
    %dma_wait3A_781 = tpu.memref_slice %arg7[%arg1, %dma_wait3A_778, %dma_wait3A_779, %dma_wait3A_780] : memref<16x2x32x768xf32, #tpu.memory_space<vmem_shared>> -> memref<1x2x32x768xf32, #tpu.memory_space<vmem_shared>>
    %dma_wait3A_782 = tpu.memref_squeeze %dma_wait3A_781 : memref<1x2x32x768xf32, #tpu.memory_space<vmem_shared>> -> memref<2x32x768xf32, #tpu.memory_space<vmem_shared>>
    %dma_wait3A_783 = arith.constant 0 : i32
    %dma_wait3A_784 = arith.constant 0 : i32
    %dma_wait3A_785 = tpu.memref_slice %dma_wait3A_782[%dma_wait3A_761, %dma_wait3A_783, %dma_wait3A_784] : memref<2x32x768xf32, #tpu.memory_space<vmem_shared>> -> memref<1x32x768xf32, #tpu.memory_space<vmem_shared>>
    %dma_wait3A_786 = tpu.memref_squeeze %dma_wait3A_785 : memref<1x32x768xf32, #tpu.memory_space<vmem_shared>> -> memref<32x768xf32, #tpu.memory_space<vmem_shared>>
    %dma_wait3A_787 = arith.constant 0 : i32
    %dma_wait3A_788 = arith.constant 0 : i32
    %dma_wait3A_789 = tpu.memref_slice %arg6[%dma_wait3A_760, %dma_wait3A_787, %dma_wait3A_788] : memref<3x32x768xf32, #tpu.memory_space<vmem>> -> memref<1x32x768xf32, #tpu.memory_space<vmem>>
    %dma_wait3A_790 = tpu.memref_squeeze %dma_wait3A_789 : memref<1x32x768xf32, #tpu.memory_space<vmem>> -> memref<32x768xf32, #tpu.memory_space<vmem>>
    tpu.wait_dma2 semaphore(%dma_wait3A_777 : memref<!tpu.dma_semaphore, #tpu.memory_space<semaphore_mem>>) src(%dma_wait3A_790 : memref<32x768xf32, #tpu.memory_space<vmem>>) dst(%dma_wait3A_786 : memref<32x768xf32, #tpu.memory_space<vmem_shared>>)
    %add3A_791 = arith.constant 160 : i32
    %add3A_792 = arith.addi %mul3A_2, %add3A_791 : i32
    %dma_start3A_793 = arith.constant 1 : i32
    %dma_start3A_794 = arith.constant 1 : i32
    %dma_start3A_795 = tpu.memref_slice %arg10[%dma_start3A_794] : memref<2x!tpu.dma_semaphore, #tpu.memory_space<semaphore_mem>> -> memref<1x!tpu.dma_semaphore, #tpu.memory_space<semaphore_mem>>
    %dma_start3A_796 = tpu.memref_squeeze %dma_start3A_795 : memref<1x!tpu.dma_semaphore, #tpu.memory_space<semaphore_mem>> -> memref<!tpu.dma_semaphore, #tpu.memory_space<semaphore_mem>>
    %dma_start3A_797 = arith.constant 0 : i32
    %dma_start3A_798 = tpu.memref_slice %arg4[%add3A_792, %dma_start3A_797] : memref<16384x768xf32, #tpu.memory_space<hbm>> -> memref<32x768xf32, #tpu.memory_space<hbm>>
    %dma_start3A_799 = arith.constant 0 : i32
    %dma_start3A_800 = arith.constant 0 : i32
    %dma_start3A_801 = arith.constant 0 : i32
    %dma_start3A_802 = tpu.memref_slice %arg7[%arg1, %dma_start3A_799, %dma_start3A_800, %dma_start3A_801] : memref<16x2x32x768xf32, #tpu.memory_space<vmem_shared>> -> memref<1x2x32x768xf32, #tpu.memory_space<vmem_shared>>
    %dma_start3A_803 = tpu.memref_squeeze %dma_start3A_802 : memref<1x2x32x768xf32, #tpu.memory_space<vmem_shared>> -> memref<2x32x768xf32, #tpu.memory_space<vmem_shared>>
    %dma_start3A_804 = arith.constant 0 : i32
    %dma_start3A_805 = arith.constant 0 : i32
    %dma_start3A_806 = tpu.memref_slice %dma_start3A_803[%dma_start3A_793, %dma_start3A_804, %dma_start3A_805] : memref<2x32x768xf32, #tpu.memory_space<vmem_shared>> -> memref<1x32x768xf32, #tpu.memory_space<vmem_shared>>
    %dma_start3A_807 = tpu.memref_squeeze %dma_start3A_806 : memref<1x32x768xf32, #tpu.memory_space<vmem_shared>> -> memref<32x768xf32, #tpu.memory_space<vmem_shared>>
    tpu.enqueue_dma source(%dma_start3A_807 : memref<32x768xf32, #tpu.memory_space<vmem_shared>>) target(%dma_start3A_798 : memref<32x768xf32, #tpu.memory_space<hbm>>) target_semaphore(%dma_start3A_796 : memref<!tpu.dma_semaphore, #tpu.memory_space<semaphore_mem>>)
    %dma_start3A_808 = arith.constant 8 : i32
    %dma_start3A_809 = arith.constant 2 : i32
    %dma_start3A_810 = arith.constant 2 : i32
    %dma_start3A_811 = arith.constant 0 : i32
    %dma_start3A_812 = arith.constant 0 : i32
    %dma_start3A_813 = tpu.memref_slice %arg6[%dma_start3A_809, %dma_start3A_811, %dma_start3A_812] : memref<3x32x768xf32, #tpu.memory_space<vmem>> -> memref<1x32x768xf32, #tpu.memory_space<vmem>>
    %dma_start3A_814 = tpu.memref_squeeze %dma_start3A_813 : memref<1x32x768xf32, #tpu.memory_space<vmem>> -> memref<32x768xf32, #tpu.memory_space<vmem>>
    %dma_start3A_815 = arith.constant 0 : i32
    %dma_start3A_816 = tpu.memref_slice %arg5[%dma_start3A_808, %dma_start3A_815] : memref<16x32xi32, #tpu.memory_space<vmem>> -> memref<1x32xi32, #tpu.memory_space<vmem>>
    %dma_start3A_817 = tpu.memref_squeeze %dma_start3A_816 : memref<1x32xi32, #tpu.memory_space<vmem>> -> memref<32xi32, #tpu.memory_space<vmem>>
    %dma_start3A_818 = arith.constant 0 : i32
    %dma_start3A_819 = arith.constant 0 : i32
    %dma_start3A_820 = tpu.memref_slice %arg3[%dma_start3A_818, %dma_start3A_819] : memref<100000x768xf32, #tpu.memory_space<hbm>> -> memref<100000x768xf32, #tpu.memory_space<hbm>>
    %dma_start3A_821 = tpu.memref_slice %arg8[%dma_start3A_810] : memref<3x!tpu.dma_semaphore, #tpu.memory_space<semaphore_mem>> -> memref<1x!tpu.dma_semaphore, #tpu.memory_space<semaphore_mem>>
    %dma_start3A_822 = tpu.memref_squeeze %dma_start3A_821 : memref<1x!tpu.dma_semaphore, #tpu.memory_space<semaphore_mem>> -> memref<!tpu.dma_semaphore, #tpu.memory_space<semaphore_mem>>
    tpu.enqueue_indirect_dma source(%dma_start3A_820 : memref<100000x768xf32, #tpu.memory_space<hbm>>) target(%dma_start3A_814 : memref<32x768xf32, #tpu.memory_space<vmem>>) offsets(%dma_start3A_817 : memref<32xi32, #tpu.memory_space<vmem>>) semaphore(%dma_start3A_822 : memref<!tpu.dma_semaphore, #tpu.memory_space<semaphore_mem>>)
    %dma_wait3A_823 = arith.constant 7 : i32
    %dma_wait3A_824 = arith.constant 1 : i32
    %dma_wait3A_825 = arith.constant 1 : i32
    %dma_wait3A_826 = arith.constant 0 : i32
    %dma_wait3A_827 = arith.constant 0 : i32
    %dma_wait3A_828 = tpu.memref_slice %arg6[%dma_wait3A_824, %dma_wait3A_826, %dma_wait3A_827] : memref<3x32x768xf32, #tpu.memory_space<vmem>> -> memref<1x32x768xf32, #tpu.memory_space<vmem>>
    %dma_wait3A_829 = tpu.memref_squeeze %dma_wait3A_828 : memref<1x32x768xf32, #tpu.memory_space<vmem>> -> memref<32x768xf32, #tpu.memory_space<vmem>>
    %dma_wait3A_830 = arith.constant 0 : i32
    %dma_wait3A_831 = tpu.memref_slice %arg5[%dma_wait3A_823, %dma_wait3A_830] : memref<16x32xi32, #tpu.memory_space<vmem>> -> memref<1x32xi32, #tpu.memory_space<vmem>>
    %dma_wait3A_832 = tpu.memref_squeeze %dma_wait3A_831 : memref<1x32xi32, #tpu.memory_space<vmem>> -> memref<32xi32, #tpu.memory_space<vmem>>
    %dma_wait3A_833 = arith.constant 0 : i32
    %dma_wait3A_834 = arith.constant 0 : i32
    %dma_wait3A_835 = tpu.memref_slice %arg3[%dma_wait3A_833, %dma_wait3A_834] : memref<100000x768xf32, #tpu.memory_space<hbm>> -> memref<100000x768xf32, #tpu.memory_space<hbm>>
    %dma_wait3A_836 = tpu.memref_slice %arg8[%dma_wait3A_825] : memref<3x!tpu.dma_semaphore, #tpu.memory_space<semaphore_mem>> -> memref<1x!tpu.dma_semaphore, #tpu.memory_space<semaphore_mem>>
    %dma_wait3A_837 = tpu.memref_squeeze %dma_wait3A_836 : memref<1x!tpu.dma_semaphore, #tpu.memory_space<semaphore_mem>> -> memref<!tpu.dma_semaphore, #tpu.memory_space<semaphore_mem>>
    tpu.wait_indirect_dma semaphore(%dma_wait3A_837 : memref<!tpu.dma_semaphore, #tpu.memory_space<semaphore_mem>>) src(%dma_wait3A_835 : memref<100000x768xf32, #tpu.memory_space<hbm>>) dst(%dma_wait3A_829 : memref<32x768xf32, #tpu.memory_space<vmem>>)
    %dma_wait3A_838 = arith.constant 1 : i32
    %dma_wait3A_839 = arith.constant 1 : i32
    %dma_wait3A_840 = tpu.memref_slice %arg10[%dma_wait3A_839] : memref<2x!tpu.dma_semaphore, #tpu.memory_space<semaphore_mem>> -> memref<1x!tpu.dma_semaphore, #tpu.memory_space<semaphore_mem>>
    %dma_wait3A_841 = tpu.memref_squeeze %dma_wait3A_840 : memref<1x!tpu.dma_semaphore, #tpu.memory_space<semaphore_mem>> -> memref<!tpu.dma_semaphore, #tpu.memory_space<semaphore_mem>>
    %dma_wait3A_842 = arith.constant 0 : i32
    %dma_wait3A_843 = tpu.memref_slice %arg4[%add3A_792, %dma_wait3A_842] : memref<16384x768xf32, #tpu.memory_space<hbm>> -> memref<32x768xf32, #tpu.memory_space<hbm>>
    %dma_wait3A_844 = arith.constant 0 : i32
    %dma_wait3A_845 = arith.constant 0 : i32
    %dma_wait3A_846 = arith.constant 0 : i32
    %dma_wait3A_847 = tpu.memref_slice %arg7[%arg1, %dma_wait3A_844, %dma_wait3A_845, %dma_wait3A_846] : memref<16x2x32x768xf32, #tpu.memory_space<vmem_shared>> -> memref<1x2x32x768xf32, #tpu.memory_space<vmem_shared>>
    %dma_wait3A_848 = tpu.memref_squeeze %dma_wait3A_847 : memref<1x2x32x768xf32, #tpu.memory_space<vmem_shared>> -> memref<2x32x768xf32, #tpu.memory_space<vmem_shared>>
    %dma_wait3A_849 = arith.constant 0 : i32
    %dma_wait3A_850 = arith.constant 0 : i32
    %dma_wait3A_851 = tpu.memref_slice %dma_wait3A_848[%dma_wait3A_838, %dma_wait3A_849, %dma_wait3A_850] : memref<2x32x768xf32, #tpu.memory_space<vmem_shared>> -> memref<1x32x768xf32, #tpu.memory_space<vmem_shared>>
    %dma_wait3A_852 = tpu.memref_squeeze %dma_wait3A_851 : memref<1x32x768xf32, #tpu.memory_space<vmem_shared>> -> memref<32x768xf32, #tpu.memory_space<vmem_shared>>
    tpu.wait_dma2 semaphore(%dma_wait3A_841 : memref<!tpu.dma_semaphore, #tpu.memory_space<semaphore_mem>>) src(%dma_wait3A_852 : memref<32x768xf32, #tpu.memory_space<vmem_shared>>) dst(%dma_wait3A_843 : memref<32x768xf32, #tpu.memory_space<hbm>>)
    %dma_start3A_853 = arith.constant 1 : i32
    %dma_start3A_854 = arith.constant 1 : i32
    %dma_start3A_855 = arith.constant 1 : i32
    %dma_start3A_856 = arith.constant 0 : i32
    %dma_start3A_857 = arith.constant 0 : i32
    %dma_start3A_858 = tpu.memref_slice %arg6[%dma_start3A_853, %dma_start3A_856, %dma_start3A_857] : memref<3x32x768xf32, #tpu.memory_space<vmem>> -> memref<1x32x768xf32, #tpu.memory_space<vmem>>
    %dma_start3A_859 = tpu.memref_squeeze %dma_start3A_858 : memref<1x32x768xf32, #tpu.memory_space<vmem>> -> memref<32x768xf32, #tpu.memory_space<vmem>>
    %dma_start3A_860 = arith.constant 0 : i32
    %dma_start3A_861 = arith.constant 0 : i32
    %dma_start3A_862 = arith.constant 0 : i32
    %dma_start3A_863 = tpu.memref_slice %arg7[%arg1, %dma_start3A_860, %dma_start3A_861, %dma_start3A_862] : memref<16x2x32x768xf32, #tpu.memory_space<vmem_shared>> -> memref<1x2x32x768xf32, #tpu.memory_space<vmem_shared>>
    %dma_start3A_864 = tpu.memref_squeeze %dma_start3A_863 : memref<1x2x32x768xf32, #tpu.memory_space<vmem_shared>> -> memref<2x32x768xf32, #tpu.memory_space<vmem_shared>>
    %dma_start3A_865 = arith.constant 0 : i32
    %dma_start3A_866 = arith.constant 0 : i32
    %dma_start3A_867 = tpu.memref_slice %dma_start3A_864[%dma_start3A_854, %dma_start3A_865, %dma_start3A_866] : memref<2x32x768xf32, #tpu.memory_space<vmem_shared>> -> memref<1x32x768xf32, #tpu.memory_space<vmem_shared>>
    %dma_start3A_868 = tpu.memref_squeeze %dma_start3A_867 : memref<1x32x768xf32, #tpu.memory_space<vmem_shared>> -> memref<32x768xf32, #tpu.memory_space<vmem_shared>>
    %dma_start3A_869 = tpu.memref_slice %arg9[%dma_start3A_855] : memref<3x!tpu.dma_semaphore, #tpu.memory_space<semaphore_mem>> -> memref<1x!tpu.dma_semaphore, #tpu.memory_space<semaphore_mem>>
    %dma_start3A_870 = tpu.memref_squeeze %dma_start3A_869 : memref<1x!tpu.dma_semaphore, #tpu.memory_space<semaphore_mem>> -> memref<!tpu.dma_semaphore, #tpu.memory_space<semaphore_mem>>
    %dma_start3A_871 = arith.constant 0 : i32
    %dma_start3A_872 = arith.constant 0 : i32
    %dma_start3A_873 = arith.constant 0 : i32
    %dma_start3A_874 = tpu.memref_slice %arg7[%arg1, %dma_start3A_871, %dma_start3A_872, %dma_start3A_873] : memref<16x2x32x768xf32, #tpu.memory_space<vmem_shared>> -> memref<1x2x32x768xf32, #tpu.memory_space<vmem_shared>>
    %dma_start3A_875 = tpu.memref_squeeze %dma_start3A_874 : memref<1x2x32x768xf32, #tpu.memory_space<vmem_shared>> -> memref<2x32x768xf32, #tpu.memory_space<vmem_shared>>
    %dma_start3A_876 = arith.constant 0 : i32
    %dma_start3A_877 = arith.constant 0 : i32
    %dma_start3A_878 = tpu.memref_slice %dma_start3A_875[%dma_start3A_854, %dma_start3A_876, %dma_start3A_877] : memref<2x32x768xf32, #tpu.memory_space<vmem_shared>> -> memref<1x32x768xf32, #tpu.memory_space<vmem_shared>>
    %dma_start3A_879 = tpu.memref_squeeze %dma_start3A_878 : memref<1x32x768xf32, #tpu.memory_space<vmem_shared>> -> memref<32x768xf32, #tpu.memory_space<vmem_shared>>
    %dma_start3A_880 = arith.constant 0 : i32
    %dma_start3A_881 = arith.constant 0 : i32
    %dma_start3A_882 = tpu.memref_slice %arg6[%dma_start3A_853, %dma_start3A_880, %dma_start3A_881] : memref<3x32x768xf32, #tpu.memory_space<vmem>> -> memref<1x32x768xf32, #tpu.memory_space<vmem>>
    %dma_start3A_883 = tpu.memref_squeeze %dma_start3A_882 : memref<1x32x768xf32, #tpu.memory_space<vmem>> -> memref<32x768xf32, #tpu.memory_space<vmem>>
    tpu.enqueue_dma source(%dma_start3A_883 : memref<32x768xf32, #tpu.memory_space<vmem>>) target(%dma_start3A_879 : memref<32x768xf32, #tpu.memory_space<vmem_shared>>) target_semaphore(%dma_start3A_870 : memref<!tpu.dma_semaphore, #tpu.memory_space<semaphore_mem>>)
    %dma_wait3A_884 = arith.constant 0 : i32
    %dma_wait3A_885 = arith.constant 0 : i32
    %dma_wait3A_886 = arith.constant 0 : i32
    %dma_wait3A_887 = arith.constant 0 : i32
    %dma_wait3A_888 = arith.constant 0 : i32
    %dma_wait3A_889 = tpu.memref_slice %arg6[%dma_wait3A_884, %dma_wait3A_887, %dma_wait3A_888] : memref<3x32x768xf32, #tpu.memory_space<vmem>> -> memref<1x32x768xf32, #tpu.memory_space<vmem>>
    %dma_wait3A_890 = tpu.memref_squeeze %dma_wait3A_889 : memref<1x32x768xf32, #tpu.memory_space<vmem>> -> memref<32x768xf32, #tpu.memory_space<vmem>>
    %dma_wait3A_891 = arith.constant 0 : i32
    %dma_wait3A_892 = arith.constant 0 : i32
    %dma_wait3A_893 = arith.constant 0 : i32
    %dma_wait3A_894 = tpu.memref_slice %arg7[%arg1, %dma_wait3A_891, %dma_wait3A_892, %dma_wait3A_893] : memref<16x2x32x768xf32, #tpu.memory_space<vmem_shared>> -> memref<1x2x32x768xf32, #tpu.memory_space<vmem_shared>>
    %dma_wait3A_895 = tpu.memref_squeeze %dma_wait3A_894 : memref<1x2x32x768xf32, #tpu.memory_space<vmem_shared>> -> memref<2x32x768xf32, #tpu.memory_space<vmem_shared>>
    %dma_wait3A_896 = arith.constant 0 : i32
    %dma_wait3A_897 = arith.constant 0 : i32
    %dma_wait3A_898 = tpu.memref_slice %dma_wait3A_895[%dma_wait3A_885, %dma_wait3A_896, %dma_wait3A_897] : memref<2x32x768xf32, #tpu.memory_space<vmem_shared>> -> memref<1x32x768xf32, #tpu.memory_space<vmem_shared>>
    %dma_wait3A_899 = tpu.memref_squeeze %dma_wait3A_898 : memref<1x32x768xf32, #tpu.memory_space<vmem_shared>> -> memref<32x768xf32, #tpu.memory_space<vmem_shared>>
    %dma_wait3A_900 = tpu.memref_slice %arg9[%dma_wait3A_886] : memref<3x!tpu.dma_semaphore, #tpu.memory_space<semaphore_mem>> -> memref<1x!tpu.dma_semaphore, #tpu.memory_space<semaphore_mem>>
    %dma_wait3A_901 = tpu.memref_squeeze %dma_wait3A_900 : memref<1x!tpu.dma_semaphore, #tpu.memory_space<semaphore_mem>> -> memref<!tpu.dma_semaphore, #tpu.memory_space<semaphore_mem>>
    %dma_wait3A_902 = arith.constant 0 : i32
    %dma_wait3A_903 = arith.constant 0 : i32
    %dma_wait3A_904 = arith.constant 0 : i32
    %dma_wait3A_905 = tpu.memref_slice %arg7[%arg1, %dma_wait3A_902, %dma_wait3A_903, %dma_wait3A_904] : memref<16x2x32x768xf32, #tpu.memory_space<vmem_shared>> -> memref<1x2x32x768xf32, #tpu.memory_space<vmem_shared>>
    %dma_wait3A_906 = tpu.memref_squeeze %dma_wait3A_905 : memref<1x2x32x768xf32, #tpu.memory_space<vmem_shared>> -> memref<2x32x768xf32, #tpu.memory_space<vmem_shared>>
    %dma_wait3A_907 = arith.constant 0 : i32
    %dma_wait3A_908 = arith.constant 0 : i32
    %dma_wait3A_909 = tpu.memref_slice %dma_wait3A_906[%dma_wait3A_885, %dma_wait3A_907, %dma_wait3A_908] : memref<2x32x768xf32, #tpu.memory_space<vmem_shared>> -> memref<1x32x768xf32, #tpu.memory_space<vmem_shared>>
    %dma_wait3A_910 = tpu.memref_squeeze %dma_wait3A_909 : memref<1x32x768xf32, #tpu.memory_space<vmem_shared>> -> memref<32x768xf32, #tpu.memory_space<vmem_shared>>
    %dma_wait3A_911 = arith.constant 0 : i32
    %dma_wait3A_912 = arith.constant 0 : i32
    %dma_wait3A_913 = tpu.memref_slice %arg6[%dma_wait3A_884, %dma_wait3A_911, %dma_wait3A_912] : memref<3x32x768xf32, #tpu.memory_space<vmem>> -> memref<1x32x768xf32, #tpu.memory_space<vmem>>
    %dma_wait3A_914 = tpu.memref_squeeze %dma_wait3A_913 : memref<1x32x768xf32, #tpu.memory_space<vmem>> -> memref<32x768xf32, #tpu.memory_space<vmem>>
    tpu.wait_dma2 semaphore(%dma_wait3A_901 : memref<!tpu.dma_semaphore, #tpu.memory_space<semaphore_mem>>) src(%dma_wait3A_914 : memref<32x768xf32, #tpu.memory_space<vmem>>) dst(%dma_wait3A_910 : memref<32x768xf32, #tpu.memory_space<vmem_shared>>)
    %add3A_915 = arith.constant 192 : i32
    %add3A_916 = arith.addi %mul3A_2, %add3A_915 : i32
    %dma_start3A_917 = arith.constant 0 : i32
    %dma_start3A_918 = arith.constant 0 : i32
    %dma_start3A_919 = tpu.memref_slice %arg10[%dma_start3A_918] : memref<2x!tpu.dma_semaphore, #tpu.memory_space<semaphore_mem>> -> memref<1x!tpu.dma_semaphore, #tpu.memory_space<semaphore_mem>>
    %dma_start3A_920 = tpu.memref_squeeze %dma_start3A_919 : memref<1x!tpu.dma_semaphore, #tpu.memory_space<semaphore_mem>> -> memref<!tpu.dma_semaphore, #tpu.memory_space<semaphore_mem>>
    %dma_start3A_921 = arith.constant 0 : i32
    %dma_start3A_922 = tpu.memref_slice %arg4[%add3A_916, %dma_start3A_921] : memref<16384x768xf32, #tpu.memory_space<hbm>> -> memref<32x768xf32, #tpu.memory_space<hbm>>
    %dma_start3A_923 = arith.constant 0 : i32
    %dma_start3A_924 = arith.constant 0 : i32
    %dma_start3A_925 = arith.constant 0 : i32
    %dma_start3A_926 = tpu.memref_slice %arg7[%arg1, %dma_start3A_923, %dma_start3A_924, %dma_start3A_925] : memref<16x2x32x768xf32, #tpu.memory_space<vmem_shared>> -> memref<1x2x32x768xf32, #tpu.memory_space<vmem_shared>>
    %dma_start3A_927 = tpu.memref_squeeze %dma_start3A_926 : memref<1x2x32x768xf32, #tpu.memory_space<vmem_shared>> -> memref<2x32x768xf32, #tpu.memory_space<vmem_shared>>
    %dma_start3A_928 = arith.constant 0 : i32
    %dma_start3A_929 = arith.constant 0 : i32
    %dma_start3A_930 = tpu.memref_slice %dma_start3A_927[%dma_start3A_917, %dma_start3A_928, %dma_start3A_929] : memref<2x32x768xf32, #tpu.memory_space<vmem_shared>> -> memref<1x32x768xf32, #tpu.memory_space<vmem_shared>>
    %dma_start3A_931 = tpu.memref_squeeze %dma_start3A_930 : memref<1x32x768xf32, #tpu.memory_space<vmem_shared>> -> memref<32x768xf32, #tpu.memory_space<vmem_shared>>
    tpu.enqueue_dma source(%dma_start3A_931 : memref<32x768xf32, #tpu.memory_space<vmem_shared>>) target(%dma_start3A_922 : memref<32x768xf32, #tpu.memory_space<hbm>>) target_semaphore(%dma_start3A_920 : memref<!tpu.dma_semaphore, #tpu.memory_space<semaphore_mem>>)
    %dma_start3A_932 = arith.constant 9 : i32
    %dma_start3A_933 = arith.constant 0 : i32
    %dma_start3A_934 = arith.constant 0 : i32
    %dma_start3A_935 = arith.constant 0 : i32
    %dma_start3A_936 = arith.constant 0 : i32
    %dma_start3A_937 = tpu.memref_slice %arg6[%dma_start3A_933, %dma_start3A_935, %dma_start3A_936] : memref<3x32x768xf32, #tpu.memory_space<vmem>> -> memref<1x32x768xf32, #tpu.memory_space<vmem>>
    %dma_start3A_938 = tpu.memref_squeeze %dma_start3A_937 : memref<1x32x768xf32, #tpu.memory_space<vmem>> -> memref<32x768xf32, #tpu.memory_space<vmem>>
    %dma_start3A_939 = arith.constant 0 : i32
    %dma_start3A_940 = tpu.memref_slice %arg5[%dma_start3A_932, %dma_start3A_939] : memref<16x32xi32, #tpu.memory_space<vmem>> -> memref<1x32xi32, #tpu.memory_space<vmem>>
    %dma_start3A_941 = tpu.memref_squeeze %dma_start3A_940 : memref<1x32xi32, #tpu.memory_space<vmem>> -> memref<32xi32, #tpu.memory_space<vmem>>
    %dma_start3A_942 = arith.constant 0 : i32
    %dma_start3A_943 = arith.constant 0 : i32
    %dma_start3A_944 = tpu.memref_slice %arg3[%dma_start3A_942, %dma_start3A_943] : memref<100000x768xf32, #tpu.memory_space<hbm>> -> memref<100000x768xf32, #tpu.memory_space<hbm>>
    %dma_start3A_945 = tpu.memref_slice %arg8[%dma_start3A_934] : memref<3x!tpu.dma_semaphore, #tpu.memory_space<semaphore_mem>> -> memref<1x!tpu.dma_semaphore, #tpu.memory_space<semaphore_mem>>
    %dma_start3A_946 = tpu.memref_squeeze %dma_start3A_945 : memref<1x!tpu.dma_semaphore, #tpu.memory_space<semaphore_mem>> -> memref<!tpu.dma_semaphore, #tpu.memory_space<semaphore_mem>>
    tpu.enqueue_indirect_dma source(%dma_start3A_944 : memref<100000x768xf32, #tpu.memory_space<hbm>>) target(%dma_start3A_938 : memref<32x768xf32, #tpu.memory_space<vmem>>) offsets(%dma_start3A_941 : memref<32xi32, #tpu.memory_space<vmem>>) semaphore(%dma_start3A_946 : memref<!tpu.dma_semaphore, #tpu.memory_space<semaphore_mem>>)
    %dma_wait3A_947 = arith.constant 8 : i32
    %dma_wait3A_948 = arith.constant 2 : i32
    %dma_wait3A_949 = arith.constant 2 : i32
    %dma_wait3A_950 = arith.constant 0 : i32
    %dma_wait3A_951 = arith.constant 0 : i32
    %dma_wait3A_952 = tpu.memref_slice %arg6[%dma_wait3A_948, %dma_wait3A_950, %dma_wait3A_951] : memref<3x32x768xf32, #tpu.memory_space<vmem>> -> memref<1x32x768xf32, #tpu.memory_space<vmem>>
    %dma_wait3A_953 = tpu.memref_squeeze %dma_wait3A_952 : memref<1x32x768xf32, #tpu.memory_space<vmem>> -> memref<32x768xf32, #tpu.memory_space<vmem>>
    %dma_wait3A_954 = arith.constant 0 : i32
    %dma_wait3A_955 = tpu.memref_slice %arg5[%dma_wait3A_947, %dma_wait3A_954] : memref<16x32xi32, #tpu.memory_space<vmem>> -> memref<1x32xi32, #tpu.memory_space<vmem>>
    %dma_wait3A_956 = tpu.memref_squeeze %dma_wait3A_955 : memref<1x32xi32, #tpu.memory_space<vmem>> -> memref<32xi32, #tpu.memory_space<vmem>>
    %dma_wait3A_957 = arith.constant 0 : i32
    %dma_wait3A_958 = arith.constant 0 : i32
    %dma_wait3A_959 = tpu.memref_slice %arg3[%dma_wait3A_957, %dma_wait3A_958] : memref<100000x768xf32, #tpu.memory_space<hbm>> -> memref<100000x768xf32, #tpu.memory_space<hbm>>
    %dma_wait3A_960 = tpu.memref_slice %arg8[%dma_wait3A_949] : memref<3x!tpu.dma_semaphore, #tpu.memory_space<semaphore_mem>> -> memref<1x!tpu.dma_semaphore, #tpu.memory_space<semaphore_mem>>
    %dma_wait3A_961 = tpu.memref_squeeze %dma_wait3A_960 : memref<1x!tpu.dma_semaphore, #tpu.memory_space<semaphore_mem>> -> memref<!tpu.dma_semaphore, #tpu.memory_space<semaphore_mem>>
    tpu.wait_indirect_dma semaphore(%dma_wait3A_961 : memref<!tpu.dma_semaphore, #tpu.memory_space<semaphore_mem>>) src(%dma_wait3A_959 : memref<100000x768xf32, #tpu.memory_space<hbm>>) dst(%dma_wait3A_953 : memref<32x768xf32, #tpu.memory_space<vmem>>)
    %dma_wait3A_962 = arith.constant 0 : i32
    %dma_wait3A_963 = arith.constant 0 : i32
    %dma_wait3A_964 = tpu.memref_slice %arg10[%dma_wait3A_963] : memref<2x!tpu.dma_semaphore, #tpu.memory_space<semaphore_mem>> -> memref<1x!tpu.dma_semaphore, #tpu.memory_space<semaphore_mem>>
    %dma_wait3A_965 = tpu.memref_squeeze %dma_wait3A_964 : memref<1x!tpu.dma_semaphore, #tpu.memory_space<semaphore_mem>> -> memref<!tpu.dma_semaphore, #tpu.memory_space<semaphore_mem>>
    %dma_wait3A_966 = arith.constant 0 : i32
    %dma_wait3A_967 = tpu.memref_slice %arg4[%add3A_916, %dma_wait3A_966] : memref<16384x768xf32, #tpu.memory_space<hbm>> -> memref<32x768xf32, #tpu.memory_space<hbm>>
    %dma_wait3A_968 = arith.constant 0 : i32
    %dma_wait3A_969 = arith.constant 0 : i32
    %dma_wait3A_970 = arith.constant 0 : i32
    %dma_wait3A_971 = tpu.memref_slice %arg7[%arg1, %dma_wait3A_968, %dma_wait3A_969, %dma_wait3A_970] : memref<16x2x32x768xf32, #tpu.memory_space<vmem_shared>> -> memref<1x2x32x768xf32, #tpu.memory_space<vmem_shared>>
    %dma_wait3A_972 = tpu.memref_squeeze %dma_wait3A_971 : memref<1x2x32x768xf32, #tpu.memory_space<vmem_shared>> -> memref<2x32x768xf32, #tpu.memory_space<vmem_shared>>
    %dma_wait3A_973 = arith.constant 0 : i32
    %dma_wait3A_974 = arith.constant 0 : i32
    %dma_wait3A_975 = tpu.memref_slice %dma_wait3A_972[%dma_wait3A_962, %dma_wait3A_973, %dma_wait3A_974] : memref<2x32x768xf32, #tpu.memory_space<vmem_shared>> -> memref<1x32x768xf32, #tpu.memory_space<vmem_shared>>
    %dma_wait3A_976 = tpu.memref_squeeze %dma_wait3A_975 : memref<1x32x768xf32, #tpu.memory_space<vmem_shared>> -> memref<32x768xf32, #tpu.memory_space<vmem_shared>>
    tpu.wait_dma2 semaphore(%dma_wait3A_965 : memref<!tpu.dma_semaphore, #tpu.memory_space<semaphore_mem>>) src(%dma_wait3A_976 : memref<32x768xf32, #tpu.memory_space<vmem_shared>>) dst(%dma_wait3A_967 : memref<32x768xf32, #tpu.memory_space<hbm>>)
    %dma_start3A_977 = arith.constant 2 : i32
    %dma_start3A_978 = arith.constant 0 : i32
    %dma_start3A_979 = arith.constant 2 : i32
    %dma_start3A_980 = arith.constant 0 : i32
    %dma_start3A_981 = arith.constant 0 : i32
    %dma_start3A_982 = tpu.memref_slice %arg6[%dma_start3A_977, %dma_start3A_980, %dma_start3A_981] : memref<3x32x768xf32, #tpu.memory_space<vmem>> -> memref<1x32x768xf32, #tpu.memory_space<vmem>>
    %dma_start3A_983 = tpu.memref_squeeze %dma_start3A_982 : memref<1x32x768xf32, #tpu.memory_space<vmem>> -> memref<32x768xf32, #tpu.memory_space<vmem>>
    %dma_start3A_984 = arith.constant 0 : i32
    %dma_start3A_985 = arith.constant 0 : i32
    %dma_start3A_986 = arith.constant 0 : i32
    %dma_start3A_987 = tpu.memref_slice %arg7[%arg1, %dma_start3A_984, %dma_start3A_985, %dma_start3A_986] : memref<16x2x32x768xf32, #tpu.memory_space<vmem_shared>> -> memref<1x2x32x768xf32, #tpu.memory_space<vmem_shared>>
    %dma_start3A_988 = tpu.memref_squeeze %dma_start3A_987 : memref<1x2x32x768xf32, #tpu.memory_space<vmem_shared>> -> memref<2x32x768xf32, #tpu.memory_space<vmem_shared>>
    %dma_start3A_989 = arith.constant 0 : i32
    %dma_start3A_990 = arith.constant 0 : i32
    %dma_start3A_991 = tpu.memref_slice %dma_start3A_988[%dma_start3A_978, %dma_start3A_989, %dma_start3A_990] : memref<2x32x768xf32, #tpu.memory_space<vmem_shared>> -> memref<1x32x768xf32, #tpu.memory_space<vmem_shared>>
    %dma_start3A_992 = tpu.memref_squeeze %dma_start3A_991 : memref<1x32x768xf32, #tpu.memory_space<vmem_shared>> -> memref<32x768xf32, #tpu.memory_space<vmem_shared>>
    %dma_start3A_993 = tpu.memref_slice %arg9[%dma_start3A_979] : memref<3x!tpu.dma_semaphore, #tpu.memory_space<semaphore_mem>> -> memref<1x!tpu.dma_semaphore, #tpu.memory_space<semaphore_mem>>
    %dma_start3A_994 = tpu.memref_squeeze %dma_start3A_993 : memref<1x!tpu.dma_semaphore, #tpu.memory_space<semaphore_mem>> -> memref<!tpu.dma_semaphore, #tpu.memory_space<semaphore_mem>>
    %dma_start3A_995 = arith.constant 0 : i32
    %dma_start3A_996 = arith.constant 0 : i32
    %dma_start3A_997 = arith.constant 0 : i32
    %dma_start3A_998 = tpu.memref_slice %arg7[%arg1, %dma_start3A_995, %dma_start3A_996, %dma_start3A_997] : memref<16x2x32x768xf32, #tpu.memory_space<vmem_shared>> -> memref<1x2x32x768xf32, #tpu.memory_space<vmem_shared>>
    %dma_start3A_999 = tpu.memref_squeeze %dma_start3A_998 : memref<1x2x32x768xf32, #tpu.memory_space<vmem_shared>> -> memref<2x32x768xf32, #tpu.memory_space<vmem_shared>>
    %dma_start3A_1000 = arith.constant 0 : i32
    %dma_start3A_1001 = arith.constant 0 : i32
    %dma_start3A_1002 = tpu.memref_slice %dma_start3A_999[%dma_start3A_978, %dma_start3A_1000, %dma_start3A_1001] : memref<2x32x768xf32, #tpu.memory_space<vmem_shared>> -> memref<1x32x768xf32, #tpu.memory_space<vmem_shared>>
    %dma_start3A_1003 = tpu.memref_squeeze %dma_start3A_1002 : memref<1x32x768xf32, #tpu.memory_space<vmem_shared>> -> memref<32x768xf32, #tpu.memory_space<vmem_shared>>
    %dma_start3A_1004 = arith.constant 0 : i32
    %dma_start3A_1005 = arith.constant 0 : i32
    %dma_start3A_1006 = tpu.memref_slice %arg6[%dma_start3A_977, %dma_start3A_1004, %dma_start3A_1005] : memref<3x32x768xf32, #tpu.memory_space<vmem>> -> memref<1x32x768xf32, #tpu.memory_space<vmem>>
    %dma_start3A_1007 = tpu.memref_squeeze %dma_start3A_1006 : memref<1x32x768xf32, #tpu.memory_space<vmem>> -> memref<32x768xf32, #tpu.memory_space<vmem>>
    tpu.enqueue_dma source(%dma_start3A_1007 : memref<32x768xf32, #tpu.memory_space<vmem>>) target(%dma_start3A_1003 : memref<32x768xf32, #tpu.memory_space<vmem_shared>>) target_semaphore(%dma_start3A_994 : memref<!tpu.dma_semaphore, #tpu.memory_space<semaphore_mem>>)
    %dma_wait3A_1008 = arith.constant 1 : i32
    %dma_wait3A_1009 = arith.constant 1 : i32
    %dma_wait3A_1010 = arith.constant 1 : i32
    %dma_wait3A_1011 = arith.constant 0 : i32
    %dma_wait3A_1012 = arith.constant 0 : i32
    %dma_wait3A_1013 = tpu.memref_slice %arg6[%dma_wait3A_1008, %dma_wait3A_1011, %dma_wait3A_1012] : memref<3x32x768xf32, #tpu.memory_space<vmem>> -> memref<1x32x768xf32, #tpu.memory_space<vmem>>
    %dma_wait3A_1014 = tpu.memref_squeeze %dma_wait3A_1013 : memref<1x32x768xf32, #tpu.memory_space<vmem>> -> memref<32x768xf32, #tpu.memory_space<vmem>>
    %dma_wait3A_1015 = arith.constant 0 : i32
    %dma_wait3A_1016 = arith.constant 0 : i32
    %dma_wait3A_1017 = arith.constant 0 : i32
    %dma_wait3A_1018 = tpu.memref_slice %arg7[%arg1, %dma_wait3A_1015, %dma_wait3A_1016, %dma_wait3A_1017] : memref<16x2x32x768xf32, #tpu.memory_space<vmem_shared>> -> memref<1x2x32x768xf32, #tpu.memory_space<vmem_shared>>
    %dma_wait3A_1019 = tpu.memref_squeeze %dma_wait3A_1018 : memref<1x2x32x768xf32, #tpu.memory_space<vmem_shared>> -> memref<2x32x768xf32, #tpu.memory_space<vmem_shared>>
    %dma_wait3A_1020 = arith.constant 0 : i32
    %dma_wait3A_1021 = arith.constant 0 : i32
    %dma_wait3A_1022 = tpu.memref_slice %dma_wait3A_1019[%dma_wait3A_1009, %dma_wait3A_1020, %dma_wait3A_1021] : memref<2x32x768xf32, #tpu.memory_space<vmem_shared>> -> memref<1x32x768xf32, #tpu.memory_space<vmem_shared>>
    %dma_wait3A_1023 = tpu.memref_squeeze %dma_wait3A_1022 : memref<1x32x768xf32, #tpu.memory_space<vmem_shared>> -> memref<32x768xf32, #tpu.memory_space<vmem_shared>>
    %dma_wait3A_1024 = tpu.memref_slice %arg9[%dma_wait3A_1010] : memref<3x!tpu.dma_semaphore, #tpu.memory_space<semaphore_mem>> -> memref<1x!tpu.dma_semaphore, #tpu.memory_space<semaphore_mem>>
    %dma_wait3A_1025 = tpu.memref_squeeze %dma_wait3A_1024 : memref<1x!tpu.dma_semaphore, #tpu.memory_space<semaphore_mem>> -> memref<!tpu.dma_semaphore, #tpu.memory_space<semaphore_mem>>
    %dma_wait3A_1026 = arith.constant 0 : i32
    %dma_wait3A_1027 = arith.constant 0 : i32
    %dma_wait3A_1028 = arith.constant 0 : i32
    %dma_wait3A_1029 = tpu.memref_slice %arg7[%arg1, %dma_wait3A_1026, %dma_wait3A_1027, %dma_wait3A_1028] : memref<16x2x32x768xf32, #tpu.memory_space<vmem_shared>> -> memref<1x2x32x768xf32, #tpu.memory_space<vmem_shared>>
    %dma_wait3A_1030 = tpu.memref_squeeze %dma_wait3A_1029 : memref<1x2x32x768xf32, #tpu.memory_space<vmem_shared>> -> memref<2x32x768xf32, #tpu.memory_space<vmem_shared>>
    %dma_wait3A_1031 = arith.constant 0 : i32
    %dma_wait3A_1032 = arith.constant 0 : i32
    %dma_wait3A_1033 = tpu.memref_slice %dma_wait3A_1030[%dma_wait3A_1009, %dma_wait3A_1031, %dma_wait3A_1032] : memref<2x32x768xf32, #tpu.memory_space<vmem_shared>> -> memref<1x32x768xf32, #tpu.memory_space<vmem_shared>>
    %dma_wait3A_1034 = tpu.memref_squeeze %dma_wait3A_1033 : memref<1x32x768xf32, #tpu.memory_space<vmem_shared>> -> memref<32x768xf32, #tpu.memory_space<vmem_shared>>
    %dma_wait3A_1035 = arith.constant 0 : i32
    %dma_wait3A_1036 = arith.constant 0 : i32
    %dma_wait3A_1037 = tpu.memref_slice %arg6[%dma_wait3A_1008, %dma_wait3A_1035, %dma_wait3A_1036] : memref<3x32x768xf32, #tpu.memory_space<vmem>> -> memref<1x32x768xf32, #tpu.memory_space<vmem>>
    %dma_wait3A_1038 = tpu.memref_squeeze %dma_wait3A_1037 : memref<1x32x768xf32, #tpu.memory_space<vmem>> -> memref<32x768xf32, #tpu.memory_space<vmem>>
    tpu.wait_dma2 semaphore(%dma_wait3A_1025 : memref<!tpu.dma_semaphore, #tpu.memory_space<semaphore_mem>>) src(%dma_wait3A_1038 : memref<32x768xf32, #tpu.memory_space<vmem>>) dst(%dma_wait3A_1034 : memref<32x768xf32, #tpu.memory_space<vmem_shared>>)
    %add3A_1039 = arith.constant 224 : i32
    %add3A_1040 = arith.addi %mul3A_2, %add3A_1039 : i32
    %dma_start3A_1041 = arith.constant 1 : i32
    %dma_start3A_1042 = arith.constant 1 : i32
    %dma_start3A_1043 = tpu.memref_slice %arg10[%dma_start3A_1042] : memref<2x!tpu.dma_semaphore, #tpu.memory_space<semaphore_mem>> -> memref<1x!tpu.dma_semaphore, #tpu.memory_space<semaphore_mem>>
    %dma_start3A_1044 = tpu.memref_squeeze %dma_start3A_1043 : memref<1x!tpu.dma_semaphore, #tpu.memory_space<semaphore_mem>> -> memref<!tpu.dma_semaphore, #tpu.memory_space<semaphore_mem>>
    %dma_start3A_1045 = arith.constant 0 : i32
    %dma_start3A_1046 = tpu.memref_slice %arg4[%add3A_1040, %dma_start3A_1045] : memref<16384x768xf32, #tpu.memory_space<hbm>> -> memref<32x768xf32, #tpu.memory_space<hbm>>
    %dma_start3A_1047 = arith.constant 0 : i32
    %dma_start3A_1048 = arith.constant 0 : i32
    %dma_start3A_1049 = arith.constant 0 : i32
    %dma_start3A_1050 = tpu.memref_slice %arg7[%arg1, %dma_start3A_1047, %dma_start3A_1048, %dma_start3A_1049] : memref<16x2x32x768xf32, #tpu.memory_space<vmem_shared>> -> memref<1x2x32x768xf32, #tpu.memory_space<vmem_shared>>
    %dma_start3A_1051 = tpu.memref_squeeze %dma_start3A_1050 : memref<1x2x32x768xf32, #tpu.memory_space<vmem_shared>> -> memref<2x32x768xf32, #tpu.memory_space<vmem_shared>>
    %dma_start3A_1052 = arith.constant 0 : i32
    %dma_start3A_1053 = arith.constant 0 : i32
    %dma_start3A_1054 = tpu.memref_slice %dma_start3A_1051[%dma_start3A_1041, %dma_start3A_1052, %dma_start3A_1053] : memref<2x32x768xf32, #tpu.memory_space<vmem_shared>> -> memref<1x32x768xf32, #tpu.memory_space<vmem_shared>>
    %dma_start3A_1055 = tpu.memref_squeeze %dma_start3A_1054 : memref<1x32x768xf32, #tpu.memory_space<vmem_shared>> -> memref<32x768xf32, #tpu.memory_space<vmem_shared>>
    tpu.enqueue_dma source(%dma_start3A_1055 : memref<32x768xf32, #tpu.memory_space<vmem_shared>>) target(%dma_start3A_1046 : memref<32x768xf32, #tpu.memory_space<hbm>>) target_semaphore(%dma_start3A_1044 : memref<!tpu.dma_semaphore, #tpu.memory_space<semaphore_mem>>)
    %dma_start3A_1056 = arith.constant 10 : i32
    %dma_start3A_1057 = arith.constant 1 : i32
    %dma_start3A_1058 = arith.constant 1 : i32
    %dma_start3A_1059 = arith.constant 0 : i32
    %dma_start3A_1060 = arith.constant 0 : i32
    %dma_start3A_1061 = tpu.memref_slice %arg6[%dma_start3A_1057, %dma_start3A_1059, %dma_start3A_1060] : memref<3x32x768xf32, #tpu.memory_space<vmem>> -> memref<1x32x768xf32, #tpu.memory_space<vmem>>
    %dma_start3A_1062 = tpu.memref_squeeze %dma_start3A_1061 : memref<1x32x768xf32, #tpu.memory_space<vmem>> -> memref<32x768xf32, #tpu.memory_space<vmem>>
    %dma_start3A_1063 = arith.constant 0 : i32
    %dma_start3A_1064 = tpu.memref_slice %arg5[%dma_start3A_1056, %dma_start3A_1063] : memref<16x32xi32, #tpu.memory_space<vmem>> -> memref<1x32xi32, #tpu.memory_space<vmem>>
    %dma_start3A_1065 = tpu.memref_squeeze %dma_start3A_1064 : memref<1x32xi32, #tpu.memory_space<vmem>> -> memref<32xi32, #tpu.memory_space<vmem>>
    %dma_start3A_1066 = arith.constant 0 : i32
    %dma_start3A_1067 = arith.constant 0 : i32
    %dma_start3A_1068 = tpu.memref_slice %arg3[%dma_start3A_1066, %dma_start3A_1067] : memref<100000x768xf32, #tpu.memory_space<hbm>> -> memref<100000x768xf32, #tpu.memory_space<hbm>>
    %dma_start3A_1069 = tpu.memref_slice %arg8[%dma_start3A_1058] : memref<3x!tpu.dma_semaphore, #tpu.memory_space<semaphore_mem>> -> memref<1x!tpu.dma_semaphore, #tpu.memory_space<semaphore_mem>>
    %dma_start3A_1070 = tpu.memref_squeeze %dma_start3A_1069 : memref<1x!tpu.dma_semaphore, #tpu.memory_space<semaphore_mem>> -> memref<!tpu.dma_semaphore, #tpu.memory_space<semaphore_mem>>
    tpu.enqueue_indirect_dma source(%dma_start3A_1068 : memref<100000x768xf32, #tpu.memory_space<hbm>>) target(%dma_start3A_1062 : memref<32x768xf32, #tpu.memory_space<vmem>>) offsets(%dma_start3A_1065 : memref<32xi32, #tpu.memory_space<vmem>>) semaphore(%dma_start3A_1070 : memref<!tpu.dma_semaphore, #tpu.memory_space<semaphore_mem>>)
    %dma_wait3A_1071 = arith.constant 9 : i32
    %dma_wait3A_1072 = arith.constant 0 : i32
    %dma_wait3A_1073 = arith.constant 0 : i32
    %dma_wait3A_1074 = arith.constant 0 : i32
    %dma_wait3A_1075 = arith.constant 0 : i32
    %dma_wait3A_1076 = tpu.memref_slice %arg6[%dma_wait3A_1072, %dma_wait3A_1074, %dma_wait3A_1075] : memref<3x32x768xf32, #tpu.memory_space<vmem>> -> memref<1x32x768xf32, #tpu.memory_space<vmem>>
    %dma_wait3A_1077 = tpu.memref_squeeze %dma_wait3A_1076 : memref<1x32x768xf32, #tpu.memory_space<vmem>> -> memref<32x768xf32, #tpu.memory_space<vmem>>
    %dma_wait3A_1078 = arith.constant 0 : i32
    %dma_wait3A_1079 = tpu.memref_slice %arg5[%dma_wait3A_1071, %dma_wait3A_1078] : memref<16x32xi32, #tpu.memory_space<vmem>> -> memref<1x32xi32, #tpu.memory_space<vmem>>
    %dma_wait3A_1080 = tpu.memref_squeeze %dma_wait3A_1079 : memref<1x32xi32, #tpu.memory_space<vmem>> -> memref<32xi32, #tpu.memory_space<vmem>>
    %dma_wait3A_1081 = arith.constant 0 : i32
    %dma_wait3A_1082 = arith.constant 0 : i32
    %dma_wait3A_1083 = tpu.memref_slice %arg3[%dma_wait3A_1081, %dma_wait3A_1082] : memref<100000x768xf32, #tpu.memory_space<hbm>> -> memref<100000x768xf32, #tpu.memory_space<hbm>>
    %dma_wait3A_1084 = tpu.memref_slice %arg8[%dma_wait3A_1073] : memref<3x!tpu.dma_semaphore, #tpu.memory_space<semaphore_mem>> -> memref<1x!tpu.dma_semaphore, #tpu.memory_space<semaphore_mem>>
    %dma_wait3A_1085 = tpu.memref_squeeze %dma_wait3A_1084 : memref<1x!tpu.dma_semaphore, #tpu.memory_space<semaphore_mem>> -> memref<!tpu.dma_semaphore, #tpu.memory_space<semaphore_mem>>
    tpu.wait_indirect_dma semaphore(%dma_wait3A_1085 : memref<!tpu.dma_semaphore, #tpu.memory_space<semaphore_mem>>) src(%dma_wait3A_1083 : memref<100000x768xf32, #tpu.memory_space<hbm>>) dst(%dma_wait3A_1077 : memref<32x768xf32, #tpu.memory_space<vmem>>)
    %dma_wait3A_1086 = arith.constant 1 : i32
    %dma_wait3A_1087 = arith.constant 1 : i32
    %dma_wait3A_1088 = tpu.memref_slice %arg10[%dma_wait3A_1087] : memref<2x!tpu.dma_semaphore, #tpu.memory_space<semaphore_mem>> -> memref<1x!tpu.dma_semaphore, #tpu.memory_space<semaphore_mem>>
    %dma_wait3A_1089 = tpu.memref_squeeze %dma_wait3A_1088 : memref<1x!tpu.dma_semaphore, #tpu.memory_space<semaphore_mem>> -> memref<!tpu.dma_semaphore, #tpu.memory_space<semaphore_mem>>
    %dma_wait3A_1090 = arith.constant 0 : i32
    %dma_wait3A_1091 = tpu.memref_slice %arg4[%add3A_1040, %dma_wait3A_1090] : memref<16384x768xf32, #tpu.memory_space<hbm>> -> memref<32x768xf32, #tpu.memory_space<hbm>>
    %dma_wait3A_1092 = arith.constant 0 : i32
    %dma_wait3A_1093 = arith.constant 0 : i32
    %dma_wait3A_1094 = arith.constant 0 : i32
    %dma_wait3A_1095 = tpu.memref_slice %arg7[%arg1, %dma_wait3A_1092, %dma_wait3A_1093, %dma_wait3A_1094] : memref<16x2x32x768xf32, #tpu.memory_space<vmem_shared>> -> memref<1x2x32x768xf32, #tpu.memory_space<vmem_shared>>
    %dma_wait3A_1096 = tpu.memref_squeeze %dma_wait3A_1095 : memref<1x2x32x768xf32, #tpu.memory_space<vmem_shared>> -> memref<2x32x768xf32, #tpu.memory_space<vmem_shared>>
    %dma_wait3A_1097 = arith.constant 0 : i32
    %dma_wait3A_1098 = arith.constant 0 : i32
    %dma_wait3A_1099 = tpu.memref_slice %dma_wait3A_1096[%dma_wait3A_1086, %dma_wait3A_1097, %dma_wait3A_1098] : memref<2x32x768xf32, #tpu.memory_space<vmem_shared>> -> memref<1x32x768xf32, #tpu.memory_space<vmem_shared>>
    %dma_wait3A_1100 = tpu.memref_squeeze %dma_wait3A_1099 : memref<1x32x768xf32, #tpu.memory_space<vmem_shared>> -> memref<32x768xf32, #tpu.memory_space<vmem_shared>>
    tpu.wait_dma2 semaphore(%dma_wait3A_1089 : memref<!tpu.dma_semaphore, #tpu.memory_space<semaphore_mem>>) src(%dma_wait3A_1100 : memref<32x768xf32, #tpu.memory_space<vmem_shared>>) dst(%dma_wait3A_1091 : memref<32x768xf32, #tpu.memory_space<hbm>>)
    %dma_start3A_1101 = arith.constant 0 : i32
    %dma_start3A_1102 = arith.constant 1 : i32
    %dma_start3A_1103 = arith.constant 0 : i32
    %dma_start3A_1104 = arith.constant 0 : i32
    %dma_start3A_1105 = arith.constant 0 : i32
    %dma_start3A_1106 = tpu.memref_slice %arg6[%dma_start3A_1101, %dma_start3A_1104, %dma_start3A_1105] : memref<3x32x768xf32, #tpu.memory_space<vmem>> -> memref<1x32x768xf32, #tpu.memory_space<vmem>>
    %dma_start3A_1107 = tpu.memref_squeeze %dma_start3A_1106 : memref<1x32x768xf32, #tpu.memory_space<vmem>> -> memref<32x768xf32, #tpu.memory_space<vmem>>
    %dma_start3A_1108 = arith.constant 0 : i32
    %dma_start3A_1109 = arith.constant 0 : i32
    %dma_start3A_1110 = arith.constant 0 : i32
    %dma_start3A_1111 = tpu.memref_slice %arg7[%arg1, %dma_start3A_1108, %dma_start3A_1109, %dma_start3A_1110] : memref<16x2x32x768xf32, #tpu.memory_space<vmem_shared>> -> memref<1x2x32x768xf32, #tpu.memory_space<vmem_shared>>
    %dma_start3A_1112 = tpu.memref_squeeze %dma_start3A_1111 : memref<1x2x32x768xf32, #tpu.memory_space<vmem_shared>> -> memref<2x32x768xf32, #tpu.memory_space<vmem_shared>>
    %dma_start3A_1113 = arith.constant 0 : i32
    %dma_start3A_1114 = arith.constant 0 : i32
    %dma_start3A_1115 = tpu.memref_slice %dma_start3A_1112[%dma_start3A_1102, %dma_start3A_1113, %dma_start3A_1114] : memref<2x32x768xf32, #tpu.memory_space<vmem_shared>> -> memref<1x32x768xf32, #tpu.memory_space<vmem_shared>>
    %dma_start3A_1116 = tpu.memref_squeeze %dma_start3A_1115 : memref<1x32x768xf32, #tpu.memory_space<vmem_shared>> -> memref<32x768xf32, #tpu.memory_space<vmem_shared>>
    %dma_start3A_1117 = tpu.memref_slice %arg9[%dma_start3A_1103] : memref<3x!tpu.dma_semaphore, #tpu.memory_space<semaphore_mem>> -> memref<1x!tpu.dma_semaphore, #tpu.memory_space<semaphore_mem>>
    %dma_start3A_1118 = tpu.memref_squeeze %dma_start3A_1117 : memref<1x!tpu.dma_semaphore, #tpu.memory_space<semaphore_mem>> -> memref<!tpu.dma_semaphore, #tpu.memory_space<semaphore_mem>>
    %dma_start3A_1119 = arith.constant 0 : i32
    %dma_start3A_1120 = arith.constant 0 : i32
    %dma_start3A_1121 = arith.constant 0 : i32
    %dma_start3A_1122 = tpu.memref_slice %arg7[%arg1, %dma_start3A_1119, %dma_start3A_1120, %dma_start3A_1121] : memref<16x2x32x768xf32, #tpu.memory_space<vmem_shared>> -> memref<1x2x32x768xf32, #tpu.memory_space<vmem_shared>>
    %dma_start3A_1123 = tpu.memref_squeeze %dma_start3A_1122 : memref<1x2x32x768xf32, #tpu.memory_space<vmem_shared>> -> memref<2x32x768xf32, #tpu.memory_space<vmem_shared>>
    %dma_start3A_1124 = arith.constant 0 : i32
    %dma_start3A_1125 = arith.constant 0 : i32
    %dma_start3A_1126 = tpu.memref_slice %dma_start3A_1123[%dma_start3A_1102, %dma_start3A_1124, %dma_start3A_1125] : memref<2x32x768xf32, #tpu.memory_space<vmem_shared>> -> memref<1x32x768xf32, #tpu.memory_space<vmem_shared>>
    %dma_start3A_1127 = tpu.memref_squeeze %dma_start3A_1126 : memref<1x32x768xf32, #tpu.memory_space<vmem_shared>> -> memref<32x768xf32, #tpu.memory_space<vmem_shared>>
    %dma_start3A_1128 = arith.constant 0 : i32
    %dma_start3A_1129 = arith.constant 0 : i32
    %dma_start3A_1130 = tpu.memref_slice %arg6[%dma_start3A_1101, %dma_start3A_1128, %dma_start3A_1129] : memref<3x32x768xf32, #tpu.memory_space<vmem>> -> memref<1x32x768xf32, #tpu.memory_space<vmem>>
    %dma_start3A_1131 = tpu.memref_squeeze %dma_start3A_1130 : memref<1x32x768xf32, #tpu.memory_space<vmem>> -> memref<32x768xf32, #tpu.memory_space<vmem>>
    tpu.enqueue_dma source(%dma_start3A_1131 : memref<32x768xf32, #tpu.memory_space<vmem>>) target(%dma_start3A_1127 : memref<32x768xf32, #tpu.memory_space<vmem_shared>>) target_semaphore(%dma_start3A_1118 : memref<!tpu.dma_semaphore, #tpu.memory_space<semaphore_mem>>)
    %dma_wait3A_1132 = arith.constant 2 : i32
    %dma_wait3A_1133 = arith.constant 0 : i32
    %dma_wait3A_1134 = arith.constant 2 : i32
    %dma_wait3A_1135 = arith.constant 0 : i32
    %dma_wait3A_1136 = arith.constant 0 : i32
    %dma_wait3A_1137 = tpu.memref_slice %arg6[%dma_wait3A_1132, %dma_wait3A_1135, %dma_wait3A_1136] : memref<3x32x768xf32, #tpu.memory_space<vmem>> -> memref<1x32x768xf32, #tpu.memory_space<vmem>>
    %dma_wait3A_1138 = tpu.memref_squeeze %dma_wait3A_1137 : memref<1x32x768xf32, #tpu.memory_space<vmem>> -> memref<32x768xf32, #tpu.memory_space<vmem>>
    %dma_wait3A_1139 = arith.constant 0 : i32
    %dma_wait3A_1140 = arith.constant 0 : i32
    %dma_wait3A_1141 = arith.constant 0 : i32
    %dma_wait3A_1142 = tpu.memref_slice %arg7[%arg1, %dma_wait3A_1139, %dma_wait3A_1140, %dma_wait3A_1141] : memref<16x2x32x768xf32, #tpu.memory_space<vmem_shared>> -> memref<1x2x32x768xf32, #tpu.memory_space<vmem_shared>>
    %dma_wait3A_1143 = tpu.memref_squeeze %dma_wait3A_1142 : memref<1x2x32x768xf32, #tpu.memory_space<vmem_shared>> -> memref<2x32x768xf32, #tpu.memory_space<vmem_shared>>
    %dma_wait3A_1144 = arith.constant 0 : i32
    %dma_wait3A_1145 = arith.constant 0 : i32
    %dma_wait3A_1146 = tpu.memref_slice %dma_wait3A_1143[%dma_wait3A_1133, %dma_wait3A_1144, %dma_wait3A_1145] : memref<2x32x768xf32, #tpu.memory_space<vmem_shared>> -> memref<1x32x768xf32, #tpu.memory_space<vmem_shared>>
    %dma_wait3A_1147 = tpu.memref_squeeze %dma_wait3A_1146 : memref<1x32x768xf32, #tpu.memory_space<vmem_shared>> -> memref<32x768xf32, #tpu.memory_space<vmem_shared>>
    %dma_wait3A_1148 = tpu.memref_slice %arg9[%dma_wait3A_1134] : memref<3x!tpu.dma_semaphore, #tpu.memory_space<semaphore_mem>> -> memref<1x!tpu.dma_semaphore, #tpu.memory_space<semaphore_mem>>
    %dma_wait3A_1149 = tpu.memref_squeeze %dma_wait3A_1148 : memref<1x!tpu.dma_semaphore, #tpu.memory_space<semaphore_mem>> -> memref<!tpu.dma_semaphore, #tpu.memory_space<semaphore_mem>>
    %dma_wait3A_1150 = arith.constant 0 : i32
    %dma_wait3A_1151 = arith.constant 0 : i32
    %dma_wait3A_1152 = arith.constant 0 : i32
    %dma_wait3A_1153 = tpu.memref_slice %arg7[%arg1, %dma_wait3A_1150, %dma_wait3A_1151, %dma_wait3A_1152] : memref<16x2x32x768xf32, #tpu.memory_space<vmem_shared>> -> memref<1x2x32x768xf32, #tpu.memory_space<vmem_shared>>
    %dma_wait3A_1154 = tpu.memref_squeeze %dma_wait3A_1153 : memref<1x2x32x768xf32, #tpu.memory_space<vmem_shared>> -> memref<2x32x768xf32, #tpu.memory_space<vmem_shared>>
    %dma_wait3A_1155 = arith.constant 0 : i32
    %dma_wait3A_1156 = arith.constant 0 : i32
    %dma_wait3A_1157 = tpu.memref_slice %dma_wait3A_1154[%dma_wait3A_1133, %dma_wait3A_1155, %dma_wait3A_1156] : memref<2x32x768xf32, #tpu.memory_space<vmem_shared>> -> memref<1x32x768xf32, #tpu.memory_space<vmem_shared>>
    %dma_wait3A_1158 = tpu.memref_squeeze %dma_wait3A_1157 : memref<1x32x768xf32, #tpu.memory_space<vmem_shared>> -> memref<32x768xf32, #tpu.memory_space<vmem_shared>>
    %dma_wait3A_1159 = arith.constant 0 : i32
    %dma_wait3A_1160 = arith.constant 0 : i32
    %dma_wait3A_1161 = tpu.memref_slice %arg6[%dma_wait3A_1132, %dma_wait3A_1159, %dma_wait3A_1160] : memref<3x32x768xf32, #tpu.memory_space<vmem>> -> memref<1x32x768xf32, #tpu.memory_space<vmem>>
    %dma_wait3A_1162 = tpu.memref_squeeze %dma_wait3A_1161 : memref<1x32x768xf32, #tpu.memory_space<vmem>> -> memref<32x768xf32, #tpu.memory_space<vmem>>
    tpu.wait_dma2 semaphore(%dma_wait3A_1149 : memref<!tpu.dma_semaphore, #tpu.memory_space<semaphore_mem>>) src(%dma_wait3A_1162 : memref<32x768xf32, #tpu.memory_space<vmem>>) dst(%dma_wait3A_1158 : memref<32x768xf32, #tpu.memory_space<vmem_shared>>)
    %add3A_1163 = arith.constant 256 : i32
    %add3A_1164 = arith.addi %mul3A_2, %add3A_1163 : i32
    %dma_start3A_1165 = arith.constant 0 : i32
    %dma_start3A_1166 = arith.constant 0 : i32
    %dma_start3A_1167 = tpu.memref_slice %arg10[%dma_start3A_1166] : memref<2x!tpu.dma_semaphore, #tpu.memory_space<semaphore_mem>> -> memref<1x!tpu.dma_semaphore, #tpu.memory_space<semaphore_mem>>
    %dma_start3A_1168 = tpu.memref_squeeze %dma_start3A_1167 : memref<1x!tpu.dma_semaphore, #tpu.memory_space<semaphore_mem>> -> memref<!tpu.dma_semaphore, #tpu.memory_space<semaphore_mem>>
    %dma_start3A_1169 = arith.constant 0 : i32
    %dma_start3A_1170 = tpu.memref_slice %arg4[%add3A_1164, %dma_start3A_1169] : memref<16384x768xf32, #tpu.memory_space<hbm>> -> memref<32x768xf32, #tpu.memory_space<hbm>>
    %dma_start3A_1171 = arith.constant 0 : i32
    %dma_start3A_1172 = arith.constant 0 : i32
    %dma_start3A_1173 = arith.constant 0 : i32
    %dma_start3A_1174 = tpu.memref_slice %arg7[%arg1, %dma_start3A_1171, %dma_start3A_1172, %dma_start3A_1173] : memref<16x2x32x768xf32, #tpu.memory_space<vmem_shared>> -> memref<1x2x32x768xf32, #tpu.memory_space<vmem_shared>>
    %dma_start3A_1175 = tpu.memref_squeeze %dma_start3A_1174 : memref<1x2x32x768xf32, #tpu.memory_space<vmem_shared>> -> memref<2x32x768xf32, #tpu.memory_space<vmem_shared>>
    %dma_start3A_1176 = arith.constant 0 : i32
    %dma_start3A_1177 = arith.constant 0 : i32
    %dma_start3A_1178 = tpu.memref_slice %dma_start3A_1175[%dma_start3A_1165, %dma_start3A_1176, %dma_start3A_1177] : memref<2x32x768xf32, #tpu.memory_space<vmem_shared>> -> memref<1x32x768xf32, #tpu.memory_space<vmem_shared>>
    %dma_start3A_1179 = tpu.memref_squeeze %dma_start3A_1178 : memref<1x32x768xf32, #tpu.memory_space<vmem_shared>> -> memref<32x768xf32, #tpu.memory_space<vmem_shared>>
    tpu.enqueue_dma source(%dma_start3A_1179 : memref<32x768xf32, #tpu.memory_space<vmem_shared>>) target(%dma_start3A_1170 : memref<32x768xf32, #tpu.memory_space<hbm>>) target_semaphore(%dma_start3A_1168 : memref<!tpu.dma_semaphore, #tpu.memory_space<semaphore_mem>>)
    %dma_start3A_1180 = arith.constant 11 : i32
    %dma_start3A_1181 = arith.constant 2 : i32
    %dma_start3A_1182 = arith.constant 2 : i32
    %dma_start3A_1183 = arith.constant 0 : i32
    %dma_start3A_1184 = arith.constant 0 : i32
    %dma_start3A_1185 = tpu.memref_slice %arg6[%dma_start3A_1181, %dma_start3A_1183, %dma_start3A_1184] : memref<3x32x768xf32, #tpu.memory_space<vmem>> -> memref<1x32x768xf32, #tpu.memory_space<vmem>>
    %dma_start3A_1186 = tpu.memref_squeeze %dma_start3A_1185 : memref<1x32x768xf32, #tpu.memory_space<vmem>> -> memref<32x768xf32, #tpu.memory_space<vmem>>
    %dma_start3A_1187 = arith.constant 0 : i32
    %dma_start3A_1188 = tpu.memref_slice %arg5[%dma_start3A_1180, %dma_start3A_1187] : memref<16x32xi32, #tpu.memory_space<vmem>> -> memref<1x32xi32, #tpu.memory_space<vmem>>
    %dma_start3A_1189 = tpu.memref_squeeze %dma_start3A_1188 : memref<1x32xi32, #tpu.memory_space<vmem>> -> memref<32xi32, #tpu.memory_space<vmem>>
    %dma_start3A_1190 = arith.constant 0 : i32
    %dma_start3A_1191 = arith.constant 0 : i32
    %dma_start3A_1192 = tpu.memref_slice %arg3[%dma_start3A_1190, %dma_start3A_1191] : memref<100000x768xf32, #tpu.memory_space<hbm>> -> memref<100000x768xf32, #tpu.memory_space<hbm>>
    %dma_start3A_1193 = tpu.memref_slice %arg8[%dma_start3A_1182] : memref<3x!tpu.dma_semaphore, #tpu.memory_space<semaphore_mem>> -> memref<1x!tpu.dma_semaphore, #tpu.memory_space<semaphore_mem>>
    %dma_start3A_1194 = tpu.memref_squeeze %dma_start3A_1193 : memref<1x!tpu.dma_semaphore, #tpu.memory_space<semaphore_mem>> -> memref<!tpu.dma_semaphore, #tpu.memory_space<semaphore_mem>>
    tpu.enqueue_indirect_dma source(%dma_start3A_1192 : memref<100000x768xf32, #tpu.memory_space<hbm>>) target(%dma_start3A_1186 : memref<32x768xf32, #tpu.memory_space<vmem>>) offsets(%dma_start3A_1189 : memref<32xi32, #tpu.memory_space<vmem>>) semaphore(%dma_start3A_1194 : memref<!tpu.dma_semaphore, #tpu.memory_space<semaphore_mem>>)
    %dma_wait3A_1195 = arith.constant 10 : i32
    %dma_wait3A_1196 = arith.constant 1 : i32
    %dma_wait3A_1197 = arith.constant 1 : i32
    %dma_wait3A_1198 = arith.constant 0 : i32
    %dma_wait3A_1199 = arith.constant 0 : i32
    %dma_wait3A_1200 = tpu.memref_slice %arg6[%dma_wait3A_1196, %dma_wait3A_1198, %dma_wait3A_1199] : memref<3x32x768xf32, #tpu.memory_space<vmem>> -> memref<1x32x768xf32, #tpu.memory_space<vmem>>
    %dma_wait3A_1201 = tpu.memref_squeeze %dma_wait3A_1200 : memref<1x32x768xf32, #tpu.memory_space<vmem>> -> memref<32x768xf32, #tpu.memory_space<vmem>>
    %dma_wait3A_1202 = arith.constant 0 : i32
    %dma_wait3A_1203 = tpu.memref_slice %arg5[%dma_wait3A_1195, %dma_wait3A_1202] : memref<16x32xi32, #tpu.memory_space<vmem>> -> memref<1x32xi32, #tpu.memory_space<vmem>>
    %dma_wait3A_1204 = tpu.memref_squeeze %dma_wait3A_1203 : memref<1x32xi32, #tpu.memory_space<vmem>> -> memref<32xi32, #tpu.memory_space<vmem>>
    %dma_wait3A_1205 = arith.constant 0 : i32
    %dma_wait3A_1206 = arith.constant 0 : i32
    %dma_wait3A_1207 = tpu.memref_slice %arg3[%dma_wait3A_1205, %dma_wait3A_1206] : memref<100000x768xf32, #tpu.memory_space<hbm>> -> memref<100000x768xf32, #tpu.memory_space<hbm>>
    %dma_wait3A_1208 = tpu.memref_slice %arg8[%dma_wait3A_1197] : memref<3x!tpu.dma_semaphore, #tpu.memory_space<semaphore_mem>> -> memref<1x!tpu.dma_semaphore, #tpu.memory_space<semaphore_mem>>
    %dma_wait3A_1209 = tpu.memref_squeeze %dma_wait3A_1208 : memref<1x!tpu.dma_semaphore, #tpu.memory_space<semaphore_mem>> -> memref<!tpu.dma_semaphore, #tpu.memory_space<semaphore_mem>>
    tpu.wait_indirect_dma semaphore(%dma_wait3A_1209 : memref<!tpu.dma_semaphore, #tpu.memory_space<semaphore_mem>>) src(%dma_wait3A_1207 : memref<100000x768xf32, #tpu.memory_space<hbm>>) dst(%dma_wait3A_1201 : memref<32x768xf32, #tpu.memory_space<vmem>>)
    %dma_wait3A_1210 = arith.constant 0 : i32
    %dma_wait3A_1211 = arith.constant 0 : i32
    %dma_wait3A_1212 = tpu.memref_slice %arg10[%dma_wait3A_1211] : memref<2x!tpu.dma_semaphore, #tpu.memory_space<semaphore_mem>> -> memref<1x!tpu.dma_semaphore, #tpu.memory_space<semaphore_mem>>
    %dma_wait3A_1213 = tpu.memref_squeeze %dma_wait3A_1212 : memref<1x!tpu.dma_semaphore, #tpu.memory_space<semaphore_mem>> -> memref<!tpu.dma_semaphore, #tpu.memory_space<semaphore_mem>>
    %dma_wait3A_1214 = arith.constant 0 : i32
    %dma_wait3A_1215 = tpu.memref_slice %arg4[%add3A_1164, %dma_wait3A_1214] : memref<16384x768xf32, #tpu.memory_space<hbm>> -> memref<32x768xf32, #tpu.memory_space<hbm>>
    %dma_wait3A_1216 = arith.constant 0 : i32
    %dma_wait3A_1217 = arith.constant 0 : i32
    %dma_wait3A_1218 = arith.constant 0 : i32
    %dma_wait3A_1219 = tpu.memref_slice %arg7[%arg1, %dma_wait3A_1216, %dma_wait3A_1217, %dma_wait3A_1218] : memref<16x2x32x768xf32, #tpu.memory_space<vmem_shared>> -> memref<1x2x32x768xf32, #tpu.memory_space<vmem_shared>>
    %dma_wait3A_1220 = tpu.memref_squeeze %dma_wait3A_1219 : memref<1x2x32x768xf32, #tpu.memory_space<vmem_shared>> -> memref<2x32x768xf32, #tpu.memory_space<vmem_shared>>
    %dma_wait3A_1221 = arith.constant 0 : i32
    %dma_wait3A_1222 = arith.constant 0 : i32
    %dma_wait3A_1223 = tpu.memref_slice %dma_wait3A_1220[%dma_wait3A_1210, %dma_wait3A_1221, %dma_wait3A_1222] : memref<2x32x768xf32, #tpu.memory_space<vmem_shared>> -> memref<1x32x768xf32, #tpu.memory_space<vmem_shared>>
    %dma_wait3A_1224 = tpu.memref_squeeze %dma_wait3A_1223 : memref<1x32x768xf32, #tpu.memory_space<vmem_shared>> -> memref<32x768xf32, #tpu.memory_space<vmem_shared>>
    tpu.wait_dma2 semaphore(%dma_wait3A_1213 : memref<!tpu.dma_semaphore, #tpu.memory_space<semaphore_mem>>) src(%dma_wait3A_1224 : memref<32x768xf32, #tpu.memory_space<vmem_shared>>) dst(%dma_wait3A_1215 : memref<32x768xf32, #tpu.memory_space<hbm>>)
    %dma_start3A_1225 = arith.constant 1 : i32
    %dma_start3A_1226 = arith.constant 0 : i32
    %dma_start3A_1227 = arith.constant 1 : i32
    %dma_start3A_1228 = arith.constant 0 : i32
    %dma_start3A_1229 = arith.constant 0 : i32
    %dma_start3A_1230 = tpu.memref_slice %arg6[%dma_start3A_1225, %dma_start3A_1228, %dma_start3A_1229] : memref<3x32x768xf32, #tpu.memory_space<vmem>> -> memref<1x32x768xf32, #tpu.memory_space<vmem>>
    %dma_start3A_1231 = tpu.memref_squeeze %dma_start3A_1230 : memref<1x32x768xf32, #tpu.memory_space<vmem>> -> memref<32x768xf32, #tpu.memory_space<vmem>>
    %dma_start3A_1232 = arith.constant 0 : i32
    %dma_start3A_1233 = arith.constant 0 : i32
    %dma_start3A_1234 = arith.constant 0 : i32
    %dma_start3A_1235 = tpu.memref_slice %arg7[%arg1, %dma_start3A_1232, %dma_start3A_1233, %dma_start3A_1234] : memref<16x2x32x768xf32, #tpu.memory_space<vmem_shared>> -> memref<1x2x32x768xf32, #tpu.memory_space<vmem_shared>>
    %dma_start3A_1236 = tpu.memref_squeeze %dma_start3A_1235 : memref<1x2x32x768xf32, #tpu.memory_space<vmem_shared>> -> memref<2x32x768xf32, #tpu.memory_space<vmem_shared>>
    %dma_start3A_1237 = arith.constant 0 : i32
    %dma_start3A_1238 = arith.constant 0 : i32
    %dma_start3A_1239 = tpu.memref_slice %dma_start3A_1236[%dma_start3A_1226, %dma_start3A_1237, %dma_start3A_1238] : memref<2x32x768xf32, #tpu.memory_space<vmem_shared>> -> memref<1x32x768xf32, #tpu.memory_space<vmem_shared>>
    %dma_start3A_1240 = tpu.memref_squeeze %dma_start3A_1239 : memref<1x32x768xf32, #tpu.memory_space<vmem_shared>> -> memref<32x768xf32, #tpu.memory_space<vmem_shared>>
    %dma_start3A_1241 = tpu.memref_slice %arg9[%dma_start3A_1227] : memref<3x!tpu.dma_semaphore, #tpu.memory_space<semaphore_mem>> -> memref<1x!tpu.dma_semaphore, #tpu.memory_space<semaphore_mem>>
    %dma_start3A_1242 = tpu.memref_squeeze %dma_start3A_1241 : memref<1x!tpu.dma_semaphore, #tpu.memory_space<semaphore_mem>> -> memref<!tpu.dma_semaphore, #tpu.memory_space<semaphore_mem>>
    %dma_start3A_1243 = arith.constant 0 : i32
    %dma_start3A_1244 = arith.constant 0 : i32
    %dma_start3A_1245 = arith.constant 0 : i32
    %dma_start3A_1246 = tpu.memref_slice %arg7[%arg1, %dma_start3A_1243, %dma_start3A_1244, %dma_start3A_1245] : memref<16x2x32x768xf32, #tpu.memory_space<vmem_shared>> -> memref<1x2x32x768xf32, #tpu.memory_space<vmem_shared>>
    %dma_start3A_1247 = tpu.memref_squeeze %dma_start3A_1246 : memref<1x2x32x768xf32, #tpu.memory_space<vmem_shared>> -> memref<2x32x768xf32, #tpu.memory_space<vmem_shared>>
    %dma_start3A_1248 = arith.constant 0 : i32
    %dma_start3A_1249 = arith.constant 0 : i32
    %dma_start3A_1250 = tpu.memref_slice %dma_start3A_1247[%dma_start3A_1226, %dma_start3A_1248, %dma_start3A_1249] : memref<2x32x768xf32, #tpu.memory_space<vmem_shared>> -> memref<1x32x768xf32, #tpu.memory_space<vmem_shared>>
    %dma_start3A_1251 = tpu.memref_squeeze %dma_start3A_1250 : memref<1x32x768xf32, #tpu.memory_space<vmem_shared>> -> memref<32x768xf32, #tpu.memory_space<vmem_shared>>
    %dma_start3A_1252 = arith.constant 0 : i32
    %dma_start3A_1253 = arith.constant 0 : i32
    %dma_start3A_1254 = tpu.memref_slice %arg6[%dma_start3A_1225, %dma_start3A_1252, %dma_start3A_1253] : memref<3x32x768xf32, #tpu.memory_space<vmem>> -> memref<1x32x768xf32, #tpu.memory_space<vmem>>
    %dma_start3A_1255 = tpu.memref_squeeze %dma_start3A_1254 : memref<1x32x768xf32, #tpu.memory_space<vmem>> -> memref<32x768xf32, #tpu.memory_space<vmem>>
    tpu.enqueue_dma source(%dma_start3A_1255 : memref<32x768xf32, #tpu.memory_space<vmem>>) target(%dma_start3A_1251 : memref<32x768xf32, #tpu.memory_space<vmem_shared>>) target_semaphore(%dma_start3A_1242 : memref<!tpu.dma_semaphore, #tpu.memory_space<semaphore_mem>>)
    %dma_wait3A_1256 = arith.constant 0 : i32
    %dma_wait3A_1257 = arith.constant 1 : i32
    %dma_wait3A_1258 = arith.constant 0 : i32
    %dma_wait3A_1259 = arith.constant 0 : i32
    %dma_wait3A_1260 = arith.constant 0 : i32
    %dma_wait3A_1261 = tpu.memref_slice %arg6[%dma_wait3A_1256, %dma_wait3A_1259, %dma_wait3A_1260] : memref<3x32x768xf32, #tpu.memory_space<vmem>> -> memref<1x32x768xf32, #tpu.memory_space<vmem>>
    %dma_wait3A_1262 = tpu.memref_squeeze %dma_wait3A_1261 : memref<1x32x768xf32, #tpu.memory_space<vmem>> -> memref<32x768xf32, #tpu.memory_space<vmem>>
    %dma_wait3A_1263 = arith.constant 0 : i32
    %dma_wait3A_1264 = arith.constant 0 : i32
    %dma_wait3A_1265 = arith.constant 0 : i32
    %dma_wait3A_1266 = tpu.memref_slice %arg7[%arg1, %dma_wait3A_1263, %dma_wait3A_1264, %dma_wait3A_1265] : memref<16x2x32x768xf32, #tpu.memory_space<vmem_shared>> -> memref<1x2x32x768xf32, #tpu.memory_space<vmem_shared>>
    %dma_wait3A_1267 = tpu.memref_squeeze %dma_wait3A_1266 : memref<1x2x32x768xf32, #tpu.memory_space<vmem_shared>> -> memref<2x32x768xf32, #tpu.memory_space<vmem_shared>>
    %dma_wait3A_1268 = arith.constant 0 : i32
    %dma_wait3A_1269 = arith.constant 0 : i32
    %dma_wait3A_1270 = tpu.memref_slice %dma_wait3A_1267[%dma_wait3A_1257, %dma_wait3A_1268, %dma_wait3A_1269] : memref<2x32x768xf32, #tpu.memory_space<vmem_shared>> -> memref<1x32x768xf32, #tpu.memory_space<vmem_shared>>
    %dma_wait3A_1271 = tpu.memref_squeeze %dma_wait3A_1270 : memref<1x32x768xf32, #tpu.memory_space<vmem_shared>> -> memref<32x768xf32, #tpu.memory_space<vmem_shared>>
    %dma_wait3A_1272 = tpu.memref_slice %arg9[%dma_wait3A_1258] : memref<3x!tpu.dma_semaphore, #tpu.memory_space<semaphore_mem>> -> memref<1x!tpu.dma_semaphore, #tpu.memory_space<semaphore_mem>>
    %dma_wait3A_1273 = tpu.memref_squeeze %dma_wait3A_1272 : memref<1x!tpu.dma_semaphore, #tpu.memory_space<semaphore_mem>> -> memref<!tpu.dma_semaphore, #tpu.memory_space<semaphore_mem>>
    %dma_wait3A_1274 = arith.constant 0 : i32
    %dma_wait3A_1275 = arith.constant 0 : i32
    %dma_wait3A_1276 = arith.constant 0 : i32
    %dma_wait3A_1277 = tpu.memref_slice %arg7[%arg1, %dma_wait3A_1274, %dma_wait3A_1275, %dma_wait3A_1276] : memref<16x2x32x768xf32, #tpu.memory_space<vmem_shared>> -> memref<1x2x32x768xf32, #tpu.memory_space<vmem_shared>>
    %dma_wait3A_1278 = tpu.memref_squeeze %dma_wait3A_1277 : memref<1x2x32x768xf32, #tpu.memory_space<vmem_shared>> -> memref<2x32x768xf32, #tpu.memory_space<vmem_shared>>
    %dma_wait3A_1279 = arith.constant 0 : i32
    %dma_wait3A_1280 = arith.constant 0 : i32
    %dma_wait3A_1281 = tpu.memref_slice %dma_wait3A_1278[%dma_wait3A_1257, %dma_wait3A_1279, %dma_wait3A_1280] : memref<2x32x768xf32, #tpu.memory_space<vmem_shared>> -> memref<1x32x768xf32, #tpu.memory_space<vmem_shared>>
    %dma_wait3A_1282 = tpu.memref_squeeze %dma_wait3A_1281 : memref<1x32x768xf32, #tpu.memory_space<vmem_shared>> -> memref<32x768xf32, #tpu.memory_space<vmem_shared>>
    %dma_wait3A_1283 = arith.constant 0 : i32
    %dma_wait3A_1284 = arith.constant 0 : i32
    %dma_wait3A_1285 = tpu.memref_slice %arg6[%dma_wait3A_1256, %dma_wait3A_1283, %dma_wait3A_1284] : memref<3x32x768xf32, #tpu.memory_space<vmem>> -> memref<1x32x768xf32, #tpu.memory_space<vmem>>
    %dma_wait3A_1286 = tpu.memref_squeeze %dma_wait3A_1285 : memref<1x32x768xf32, #tpu.memory_space<vmem>> -> memref<32x768xf32, #tpu.memory_space<vmem>>
    tpu.wait_dma2 semaphore(%dma_wait3A_1273 : memref<!tpu.dma_semaphore, #tpu.memory_space<semaphore_mem>>) src(%dma_wait3A_1286 : memref<32x768xf32, #tpu.memory_space<vmem>>) dst(%dma_wait3A_1282 : memref<32x768xf32, #tpu.memory_space<vmem_shared>>)
    %add3A_1287 = arith.constant 288 : i32
    %add3A_1288 = arith.addi %mul3A_2, %add3A_1287 : i32
    %dma_start3A_1289 = arith.constant 1 : i32
    %dma_start3A_1290 = arith.constant 1 : i32
    %dma_start3A_1291 = tpu.memref_slice %arg10[%dma_start3A_1290] : memref<2x!tpu.dma_semaphore, #tpu.memory_space<semaphore_mem>> -> memref<1x!tpu.dma_semaphore, #tpu.memory_space<semaphore_mem>>
    %dma_start3A_1292 = tpu.memref_squeeze %dma_start3A_1291 : memref<1x!tpu.dma_semaphore, #tpu.memory_space<semaphore_mem>> -> memref<!tpu.dma_semaphore, #tpu.memory_space<semaphore_mem>>
    %dma_start3A_1293 = arith.constant 0 : i32
    %dma_start3A_1294 = tpu.memref_slice %arg4[%add3A_1288, %dma_start3A_1293] : memref<16384x768xf32, #tpu.memory_space<hbm>> -> memref<32x768xf32, #tpu.memory_space<hbm>>
    %dma_start3A_1295 = arith.constant 0 : i32
    %dma_start3A_1296 = arith.constant 0 : i32
    %dma_start3A_1297 = arith.constant 0 : i32
    %dma_start3A_1298 = tpu.memref_slice %arg7[%arg1, %dma_start3A_1295, %dma_start3A_1296, %dma_start3A_1297] : memref<16x2x32x768xf32, #tpu.memory_space<vmem_shared>> -> memref<1x2x32x768xf32, #tpu.memory_space<vmem_shared>>
    %dma_start3A_1299 = tpu.memref_squeeze %dma_start3A_1298 : memref<1x2x32x768xf32, #tpu.memory_space<vmem_shared>> -> memref<2x32x768xf32, #tpu.memory_space<vmem_shared>>
    %dma_start3A_1300 = arith.constant 0 : i32
    %dma_start3A_1301 = arith.constant 0 : i32
    %dma_start3A_1302 = tpu.memref_slice %dma_start3A_1299[%dma_start3A_1289, %dma_start3A_1300, %dma_start3A_1301] : memref<2x32x768xf32, #tpu.memory_space<vmem_shared>> -> memref<1x32x768xf32, #tpu.memory_space<vmem_shared>>
    %dma_start3A_1303 = tpu.memref_squeeze %dma_start3A_1302 : memref<1x32x768xf32, #tpu.memory_space<vmem_shared>> -> memref<32x768xf32, #tpu.memory_space<vmem_shared>>
    tpu.enqueue_dma source(%dma_start3A_1303 : memref<32x768xf32, #tpu.memory_space<vmem_shared>>) target(%dma_start3A_1294 : memref<32x768xf32, #tpu.memory_space<hbm>>) target_semaphore(%dma_start3A_1292 : memref<!tpu.dma_semaphore, #tpu.memory_space<semaphore_mem>>)
    %dma_start3A_1304 = arith.constant 12 : i32
    %dma_start3A_1305 = arith.constant 0 : i32
    %dma_start3A_1306 = arith.constant 0 : i32
    %dma_start3A_1307 = arith.constant 0 : i32
    %dma_start3A_1308 = arith.constant 0 : i32
    %dma_start3A_1309 = tpu.memref_slice %arg6[%dma_start3A_1305, %dma_start3A_1307, %dma_start3A_1308] : memref<3x32x768xf32, #tpu.memory_space<vmem>> -> memref<1x32x768xf32, #tpu.memory_space<vmem>>
    %dma_start3A_1310 = tpu.memref_squeeze %dma_start3A_1309 : memref<1x32x768xf32, #tpu.memory_space<vmem>> -> memref<32x768xf32, #tpu.memory_space<vmem>>
    %dma_start3A_1311 = arith.constant 0 : i32
    %dma_start3A_1312 = tpu.memref_slice %arg5[%dma_start3A_1304, %dma_start3A_1311] : memref<16x32xi32, #tpu.memory_space<vmem>> -> memref<1x32xi32, #tpu.memory_space<vmem>>
    %dma_start3A_1313 = tpu.memref_squeeze %dma_start3A_1312 : memref<1x32xi32, #tpu.memory_space<vmem>> -> memref<32xi32, #tpu.memory_space<vmem>>
    %dma_start3A_1314 = arith.constant 0 : i32
    %dma_start3A_1315 = arith.constant 0 : i32
    %dma_start3A_1316 = tpu.memref_slice %arg3[%dma_start3A_1314, %dma_start3A_1315] : memref<100000x768xf32, #tpu.memory_space<hbm>> -> memref<100000x768xf32, #tpu.memory_space<hbm>>
    %dma_start3A_1317 = tpu.memref_slice %arg8[%dma_start3A_1306] : memref<3x!tpu.dma_semaphore, #tpu.memory_space<semaphore_mem>> -> memref<1x!tpu.dma_semaphore, #tpu.memory_space<semaphore_mem>>
    %dma_start3A_1318 = tpu.memref_squeeze %dma_start3A_1317 : memref<1x!tpu.dma_semaphore, #tpu.memory_space<semaphore_mem>> -> memref<!tpu.dma_semaphore, #tpu.memory_space<semaphore_mem>>
    tpu.enqueue_indirect_dma source(%dma_start3A_1316 : memref<100000x768xf32, #tpu.memory_space<hbm>>) target(%dma_start3A_1310 : memref<32x768xf32, #tpu.memory_space<vmem>>) offsets(%dma_start3A_1313 : memref<32xi32, #tpu.memory_space<vmem>>) semaphore(%dma_start3A_1318 : memref<!tpu.dma_semaphore, #tpu.memory_space<semaphore_mem>>)
    %dma_wait3A_1319 = arith.constant 11 : i32
    %dma_wait3A_1320 = arith.constant 2 : i32
    %dma_wait3A_1321 = arith.constant 2 : i32
    %dma_wait3A_1322 = arith.constant 0 : i32
    %dma_wait3A_1323 = arith.constant 0 : i32
    %dma_wait3A_1324 = tpu.memref_slice %arg6[%dma_wait3A_1320, %dma_wait3A_1322, %dma_wait3A_1323] : memref<3x32x768xf32, #tpu.memory_space<vmem>> -> memref<1x32x768xf32, #tpu.memory_space<vmem>>
    %dma_wait3A_1325 = tpu.memref_squeeze %dma_wait3A_1324 : memref<1x32x768xf32, #tpu.memory_space<vmem>> -> memref<32x768xf32, #tpu.memory_space<vmem>>
    %dma_wait3A_1326 = arith.constant 0 : i32
    %dma_wait3A_1327 = tpu.memref_slice %arg5[%dma_wait3A_1319, %dma_wait3A_1326] : memref<16x32xi32, #tpu.memory_space<vmem>> -> memref<1x32xi32, #tpu.memory_space<vmem>>
    %dma_wait3A_1328 = tpu.memref_squeeze %dma_wait3A_1327 : memref<1x32xi32, #tpu.memory_space<vmem>> -> memref<32xi32, #tpu.memory_space<vmem>>
    %dma_wait3A_1329 = arith.constant 0 : i32
    %dma_wait3A_1330 = arith.constant 0 : i32
    %dma_wait3A_1331 = tpu.memref_slice %arg3[%dma_wait3A_1329, %dma_wait3A_1330] : memref<100000x768xf32, #tpu.memory_space<hbm>> -> memref<100000x768xf32, #tpu.memory_space<hbm>>
    %dma_wait3A_1332 = tpu.memref_slice %arg8[%dma_wait3A_1321] : memref<3x!tpu.dma_semaphore, #tpu.memory_space<semaphore_mem>> -> memref<1x!tpu.dma_semaphore, #tpu.memory_space<semaphore_mem>>
    %dma_wait3A_1333 = tpu.memref_squeeze %dma_wait3A_1332 : memref<1x!tpu.dma_semaphore, #tpu.memory_space<semaphore_mem>> -> memref<!tpu.dma_semaphore, #tpu.memory_space<semaphore_mem>>
    tpu.wait_indirect_dma semaphore(%dma_wait3A_1333 : memref<!tpu.dma_semaphore, #tpu.memory_space<semaphore_mem>>) src(%dma_wait3A_1331 : memref<100000x768xf32, #tpu.memory_space<hbm>>) dst(%dma_wait3A_1325 : memref<32x768xf32, #tpu.memory_space<vmem>>)
    %dma_wait3A_1334 = arith.constant 1 : i32
    %dma_wait3A_1335 = arith.constant 1 : i32
    %dma_wait3A_1336 = tpu.memref_slice %arg10[%dma_wait3A_1335] : memref<2x!tpu.dma_semaphore, #tpu.memory_space<semaphore_mem>> -> memref<1x!tpu.dma_semaphore, #tpu.memory_space<semaphore_mem>>
    %dma_wait3A_1337 = tpu.memref_squeeze %dma_wait3A_1336 : memref<1x!tpu.dma_semaphore, #tpu.memory_space<semaphore_mem>> -> memref<!tpu.dma_semaphore, #tpu.memory_space<semaphore_mem>>
    %dma_wait3A_1338 = arith.constant 0 : i32
    %dma_wait3A_1339 = tpu.memref_slice %arg4[%add3A_1288, %dma_wait3A_1338] : memref<16384x768xf32, #tpu.memory_space<hbm>> -> memref<32x768xf32, #tpu.memory_space<hbm>>
    %dma_wait3A_1340 = arith.constant 0 : i32
    %dma_wait3A_1341 = arith.constant 0 : i32
    %dma_wait3A_1342 = arith.constant 0 : i32
    %dma_wait3A_1343 = tpu.memref_slice %arg7[%arg1, %dma_wait3A_1340, %dma_wait3A_1341, %dma_wait3A_1342] : memref<16x2x32x768xf32, #tpu.memory_space<vmem_shared>> -> memref<1x2x32x768xf32, #tpu.memory_space<vmem_shared>>
    %dma_wait3A_1344 = tpu.memref_squeeze %dma_wait3A_1343 : memref<1x2x32x768xf32, #tpu.memory_space<vmem_shared>> -> memref<2x32x768xf32, #tpu.memory_space<vmem_shared>>
    %dma_wait3A_1345 = arith.constant 0 : i32
    %dma_wait3A_1346 = arith.constant 0 : i32
    %dma_wait3A_1347 = tpu.memref_slice %dma_wait3A_1344[%dma_wait3A_1334, %dma_wait3A_1345, %dma_wait3A_1346] : memref<2x32x768xf32, #tpu.memory_space<vmem_shared>> -> memref<1x32x768xf32, #tpu.memory_space<vmem_shared>>
    %dma_wait3A_1348 = tpu.memref_squeeze %dma_wait3A_1347 : memref<1x32x768xf32, #tpu.memory_space<vmem_shared>> -> memref<32x768xf32, #tpu.memory_space<vmem_shared>>
    tpu.wait_dma2 semaphore(%dma_wait3A_1337 : memref<!tpu.dma_semaphore, #tpu.memory_space<semaphore_mem>>) src(%dma_wait3A_1348 : memref<32x768xf32, #tpu.memory_space<vmem_shared>>) dst(%dma_wait3A_1339 : memref<32x768xf32, #tpu.memory_space<hbm>>)
    %dma_start3A_1349 = arith.constant 2 : i32
    %dma_start3A_1350 = arith.constant 1 : i32
    %dma_start3A_1351 = arith.constant 2 : i32
    %dma_start3A_1352 = arith.constant 0 : i32
    %dma_start3A_1353 = arith.constant 0 : i32
    %dma_start3A_1354 = tpu.memref_slice %arg6[%dma_start3A_1349, %dma_start3A_1352, %dma_start3A_1353] : memref<3x32x768xf32, #tpu.memory_space<vmem>> -> memref<1x32x768xf32, #tpu.memory_space<vmem>>
    %dma_start3A_1355 = tpu.memref_squeeze %dma_start3A_1354 : memref<1x32x768xf32, #tpu.memory_space<vmem>> -> memref<32x768xf32, #tpu.memory_space<vmem>>
    %dma_start3A_1356 = arith.constant 0 : i32
    %dma_start3A_1357 = arith.constant 0 : i32
    %dma_start3A_1358 = arith.constant 0 : i32
    %dma_start3A_1359 = tpu.memref_slice %arg7[%arg1, %dma_start3A_1356, %dma_start3A_1357, %dma_start3A_1358] : memref<16x2x32x768xf32, #tpu.memory_space<vmem_shared>> -> memref<1x2x32x768xf32, #tpu.memory_space<vmem_shared>>
    %dma_start3A_1360 = tpu.memref_squeeze %dma_start3A_1359 : memref<1x2x32x768xf32, #tpu.memory_space<vmem_shared>> -> memref<2x32x768xf32, #tpu.memory_space<vmem_shared>>
    %dma_start3A_1361 = arith.constant 0 : i32
    %dma_start3A_1362 = arith.constant 0 : i32
    %dma_start3A_1363 = tpu.memref_slice %dma_start3A_1360[%dma_start3A_1350, %dma_start3A_1361, %dma_start3A_1362] : memref<2x32x768xf32, #tpu.memory_space<vmem_shared>> -> memref<1x32x768xf32, #tpu.memory_space<vmem_shared>>
    %dma_start3A_1364 = tpu.memref_squeeze %dma_start3A_1363 : memref<1x32x768xf32, #tpu.memory_space<vmem_shared>> -> memref<32x768xf32, #tpu.memory_space<vmem_shared>>
    %dma_start3A_1365 = tpu.memref_slice %arg9[%dma_start3A_1351] : memref<3x!tpu.dma_semaphore, #tpu.memory_space<semaphore_mem>> -> memref<1x!tpu.dma_semaphore, #tpu.memory_space<semaphore_mem>>
    %dma_start3A_1366 = tpu.memref_squeeze %dma_start3A_1365 : memref<1x!tpu.dma_semaphore, #tpu.memory_space<semaphore_mem>> -> memref<!tpu.dma_semaphore, #tpu.memory_space<semaphore_mem>>
    %dma_start3A_1367 = arith.constant 0 : i32
    %dma_start3A_1368 = arith.constant 0 : i32
    %dma_start3A_1369 = arith.constant 0 : i32
    %dma_start3A_1370 = tpu.memref_slice %arg7[%arg1, %dma_start3A_1367, %dma_start3A_1368, %dma_start3A_1369] : memref<16x2x32x768xf32, #tpu.memory_space<vmem_shared>> -> memref<1x2x32x768xf32, #tpu.memory_space<vmem_shared>>
    %dma_start3A_1371 = tpu.memref_squeeze %dma_start3A_1370 : memref<1x2x32x768xf32, #tpu.memory_space<vmem_shared>> -> memref<2x32x768xf32, #tpu.memory_space<vmem_shared>>
    %dma_start3A_1372 = arith.constant 0 : i32
    %dma_start3A_1373 = arith.constant 0 : i32
    %dma_start3A_1374 = tpu.memref_slice %dma_start3A_1371[%dma_start3A_1350, %dma_start3A_1372, %dma_start3A_1373] : memref<2x32x768xf32, #tpu.memory_space<vmem_shared>> -> memref<1x32x768xf32, #tpu.memory_space<vmem_shared>>
    %dma_start3A_1375 = tpu.memref_squeeze %dma_start3A_1374 : memref<1x32x768xf32, #tpu.memory_space<vmem_shared>> -> memref<32x768xf32, #tpu.memory_space<vmem_shared>>
    %dma_start3A_1376 = arith.constant 0 : i32
    %dma_start3A_1377 = arith.constant 0 : i32
    %dma_start3A_1378 = tpu.memref_slice %arg6[%dma_start3A_1349, %dma_start3A_1376, %dma_start3A_1377] : memref<3x32x768xf32, #tpu.memory_space<vmem>> -> memref<1x32x768xf32, #tpu.memory_space<vmem>>
    %dma_start3A_1379 = tpu.memref_squeeze %dma_start3A_1378 : memref<1x32x768xf32, #tpu.memory_space<vmem>> -> memref<32x768xf32, #tpu.memory_space<vmem>>
    tpu.enqueue_dma source(%dma_start3A_1379 : memref<32x768xf32, #tpu.memory_space<vmem>>) target(%dma_start3A_1375 : memref<32x768xf32, #tpu.memory_space<vmem_shared>>) target_semaphore(%dma_start3A_1366 : memref<!tpu.dma_semaphore, #tpu.memory_space<semaphore_mem>>)
    %dma_wait3A_1380 = arith.constant 1 : i32
    %dma_wait3A_1381 = arith.constant 0 : i32
    %dma_wait3A_1382 = arith.constant 1 : i32
    %dma_wait3A_1383 = arith.constant 0 : i32
    %dma_wait3A_1384 = arith.constant 0 : i32
    %dma_wait3A_1385 = tpu.memref_slice %arg6[%dma_wait3A_1380, %dma_wait3A_1383, %dma_wait3A_1384] : memref<3x32x768xf32, #tpu.memory_space<vmem>> -> memref<1x32x768xf32, #tpu.memory_space<vmem>>
    %dma_wait3A_1386 = tpu.memref_squeeze %dma_wait3A_1385 : memref<1x32x768xf32, #tpu.memory_space<vmem>> -> memref<32x768xf32, #tpu.memory_space<vmem>>
    %dma_wait3A_1387 = arith.constant 0 : i32
    %dma_wait3A_1388 = arith.constant 0 : i32
    %dma_wait3A_1389 = arith.constant 0 : i32
    %dma_wait3A_1390 = tpu.memref_slice %arg7[%arg1, %dma_wait3A_1387, %dma_wait3A_1388, %dma_wait3A_1389] : memref<16x2x32x768xf32, #tpu.memory_space<vmem_shared>> -> memref<1x2x32x768xf32, #tpu.memory_space<vmem_shared>>
    %dma_wait3A_1391 = tpu.memref_squeeze %dma_wait3A_1390 : memref<1x2x32x768xf32, #tpu.memory_space<vmem_shared>> -> memref<2x32x768xf32, #tpu.memory_space<vmem_shared>>
    %dma_wait3A_1392 = arith.constant 0 : i32
    %dma_wait3A_1393 = arith.constant 0 : i32
    %dma_wait3A_1394 = tpu.memref_slice %dma_wait3A_1391[%dma_wait3A_1381, %dma_wait3A_1392, %dma_wait3A_1393] : memref<2x32x768xf32, #tpu.memory_space<vmem_shared>> -> memref<1x32x768xf32, #tpu.memory_space<vmem_shared>>
    %dma_wait3A_1395 = tpu.memref_squeeze %dma_wait3A_1394 : memref<1x32x768xf32, #tpu.memory_space<vmem_shared>> -> memref<32x768xf32, #tpu.memory_space<vmem_shared>>
    %dma_wait3A_1396 = tpu.memref_slice %arg9[%dma_wait3A_1382] : memref<3x!tpu.dma_semaphore, #tpu.memory_space<semaphore_mem>> -> memref<1x!tpu.dma_semaphore, #tpu.memory_space<semaphore_mem>>
    %dma_wait3A_1397 = tpu.memref_squeeze %dma_wait3A_1396 : memref<1x!tpu.dma_semaphore, #tpu.memory_space<semaphore_mem>> -> memref<!tpu.dma_semaphore, #tpu.memory_space<semaphore_mem>>
    %dma_wait3A_1398 = arith.constant 0 : i32
    %dma_wait3A_1399 = arith.constant 0 : i32
    %dma_wait3A_1400 = arith.constant 0 : i32
    %dma_wait3A_1401 = tpu.memref_slice %arg7[%arg1, %dma_wait3A_1398, %dma_wait3A_1399, %dma_wait3A_1400] : memref<16x2x32x768xf32, #tpu.memory_space<vmem_shared>> -> memref<1x2x32x768xf32, #tpu.memory_space<vmem_shared>>
    %dma_wait3A_1402 = tpu.memref_squeeze %dma_wait3A_1401 : memref<1x2x32x768xf32, #tpu.memory_space<vmem_shared>> -> memref<2x32x768xf32, #tpu.memory_space<vmem_shared>>
    %dma_wait3A_1403 = arith.constant 0 : i32
    %dma_wait3A_1404 = arith.constant 0 : i32
    %dma_wait3A_1405 = tpu.memref_slice %dma_wait3A_1402[%dma_wait3A_1381, %dma_wait3A_1403, %dma_wait3A_1404] : memref<2x32x768xf32, #tpu.memory_space<vmem_shared>> -> memref<1x32x768xf32, #tpu.memory_space<vmem_shared>>
    %dma_wait3A_1406 = tpu.memref_squeeze %dma_wait3A_1405 : memref<1x32x768xf32, #tpu.memory_space<vmem_shared>> -> memref<32x768xf32, #tpu.memory_space<vmem_shared>>
    %dma_wait3A_1407 = arith.constant 0 : i32
    %dma_wait3A_1408 = arith.constant 0 : i32
    %dma_wait3A_1409 = tpu.memref_slice %arg6[%dma_wait3A_1380, %dma_wait3A_1407, %dma_wait3A_1408] : memref<3x32x768xf32, #tpu.memory_space<vmem>> -> memref<1x32x768xf32, #tpu.memory_space<vmem>>
    %dma_wait3A_1410 = tpu.memref_squeeze %dma_wait3A_1409 : memref<1x32x768xf32, #tpu.memory_space<vmem>> -> memref<32x768xf32, #tpu.memory_space<vmem>>
    tpu.wait_dma2 semaphore(%dma_wait3A_1397 : memref<!tpu.dma_semaphore, #tpu.memory_space<semaphore_mem>>) src(%dma_wait3A_1410 : memref<32x768xf32, #tpu.memory_space<vmem>>) dst(%dma_wait3A_1406 : memref<32x768xf32, #tpu.memory_space<vmem_shared>>)
    %add3A_1411 = arith.constant 320 : i32
    %add3A_1412 = arith.addi %mul3A_2, %add3A_1411 : i32
    %dma_start3A_1413 = arith.constant 0 : i32
    %dma_start3A_1414 = arith.constant 0 : i32
    %dma_start3A_1415 = tpu.memref_slice %arg10[%dma_start3A_1414] : memref<2x!tpu.dma_semaphore, #tpu.memory_space<semaphore_mem>> -> memref<1x!tpu.dma_semaphore, #tpu.memory_space<semaphore_mem>>
    %dma_start3A_1416 = tpu.memref_squeeze %dma_start3A_1415 : memref<1x!tpu.dma_semaphore, #tpu.memory_space<semaphore_mem>> -> memref<!tpu.dma_semaphore, #tpu.memory_space<semaphore_mem>>
    %dma_start3A_1417 = arith.constant 0 : i32
    %dma_start3A_1418 = tpu.memref_slice %arg4[%add3A_1412, %dma_start3A_1417] : memref<16384x768xf32, #tpu.memory_space<hbm>> -> memref<32x768xf32, #tpu.memory_space<hbm>>
    %dma_start3A_1419 = arith.constant 0 : i32
    %dma_start3A_1420 = arith.constant 0 : i32
    %dma_start3A_1421 = arith.constant 0 : i32
    %dma_start3A_1422 = tpu.memref_slice %arg7[%arg1, %dma_start3A_1419, %dma_start3A_1420, %dma_start3A_1421] : memref<16x2x32x768xf32, #tpu.memory_space<vmem_shared>> -> memref<1x2x32x768xf32, #tpu.memory_space<vmem_shared>>
    %dma_start3A_1423 = tpu.memref_squeeze %dma_start3A_1422 : memref<1x2x32x768xf32, #tpu.memory_space<vmem_shared>> -> memref<2x32x768xf32, #tpu.memory_space<vmem_shared>>
    %dma_start3A_1424 = arith.constant 0 : i32
    %dma_start3A_1425 = arith.constant 0 : i32
    %dma_start3A_1426 = tpu.memref_slice %dma_start3A_1423[%dma_start3A_1413, %dma_start3A_1424, %dma_start3A_1425] : memref<2x32x768xf32, #tpu.memory_space<vmem_shared>> -> memref<1x32x768xf32, #tpu.memory_space<vmem_shared>>
    %dma_start3A_1427 = tpu.memref_squeeze %dma_start3A_1426 : memref<1x32x768xf32, #tpu.memory_space<vmem_shared>> -> memref<32x768xf32, #tpu.memory_space<vmem_shared>>
    tpu.enqueue_dma source(%dma_start3A_1427 : memref<32x768xf32, #tpu.memory_space<vmem_shared>>) target(%dma_start3A_1418 : memref<32x768xf32, #tpu.memory_space<hbm>>) target_semaphore(%dma_start3A_1416 : memref<!tpu.dma_semaphore, #tpu.memory_space<semaphore_mem>>)
    %dma_start3A_1428 = arith.constant 13 : i32
    %dma_start3A_1429 = arith.constant 1 : i32
    %dma_start3A_1430 = arith.constant 1 : i32
    %dma_start3A_1431 = arith.constant 0 : i32
    %dma_start3A_1432 = arith.constant 0 : i32
    %dma_start3A_1433 = tpu.memref_slice %arg6[%dma_start3A_1429, %dma_start3A_1431, %dma_start3A_1432] : memref<3x32x768xf32, #tpu.memory_space<vmem>> -> memref<1x32x768xf32, #tpu.memory_space<vmem>>
    %dma_start3A_1434 = tpu.memref_squeeze %dma_start3A_1433 : memref<1x32x768xf32, #tpu.memory_space<vmem>> -> memref<32x768xf32, #tpu.memory_space<vmem>>
    %dma_start3A_1435 = arith.constant 0 : i32
    %dma_start3A_1436 = tpu.memref_slice %arg5[%dma_start3A_1428, %dma_start3A_1435] : memref<16x32xi32, #tpu.memory_space<vmem>> -> memref<1x32xi32, #tpu.memory_space<vmem>>
    %dma_start3A_1437 = tpu.memref_squeeze %dma_start3A_1436 : memref<1x32xi32, #tpu.memory_space<vmem>> -> memref<32xi32, #tpu.memory_space<vmem>>
    %dma_start3A_1438 = arith.constant 0 : i32
    %dma_start3A_1439 = arith.constant 0 : i32
    %dma_start3A_1440 = tpu.memref_slice %arg3[%dma_start3A_1438, %dma_start3A_1439] : memref<100000x768xf32, #tpu.memory_space<hbm>> -> memref<100000x768xf32, #tpu.memory_space<hbm>>
    %dma_start3A_1441 = tpu.memref_slice %arg8[%dma_start3A_1430] : memref<3x!tpu.dma_semaphore, #tpu.memory_space<semaphore_mem>> -> memref<1x!tpu.dma_semaphore, #tpu.memory_space<semaphore_mem>>
    %dma_start3A_1442 = tpu.memref_squeeze %dma_start3A_1441 : memref<1x!tpu.dma_semaphore, #tpu.memory_space<semaphore_mem>> -> memref<!tpu.dma_semaphore, #tpu.memory_space<semaphore_mem>>
    tpu.enqueue_indirect_dma source(%dma_start3A_1440 : memref<100000x768xf32, #tpu.memory_space<hbm>>) target(%dma_start3A_1434 : memref<32x768xf32, #tpu.memory_space<vmem>>) offsets(%dma_start3A_1437 : memref<32xi32, #tpu.memory_space<vmem>>) semaphore(%dma_start3A_1442 : memref<!tpu.dma_semaphore, #tpu.memory_space<semaphore_mem>>)
    %dma_wait3A_1443 = arith.constant 12 : i32
    %dma_wait3A_1444 = arith.constant 0 : i32
    %dma_wait3A_1445 = arith.constant 0 : i32
    %dma_wait3A_1446 = arith.constant 0 : i32
    %dma_wait3A_1447 = arith.constant 0 : i32
    %dma_wait3A_1448 = tpu.memref_slice %arg6[%dma_wait3A_1444, %dma_wait3A_1446, %dma_wait3A_1447] : memref<3x32x768xf32, #tpu.memory_space<vmem>> -> memref<1x32x768xf32, #tpu.memory_space<vmem>>
    %dma_wait3A_1449 = tpu.memref_squeeze %dma_wait3A_1448 : memref<1x32x768xf32, #tpu.memory_space<vmem>> -> memref<32x768xf32, #tpu.memory_space<vmem>>
    %dma_wait3A_1450 = arith.constant 0 : i32
    %dma_wait3A_1451 = tpu.memref_slice %arg5[%dma_wait3A_1443, %dma_wait3A_1450] : memref<16x32xi32, #tpu.memory_space<vmem>> -> memref<1x32xi32, #tpu.memory_space<vmem>>
    %dma_wait3A_1452 = tpu.memref_squeeze %dma_wait3A_1451 : memref<1x32xi32, #tpu.memory_space<vmem>> -> memref<32xi32, #tpu.memory_space<vmem>>
    %dma_wait3A_1453 = arith.constant 0 : i32
    %dma_wait3A_1454 = arith.constant 0 : i32
    %dma_wait3A_1455 = tpu.memref_slice %arg3[%dma_wait3A_1453, %dma_wait3A_1454] : memref<100000x768xf32, #tpu.memory_space<hbm>> -> memref<100000x768xf32, #tpu.memory_space<hbm>>
    %dma_wait3A_1456 = tpu.memref_slice %arg8[%dma_wait3A_1445] : memref<3x!tpu.dma_semaphore, #tpu.memory_space<semaphore_mem>> -> memref<1x!tpu.dma_semaphore, #tpu.memory_space<semaphore_mem>>
    %dma_wait3A_1457 = tpu.memref_squeeze %dma_wait3A_1456 : memref<1x!tpu.dma_semaphore, #tpu.memory_space<semaphore_mem>> -> memref<!tpu.dma_semaphore, #tpu.memory_space<semaphore_mem>>
    tpu.wait_indirect_dma semaphore(%dma_wait3A_1457 : memref<!tpu.dma_semaphore, #tpu.memory_space<semaphore_mem>>) src(%dma_wait3A_1455 : memref<100000x768xf32, #tpu.memory_space<hbm>>) dst(%dma_wait3A_1449 : memref<32x768xf32, #tpu.memory_space<vmem>>)
    %dma_wait3A_1458 = arith.constant 0 : i32
    %dma_wait3A_1459 = arith.constant 0 : i32
    %dma_wait3A_1460 = tpu.memref_slice %arg10[%dma_wait3A_1459] : memref<2x!tpu.dma_semaphore, #tpu.memory_space<semaphore_mem>> -> memref<1x!tpu.dma_semaphore, #tpu.memory_space<semaphore_mem>>
    %dma_wait3A_1461 = tpu.memref_squeeze %dma_wait3A_1460 : memref<1x!tpu.dma_semaphore, #tpu.memory_space<semaphore_mem>> -> memref<!tpu.dma_semaphore, #tpu.memory_space<semaphore_mem>>
    %dma_wait3A_1462 = arith.constant 0 : i32
    %dma_wait3A_1463 = tpu.memref_slice %arg4[%add3A_1412, %dma_wait3A_1462] : memref<16384x768xf32, #tpu.memory_space<hbm>> -> memref<32x768xf32, #tpu.memory_space<hbm>>
    %dma_wait3A_1464 = arith.constant 0 : i32
    %dma_wait3A_1465 = arith.constant 0 : i32
    %dma_wait3A_1466 = arith.constant 0 : i32
    %dma_wait3A_1467 = tpu.memref_slice %arg7[%arg1, %dma_wait3A_1464, %dma_wait3A_1465, %dma_wait3A_1466] : memref<16x2x32x768xf32, #tpu.memory_space<vmem_shared>> -> memref<1x2x32x768xf32, #tpu.memory_space<vmem_shared>>
    %dma_wait3A_1468 = tpu.memref_squeeze %dma_wait3A_1467 : memref<1x2x32x768xf32, #tpu.memory_space<vmem_shared>> -> memref<2x32x768xf32, #tpu.memory_space<vmem_shared>>
    %dma_wait3A_1469 = arith.constant 0 : i32
    %dma_wait3A_1470 = arith.constant 0 : i32
    %dma_wait3A_1471 = tpu.memref_slice %dma_wait3A_1468[%dma_wait3A_1458, %dma_wait3A_1469, %dma_wait3A_1470] : memref<2x32x768xf32, #tpu.memory_space<vmem_shared>> -> memref<1x32x768xf32, #tpu.memory_space<vmem_shared>>
    %dma_wait3A_1472 = tpu.memref_squeeze %dma_wait3A_1471 : memref<1x32x768xf32, #tpu.memory_space<vmem_shared>> -> memref<32x768xf32, #tpu.memory_space<vmem_shared>>
    tpu.wait_dma2 semaphore(%dma_wait3A_1461 : memref<!tpu.dma_semaphore, #tpu.memory_space<semaphore_mem>>) src(%dma_wait3A_1472 : memref<32x768xf32, #tpu.memory_space<vmem_shared>>) dst(%dma_wait3A_1463 : memref<32x768xf32, #tpu.memory_space<hbm>>)
    %dma_start3A_1473 = arith.constant 0 : i32
    %dma_start3A_1474 = arith.constant 0 : i32
    %dma_start3A_1475 = arith.constant 0 : i32
    %dma_start3A_1476 = arith.constant 0 : i32
    %dma_start3A_1477 = arith.constant 0 : i32
    %dma_start3A_1478 = tpu.memref_slice %arg6[%dma_start3A_1473, %dma_start3A_1476, %dma_start3A_1477] : memref<3x32x768xf32, #tpu.memory_space<vmem>> -> memref<1x32x768xf32, #tpu.memory_space<vmem>>
    %dma_start3A_1479 = tpu.memref_squeeze %dma_start3A_1478 : memref<1x32x768xf32, #tpu.memory_space<vmem>> -> memref<32x768xf32, #tpu.memory_space<vmem>>
    %dma_start3A_1480 = arith.constant 0 : i32
    %dma_start3A_1481 = arith.constant 0 : i32
    %dma_start3A_1482 = arith.constant 0 : i32
    %dma_start3A_1483 = tpu.memref_slice %arg7[%arg1, %dma_start3A_1480, %dma_start3A_1481, %dma_start3A_1482] : memref<16x2x32x768xf32, #tpu.memory_space<vmem_shared>> -> memref<1x2x32x768xf32, #tpu.memory_space<vmem_shared>>
    %dma_start3A_1484 = tpu.memref_squeeze %dma_start3A_1483 : memref<1x2x32x768xf32, #tpu.memory_space<vmem_shared>> -> memref<2x32x768xf32, #tpu.memory_space<vmem_shared>>
    %dma_start3A_1485 = arith.constant 0 : i32
    %dma_start3A_1486 = arith.constant 0 : i32
    %dma_start3A_1487 = tpu.memref_slice %dma_start3A_1484[%dma_start3A_1474, %dma_start3A_1485, %dma_start3A_1486] : memref<2x32x768xf32, #tpu.memory_space<vmem_shared>> -> memref<1x32x768xf32, #tpu.memory_space<vmem_shared>>
    %dma_start3A_1488 = tpu.memref_squeeze %dma_start3A_1487 : memref<1x32x768xf32, #tpu.memory_space<vmem_shared>> -> memref<32x768xf32, #tpu.memory_space<vmem_shared>>
    %dma_start3A_1489 = tpu.memref_slice %arg9[%dma_start3A_1475] : memref<3x!tpu.dma_semaphore, #tpu.memory_space<semaphore_mem>> -> memref<1x!tpu.dma_semaphore, #tpu.memory_space<semaphore_mem>>
    %dma_start3A_1490 = tpu.memref_squeeze %dma_start3A_1489 : memref<1x!tpu.dma_semaphore, #tpu.memory_space<semaphore_mem>> -> memref<!tpu.dma_semaphore, #tpu.memory_space<semaphore_mem>>
    %dma_start3A_1491 = arith.constant 0 : i32
    %dma_start3A_1492 = arith.constant 0 : i32
    %dma_start3A_1493 = arith.constant 0 : i32
    %dma_start3A_1494 = tpu.memref_slice %arg7[%arg1, %dma_start3A_1491, %dma_start3A_1492, %dma_start3A_1493] : memref<16x2x32x768xf32, #tpu.memory_space<vmem_shared>> -> memref<1x2x32x768xf32, #tpu.memory_space<vmem_shared>>
    %dma_start3A_1495 = tpu.memref_squeeze %dma_start3A_1494 : memref<1x2x32x768xf32, #tpu.memory_space<vmem_shared>> -> memref<2x32x768xf32, #tpu.memory_space<vmem_shared>>
    %dma_start3A_1496 = arith.constant 0 : i32
    %dma_start3A_1497 = arith.constant 0 : i32
    %dma_start3A_1498 = tpu.memref_slice %dma_start3A_1495[%dma_start3A_1474, %dma_start3A_1496, %dma_start3A_1497] : memref<2x32x768xf32, #tpu.memory_space<vmem_shared>> -> memref<1x32x768xf32, #tpu.memory_space<vmem_shared>>
    %dma_start3A_1499 = tpu.memref_squeeze %dma_start3A_1498 : memref<1x32x768xf32, #tpu.memory_space<vmem_shared>> -> memref<32x768xf32, #tpu.memory_space<vmem_shared>>
    %dma_start3A_1500 = arith.constant 0 : i32
    %dma_start3A_1501 = arith.constant 0 : i32
    %dma_start3A_1502 = tpu.memref_slice %arg6[%dma_start3A_1473, %dma_start3A_1500, %dma_start3A_1501] : memref<3x32x768xf32, #tpu.memory_space<vmem>> -> memref<1x32x768xf32, #tpu.memory_space<vmem>>
    %dma_start3A_1503 = tpu.memref_squeeze %dma_start3A_1502 : memref<1x32x768xf32, #tpu.memory_space<vmem>> -> memref<32x768xf32, #tpu.memory_space<vmem>>
    tpu.enqueue_dma source(%dma_start3A_1503 : memref<32x768xf32, #tpu.memory_space<vmem>>) target(%dma_start3A_1499 : memref<32x768xf32, #tpu.memory_space<vmem_shared>>) target_semaphore(%dma_start3A_1490 : memref<!tpu.dma_semaphore, #tpu.memory_space<semaphore_mem>>)
    %dma_wait3A_1504 = arith.constant 2 : i32
    %dma_wait3A_1505 = arith.constant 1 : i32
    %dma_wait3A_1506 = arith.constant 2 : i32
    %dma_wait3A_1507 = arith.constant 0 : i32
    %dma_wait3A_1508 = arith.constant 0 : i32
    %dma_wait3A_1509 = tpu.memref_slice %arg6[%dma_wait3A_1504, %dma_wait3A_1507, %dma_wait3A_1508] : memref<3x32x768xf32, #tpu.memory_space<vmem>> -> memref<1x32x768xf32, #tpu.memory_space<vmem>>
    %dma_wait3A_1510 = tpu.memref_squeeze %dma_wait3A_1509 : memref<1x32x768xf32, #tpu.memory_space<vmem>> -> memref<32x768xf32, #tpu.memory_space<vmem>>
    %dma_wait3A_1511 = arith.constant 0 : i32
    %dma_wait3A_1512 = arith.constant 0 : i32
    %dma_wait3A_1513 = arith.constant 0 : i32
    %dma_wait3A_1514 = tpu.memref_slice %arg7[%arg1, %dma_wait3A_1511, %dma_wait3A_1512, %dma_wait3A_1513] : memref<16x2x32x768xf32, #tpu.memory_space<vmem_shared>> -> memref<1x2x32x768xf32, #tpu.memory_space<vmem_shared>>
    %dma_wait3A_1515 = tpu.memref_squeeze %dma_wait3A_1514 : memref<1x2x32x768xf32, #tpu.memory_space<vmem_shared>> -> memref<2x32x768xf32, #tpu.memory_space<vmem_shared>>
    %dma_wait3A_1516 = arith.constant 0 : i32
    %dma_wait3A_1517 = arith.constant 0 : i32
    %dma_wait3A_1518 = tpu.memref_slice %dma_wait3A_1515[%dma_wait3A_1505, %dma_wait3A_1516, %dma_wait3A_1517] : memref<2x32x768xf32, #tpu.memory_space<vmem_shared>> -> memref<1x32x768xf32, #tpu.memory_space<vmem_shared>>
    %dma_wait3A_1519 = tpu.memref_squeeze %dma_wait3A_1518 : memref<1x32x768xf32, #tpu.memory_space<vmem_shared>> -> memref<32x768xf32, #tpu.memory_space<vmem_shared>>
    %dma_wait3A_1520 = tpu.memref_slice %arg9[%dma_wait3A_1506] : memref<3x!tpu.dma_semaphore, #tpu.memory_space<semaphore_mem>> -> memref<1x!tpu.dma_semaphore, #tpu.memory_space<semaphore_mem>>
    %dma_wait3A_1521 = tpu.memref_squeeze %dma_wait3A_1520 : memref<1x!tpu.dma_semaphore, #tpu.memory_space<semaphore_mem>> -> memref<!tpu.dma_semaphore, #tpu.memory_space<semaphore_mem>>
    %dma_wait3A_1522 = arith.constant 0 : i32
    %dma_wait3A_1523 = arith.constant 0 : i32
    %dma_wait3A_1524 = arith.constant 0 : i32
    %dma_wait3A_1525 = tpu.memref_slice %arg7[%arg1, %dma_wait3A_1522, %dma_wait3A_1523, %dma_wait3A_1524] : memref<16x2x32x768xf32, #tpu.memory_space<vmem_shared>> -> memref<1x2x32x768xf32, #tpu.memory_space<vmem_shared>>
    %dma_wait3A_1526 = tpu.memref_squeeze %dma_wait3A_1525 : memref<1x2x32x768xf32, #tpu.memory_space<vmem_shared>> -> memref<2x32x768xf32, #tpu.memory_space<vmem_shared>>
    %dma_wait3A_1527 = arith.constant 0 : i32
    %dma_wait3A_1528 = arith.constant 0 : i32
    %dma_wait3A_1529 = tpu.memref_slice %dma_wait3A_1526[%dma_wait3A_1505, %dma_wait3A_1527, %dma_wait3A_1528] : memref<2x32x768xf32, #tpu.memory_space<vmem_shared>> -> memref<1x32x768xf32, #tpu.memory_space<vmem_shared>>
    %dma_wait3A_1530 = tpu.memref_squeeze %dma_wait3A_1529 : memref<1x32x768xf32, #tpu.memory_space<vmem_shared>> -> memref<32x768xf32, #tpu.memory_space<vmem_shared>>
    %dma_wait3A_1531 = arith.constant 0 : i32
    %dma_wait3A_1532 = arith.constant 0 : i32
    %dma_wait3A_1533 = tpu.memref_slice %arg6[%dma_wait3A_1504, %dma_wait3A_1531, %dma_wait3A_1532] : memref<3x32x768xf32, #tpu.memory_space<vmem>> -> memref<1x32x768xf32, #tpu.memory_space<vmem>>
    %dma_wait3A_1534 = tpu.memref_squeeze %dma_wait3A_1533 : memref<1x32x768xf32, #tpu.memory_space<vmem>> -> memref<32x768xf32, #tpu.memory_space<vmem>>
    tpu.wait_dma2 semaphore(%dma_wait3A_1521 : memref<!tpu.dma_semaphore, #tpu.memory_space<semaphore_mem>>) src(%dma_wait3A_1534 : memref<32x768xf32, #tpu.memory_space<vmem>>) dst(%dma_wait3A_1530 : memref<32x768xf32, #tpu.memory_space<vmem_shared>>)
    %add3A_1535 = arith.constant 352 : i32
    %add3A_1536 = arith.addi %mul3A_2, %add3A_1535 : i32
    %dma_start3A_1537 = arith.constant 1 : i32
    %dma_start3A_1538 = arith.constant 1 : i32
    %dma_start3A_1539 = tpu.memref_slice %arg10[%dma_start3A_1538] : memref<2x!tpu.dma_semaphore, #tpu.memory_space<semaphore_mem>> -> memref<1x!tpu.dma_semaphore, #tpu.memory_space<semaphore_mem>>
    %dma_start3A_1540 = tpu.memref_squeeze %dma_start3A_1539 : memref<1x!tpu.dma_semaphore, #tpu.memory_space<semaphore_mem>> -> memref<!tpu.dma_semaphore, #tpu.memory_space<semaphore_mem>>
    %dma_start3A_1541 = arith.constant 0 : i32
    %dma_start3A_1542 = tpu.memref_slice %arg4[%add3A_1536, %dma_start3A_1541] : memref<16384x768xf32, #tpu.memory_space<hbm>> -> memref<32x768xf32, #tpu.memory_space<hbm>>
    %dma_start3A_1543 = arith.constant 0 : i32
    %dma_start3A_1544 = arith.constant 0 : i32
    %dma_start3A_1545 = arith.constant 0 : i32
    %dma_start3A_1546 = tpu.memref_slice %arg7[%arg1, %dma_start3A_1543, %dma_start3A_1544, %dma_start3A_1545] : memref<16x2x32x768xf32, #tpu.memory_space<vmem_shared>> -> memref<1x2x32x768xf32, #tpu.memory_space<vmem_shared>>
    %dma_start3A_1547 = tpu.memref_squeeze %dma_start3A_1546 : memref<1x2x32x768xf32, #tpu.memory_space<vmem_shared>> -> memref<2x32x768xf32, #tpu.memory_space<vmem_shared>>
    %dma_start3A_1548 = arith.constant 0 : i32
    %dma_start3A_1549 = arith.constant 0 : i32
    %dma_start3A_1550 = tpu.memref_slice %dma_start3A_1547[%dma_start3A_1537, %dma_start3A_1548, %dma_start3A_1549] : memref<2x32x768xf32, #tpu.memory_space<vmem_shared>> -> memref<1x32x768xf32, #tpu.memory_space<vmem_shared>>
    %dma_start3A_1551 = tpu.memref_squeeze %dma_start3A_1550 : memref<1x32x768xf32, #tpu.memory_space<vmem_shared>> -> memref<32x768xf32, #tpu.memory_space<vmem_shared>>
    tpu.enqueue_dma source(%dma_start3A_1551 : memref<32x768xf32, #tpu.memory_space<vmem_shared>>) target(%dma_start3A_1542 : memref<32x768xf32, #tpu.memory_space<hbm>>) target_semaphore(%dma_start3A_1540 : memref<!tpu.dma_semaphore, #tpu.memory_space<semaphore_mem>>)
    %dma_start3A_1552 = arith.constant 14 : i32
    %dma_start3A_1553 = arith.constant 2 : i32
    %dma_start3A_1554 = arith.constant 2 : i32
    %dma_start3A_1555 = arith.constant 0 : i32
    %dma_start3A_1556 = arith.constant 0 : i32
    %dma_start3A_1557 = tpu.memref_slice %arg6[%dma_start3A_1553, %dma_start3A_1555, %dma_start3A_1556] : memref<3x32x768xf32, #tpu.memory_space<vmem>> -> memref<1x32x768xf32, #tpu.memory_space<vmem>>
    %dma_start3A_1558 = tpu.memref_squeeze %dma_start3A_1557 : memref<1x32x768xf32, #tpu.memory_space<vmem>> -> memref<32x768xf32, #tpu.memory_space<vmem>>
    %dma_start3A_1559 = arith.constant 0 : i32
    %dma_start3A_1560 = tpu.memref_slice %arg5[%dma_start3A_1552, %dma_start3A_1559] : memref<16x32xi32, #tpu.memory_space<vmem>> -> memref<1x32xi32, #tpu.memory_space<vmem>>
    %dma_start3A_1561 = tpu.memref_squeeze %dma_start3A_1560 : memref<1x32xi32, #tpu.memory_space<vmem>> -> memref<32xi32, #tpu.memory_space<vmem>>
    %dma_start3A_1562 = arith.constant 0 : i32
    %dma_start3A_1563 = arith.constant 0 : i32
    %dma_start3A_1564 = tpu.memref_slice %arg3[%dma_start3A_1562, %dma_start3A_1563] : memref<100000x768xf32, #tpu.memory_space<hbm>> -> memref<100000x768xf32, #tpu.memory_space<hbm>>
    %dma_start3A_1565 = tpu.memref_slice %arg8[%dma_start3A_1554] : memref<3x!tpu.dma_semaphore, #tpu.memory_space<semaphore_mem>> -> memref<1x!tpu.dma_semaphore, #tpu.memory_space<semaphore_mem>>
    %dma_start3A_1566 = tpu.memref_squeeze %dma_start3A_1565 : memref<1x!tpu.dma_semaphore, #tpu.memory_space<semaphore_mem>> -> memref<!tpu.dma_semaphore, #tpu.memory_space<semaphore_mem>>
    tpu.enqueue_indirect_dma source(%dma_start3A_1564 : memref<100000x768xf32, #tpu.memory_space<hbm>>) target(%dma_start3A_1558 : memref<32x768xf32, #tpu.memory_space<vmem>>) offsets(%dma_start3A_1561 : memref<32xi32, #tpu.memory_space<vmem>>) semaphore(%dma_start3A_1566 : memref<!tpu.dma_semaphore, #tpu.memory_space<semaphore_mem>>)
    %dma_wait3A_1567 = arith.constant 13 : i32
    %dma_wait3A_1568 = arith.constant 1 : i32
    %dma_wait3A_1569 = arith.constant 1 : i32
    %dma_wait3A_1570 = arith.constant 0 : i32
    %dma_wait3A_1571 = arith.constant 0 : i32
    %dma_wait3A_1572 = tpu.memref_slice %arg6[%dma_wait3A_1568, %dma_wait3A_1570, %dma_wait3A_1571] : memref<3x32x768xf32, #tpu.memory_space<vmem>> -> memref<1x32x768xf32, #tpu.memory_space<vmem>>
    %dma_wait3A_1573 = tpu.memref_squeeze %dma_wait3A_1572 : memref<1x32x768xf32, #tpu.memory_space<vmem>> -> memref<32x768xf32, #tpu.memory_space<vmem>>
    %dma_wait3A_1574 = arith.constant 0 : i32
    %dma_wait3A_1575 = tpu.memref_slice %arg5[%dma_wait3A_1567, %dma_wait3A_1574] : memref<16x32xi32, #tpu.memory_space<vmem>> -> memref<1x32xi32, #tpu.memory_space<vmem>>
    %dma_wait3A_1576 = tpu.memref_squeeze %dma_wait3A_1575 : memref<1x32xi32, #tpu.memory_space<vmem>> -> memref<32xi32, #tpu.memory_space<vmem>>
    %dma_wait3A_1577 = arith.constant 0 : i32
    %dma_wait3A_1578 = arith.constant 0 : i32
    %dma_wait3A_1579 = tpu.memref_slice %arg3[%dma_wait3A_1577, %dma_wait3A_1578] : memref<100000x768xf32, #tpu.memory_space<hbm>> -> memref<100000x768xf32, #tpu.memory_space<hbm>>
    %dma_wait3A_1580 = tpu.memref_slice %arg8[%dma_wait3A_1569] : memref<3x!tpu.dma_semaphore, #tpu.memory_space<semaphore_mem>> -> memref<1x!tpu.dma_semaphore, #tpu.memory_space<semaphore_mem>>
    %dma_wait3A_1581 = tpu.memref_squeeze %dma_wait3A_1580 : memref<1x!tpu.dma_semaphore, #tpu.memory_space<semaphore_mem>> -> memref<!tpu.dma_semaphore, #tpu.memory_space<semaphore_mem>>
    tpu.wait_indirect_dma semaphore(%dma_wait3A_1581 : memref<!tpu.dma_semaphore, #tpu.memory_space<semaphore_mem>>) src(%dma_wait3A_1579 : memref<100000x768xf32, #tpu.memory_space<hbm>>) dst(%dma_wait3A_1573 : memref<32x768xf32, #tpu.memory_space<vmem>>)
    %dma_wait3A_1582 = arith.constant 1 : i32
    %dma_wait3A_1583 = arith.constant 1 : i32
    %dma_wait3A_1584 = tpu.memref_slice %arg10[%dma_wait3A_1583] : memref<2x!tpu.dma_semaphore, #tpu.memory_space<semaphore_mem>> -> memref<1x!tpu.dma_semaphore, #tpu.memory_space<semaphore_mem>>
    %dma_wait3A_1585 = tpu.memref_squeeze %dma_wait3A_1584 : memref<1x!tpu.dma_semaphore, #tpu.memory_space<semaphore_mem>> -> memref<!tpu.dma_semaphore, #tpu.memory_space<semaphore_mem>>
    %dma_wait3A_1586 = arith.constant 0 : i32
    %dma_wait3A_1587 = tpu.memref_slice %arg4[%add3A_1536, %dma_wait3A_1586] : memref<16384x768xf32, #tpu.memory_space<hbm>> -> memref<32x768xf32, #tpu.memory_space<hbm>>
    %dma_wait3A_1588 = arith.constant 0 : i32
    %dma_wait3A_1589 = arith.constant 0 : i32
    %dma_wait3A_1590 = arith.constant 0 : i32
    %dma_wait3A_1591 = tpu.memref_slice %arg7[%arg1, %dma_wait3A_1588, %dma_wait3A_1589, %dma_wait3A_1590] : memref<16x2x32x768xf32, #tpu.memory_space<vmem_shared>> -> memref<1x2x32x768xf32, #tpu.memory_space<vmem_shared>>
    %dma_wait3A_1592 = tpu.memref_squeeze %dma_wait3A_1591 : memref<1x2x32x768xf32, #tpu.memory_space<vmem_shared>> -> memref<2x32x768xf32, #tpu.memory_space<vmem_shared>>
    %dma_wait3A_1593 = arith.constant 0 : i32
    %dma_wait3A_1594 = arith.constant 0 : i32
    %dma_wait3A_1595 = tpu.memref_slice %dma_wait3A_1592[%dma_wait3A_1582, %dma_wait3A_1593, %dma_wait3A_1594] : memref<2x32x768xf32, #tpu.memory_space<vmem_shared>> -> memref<1x32x768xf32, #tpu.memory_space<vmem_shared>>
    %dma_wait3A_1596 = tpu.memref_squeeze %dma_wait3A_1595 : memref<1x32x768xf32, #tpu.memory_space<vmem_shared>> -> memref<32x768xf32, #tpu.memory_space<vmem_shared>>
    tpu.wait_dma2 semaphore(%dma_wait3A_1585 : memref<!tpu.dma_semaphore, #tpu.memory_space<semaphore_mem>>) src(%dma_wait3A_1596 : memref<32x768xf32, #tpu.memory_space<vmem_shared>>) dst(%dma_wait3A_1587 : memref<32x768xf32, #tpu.memory_space<hbm>>)
    %dma_start3A_1597 = arith.constant 1 : i32
    %dma_start3A_1598 = arith.constant 1 : i32
    %dma_start3A_1599 = arith.constant 1 : i32
    %dma_start3A_1600 = arith.constant 0 : i32
    %dma_start3A_1601 = arith.constant 0 : i32
    %dma_start3A_1602 = tpu.memref_slice %arg6[%dma_start3A_1597, %dma_start3A_1600, %dma_start3A_1601] : memref<3x32x768xf32, #tpu.memory_space<vmem>> -> memref<1x32x768xf32, #tpu.memory_space<vmem>>
    %dma_start3A_1603 = tpu.memref_squeeze %dma_start3A_1602 : memref<1x32x768xf32, #tpu.memory_space<vmem>> -> memref<32x768xf32, #tpu.memory_space<vmem>>
    %dma_start3A_1604 = arith.constant 0 : i32
    %dma_start3A_1605 = arith.constant 0 : i32
    %dma_start3A_1606 = arith.constant 0 : i32
    %dma_start3A_1607 = tpu.memref_slice %arg7[%arg1, %dma_start3A_1604, %dma_start3A_1605, %dma_start3A_1606] : memref<16x2x32x768xf32, #tpu.memory_space<vmem_shared>> -> memref<1x2x32x768xf32, #tpu.memory_space<vmem_shared>>
    %dma_start3A_1608 = tpu.memref_squeeze %dma_start3A_1607 : memref<1x2x32x768xf32, #tpu.memory_space<vmem_shared>> -> memref<2x32x768xf32, #tpu.memory_space<vmem_shared>>
    %dma_start3A_1609 = arith.constant 0 : i32
    %dma_start3A_1610 = arith.constant 0 : i32
    %dma_start3A_1611 = tpu.memref_slice %dma_start3A_1608[%dma_start3A_1598, %dma_start3A_1609, %dma_start3A_1610] : memref<2x32x768xf32, #tpu.memory_space<vmem_shared>> -> memref<1x32x768xf32, #tpu.memory_space<vmem_shared>>
    %dma_start3A_1612 = tpu.memref_squeeze %dma_start3A_1611 : memref<1x32x768xf32, #tpu.memory_space<vmem_shared>> -> memref<32x768xf32, #tpu.memory_space<vmem_shared>>
    %dma_start3A_1613 = tpu.memref_slice %arg9[%dma_start3A_1599] : memref<3x!tpu.dma_semaphore, #tpu.memory_space<semaphore_mem>> -> memref<1x!tpu.dma_semaphore, #tpu.memory_space<semaphore_mem>>
    %dma_start3A_1614 = tpu.memref_squeeze %dma_start3A_1613 : memref<1x!tpu.dma_semaphore, #tpu.memory_space<semaphore_mem>> -> memref<!tpu.dma_semaphore, #tpu.memory_space<semaphore_mem>>
    %dma_start3A_1615 = arith.constant 0 : i32
    %dma_start3A_1616 = arith.constant 0 : i32
    %dma_start3A_1617 = arith.constant 0 : i32
    %dma_start3A_1618 = tpu.memref_slice %arg7[%arg1, %dma_start3A_1615, %dma_start3A_1616, %dma_start3A_1617] : memref<16x2x32x768xf32, #tpu.memory_space<vmem_shared>> -> memref<1x2x32x768xf32, #tpu.memory_space<vmem_shared>>
    %dma_start3A_1619 = tpu.memref_squeeze %dma_start3A_1618 : memref<1x2x32x768xf32, #tpu.memory_space<vmem_shared>> -> memref<2x32x768xf32, #tpu.memory_space<vmem_shared>>
    %dma_start3A_1620 = arith.constant 0 : i32
    %dma_start3A_1621 = arith.constant 0 : i32
    %dma_start3A_1622 = tpu.memref_slice %dma_start3A_1619[%dma_start3A_1598, %dma_start3A_1620, %dma_start3A_1621] : memref<2x32x768xf32, #tpu.memory_space<vmem_shared>> -> memref<1x32x768xf32, #tpu.memory_space<vmem_shared>>
    %dma_start3A_1623 = tpu.memref_squeeze %dma_start3A_1622 : memref<1x32x768xf32, #tpu.memory_space<vmem_shared>> -> memref<32x768xf32, #tpu.memory_space<vmem_shared>>
    %dma_start3A_1624 = arith.constant 0 : i32
    %dma_start3A_1625 = arith.constant 0 : i32
    %dma_start3A_1626 = tpu.memref_slice %arg6[%dma_start3A_1597, %dma_start3A_1624, %dma_start3A_1625] : memref<3x32x768xf32, #tpu.memory_space<vmem>> -> memref<1x32x768xf32, #tpu.memory_space<vmem>>
    %dma_start3A_1627 = tpu.memref_squeeze %dma_start3A_1626 : memref<1x32x768xf32, #tpu.memory_space<vmem>> -> memref<32x768xf32, #tpu.memory_space<vmem>>
    tpu.enqueue_dma source(%dma_start3A_1627 : memref<32x768xf32, #tpu.memory_space<vmem>>) target(%dma_start3A_1623 : memref<32x768xf32, #tpu.memory_space<vmem_shared>>) target_semaphore(%dma_start3A_1614 : memref<!tpu.dma_semaphore, #tpu.memory_space<semaphore_mem>>)
    %dma_wait3A_1628 = arith.constant 0 : i32
    %dma_wait3A_1629 = arith.constant 0 : i32
    %dma_wait3A_1630 = arith.constant 0 : i32
    %dma_wait3A_1631 = arith.constant 0 : i32
    %dma_wait3A_1632 = arith.constant 0 : i32
    %dma_wait3A_1633 = tpu.memref_slice %arg6[%dma_wait3A_1628, %dma_wait3A_1631, %dma_wait3A_1632] : memref<3x32x768xf32, #tpu.memory_space<vmem>> -> memref<1x32x768xf32, #tpu.memory_space<vmem>>
    %dma_wait3A_1634 = tpu.memref_squeeze %dma_wait3A_1633 : memref<1x32x768xf32, #tpu.memory_space<vmem>> -> memref<32x768xf32, #tpu.memory_space<vmem>>
    %dma_wait3A_1635 = arith.constant 0 : i32
    %dma_wait3A_1636 = arith.constant 0 : i32
    %dma_wait3A_1637 = arith.constant 0 : i32
    %dma_wait3A_1638 = tpu.memref_slice %arg7[%arg1, %dma_wait3A_1635, %dma_wait3A_1636, %dma_wait3A_1637] : memref<16x2x32x768xf32, #tpu.memory_space<vmem_shared>> -> memref<1x2x32x768xf32, #tpu.memory_space<vmem_shared>>
    %dma_wait3A_1639 = tpu.memref_squeeze %dma_wait3A_1638 : memref<1x2x32x768xf32, #tpu.memory_space<vmem_shared>> -> memref<2x32x768xf32, #tpu.memory_space<vmem_shared>>
    %dma_wait3A_1640 = arith.constant 0 : i32
    %dma_wait3A_1641 = arith.constant 0 : i32
    %dma_wait3A_1642 = tpu.memref_slice %dma_wait3A_1639[%dma_wait3A_1629, %dma_wait3A_1640, %dma_wait3A_1641] : memref<2x32x768xf32, #tpu.memory_space<vmem_shared>> -> memref<1x32x768xf32, #tpu.memory_space<vmem_shared>>
    %dma_wait3A_1643 = tpu.memref_squeeze %dma_wait3A_1642 : memref<1x32x768xf32, #tpu.memory_space<vmem_shared>> -> memref<32x768xf32, #tpu.memory_space<vmem_shared>>
    %dma_wait3A_1644 = tpu.memref_slice %arg9[%dma_wait3A_1630] : memref<3x!tpu.dma_semaphore, #tpu.memory_space<semaphore_mem>> -> memref<1x!tpu.dma_semaphore, #tpu.memory_space<semaphore_mem>>
    %dma_wait3A_1645 = tpu.memref_squeeze %dma_wait3A_1644 : memref<1x!tpu.dma_semaphore, #tpu.memory_space<semaphore_mem>> -> memref<!tpu.dma_semaphore, #tpu.memory_space<semaphore_mem>>
    %dma_wait3A_1646 = arith.constant 0 : i32
    %dma_wait3A_1647 = arith.constant 0 : i32
    %dma_wait3A_1648 = arith.constant 0 : i32
    %dma_wait3A_1649 = tpu.memref_slice %arg7[%arg1, %dma_wait3A_1646, %dma_wait3A_1647, %dma_wait3A_1648] : memref<16x2x32x768xf32, #tpu.memory_space<vmem_shared>> -> memref<1x2x32x768xf32, #tpu.memory_space<vmem_shared>>
    %dma_wait3A_1650 = tpu.memref_squeeze %dma_wait3A_1649 : memref<1x2x32x768xf32, #tpu.memory_space<vmem_shared>> -> memref<2x32x768xf32, #tpu.memory_space<vmem_shared>>
    %dma_wait3A_1651 = arith.constant 0 : i32
    %dma_wait3A_1652 = arith.constant 0 : i32
    %dma_wait3A_1653 = tpu.memref_slice %dma_wait3A_1650[%dma_wait3A_1629, %dma_wait3A_1651, %dma_wait3A_1652] : memref<2x32x768xf32, #tpu.memory_space<vmem_shared>> -> memref<1x32x768xf32, #tpu.memory_space<vmem_shared>>
    %dma_wait3A_1654 = tpu.memref_squeeze %dma_wait3A_1653 : memref<1x32x768xf32, #tpu.memory_space<vmem_shared>> -> memref<32x768xf32, #tpu.memory_space<vmem_shared>>
    %dma_wait3A_1655 = arith.constant 0 : i32
    %dma_wait3A_1656 = arith.constant 0 : i32
    %dma_wait3A_1657 = tpu.memref_slice %arg6[%dma_wait3A_1628, %dma_wait3A_1655, %dma_wait3A_1656] : memref<3x32x768xf32, #tpu.memory_space<vmem>> -> memref<1x32x768xf32, #tpu.memory_space<vmem>>
    %dma_wait3A_1658 = tpu.memref_squeeze %dma_wait3A_1657 : memref<1x32x768xf32, #tpu.memory_space<vmem>> -> memref<32x768xf32, #tpu.memory_space<vmem>>
    tpu.wait_dma2 semaphore(%dma_wait3A_1645 : memref<!tpu.dma_semaphore, #tpu.memory_space<semaphore_mem>>) src(%dma_wait3A_1658 : memref<32x768xf32, #tpu.memory_space<vmem>>) dst(%dma_wait3A_1654 : memref<32x768xf32, #tpu.memory_space<vmem_shared>>)
    %add3A_1659 = arith.constant 384 : i32
    %add3A_1660 = arith.addi %mul3A_2, %add3A_1659 : i32
    %dma_start3A_1661 = arith.constant 0 : i32
    %dma_start3A_1662 = arith.constant 0 : i32
    %dma_start3A_1663 = tpu.memref_slice %arg10[%dma_start3A_1662] : memref<2x!tpu.dma_semaphore, #tpu.memory_space<semaphore_mem>> -> memref<1x!tpu.dma_semaphore, #tpu.memory_space<semaphore_mem>>
    %dma_start3A_1664 = tpu.memref_squeeze %dma_start3A_1663 : memref<1x!tpu.dma_semaphore, #tpu.memory_space<semaphore_mem>> -> memref<!tpu.dma_semaphore, #tpu.memory_space<semaphore_mem>>
    %dma_start3A_1665 = arith.constant 0 : i32
    %dma_start3A_1666 = tpu.memref_slice %arg4[%add3A_1660, %dma_start3A_1665] : memref<16384x768xf32, #tpu.memory_space<hbm>> -> memref<32x768xf32, #tpu.memory_space<hbm>>
    %dma_start3A_1667 = arith.constant 0 : i32
    %dma_start3A_1668 = arith.constant 0 : i32
    %dma_start3A_1669 = arith.constant 0 : i32
    %dma_start3A_1670 = tpu.memref_slice %arg7[%arg1, %dma_start3A_1667, %dma_start3A_1668, %dma_start3A_1669] : memref<16x2x32x768xf32, #tpu.memory_space<vmem_shared>> -> memref<1x2x32x768xf32, #tpu.memory_space<vmem_shared>>
    %dma_start3A_1671 = tpu.memref_squeeze %dma_start3A_1670 : memref<1x2x32x768xf32, #tpu.memory_space<vmem_shared>> -> memref<2x32x768xf32, #tpu.memory_space<vmem_shared>>
    %dma_start3A_1672 = arith.constant 0 : i32
    %dma_start3A_1673 = arith.constant 0 : i32
    %dma_start3A_1674 = tpu.memref_slice %dma_start3A_1671[%dma_start3A_1661, %dma_start3A_1672, %dma_start3A_1673] : memref<2x32x768xf32, #tpu.memory_space<vmem_shared>> -> memref<1x32x768xf32, #tpu.memory_space<vmem_shared>>
    %dma_start3A_1675 = tpu.memref_squeeze %dma_start3A_1674 : memref<1x32x768xf32, #tpu.memory_space<vmem_shared>> -> memref<32x768xf32, #tpu.memory_space<vmem_shared>>
    tpu.enqueue_dma source(%dma_start3A_1675 : memref<32x768xf32, #tpu.memory_space<vmem_shared>>) target(%dma_start3A_1666 : memref<32x768xf32, #tpu.memory_space<hbm>>) target_semaphore(%dma_start3A_1664 : memref<!tpu.dma_semaphore, #tpu.memory_space<semaphore_mem>>)
    %dma_start3A_1676 = arith.constant 15 : i32
    %dma_start3A_1677 = arith.constant 0 : i32
    %dma_start3A_1678 = arith.constant 0 : i32
    %dma_start3A_1679 = arith.constant 0 : i32
    %dma_start3A_1680 = arith.constant 0 : i32
    %dma_start3A_1681 = tpu.memref_slice %arg6[%dma_start3A_1677, %dma_start3A_1679, %dma_start3A_1680] : memref<3x32x768xf32, #tpu.memory_space<vmem>> -> memref<1x32x768xf32, #tpu.memory_space<vmem>>
    %dma_start3A_1682 = tpu.memref_squeeze %dma_start3A_1681 : memref<1x32x768xf32, #tpu.memory_space<vmem>> -> memref<32x768xf32, #tpu.memory_space<vmem>>
    %dma_start3A_1683 = arith.constant 0 : i32
    %dma_start3A_1684 = tpu.memref_slice %arg5[%dma_start3A_1676, %dma_start3A_1683] : memref<16x32xi32, #tpu.memory_space<vmem>> -> memref<1x32xi32, #tpu.memory_space<vmem>>
    %dma_start3A_1685 = tpu.memref_squeeze %dma_start3A_1684 : memref<1x32xi32, #tpu.memory_space<vmem>> -> memref<32xi32, #tpu.memory_space<vmem>>
    %dma_start3A_1686 = arith.constant 0 : i32
    %dma_start3A_1687 = arith.constant 0 : i32
    %dma_start3A_1688 = tpu.memref_slice %arg3[%dma_start3A_1686, %dma_start3A_1687] : memref<100000x768xf32, #tpu.memory_space<hbm>> -> memref<100000x768xf32, #tpu.memory_space<hbm>>
    %dma_start3A_1689 = tpu.memref_slice %arg8[%dma_start3A_1678] : memref<3x!tpu.dma_semaphore, #tpu.memory_space<semaphore_mem>> -> memref<1x!tpu.dma_semaphore, #tpu.memory_space<semaphore_mem>>
    %dma_start3A_1690 = tpu.memref_squeeze %dma_start3A_1689 : memref<1x!tpu.dma_semaphore, #tpu.memory_space<semaphore_mem>> -> memref<!tpu.dma_semaphore, #tpu.memory_space<semaphore_mem>>
    tpu.enqueue_indirect_dma source(%dma_start3A_1688 : memref<100000x768xf32, #tpu.memory_space<hbm>>) target(%dma_start3A_1682 : memref<32x768xf32, #tpu.memory_space<vmem>>) offsets(%dma_start3A_1685 : memref<32xi32, #tpu.memory_space<vmem>>) semaphore(%dma_start3A_1690 : memref<!tpu.dma_semaphore, #tpu.memory_space<semaphore_mem>>)
    %dma_wait3A_1691 = arith.constant 14 : i32
    %dma_wait3A_1692 = arith.constant 2 : i32
    %dma_wait3A_1693 = arith.constant 2 : i32
    %dma_wait3A_1694 = arith.constant 0 : i32
    %dma_wait3A_1695 = arith.constant 0 : i32
    %dma_wait3A_1696 = tpu.memref_slice %arg6[%dma_wait3A_1692, %dma_wait3A_1694, %dma_wait3A_1695] : memref<3x32x768xf32, #tpu.memory_space<vmem>> -> memref<1x32x768xf32, #tpu.memory_space<vmem>>
    %dma_wait3A_1697 = tpu.memref_squeeze %dma_wait3A_1696 : memref<1x32x768xf32, #tpu.memory_space<vmem>> -> memref<32x768xf32, #tpu.memory_space<vmem>>
    %dma_wait3A_1698 = arith.constant 0 : i32
    %dma_wait3A_1699 = tpu.memref_slice %arg5[%dma_wait3A_1691, %dma_wait3A_1698] : memref<16x32xi32, #tpu.memory_space<vmem>> -> memref<1x32xi32, #tpu.memory_space<vmem>>
    %dma_wait3A_1700 = tpu.memref_squeeze %dma_wait3A_1699 : memref<1x32xi32, #tpu.memory_space<vmem>> -> memref<32xi32, #tpu.memory_space<vmem>>
    %dma_wait3A_1701 = arith.constant 0 : i32
    %dma_wait3A_1702 = arith.constant 0 : i32
    %dma_wait3A_1703 = tpu.memref_slice %arg3[%dma_wait3A_1701, %dma_wait3A_1702] : memref<100000x768xf32, #tpu.memory_space<hbm>> -> memref<100000x768xf32, #tpu.memory_space<hbm>>
    %dma_wait3A_1704 = tpu.memref_slice %arg8[%dma_wait3A_1693] : memref<3x!tpu.dma_semaphore, #tpu.memory_space<semaphore_mem>> -> memref<1x!tpu.dma_semaphore, #tpu.memory_space<semaphore_mem>>
    %dma_wait3A_1705 = tpu.memref_squeeze %dma_wait3A_1704 : memref<1x!tpu.dma_semaphore, #tpu.memory_space<semaphore_mem>> -> memref<!tpu.dma_semaphore, #tpu.memory_space<semaphore_mem>>
    tpu.wait_indirect_dma semaphore(%dma_wait3A_1705 : memref<!tpu.dma_semaphore, #tpu.memory_space<semaphore_mem>>) src(%dma_wait3A_1703 : memref<100000x768xf32, #tpu.memory_space<hbm>>) dst(%dma_wait3A_1697 : memref<32x768xf32, #tpu.memory_space<vmem>>)
    %dma_wait3A_1706 = arith.constant 0 : i32
    %dma_wait3A_1707 = arith.constant 0 : i32
    %dma_wait3A_1708 = tpu.memref_slice %arg10[%dma_wait3A_1707] : memref<2x!tpu.dma_semaphore, #tpu.memory_space<semaphore_mem>> -> memref<1x!tpu.dma_semaphore, #tpu.memory_space<semaphore_mem>>
    %dma_wait3A_1709 = tpu.memref_squeeze %dma_wait3A_1708 : memref<1x!tpu.dma_semaphore, #tpu.memory_space<semaphore_mem>> -> memref<!tpu.dma_semaphore, #tpu.memory_space<semaphore_mem>>
    %dma_wait3A_1710 = arith.constant 0 : i32
    %dma_wait3A_1711 = tpu.memref_slice %arg4[%add3A_1660, %dma_wait3A_1710] : memref<16384x768xf32, #tpu.memory_space<hbm>> -> memref<32x768xf32, #tpu.memory_space<hbm>>
    %dma_wait3A_1712 = arith.constant 0 : i32
    %dma_wait3A_1713 = arith.constant 0 : i32
    %dma_wait3A_1714 = arith.constant 0 : i32
    %dma_wait3A_1715 = tpu.memref_slice %arg7[%arg1, %dma_wait3A_1712, %dma_wait3A_1713, %dma_wait3A_1714] : memref<16x2x32x768xf32, #tpu.memory_space<vmem_shared>> -> memref<1x2x32x768xf32, #tpu.memory_space<vmem_shared>>
    %dma_wait3A_1716 = tpu.memref_squeeze %dma_wait3A_1715 : memref<1x2x32x768xf32, #tpu.memory_space<vmem_shared>> -> memref<2x32x768xf32, #tpu.memory_space<vmem_shared>>
    %dma_wait3A_1717 = arith.constant 0 : i32
    %dma_wait3A_1718 = arith.constant 0 : i32
    %dma_wait3A_1719 = tpu.memref_slice %dma_wait3A_1716[%dma_wait3A_1706, %dma_wait3A_1717, %dma_wait3A_1718] : memref<2x32x768xf32, #tpu.memory_space<vmem_shared>> -> memref<1x32x768xf32, #tpu.memory_space<vmem_shared>>
    %dma_wait3A_1720 = tpu.memref_squeeze %dma_wait3A_1719 : memref<1x32x768xf32, #tpu.memory_space<vmem_shared>> -> memref<32x768xf32, #tpu.memory_space<vmem_shared>>
    tpu.wait_dma2 semaphore(%dma_wait3A_1709 : memref<!tpu.dma_semaphore, #tpu.memory_space<semaphore_mem>>) src(%dma_wait3A_1720 : memref<32x768xf32, #tpu.memory_space<vmem_shared>>) dst(%dma_wait3A_1711 : memref<32x768xf32, #tpu.memory_space<hbm>>)
    %dma_start3A_1721 = arith.constant 2 : i32
    %dma_start3A_1722 = arith.constant 0 : i32
    %dma_start3A_1723 = arith.constant 2 : i32
    %dma_start3A_1724 = arith.constant 0 : i32
    %dma_start3A_1725 = arith.constant 0 : i32
    %dma_start3A_1726 = tpu.memref_slice %arg6[%dma_start3A_1721, %dma_start3A_1724, %dma_start3A_1725] : memref<3x32x768xf32, #tpu.memory_space<vmem>> -> memref<1x32x768xf32, #tpu.memory_space<vmem>>
    %dma_start3A_1727 = tpu.memref_squeeze %dma_start3A_1726 : memref<1x32x768xf32, #tpu.memory_space<vmem>> -> memref<32x768xf32, #tpu.memory_space<vmem>>
    %dma_start3A_1728 = arith.constant 0 : i32
    %dma_start3A_1729 = arith.constant 0 : i32
    %dma_start3A_1730 = arith.constant 0 : i32
    %dma_start3A_1731 = tpu.memref_slice %arg7[%arg1, %dma_start3A_1728, %dma_start3A_1729, %dma_start3A_1730] : memref<16x2x32x768xf32, #tpu.memory_space<vmem_shared>> -> memref<1x2x32x768xf32, #tpu.memory_space<vmem_shared>>
    %dma_start3A_1732 = tpu.memref_squeeze %dma_start3A_1731 : memref<1x2x32x768xf32, #tpu.memory_space<vmem_shared>> -> memref<2x32x768xf32, #tpu.memory_space<vmem_shared>>
    %dma_start3A_1733 = arith.constant 0 : i32
    %dma_start3A_1734 = arith.constant 0 : i32
    %dma_start3A_1735 = tpu.memref_slice %dma_start3A_1732[%dma_start3A_1722, %dma_start3A_1733, %dma_start3A_1734] : memref<2x32x768xf32, #tpu.memory_space<vmem_shared>> -> memref<1x32x768xf32, #tpu.memory_space<vmem_shared>>
    %dma_start3A_1736 = tpu.memref_squeeze %dma_start3A_1735 : memref<1x32x768xf32, #tpu.memory_space<vmem_shared>> -> memref<32x768xf32, #tpu.memory_space<vmem_shared>>
    %dma_start3A_1737 = tpu.memref_slice %arg9[%dma_start3A_1723] : memref<3x!tpu.dma_semaphore, #tpu.memory_space<semaphore_mem>> -> memref<1x!tpu.dma_semaphore, #tpu.memory_space<semaphore_mem>>
    %dma_start3A_1738 = tpu.memref_squeeze %dma_start3A_1737 : memref<1x!tpu.dma_semaphore, #tpu.memory_space<semaphore_mem>> -> memref<!tpu.dma_semaphore, #tpu.memory_space<semaphore_mem>>
    %dma_start3A_1739 = arith.constant 0 : i32
    %dma_start3A_1740 = arith.constant 0 : i32
    %dma_start3A_1741 = arith.constant 0 : i32
    %dma_start3A_1742 = tpu.memref_slice %arg7[%arg1, %dma_start3A_1739, %dma_start3A_1740, %dma_start3A_1741] : memref<16x2x32x768xf32, #tpu.memory_space<vmem_shared>> -> memref<1x2x32x768xf32, #tpu.memory_space<vmem_shared>>
    %dma_start3A_1743 = tpu.memref_squeeze %dma_start3A_1742 : memref<1x2x32x768xf32, #tpu.memory_space<vmem_shared>> -> memref<2x32x768xf32, #tpu.memory_space<vmem_shared>>
    %dma_start3A_1744 = arith.constant 0 : i32
    %dma_start3A_1745 = arith.constant 0 : i32
    %dma_start3A_1746 = tpu.memref_slice %dma_start3A_1743[%dma_start3A_1722, %dma_start3A_1744, %dma_start3A_1745] : memref<2x32x768xf32, #tpu.memory_space<vmem_shared>> -> memref<1x32x768xf32, #tpu.memory_space<vmem_shared>>
    %dma_start3A_1747 = tpu.memref_squeeze %dma_start3A_1746 : memref<1x32x768xf32, #tpu.memory_space<vmem_shared>> -> memref<32x768xf32, #tpu.memory_space<vmem_shared>>
    %dma_start3A_1748 = arith.constant 0 : i32
    %dma_start3A_1749 = arith.constant 0 : i32
    %dma_start3A_1750 = tpu.memref_slice %arg6[%dma_start3A_1721, %dma_start3A_1748, %dma_start3A_1749] : memref<3x32x768xf32, #tpu.memory_space<vmem>> -> memref<1x32x768xf32, #tpu.memory_space<vmem>>
    %dma_start3A_1751 = tpu.memref_squeeze %dma_start3A_1750 : memref<1x32x768xf32, #tpu.memory_space<vmem>> -> memref<32x768xf32, #tpu.memory_space<vmem>>
    tpu.enqueue_dma source(%dma_start3A_1751 : memref<32x768xf32, #tpu.memory_space<vmem>>) target(%dma_start3A_1747 : memref<32x768xf32, #tpu.memory_space<vmem_shared>>) target_semaphore(%dma_start3A_1738 : memref<!tpu.dma_semaphore, #tpu.memory_space<semaphore_mem>>)
    %dma_wait3A_1752 = arith.constant 1 : i32
    %dma_wait3A_1753 = arith.constant 1 : i32
    %dma_wait3A_1754 = arith.constant 1 : i32
    %dma_wait3A_1755 = arith.constant 0 : i32
    %dma_wait3A_1756 = arith.constant 0 : i32
    %dma_wait3A_1757 = tpu.memref_slice %arg6[%dma_wait3A_1752, %dma_wait3A_1755, %dma_wait3A_1756] : memref<3x32x768xf32, #tpu.memory_space<vmem>> -> memref<1x32x768xf32, #tpu.memory_space<vmem>>
    %dma_wait3A_1758 = tpu.memref_squeeze %dma_wait3A_1757 : memref<1x32x768xf32, #tpu.memory_space<vmem>> -> memref<32x768xf32, #tpu.memory_space<vmem>>
    %dma_wait3A_1759 = arith.constant 0 : i32
    %dma_wait3A_1760 = arith.constant 0 : i32
    %dma_wait3A_1761 = arith.constant 0 : i32
    %dma_wait3A_1762 = tpu.memref_slice %arg7[%arg1, %dma_wait3A_1759, %dma_wait3A_1760, %dma_wait3A_1761] : memref<16x2x32x768xf32, #tpu.memory_space<vmem_shared>> -> memref<1x2x32x768xf32, #tpu.memory_space<vmem_shared>>
    %dma_wait3A_1763 = tpu.memref_squeeze %dma_wait3A_1762 : memref<1x2x32x768xf32, #tpu.memory_space<vmem_shared>> -> memref<2x32x768xf32, #tpu.memory_space<vmem_shared>>
    %dma_wait3A_1764 = arith.constant 0 : i32
    %dma_wait3A_1765 = arith.constant 0 : i32
    %dma_wait3A_1766 = tpu.memref_slice %dma_wait3A_1763[%dma_wait3A_1753, %dma_wait3A_1764, %dma_wait3A_1765] : memref<2x32x768xf32, #tpu.memory_space<vmem_shared>> -> memref<1x32x768xf32, #tpu.memory_space<vmem_shared>>
    %dma_wait3A_1767 = tpu.memref_squeeze %dma_wait3A_1766 : memref<1x32x768xf32, #tpu.memory_space<vmem_shared>> -> memref<32x768xf32, #tpu.memory_space<vmem_shared>>
    %dma_wait3A_1768 = tpu.memref_slice %arg9[%dma_wait3A_1754] : memref<3x!tpu.dma_semaphore, #tpu.memory_space<semaphore_mem>> -> memref<1x!tpu.dma_semaphore, #tpu.memory_space<semaphore_mem>>
    %dma_wait3A_1769 = tpu.memref_squeeze %dma_wait3A_1768 : memref<1x!tpu.dma_semaphore, #tpu.memory_space<semaphore_mem>> -> memref<!tpu.dma_semaphore, #tpu.memory_space<semaphore_mem>>
    %dma_wait3A_1770 = arith.constant 0 : i32
    %dma_wait3A_1771 = arith.constant 0 : i32
    %dma_wait3A_1772 = arith.constant 0 : i32
    %dma_wait3A_1773 = tpu.memref_slice %arg7[%arg1, %dma_wait3A_1770, %dma_wait3A_1771, %dma_wait3A_1772] : memref<16x2x32x768xf32, #tpu.memory_space<vmem_shared>> -> memref<1x2x32x768xf32, #tpu.memory_space<vmem_shared>>
    %dma_wait3A_1774 = tpu.memref_squeeze %dma_wait3A_1773 : memref<1x2x32x768xf32, #tpu.memory_space<vmem_shared>> -> memref<2x32x768xf32, #tpu.memory_space<vmem_shared>>
    %dma_wait3A_1775 = arith.constant 0 : i32
    %dma_wait3A_1776 = arith.constant 0 : i32
    %dma_wait3A_1777 = tpu.memref_slice %dma_wait3A_1774[%dma_wait3A_1753, %dma_wait3A_1775, %dma_wait3A_1776] : memref<2x32x768xf32, #tpu.memory_space<vmem_shared>> -> memref<1x32x768xf32, #tpu.memory_space<vmem_shared>>
    %dma_wait3A_1778 = tpu.memref_squeeze %dma_wait3A_1777 : memref<1x32x768xf32, #tpu.memory_space<vmem_shared>> -> memref<32x768xf32, #tpu.memory_space<vmem_shared>>
    %dma_wait3A_1779 = arith.constant 0 : i32
    %dma_wait3A_1780 = arith.constant 0 : i32
    %dma_wait3A_1781 = tpu.memref_slice %arg6[%dma_wait3A_1752, %dma_wait3A_1779, %dma_wait3A_1780] : memref<3x32x768xf32, #tpu.memory_space<vmem>> -> memref<1x32x768xf32, #tpu.memory_space<vmem>>
    %dma_wait3A_1782 = tpu.memref_squeeze %dma_wait3A_1781 : memref<1x32x768xf32, #tpu.memory_space<vmem>> -> memref<32x768xf32, #tpu.memory_space<vmem>>
    tpu.wait_dma2 semaphore(%dma_wait3A_1769 : memref<!tpu.dma_semaphore, #tpu.memory_space<semaphore_mem>>) src(%dma_wait3A_1782 : memref<32x768xf32, #tpu.memory_space<vmem>>) dst(%dma_wait3A_1778 : memref<32x768xf32, #tpu.memory_space<vmem_shared>>)
    %add3A_1783 = arith.constant 416 : i32
    %add3A_1784 = arith.addi %mul3A_2, %add3A_1783 : i32
    %dma_start3A_1785 = arith.constant 1 : i32
    %dma_start3A_1786 = arith.constant 1 : i32
    %dma_start3A_1787 = tpu.memref_slice %arg10[%dma_start3A_1786] : memref<2x!tpu.dma_semaphore, #tpu.memory_space<semaphore_mem>> -> memref<1x!tpu.dma_semaphore, #tpu.memory_space<semaphore_mem>>
    %dma_start3A_1788 = tpu.memref_squeeze %dma_start3A_1787 : memref<1x!tpu.dma_semaphore, #tpu.memory_space<semaphore_mem>> -> memref<!tpu.dma_semaphore, #tpu.memory_space<semaphore_mem>>
    %dma_start3A_1789 = arith.constant 0 : i32
    %dma_start3A_1790 = tpu.memref_slice %arg4[%add3A_1784, %dma_start3A_1789] : memref<16384x768xf32, #tpu.memory_space<hbm>> -> memref<32x768xf32, #tpu.memory_space<hbm>>
    %dma_start3A_1791 = arith.constant 0 : i32
    %dma_start3A_1792 = arith.constant 0 : i32
    %dma_start3A_1793 = arith.constant 0 : i32
    %dma_start3A_1794 = tpu.memref_slice %arg7[%arg1, %dma_start3A_1791, %dma_start3A_1792, %dma_start3A_1793] : memref<16x2x32x768xf32, #tpu.memory_space<vmem_shared>> -> memref<1x2x32x768xf32, #tpu.memory_space<vmem_shared>>
    %dma_start3A_1795 = tpu.memref_squeeze %dma_start3A_1794 : memref<1x2x32x768xf32, #tpu.memory_space<vmem_shared>> -> memref<2x32x768xf32, #tpu.memory_space<vmem_shared>>
    %dma_start3A_1796 = arith.constant 0 : i32
    %dma_start3A_1797 = arith.constant 0 : i32
    %dma_start3A_1798 = tpu.memref_slice %dma_start3A_1795[%dma_start3A_1785, %dma_start3A_1796, %dma_start3A_1797] : memref<2x32x768xf32, #tpu.memory_space<vmem_shared>> -> memref<1x32x768xf32, #tpu.memory_space<vmem_shared>>
    %dma_start3A_1799 = tpu.memref_squeeze %dma_start3A_1798 : memref<1x32x768xf32, #tpu.memory_space<vmem_shared>> -> memref<32x768xf32, #tpu.memory_space<vmem_shared>>
    tpu.enqueue_dma source(%dma_start3A_1799 : memref<32x768xf32, #tpu.memory_space<vmem_shared>>) target(%dma_start3A_1790 : memref<32x768xf32, #tpu.memory_space<hbm>>) target_semaphore(%dma_start3A_1788 : memref<!tpu.dma_semaphore, #tpu.memory_space<semaphore_mem>>)
    %dma_wait3A_1800 = arith.constant 15 : i32
    %dma_wait3A_1801 = arith.constant 0 : i32
    %dma_wait3A_1802 = arith.constant 0 : i32
    %dma_wait3A_1803 = arith.constant 0 : i32
    %dma_wait3A_1804 = arith.constant 0 : i32
    %dma_wait3A_1805 = tpu.memref_slice %arg6[%dma_wait3A_1801, %dma_wait3A_1803, %dma_wait3A_1804] : memref<3x32x768xf32, #tpu.memory_space<vmem>> -> memref<1x32x768xf32, #tpu.memory_space<vmem>>
    %dma_wait3A_1806 = tpu.memref_squeeze %dma_wait3A_1805 : memref<1x32x768xf32, #tpu.memory_space<vmem>> -> memref<32x768xf32, #tpu.memory_space<vmem>>
    %dma_wait3A_1807 = arith.constant 0 : i32
    %dma_wait3A_1808 = tpu.memref_slice %arg5[%dma_wait3A_1800, %dma_wait3A_1807] : memref<16x32xi32, #tpu.memory_space<vmem>> -> memref<1x32xi32, #tpu.memory_space<vmem>>
    %dma_wait3A_1809 = tpu.memref_squeeze %dma_wait3A_1808 : memref<1x32xi32, #tpu.memory_space<vmem>> -> memref<32xi32, #tpu.memory_space<vmem>>
    %dma_wait3A_1810 = arith.constant 0 : i32
    %dma_wait3A_1811 = arith.constant 0 : i32
    %dma_wait3A_1812 = tpu.memref_slice %arg3[%dma_wait3A_1810, %dma_wait3A_1811] : memref<100000x768xf32, #tpu.memory_space<hbm>> -> memref<100000x768xf32, #tpu.memory_space<hbm>>
    %dma_wait3A_1813 = tpu.memref_slice %arg8[%dma_wait3A_1802] : memref<3x!tpu.dma_semaphore, #tpu.memory_space<semaphore_mem>> -> memref<1x!tpu.dma_semaphore, #tpu.memory_space<semaphore_mem>>
    %dma_wait3A_1814 = tpu.memref_squeeze %dma_wait3A_1813 : memref<1x!tpu.dma_semaphore, #tpu.memory_space<semaphore_mem>> -> memref<!tpu.dma_semaphore, #tpu.memory_space<semaphore_mem>>
    tpu.wait_indirect_dma semaphore(%dma_wait3A_1814 : memref<!tpu.dma_semaphore, #tpu.memory_space<semaphore_mem>>) src(%dma_wait3A_1812 : memref<100000x768xf32, #tpu.memory_space<hbm>>) dst(%dma_wait3A_1806 : memref<32x768xf32, #tpu.memory_space<vmem>>)
    %dma_wait3A_1815 = arith.constant 1 : i32
    %dma_wait3A_1816 = arith.constant 1 : i32
    %dma_wait3A_1817 = tpu.memref_slice %arg10[%dma_wait3A_1816] : memref<2x!tpu.dma_semaphore, #tpu.memory_space<semaphore_mem>> -> memref<1x!tpu.dma_semaphore, #tpu.memory_space<semaphore_mem>>
    %dma_wait3A_1818 = tpu.memref_squeeze %dma_wait3A_1817 : memref<1x!tpu.dma_semaphore, #tpu.memory_space<semaphore_mem>> -> memref<!tpu.dma_semaphore, #tpu.memory_space<semaphore_mem>>
    %dma_wait3A_1819 = arith.constant 0 : i32
    %dma_wait3A_1820 = tpu.memref_slice %arg4[%add3A_1784, %dma_wait3A_1819] : memref<16384x768xf32, #tpu.memory_space<hbm>> -> memref<32x768xf32, #tpu.memory_space<hbm>>
    %dma_wait3A_1821 = arith.constant 0 : i32
    %dma_wait3A_1822 = arith.constant 0 : i32
    %dma_wait3A_1823 = arith.constant 0 : i32
    %dma_wait3A_1824 = tpu.memref_slice %arg7[%arg1, %dma_wait3A_1821, %dma_wait3A_1822, %dma_wait3A_1823] : memref<16x2x32x768xf32, #tpu.memory_space<vmem_shared>> -> memref<1x2x32x768xf32, #tpu.memory_space<vmem_shared>>
    %dma_wait3A_1825 = tpu.memref_squeeze %dma_wait3A_1824 : memref<1x2x32x768xf32, #tpu.memory_space<vmem_shared>> -> memref<2x32x768xf32, #tpu.memory_space<vmem_shared>>
    %dma_wait3A_1826 = arith.constant 0 : i32
    %dma_wait3A_1827 = arith.constant 0 : i32
    %dma_wait3A_1828 = tpu.memref_slice %dma_wait3A_1825[%dma_wait3A_1815, %dma_wait3A_1826, %dma_wait3A_1827] : memref<2x32x768xf32, #tpu.memory_space<vmem_shared>> -> memref<1x32x768xf32, #tpu.memory_space<vmem_shared>>
    %dma_wait3A_1829 = tpu.memref_squeeze %dma_wait3A_1828 : memref<1x32x768xf32, #tpu.memory_space<vmem_shared>> -> memref<32x768xf32, #tpu.memory_space<vmem_shared>>
    tpu.wait_dma2 semaphore(%dma_wait3A_1818 : memref<!tpu.dma_semaphore, #tpu.memory_space<semaphore_mem>>) src(%dma_wait3A_1829 : memref<32x768xf32, #tpu.memory_space<vmem_shared>>) dst(%dma_wait3A_1820 : memref<32x768xf32, #tpu.memory_space<hbm>>)
    %dma_start3A_1830 = arith.constant 0 : i32
    %dma_start3A_1831 = arith.constant 1 : i32
    %dma_start3A_1832 = arith.constant 0 : i32
    %dma_start3A_1833 = arith.constant 0 : i32
    %dma_start3A_1834 = arith.constant 0 : i32
    %dma_start3A_1835 = tpu.memref_slice %arg6[%dma_start3A_1830, %dma_start3A_1833, %dma_start3A_1834] : memref<3x32x768xf32, #tpu.memory_space<vmem>> -> memref<1x32x768xf32, #tpu.memory_space<vmem>>
    %dma_start3A_1836 = tpu.memref_squeeze %dma_start3A_1835 : memref<1x32x768xf32, #tpu.memory_space<vmem>> -> memref<32x768xf32, #tpu.memory_space<vmem>>
    %dma_start3A_1837 = arith.constant 0 : i32
    %dma_start3A_1838 = arith.constant 0 : i32
    %dma_start3A_1839 = arith.constant 0 : i32
    %dma_start3A_1840 = tpu.memref_slice %arg7[%arg1, %dma_start3A_1837, %dma_start3A_1838, %dma_start3A_1839] : memref<16x2x32x768xf32, #tpu.memory_space<vmem_shared>> -> memref<1x2x32x768xf32, #tpu.memory_space<vmem_shared>>
    %dma_start3A_1841 = tpu.memref_squeeze %dma_start3A_1840 : memref<1x2x32x768xf32, #tpu.memory_space<vmem_shared>> -> memref<2x32x768xf32, #tpu.memory_space<vmem_shared>>
    %dma_start3A_1842 = arith.constant 0 : i32
    %dma_start3A_1843 = arith.constant 0 : i32
    %dma_start3A_1844 = tpu.memref_slice %dma_start3A_1841[%dma_start3A_1831, %dma_start3A_1842, %dma_start3A_1843] : memref<2x32x768xf32, #tpu.memory_space<vmem_shared>> -> memref<1x32x768xf32, #tpu.memory_space<vmem_shared>>
    %dma_start3A_1845 = tpu.memref_squeeze %dma_start3A_1844 : memref<1x32x768xf32, #tpu.memory_space<vmem_shared>> -> memref<32x768xf32, #tpu.memory_space<vmem_shared>>
    %dma_start3A_1846 = tpu.memref_slice %arg9[%dma_start3A_1832] : memref<3x!tpu.dma_semaphore, #tpu.memory_space<semaphore_mem>> -> memref<1x!tpu.dma_semaphore, #tpu.memory_space<semaphore_mem>>
    %dma_start3A_1847 = tpu.memref_squeeze %dma_start3A_1846 : memref<1x!tpu.dma_semaphore, #tpu.memory_space<semaphore_mem>> -> memref<!tpu.dma_semaphore, #tpu.memory_space<semaphore_mem>>
    %dma_start3A_1848 = arith.constant 0 : i32
    %dma_start3A_1849 = arith.constant 0 : i32
    %dma_start3A_1850 = arith.constant 0 : i32
    %dma_start3A_1851 = tpu.memref_slice %arg7[%arg1, %dma_start3A_1848, %dma_start3A_1849, %dma_start3A_1850] : memref<16x2x32x768xf32, #tpu.memory_space<vmem_shared>> -> memref<1x2x32x768xf32, #tpu.memory_space<vmem_shared>>
    %dma_start3A_1852 = tpu.memref_squeeze %dma_start3A_1851 : memref<1x2x32x768xf32, #tpu.memory_space<vmem_shared>> -> memref<2x32x768xf32, #tpu.memory_space<vmem_shared>>
    %dma_start3A_1853 = arith.constant 0 : i32
    %dma_start3A_1854 = arith.constant 0 : i32
    %dma_start3A_1855 = tpu.memref_slice %dma_start3A_1852[%dma_start3A_1831, %dma_start3A_1853, %dma_start3A_1854] : memref<2x32x768xf32, #tpu.memory_space<vmem_shared>> -> memref<1x32x768xf32, #tpu.memory_space<vmem_shared>>
    %dma_start3A_1856 = tpu.memref_squeeze %dma_start3A_1855 : memref<1x32x768xf32, #tpu.memory_space<vmem_shared>> -> memref<32x768xf32, #tpu.memory_space<vmem_shared>>
    %dma_start3A_1857 = arith.constant 0 : i32
    %dma_start3A_1858 = arith.constant 0 : i32
    %dma_start3A_1859 = tpu.memref_slice %arg6[%dma_start3A_1830, %dma_start3A_1857, %dma_start3A_1858] : memref<3x32x768xf32, #tpu.memory_space<vmem>> -> memref<1x32x768xf32, #tpu.memory_space<vmem>>
    %dma_start3A_1860 = tpu.memref_squeeze %dma_start3A_1859 : memref<1x32x768xf32, #tpu.memory_space<vmem>> -> memref<32x768xf32, #tpu.memory_space<vmem>>
    tpu.enqueue_dma source(%dma_start3A_1860 : memref<32x768xf32, #tpu.memory_space<vmem>>) target(%dma_start3A_1856 : memref<32x768xf32, #tpu.memory_space<vmem_shared>>) target_semaphore(%dma_start3A_1847 : memref<!tpu.dma_semaphore, #tpu.memory_space<semaphore_mem>>)
    %dma_wait3A_1861 = arith.constant 2 : i32
    %dma_wait3A_1862 = arith.constant 0 : i32
    %dma_wait3A_1863 = arith.constant 2 : i32
    %dma_wait3A_1864 = arith.constant 0 : i32
    %dma_wait3A_1865 = arith.constant 0 : i32
    %dma_wait3A_1866 = tpu.memref_slice %arg6[%dma_wait3A_1861, %dma_wait3A_1864, %dma_wait3A_1865] : memref<3x32x768xf32, #tpu.memory_space<vmem>> -> memref<1x32x768xf32, #tpu.memory_space<vmem>>
    %dma_wait3A_1867 = tpu.memref_squeeze %dma_wait3A_1866 : memref<1x32x768xf32, #tpu.memory_space<vmem>> -> memref<32x768xf32, #tpu.memory_space<vmem>>
    %dma_wait3A_1868 = arith.constant 0 : i32
    %dma_wait3A_1869 = arith.constant 0 : i32
    %dma_wait3A_1870 = arith.constant 0 : i32
    %dma_wait3A_1871 = tpu.memref_slice %arg7[%arg1, %dma_wait3A_1868, %dma_wait3A_1869, %dma_wait3A_1870] : memref<16x2x32x768xf32, #tpu.memory_space<vmem_shared>> -> memref<1x2x32x768xf32, #tpu.memory_space<vmem_shared>>
    %dma_wait3A_1872 = tpu.memref_squeeze %dma_wait3A_1871 : memref<1x2x32x768xf32, #tpu.memory_space<vmem_shared>> -> memref<2x32x768xf32, #tpu.memory_space<vmem_shared>>
    %dma_wait3A_1873 = arith.constant 0 : i32
    %dma_wait3A_1874 = arith.constant 0 : i32
    %dma_wait3A_1875 = tpu.memref_slice %dma_wait3A_1872[%dma_wait3A_1862, %dma_wait3A_1873, %dma_wait3A_1874] : memref<2x32x768xf32, #tpu.memory_space<vmem_shared>> -> memref<1x32x768xf32, #tpu.memory_space<vmem_shared>>
    %dma_wait3A_1876 = tpu.memref_squeeze %dma_wait3A_1875 : memref<1x32x768xf32, #tpu.memory_space<vmem_shared>> -> memref<32x768xf32, #tpu.memory_space<vmem_shared>>
    %dma_wait3A_1877 = tpu.memref_slice %arg9[%dma_wait3A_1863] : memref<3x!tpu.dma_semaphore, #tpu.memory_space<semaphore_mem>> -> memref<1x!tpu.dma_semaphore, #tpu.memory_space<semaphore_mem>>
    %dma_wait3A_1878 = tpu.memref_squeeze %dma_wait3A_1877 : memref<1x!tpu.dma_semaphore, #tpu.memory_space<semaphore_mem>> -> memref<!tpu.dma_semaphore, #tpu.memory_space<semaphore_mem>>
    %dma_wait3A_1879 = arith.constant 0 : i32
    %dma_wait3A_1880 = arith.constant 0 : i32
    %dma_wait3A_1881 = arith.constant 0 : i32
    %dma_wait3A_1882 = tpu.memref_slice %arg7[%arg1, %dma_wait3A_1879, %dma_wait3A_1880, %dma_wait3A_1881] : memref<16x2x32x768xf32, #tpu.memory_space<vmem_shared>> -> memref<1x2x32x768xf32, #tpu.memory_space<vmem_shared>>
    %dma_wait3A_1883 = tpu.memref_squeeze %dma_wait3A_1882 : memref<1x2x32x768xf32, #tpu.memory_space<vmem_shared>> -> memref<2x32x768xf32, #tpu.memory_space<vmem_shared>>
    %dma_wait3A_1884 = arith.constant 0 : i32
    %dma_wait3A_1885 = arith.constant 0 : i32
    %dma_wait3A_1886 = tpu.memref_slice %dma_wait3A_1883[%dma_wait3A_1862, %dma_wait3A_1884, %dma_wait3A_1885] : memref<2x32x768xf32, #tpu.memory_space<vmem_shared>> -> memref<1x32x768xf32, #tpu.memory_space<vmem_shared>>
    %dma_wait3A_1887 = tpu.memref_squeeze %dma_wait3A_1886 : memref<1x32x768xf32, #tpu.memory_space<vmem_shared>> -> memref<32x768xf32, #tpu.memory_space<vmem_shared>>
    %dma_wait3A_1888 = arith.constant 0 : i32
    %dma_wait3A_1889 = arith.constant 0 : i32
    %dma_wait3A_1890 = tpu.memref_slice %arg6[%dma_wait3A_1861, %dma_wait3A_1888, %dma_wait3A_1889] : memref<3x32x768xf32, #tpu.memory_space<vmem>> -> memref<1x32x768xf32, #tpu.memory_space<vmem>>
    %dma_wait3A_1891 = tpu.memref_squeeze %dma_wait3A_1890 : memref<1x32x768xf32, #tpu.memory_space<vmem>> -> memref<32x768xf32, #tpu.memory_space<vmem>>
    tpu.wait_dma2 semaphore(%dma_wait3A_1878 : memref<!tpu.dma_semaphore, #tpu.memory_space<semaphore_mem>>) src(%dma_wait3A_1891 : memref<32x768xf32, #tpu.memory_space<vmem>>) dst(%dma_wait3A_1887 : memref<32x768xf32, #tpu.memory_space<vmem_shared>>)
    %add3A_1892 = arith.constant 448 : i32
    %add3A_1893 = arith.addi %mul3A_2, %add3A_1892 : i32
    %dma_start3A_1894 = arith.constant 0 : i32
    %dma_start3A_1895 = arith.constant 0 : i32
    %dma_start3A_1896 = tpu.memref_slice %arg10[%dma_start3A_1895] : memref<2x!tpu.dma_semaphore, #tpu.memory_space<semaphore_mem>> -> memref<1x!tpu.dma_semaphore, #tpu.memory_space<semaphore_mem>>
    %dma_start3A_1897 = tpu.memref_squeeze %dma_start3A_1896 : memref<1x!tpu.dma_semaphore, #tpu.memory_space<semaphore_mem>> -> memref<!tpu.dma_semaphore, #tpu.memory_space<semaphore_mem>>
    %dma_start3A_1898 = arith.constant 0 : i32
    %dma_start3A_1899 = tpu.memref_slice %arg4[%add3A_1893, %dma_start3A_1898] : memref<16384x768xf32, #tpu.memory_space<hbm>> -> memref<32x768xf32, #tpu.memory_space<hbm>>
    %dma_start3A_1900 = arith.constant 0 : i32
    %dma_start3A_1901 = arith.constant 0 : i32
    %dma_start3A_1902 = arith.constant 0 : i32
    %dma_start3A_1903 = tpu.memref_slice %arg7[%arg1, %dma_start3A_1900, %dma_start3A_1901, %dma_start3A_1902] : memref<16x2x32x768xf32, #tpu.memory_space<vmem_shared>> -> memref<1x2x32x768xf32, #tpu.memory_space<vmem_shared>>
    %dma_start3A_1904 = tpu.memref_squeeze %dma_start3A_1903 : memref<1x2x32x768xf32, #tpu.memory_space<vmem_shared>> -> memref<2x32x768xf32, #tpu.memory_space<vmem_shared>>
    %dma_start3A_1905 = arith.constant 0 : i32
    %dma_start3A_1906 = arith.constant 0 : i32
    %dma_start3A_1907 = tpu.memref_slice %dma_start3A_1904[%dma_start3A_1894, %dma_start3A_1905, %dma_start3A_1906] : memref<2x32x768xf32, #tpu.memory_space<vmem_shared>> -> memref<1x32x768xf32, #tpu.memory_space<vmem_shared>>
    %dma_start3A_1908 = tpu.memref_squeeze %dma_start3A_1907 : memref<1x32x768xf32, #tpu.memory_space<vmem_shared>> -> memref<32x768xf32, #tpu.memory_space<vmem_shared>>
    tpu.enqueue_dma source(%dma_start3A_1908 : memref<32x768xf32, #tpu.memory_space<vmem_shared>>) target(%dma_start3A_1899 : memref<32x768xf32, #tpu.memory_space<hbm>>) target_semaphore(%dma_start3A_1897 : memref<!tpu.dma_semaphore, #tpu.memory_space<semaphore_mem>>)
    %dma_wait3A_1909 = arith.constant 0 : i32
    %dma_wait3A_1910 = arith.constant 1 : i32
    %dma_wait3A_1911 = arith.constant 0 : i32
    %dma_wait3A_1912 = arith.constant 0 : i32
    %dma_wait3A_1913 = arith.constant 0 : i32
    %dma_wait3A_1914 = tpu.memref_slice %arg6[%dma_wait3A_1909, %dma_wait3A_1912, %dma_wait3A_1913] : memref<3x32x768xf32, #tpu.memory_space<vmem>> -> memref<1x32x768xf32, #tpu.memory_space<vmem>>
    %dma_wait3A_1915 = tpu.memref_squeeze %dma_wait3A_1914 : memref<1x32x768xf32, #tpu.memory_space<vmem>> -> memref<32x768xf32, #tpu.memory_space<vmem>>
    %dma_wait3A_1916 = arith.constant 0 : i32
    %dma_wait3A_1917 = arith.constant 0 : i32
    %dma_wait3A_1918 = arith.constant 0 : i32
    %dma_wait3A_1919 = tpu.memref_slice %arg7[%arg1, %dma_wait3A_1916, %dma_wait3A_1917, %dma_wait3A_1918] : memref<16x2x32x768xf32, #tpu.memory_space<vmem_shared>> -> memref<1x2x32x768xf32, #tpu.memory_space<vmem_shared>>
    %dma_wait3A_1920 = tpu.memref_squeeze %dma_wait3A_1919 : memref<1x2x32x768xf32, #tpu.memory_space<vmem_shared>> -> memref<2x32x768xf32, #tpu.memory_space<vmem_shared>>
    %dma_wait3A_1921 = arith.constant 0 : i32
    %dma_wait3A_1922 = arith.constant 0 : i32
    %dma_wait3A_1923 = tpu.memref_slice %dma_wait3A_1920[%dma_wait3A_1910, %dma_wait3A_1921, %dma_wait3A_1922] : memref<2x32x768xf32, #tpu.memory_space<vmem_shared>> -> memref<1x32x768xf32, #tpu.memory_space<vmem_shared>>
    %dma_wait3A_1924 = tpu.memref_squeeze %dma_wait3A_1923 : memref<1x32x768xf32, #tpu.memory_space<vmem_shared>> -> memref<32x768xf32, #tpu.memory_space<vmem_shared>>
    %dma_wait3A_1925 = tpu.memref_slice %arg9[%dma_wait3A_1911] : memref<3x!tpu.dma_semaphore, #tpu.memory_space<semaphore_mem>> -> memref<1x!tpu.dma_semaphore, #tpu.memory_space<semaphore_mem>>
    %dma_wait3A_1926 = tpu.memref_squeeze %dma_wait3A_1925 : memref<1x!tpu.dma_semaphore, #tpu.memory_space<semaphore_mem>> -> memref<!tpu.dma_semaphore, #tpu.memory_space<semaphore_mem>>
    %dma_wait3A_1927 = arith.constant 0 : i32
    %dma_wait3A_1928 = arith.constant 0 : i32
    %dma_wait3A_1929 = arith.constant 0 : i32
    %dma_wait3A_1930 = tpu.memref_slice %arg7[%arg1, %dma_wait3A_1927, %dma_wait3A_1928, %dma_wait3A_1929] : memref<16x2x32x768xf32, #tpu.memory_space<vmem_shared>> -> memref<1x2x32x768xf32, #tpu.memory_space<vmem_shared>>
    %dma_wait3A_1931 = tpu.memref_squeeze %dma_wait3A_1930 : memref<1x2x32x768xf32, #tpu.memory_space<vmem_shared>> -> memref<2x32x768xf32, #tpu.memory_space<vmem_shared>>
    %dma_wait3A_1932 = arith.constant 0 : i32
    %dma_wait3A_1933 = arith.constant 0 : i32
    %dma_wait3A_1934 = tpu.memref_slice %dma_wait3A_1931[%dma_wait3A_1910, %dma_wait3A_1932, %dma_wait3A_1933] : memref<2x32x768xf32, #tpu.memory_space<vmem_shared>> -> memref<1x32x768xf32, #tpu.memory_space<vmem_shared>>
    %dma_wait3A_1935 = tpu.memref_squeeze %dma_wait3A_1934 : memref<1x32x768xf32, #tpu.memory_space<vmem_shared>> -> memref<32x768xf32, #tpu.memory_space<vmem_shared>>
    %dma_wait3A_1936 = arith.constant 0 : i32
    %dma_wait3A_1937 = arith.constant 0 : i32
    %dma_wait3A_1938 = tpu.memref_slice %arg6[%dma_wait3A_1909, %dma_wait3A_1936, %dma_wait3A_1937] : memref<3x32x768xf32, #tpu.memory_space<vmem>> -> memref<1x32x768xf32, #tpu.memory_space<vmem>>
    %dma_wait3A_1939 = tpu.memref_squeeze %dma_wait3A_1938 : memref<1x32x768xf32, #tpu.memory_space<vmem>> -> memref<32x768xf32, #tpu.memory_space<vmem>>
    tpu.wait_dma2 semaphore(%dma_wait3A_1926 : memref<!tpu.dma_semaphore, #tpu.memory_space<semaphore_mem>>) src(%dma_wait3A_1939 : memref<32x768xf32, #tpu.memory_space<vmem>>) dst(%dma_wait3A_1935 : memref<32x768xf32, #tpu.memory_space<vmem_shared>>)
    %add3A_1940 = arith.constant 480 : i32
    %add3A_1941 = arith.addi %mul3A_2, %add3A_1940 : i32
    %dma_start3A_1942 = arith.constant 1 : i32
    %dma_start3A_1943 = arith.constant 1 : i32
    %dma_start3A_1944 = tpu.memref_slice %arg10[%dma_start3A_1943] : memref<2x!tpu.dma_semaphore, #tpu.memory_space<semaphore_mem>> -> memref<1x!tpu.dma_semaphore, #tpu.memory_space<semaphore_mem>>
    %dma_start3A_1945 = tpu.memref_squeeze %dma_start3A_1944 : memref<1x!tpu.dma_semaphore, #tpu.memory_space<semaphore_mem>> -> memref<!tpu.dma_semaphore, #tpu.memory_space<semaphore_mem>>
    %dma_start3A_1946 = arith.constant 0 : i32
    %dma_start3A_1947 = tpu.memref_slice %arg4[%add3A_1941, %dma_start3A_1946] : memref<16384x768xf32, #tpu.memory_space<hbm>> -> memref<32x768xf32, #tpu.memory_space<hbm>>
    %dma_start3A_1948 = arith.constant 0 : i32
    %dma_start3A_1949 = arith.constant 0 : i32
    %dma_start3A_1950 = arith.constant 0 : i32
    %dma_start3A_1951 = tpu.memref_slice %arg7[%arg1, %dma_start3A_1948, %dma_start3A_1949, %dma_start3A_1950] : memref<16x2x32x768xf32, #tpu.memory_space<vmem_shared>> -> memref<1x2x32x768xf32, #tpu.memory_space<vmem_shared>>
    %dma_start3A_1952 = tpu.memref_squeeze %dma_start3A_1951 : memref<1x2x32x768xf32, #tpu.memory_space<vmem_shared>> -> memref<2x32x768xf32, #tpu.memory_space<vmem_shared>>
    %dma_start3A_1953 = arith.constant 0 : i32
    %dma_start3A_1954 = arith.constant 0 : i32
    %dma_start3A_1955 = tpu.memref_slice %dma_start3A_1952[%dma_start3A_1942, %dma_start3A_1953, %dma_start3A_1954] : memref<2x32x768xf32, #tpu.memory_space<vmem_shared>> -> memref<1x32x768xf32, #tpu.memory_space<vmem_shared>>
    %dma_start3A_1956 = tpu.memref_squeeze %dma_start3A_1955 : memref<1x32x768xf32, #tpu.memory_space<vmem_shared>> -> memref<32x768xf32, #tpu.memory_space<vmem_shared>>
    tpu.enqueue_dma source(%dma_start3A_1956 : memref<32x768xf32, #tpu.memory_space<vmem_shared>>) target(%dma_start3A_1947 : memref<32x768xf32, #tpu.memory_space<hbm>>) target_semaphore(%dma_start3A_1945 : memref<!tpu.dma_semaphore, #tpu.memory_space<semaphore_mem>>)
    %dma_wait3A_1957 = arith.constant 0 : i32
    %dma_wait3A_1958 = arith.constant 0 : i32
    %dma_wait3A_1959 = tpu.memref_slice %arg10[%dma_wait3A_1958] : memref<2x!tpu.dma_semaphore, #tpu.memory_space<semaphore_mem>> -> memref<1x!tpu.dma_semaphore, #tpu.memory_space<semaphore_mem>>
    %dma_wait3A_1960 = tpu.memref_squeeze %dma_wait3A_1959 : memref<1x!tpu.dma_semaphore, #tpu.memory_space<semaphore_mem>> -> memref<!tpu.dma_semaphore, #tpu.memory_space<semaphore_mem>>
    %dma_wait3A_1961 = arith.constant 0 : i32
    %dma_wait3A_1962 = tpu.memref_slice %arg4[%add3A_1893, %dma_wait3A_1961] : memref<16384x768xf32, #tpu.memory_space<hbm>> -> memref<32x768xf32, #tpu.memory_space<hbm>>
    %dma_wait3A_1963 = arith.constant 0 : i32
    %dma_wait3A_1964 = arith.constant 0 : i32
    %dma_wait3A_1965 = arith.constant 0 : i32
    %dma_wait3A_1966 = tpu.memref_slice %arg7[%arg1, %dma_wait3A_1963, %dma_wait3A_1964, %dma_wait3A_1965] : memref<16x2x32x768xf32, #tpu.memory_space<vmem_shared>> -> memref<1x2x32x768xf32, #tpu.memory_space<vmem_shared>>
    %dma_wait3A_1967 = tpu.memref_squeeze %dma_wait3A_1966 : memref<1x2x32x768xf32, #tpu.memory_space<vmem_shared>> -> memref<2x32x768xf32, #tpu.memory_space<vmem_shared>>
    %dma_wait3A_1968 = arith.constant 0 : i32
    %dma_wait3A_1969 = arith.constant 0 : i32
    %dma_wait3A_1970 = tpu.memref_slice %dma_wait3A_1967[%dma_wait3A_1957, %dma_wait3A_1968, %dma_wait3A_1969] : memref<2x32x768xf32, #tpu.memory_space<vmem_shared>> -> memref<1x32x768xf32, #tpu.memory_space<vmem_shared>>
    %dma_wait3A_1971 = tpu.memref_squeeze %dma_wait3A_1970 : memref<1x32x768xf32, #tpu.memory_space<vmem_shared>> -> memref<32x768xf32, #tpu.memory_space<vmem_shared>>
    tpu.wait_dma2 semaphore(%dma_wait3A_1960 : memref<!tpu.dma_semaphore, #tpu.memory_space<semaphore_mem>>) src(%dma_wait3A_1971 : memref<32x768xf32, #tpu.memory_space<vmem_shared>>) dst(%dma_wait3A_1962 : memref<32x768xf32, #tpu.memory_space<hbm>>)
    %dma_wait3A_1972 = arith.constant 1 : i32
    %dma_wait3A_1973 = arith.constant 1 : i32
    %dma_wait3A_1974 = tpu.memref_slice %arg10[%dma_wait3A_1973] : memref<2x!tpu.dma_semaphore, #tpu.memory_space<semaphore_mem>> -> memref<1x!tpu.dma_semaphore, #tpu.memory_space<semaphore_mem>>
    %dma_wait3A_1975 = tpu.memref_squeeze %dma_wait3A_1974 : memref<1x!tpu.dma_semaphore, #tpu.memory_space<semaphore_mem>> -> memref<!tpu.dma_semaphore, #tpu.memory_space<semaphore_mem>>
    %dma_wait3A_1976 = arith.constant 0 : i32
    %dma_wait3A_1977 = tpu.memref_slice %arg4[%add3A_1941, %dma_wait3A_1976] : memref<16384x768xf32, #tpu.memory_space<hbm>> -> memref<32x768xf32, #tpu.memory_space<hbm>>
    %dma_wait3A_1978 = arith.constant 0 : i32
    %dma_wait3A_1979 = arith.constant 0 : i32
    %dma_wait3A_1980 = arith.constant 0 : i32
    %dma_wait3A_1981 = tpu.memref_slice %arg7[%arg1, %dma_wait3A_1978, %dma_wait3A_1979, %dma_wait3A_1980] : memref<16x2x32x768xf32, #tpu.memory_space<vmem_shared>> -> memref<1x2x32x768xf32, #tpu.memory_space<vmem_shared>>
    %dma_wait3A_1982 = tpu.memref_squeeze %dma_wait3A_1981 : memref<1x2x32x768xf32, #tpu.memory_space<vmem_shared>> -> memref<2x32x768xf32, #tpu.memory_space<vmem_shared>>
    %dma_wait3A_1983 = arith.constant 0 : i32
    %dma_wait3A_1984 = arith.constant 0 : i32
    %dma_wait3A_1985 = tpu.memref_slice %dma_wait3A_1982[%dma_wait3A_1972, %dma_wait3A_1983, %dma_wait3A_1984] : memref<2x32x768xf32, #tpu.memory_space<vmem_shared>> -> memref<1x32x768xf32, #tpu.memory_space<vmem_shared>>
    %dma_wait3A_1986 = tpu.memref_squeeze %dma_wait3A_1985 : memref<1x32x768xf32, #tpu.memory_space<vmem_shared>> -> memref<32x768xf32, #tpu.memory_space<vmem_shared>>
    tpu.wait_dma2 semaphore(%dma_wait3A_1975 : memref<!tpu.dma_semaphore, #tpu.memory_space<semaphore_mem>>) src(%dma_wait3A_1986 : memref<32x768xf32, #tpu.memory_space<vmem_shared>>) dst(%dma_wait3A_1977 : memref<32x768xf32, #tpu.memory_space<hbm>>)
    return
  }
}

</mosaic_0001>

<sc_bundles>
// kernel: kernel.3.cloned.1.call-start
scs
__scs_entry_jumppad:
0x0: {  	(pc) =	sbr.rel $0x88, $3  }
0x1: {  	(tag) =	ssettag $0x0;
	lr =	simm.s32 $0x1  }
0x2: {  	[smem:$0x3F9F] =	sst lr;
	_ =	strace $0xD0000000  }
0x3: {  	_ = 	snop  }
0x4: {  	_ = 	snop  }
0x5: {  	_ = 	snop  }
0x6: {  	_ = 	snop  }
0x7: {  	_ = 	snop  }
__scs_overlays_trampoline_lowered:
0x8: {  	[smem:$0x3FAE] =	sst s0  }
0x9: {  	[smem:$0x3FAF] =	sst s1  }
0xa: {  	[smem:$0x3FB0] =	sst s2  }
0xb: {  	[smem:$0x3FB1] =	sst s3  }
0xc: {  	[smem:$0x3FB2] =	sst s4  }
0xd: {  	[smem:$0x3FB3] =	sst s5  }
0xe: {  	[smem:$0x3FB4] =	sst s6  }
0xf: {  	[smem:$0x3FB5] =	sst s7  }
0x10: {  	[smem:$0x3FB6] =	sst s8  }
0x11: {  	[smem:$0x3FB7] =	sst s9;
	s0 =	simm.s32 @!p0 $0x0  }
0x12: {  	s1 =	sld [smem:$0x3F9D];
	s0 =	simm.s32 @p0 $0x1  }
0x13: {  	[smem:$0x3FB8] =	sst s0;
	s0 =	simm.s32 @!p1 $0x0  }
0x14: {  	s2 =	sld [smem:$0x3F9C];
	s0 =	simm.s32 @p1 $0x1  }
0x15: {  	[smem:$0x3FB9] =	sst s0;
	s0 =	simm.s32 @!p2 $0x0  }
0x16: {  	s3 =	sld [smem:$0x3FDB];
	s0 =	simm.s32 @p2 $0x1  }
0x17: {  	s4 =	simm.s32 $0x1BF5;
	[smem:$0x3FBB] =	sst s0  }
0x18: {  	s0 =	sld [smem:$0x3F9E];
	_ =	swait.ge [sflag:s4], $0x0  }
0x19: {  	s7 =	sld [smem:$0x3F9F]  }
0x1a: {  	s8 =	sadd.s32 $0xFFFFE003, lr  }
0x1b: {  	s9 =	sadd.s32 $0xFFFFFEF7, lr;
	s5 =	simm.s32 $0xFFFFFFFF;
	p2 =	slt.u32 s8, $0xFFFFF086  }
0x1c: {  	p1 =	slt.u32 s9, $0xF7A;
	s5 =	simm.s32 @!p2 $0x0  }
0x1d: {  	s5 =	simm.s32 @p1 $0x1;
	p0 =	seq.s32 s7, s2  }
0x1e: {  	s7 =	smul.u32 @!p0 $0xF7A, s2;
	p2 =	seq.s32 @!p0 s5, $0x0  }
0x1f: {  	s9 =	smul.u32 $0xF7A, s1;
	s8 =	simm.s32 @!p0 $0x1BF5;
	p2 =	por !p2, p0  }
0x20: {  	[sflag:s8] =	ssyncset.s32 @!p0 $0xFFFFF086;
	s6 =	sadd.s32 @!p0 s3, s7;
	s7 =	simm.s32 @!p0 $0x108  }
0x21: {  	s3 =	sadd.s32 s3, s9;
	s6 =	sadd.s32 @!p0 $0x88, s6;
	s7 =	simm.s32 @p2 $0x1082  }
0x22: {  	[simem:s7], [sflag:s8] =	dma.local @!p0 [hbm:s6], $0xF7A  }
0x23: {  	s9 =	sor.u32 $0xD0000000, s2;
	s6 =	simm.s32 $0x108;
	_ =	swait.ge @!p0 [sflag:s8], $0x0  }
0x24: {  	s3 =	sadd.s32 $0x88, s3;
	s6 =	simm.s32 @!p1 $0x1082;
	[sflag:s4] =	ssyncset.s32 $0xFFFFF086  }
0x25: {  	[simem:s6], [sflag:s4] =	dma.local [hbm:s3], $0xF7A  }
0x26: {  	[smem:$0x3F9F] =	sst s1;
	(tag) =	ssettag s2;
	_ =	strace s9  }
0x27: {  	s1 =	sld [smem:$0x3FAF]  }
0x28: {  	s2 =	sld [smem:$0x3FB0]  }
0x29: {  	s4 =	sld [smem:$0x3FB2]  }
0x2a: {  	p0 =	seq.s32 s5, $0x0;
	s5 =	sld [smem:$0x3FB3]  }
0x2b: {  	s6 =	sld [smem:$0x3FB4]  }
0x2c: {  	s7 =	sld [smem:$0x3FB5]  }
0x2d: {  	s3 =	simm.s32 $0x108;
	s8 =	sld [smem:$0x3FB6]  }
0x2e: {  	s3 =	simm.s32 @!p0 $0x1082;
	s9 =	sld [smem:$0x3FB7]  }
0x2f: {  	lr =	sadd.s32 s0, s3;
	s0 =	sld [smem:$0x3FAE]  }
0x30: {  	s3 =	sld [smem:$0x3FB1]  }
0x31: {  	[smem:$0x3FBA] =	sst s10  }
0x32: {  	s10 =	sld [smem:$0x3FB8];
	_ =	sdelay $0x3  }
0x33: {  	p0 =	seq.s32 s10, $0x1;
	s10 =	sld [smem:$0x3FBA];
	_ =	sdelay $0x3  }
0x34: {  	[smem:$0x3FBA] =	sst s10  }
0x35: {  	s10 =	sld [smem:$0x3FB9];
	_ =	sdelay $0x3  }
0x36: {  	p1 =	seq.s32 s10, $0x1;
	s10 =	sld [smem:$0x3FBA];
	_ =	sdelay $0x3  }
0x37: {  	[smem:$0x3FBA] =	sst s10  }
0x38: {  	s10 =	sld [smem:$0x3FBB]  }
0x39: {  	_ = 	snop;
	(pc) =	sbr.ind lr, $3  }
0x3a: {  	_ = 	snop  }
0x3b: {  	_ = 	snop  }
0x3c: {  	p2 =	seq.s32 s10, $0x1;
	s10 =	sld [smem:$0x3FBA]  }
0x3d: {  	_ =	shalt  }
0x3e: {  	_ =	shalt  }
0x3f: {  	_ =	shalt  }
0x40: {  	_ =	shalt  }
0x41: {  	_ =	shalt  }
0x42: {  	_ =	shalt  }
0x43: {  	_ =	shalt  }
0x44: {  	_ =	shalt  }
0x45: {  	_ =	shalt  }
0x46: {  	_ =	shalt  }
0x47: {  	_ =	shalt  }
0x48: {  	_ =	shalt  }
0x49: {  	_ =	shalt  }
0x4a: {  	_ =	shalt  }
0x4b: {  	_ =	shalt  }
0x4c: {  	_ =	shalt  }
0x4d: {  	_ =	shalt  }
0x4e: {  	_ =	shalt  }
0x4f: {  	_ =	shalt  }
0x50: {  	_ =	shalt  }
0x51: {  	_ =	shalt  }
0x52: {  	_ =	shalt  }
0x53: {  	_ =	shalt  }
0x54: {  	_ =	shalt  }
0x55: {  	_ =	shalt  }
0x56: {  	_ =	shalt  }
0x57: {  	_ =	shalt  }
0x58: {  	_ =	shalt  }
0x59: {  	_ =	shalt  }
0x5a: {  	_ =	shalt  }
0x5b: {  	_ =	shalt  }
0x5c: {  	_ =	shalt  }
0x5d: {  	_ =	shalt  }
0x5e: {  	_ =	shalt  }
0x5f: {  	_ =	shalt  }
0x60: {  	_ =	shalt  }
0x61: {  	_ =	shalt  }
0x62: {  	_ =	shalt  }
0x63: {  	_ =	shalt  }
0x64: {  	_ =	shalt  }
0x65: {  	_ =	shalt  }
0x66: {  	_ =	shalt  }
0x67: {  	_ =	shalt  }
0x68: {  	_ =	shalt  }
0x69: {  	_ =	shalt  }
0x6a: {  	_ =	shalt  }
0x6b: {  	_ =	shalt  }
0x6c: {  	_ =	shalt  }
0x6d: {  	_ =	shalt  }
0x6e: {  	_ =	shalt  }
0x6f: {  	_ =	shalt  }
0x70: {  	_ =	shalt  }
0x71: {  	_ =	shalt  }
0x72: {  	_ =	shalt  }
0x73: {  	_ =	shalt  }
0x74: {  	_ =	shalt  }
0x75: {  	_ =	shalt  }
0x76: {  	_ =	shalt  }
0x77: {  	_ =	shalt  }
0x78: {  	_ =	shalt  }
0x79: {  	_ =	shalt  }
0x7a: {  	_ =	shalt  }
0x7b: {  	_ =	shalt  }
0x7c: {  	_ =	shalt  }
0x7d: {  	_ =	shalt  }
0x7e: {  	_ =	shalt  }
0x7f: {  	_ =	shalt  }
0x80: {  	_ =	shalt  }
0x81: {  	_ =	shalt  }
0x82: {  	_ =	shalt  }
0x83: {  	_ =	shalt  }
0x84: {  	_ =	shalt  }
0x85: {  	_ =	shalt  }
0x86: {  	_ =	shalt  }
0x87: {  	_ =	shalt  }
.Lfunc_end0:
.L_simem_size_0:
called_computation_lowered:
.L_overlay_start_0:
0x88: {  	s2 =	sld [smem:$0x3FD9]  }
0x89: {  	s3 =	sld [smem:$0x3FFE];
	_ =	sdelay $0x1  }
0x8a: {  	s1 =	srdreg.scid  }
0x8b: {  	s0 =	sand.u32 $0x1, s1  }
0x8c: {  	s17 =	sshll.u32 s0, $0xA;
	s2 =	sadd.s32 s3, s2  }
0x8d: {  	s2 =	sadd.s32 s2, s17  }
0x8e: {  	[smem:$0x3FC6] =	sst s2  }
0x8f: {  	_ = 	snop  }
0x90: {  	s2 =	sld [smem:$0x3FC8]  }
0x91: {  	s18 =	sld [smem:$0x3FD0];
	(tm) =	ssettm $0x1  }
0x92: {  	s4 =	sld [smem:$0x3FFB];
	_ =	sdelay $0x3  }
0x93: {  	_ =	strace s4  }
0x94: {  	s4 =	sld [smem:$0x3FFC];
	_ =	sdelay $0x3  }
0x95: {  	_ =	strace s4  }
0x96: {  	s4 =	sld [smem:$0x3FFD];
	_ =	sdelay $0x3  }
0x97: {  	_ =	strace s4  }
0x98: {  	_ =	strace $0x8FFFFFFF  }
0x99: {  	s19 =	sld [smem:$0x3FDB];
	_ =	sdelay $0x1  }
0x9a: {  	s5 =	simm.s32 $_scs_section_size  }
0x9b: {  	s6 =	simm.s32 $_size__tile_overlayer_lowered;
	s7 =	simm.s32 $_tile_overlayer_lowered  }
0x9c: {  	s22 =	simm.s32 $0x1BFF;
	s21 =	sshll.u32 s7, $0x1;
	s4 =	sadd.s32 s5, s19  }
0x9d: {  	s8 =	simm.s32 $0x0;
	s20 =	sshll.u32 s6, $0x1;
	s6 =	sadd.s32 s21, s4  }
0x9e: {  	[timem:s8], [sflag:s22] =	dma.local [hbm:s6], s20  }
0x9f: {  	_ =	swait.ge [sflag:s22], s20  }
0xa0: {  	s5 =	ssub.s32 $0x0, s20;
	[sflag:s22] =	ssyncset.done $0x0  }
0xa1: {  	[sflag:s22] =	ssyncadd.s32 s5;
	_ =	sdelay $0x1  }
0xa2: {  	s23 =	simm.s32 $0x1B8B  }
0xa3: {  	_ =	swait.ge [sflag:s23], $0x1  }
0xa4: {  	[sflag:s23] =	ssyncset.done $0x0  }
0xa5: {  	s25 =	simm.s32 $0x1B8E;
	s24 =	sld [smem:$0x3FFE];
	[sflag:s23] =	ssyncadd.s32 $0xFFFFFFFF  }
0xa6: {  	s26 =	simm.s32 $execute0_lowered;
	[smem:$0x3FD2] =	sst s25  }
0xa7: {  	s6 =	sshll.u32 s26, $0x1;
	_ =	strace $0x80000046;
	[dreg:$0x1] =	wrdreg $0xFFFFFFFF  }
0xa8: {  	s28 =	simm.s32 $_size_execute0_lowered;
	s4 =	sadd.s32 s4, s6;
	[dreg:$0x0] =	wrdreg $0x0  }
0xa9: {  	s6 =	sshll.u32 s28, $0x1;
	[dreg:$0x2] =	wrdreg s4  }
0xaa: {  	[dreg:$0x3] =	wrdreg s6  }
0xab: {  	[dreg:$0x4] =	wrdreg $0xC0  }
0xac: {  	_ =	task [dreg:s8], $0x5FFFF  }
0xad: {  	[dreg:$0x1] =	wrdreg $0xFFFFFFFF  }
0xae: {  	[dreg:$0x0] =	wrdreg $0x60  }
0xaf: {  	[dreg:$0x2] =	wrdreg s24  }
0xb0: {  	[dreg:$0x3] =	wrdreg s2  }
0xb1: {  	[dreg:$0x4] =	wrdreg s18  }
0xb2: {  	[dreg:$0x5] =	wrdreg $0x128000  }
0xb3: {  	[dreg:$0x6] =	wrdreg $0x9  }
0xb4: {  	_ =	task.clear_ibuf [dreg:s8], $0x7FFFF;
	_ =	strace $0x90000046  }
0xb5: {  	s29 =	simm.s32 $0x9;
	_ =	strace $0x80000048  }
0xb6: {  	_ =	swait.ge [sflag:s29], $0x1  }
0xb7: {  	[sflag:s29] =	ssyncadd.s32 $0xFFFFFFFF  }
0xb8: {  	_ =	strace $0x90000048  }
0xb9: {  	_ =	sfence  }
0xba: {  	s30 =	sld [smem:$0x0];
	_ =	sdelay $0x2  }
0xbb: {  	s31 =	sshll.u32 s1, $0xD;
	s1 =	sshrl.u32 s1, $0x2  }
0xbc: {  	s3 =	sand.u32 $0x4000, s31;
	s1 =	sadd.s32 s1, s30  }
0xbd: {  	s0 =	sor.u32 s3, s0;
	s1 =	sshll.u32 s1, $0x11  }
0xbe: {  	s0 =	sor.u32 s1, s0  }
0xbf: {  	s0 =	sadd.s32 $0x8F2B, s0  }
0xc0: {  	[sflag:s0] =	ssyncadd.remote.s32 $0x1  }
0xc1: {  	_ =	sfence.sel $0xFFFF  }
0xc2: {  	[dreg:$0x0] =	wrdreg $0xFFFFFFFF;
	(pc) =	sbr.abs _section_cstart, $3  }
0xc3: {  	[dreg:$0x1] =	wrdreg $0xFFFFFFFF  }
0xc4: {  	_ =	task.clear_ibuf [dreg:s8], $0x2FFFF;
	_ =	strace $0x9FFFFFFF  }
0xc5: {  	(tm) =	ssettm $0x7FFFFFFF  }
tec
execute0_lowered:
.L_overlay_start_1:
0x0: {  	(tag) =	ssettag $0x1  }
0x1: {  	s0 =	rddreg [dreg:$0x0]  }
0x2: {  	s1 =	rddreg [dreg:$0x1]  }
0x3: {  	s3 =	srdreg.scid;
	s10 =	stileid.u32  }
0x4: {  	s2 =	rddreg [dreg:$0x2];
	s5 =	sand.u32 $0x1, s3;
	s9 =	sshll.u32 s10, $0x1  }
0x5: {  	s4 =	rddreg [dreg:$0x3];
	s30 =	simm.s32 $0x4;
	s6 =	sor.u32 s5, s9  }
0x6: {  	s31 =	simm.s32 $0x3;
	s24 =	smul.u32 $0x30000, s10;
	s7 =	sshll.u32 s6, $0x8  }
0x7: {  	s3 =	simm.s32 $0x0;
	s8 =	smul.u32 $0xC000, s6;
	s0 =	sadd.s32 s7, s0  }
0x8: {  	s10 =	simm.s32 $0x6;
	[smem:$0x7FF] =	sst s3;
	s0 =	sadd.s32 $0x400, s0  }
0x9: {  	_ =	strace $0x80000047;
	s11 =	sadd.s32 s2, s8;
	[dreg:$0x5] =	wrdreg s0  }
0xa: {  	s5 =	ssub.s32 $0x2, s5;
	s12 =	sadd.s32 $0xC00, s11;
	[dreg:$0x15] =	wrdreg s11  }
0xb: {  	s6 =	smul.u32 $0x60000, s6;
	s13 =	sadd.s32 $0x1800, s11;
	[dreg:$0x6] =	wrdreg s12  }
0xc: {  	s20 =	sshrl.u32 s5, $0x1;
	s14 =	sadd.s32 $0x2400, s11;
	[dreg:$0x7] =	wrdreg s13  }
0xd: {  	s6 =	sshrl.u32 s6, $0x3;
	s15 =	sadd.s32 $0x3000, s11;
	[dreg:$0x8] =	wrdreg s14  }
0xe: {  	s16 =	sadd.s32 $0x3C00, s11;
	s2 =	sadd.s32 s2, s6;
	[dreg:$0x9] =	wrdreg s15  }
0xf: {  	s9 =	ssub.s32 s5, s20;
	[dreg:$0xa] =	wrdreg s16;
	s17 =	sadd.s32 $0x4800, s2  }
0x10: {  	s5 =	sadd.s32 $0x100, s1;
	s18 =	sadd.s32 $0x5400, s2;
	[dreg:$0xb] =	wrdreg s17  }
0x11: {  	s7 =	sshrl.u32 s24, $0x2;
	s19 =	sadd.s32 $0x6000, s2;
	[dreg:$0xc] =	wrdreg s18  }
0x12: {  	s24 =	simm.s32 $0x1;
	s21 =	sadd.s32 $0x6C00, s2;
	[dreg:$0xd] =	wrdreg s19  }
0x13: {  	s20 =	simm.s32 $0x2;
	s22 =	sadd.s32 $0x7800, s2;
	[dreg:$0xe] =	wrdreg s21  }
0x14: {  	s7 =	sadd.s32 s7, s4;
	s23 =	sadd.s32 $0x8400, s2;
	[dreg:$0xf] =	wrdreg s22  }
0x15: {  	s9 =	smax.u32 s9, $0x1;
	s25 =	sadd.s32 $0x9000, s2;
	[dreg:$0x10] =	wrdreg s23  }
0x16: {  	s4 =	simm.s32 $0x8;
	s26 =	sadd.s32 $0x9C00, s2;
	[dreg:$0x11] =	wrdreg s25  }
0x17: {  	v2 =	vlaneseq.u32;
	s6 =	sadd.s32 $0x200, s1;
	s28 =	sadd.s32 $0xA800, s2;
	[dreg:$0x12] =	wrdreg s26  }
0x18: {  	vm0 =	vmmov $0xffff;
	v1 =	vshrl.u32 v2, $0x3;
	s8 =	sadd.s32 $0x6000, s7;
	s29 =	sadd.s32 $0xB400, s2;
	[dreg:$0x13] =	wrdreg s28  }
0x19: {  	v0 =	vand.u32 $0x7, v2;
	v2 =	vor.u32 $0x8, v2;
	v1 =	vmul.u32 $0x8, v1;
	s0 =	simm.s32 $0x5;
	s2 =	simm.s32 $0x7;
	[dreg:$0x14] =	wrdreg s29  }
.LBB2_1:
0x1a: {  	[dreg:$0x16] =	wrdreg s9  }
0x1b: {  	s12 =	rddreg [dreg:$0x5];
	s11 =	simm.s32 $0x9  }
0x1c: {  	[tilespmem:s3], [sflag:$0x9] =	stream.linear.gather [hbm4b:s12+s3], $0x800, $0x38;
	[tilespmem:$0x1E800] =	vst v63  }
0x1d: {  	_ =	swait.ge [sflag:s11], $0x800  }
0x1e: {  	[sflag:s11] =	ssyncset.done $0x0  }
0x1f: {  	[sflag:s11] =	ssyncadd.s32 $0xFFFFF800  }
0x20: {  	v3 =	vld [tilespmem:$0x0];
	_ =	sdelay $0x4  }
0x21: {  	v4 =	vshrl.u32 v3, $0x3  }
0x22: {  	v4 =	vmul.u32 $0x30, v4  }
0x23: {  	v3 =	vand.u32 $0x7, v3  }
0x24: {  	v3 =	vor.u32 v3, v4  }
0x25: {  	v4 =	vperm.xlane v3, v0;
	_ =	sdelay $0x1  }
0x26: {  	v4 =	vadd.s32 v1, v4;
	_ =	sdelay $0x3  }
0x27: {  	s12 =	simm.s32 $0x800;
	v3 =	vperm.xlane v3, v2  }
0x28: {  	[tilespmem:s12], [sflag:$0x1] =	stream.indirect_vreg.gather [hbm4b:s1+s3], $0x80, v4, vm0, $0xb8;
	[tilespmem:$0x1E800] =	vst v63  }
0x29: {  	s13 =	simm.s32 $0x1000;
	v3 =	vadd.s32 v1, v3  }
0x2a: {  	[tilespmem:s13], [sflag:$0x1] =	stream.indirect_vreg.gather [hbm4b:s5+s3], $0x80, v4, vm0, $0xb8;
	[tilespmem:$0x1E800] =	vst v63  }
0x2b: {  	s14 =	simm.s32 $0x1800  }
0x2c: {  	[tilespmem:s14], [sflag:$0x1] =	stream.indirect_vreg.gather [hbm4b:s6+s3], $0x80, v4, vm0, $0xb8;
	[tilespmem:$0x1E800] =	vst v63  }
0x2d: {  	s15 =	simm.s32 $0x2000  }
0x2e: {  	[tilespmem:s15], [sflag:$0x1] =	stream.indirect_vreg.gather [hbm4b:s1+s3], $0x80, v3, vm0, $0xb8;
	[tilespmem:$0x1E800] =	vst v63  }
0x2f: {  	s16 =	simm.s32 $0x2800  }
0x30: {  	[tilespmem:s16], [sflag:$0x1] =	stream.indirect_vreg.gather [hbm4b:s5+s3], $0x80, v3, vm0, $0xb8;
	[tilespmem:$0x1E800] =	vst v63  }
0x31: {  	s17 =	simm.s32 $0x3000  }
0x32: {  	[tilespmem:s17], [sflag:$0x1] =	stream.indirect_vreg.gather [hbm4b:s6+s3], $0x80, v3, vm0, $0xb8;
	[tilespmem:$0x1E800] =	vst v63  }
0x33: {  	v3 =	vld [tilespmem:$0x10];
	_ =	sdelay $0x4  }
0x34: {  	v33 =	vshrl.u32 v3, $0x3  }
0x35: {  	v4 =	vmul.u32 $0x30, v33  }
0x36: {  	v3 =	vand.u32 $0x7, v3  }
0x37: {  	v3 =	vor.u32 v3, v4  }
0x38: {  	v4 =	vperm.xlane v3, v0;
	_ =	sdelay $0x1  }
0x39: {  	v4 =	vadd.s32 v1, v4;
	_ =	sdelay $0x3  }
0x3a: {  	s18 =	simm.s32 $0x3800;
	v3 =	vperm.xlane v3, v2  }
0x3b: {  	[tilespmem:s18], [sflag:$0x1] =	stream.indirect_vreg.gather [hbm4b:s1+s3], $0x80, v4, vm0, $0xb8;
	[tilespmem:$0x1E800] =	vst v63  }
0x3c: {  	s19 =	simm.s32 $0x4000;
	v3 =	vadd.s32 v1, v3  }
0x3d: {  	[tilespmem:s19], [sflag:$0x1] =	stream.indirect_vreg.gather [hbm4b:s5+s3], $0x80, v4, vm0, $0xb8;
	[tilespmem:$0x1E800] =	vst v63  }
0x3e: {  	s23 =	simm.s32 $0x4800  }
0x3f: {  	[tilespmem:s23], [sflag:$0x1] =	stream.indirect_vreg.gather [hbm4b:s6+s3], $0x80, v4, vm0, $0xb8;
	[tilespmem:$0x1E800] =	vst v63  }
0x40: {  	s26 =	simm.s32 $0x5000  }
0x41: {  	[tilespmem:s26], [sflag:$0x1] =	stream.indirect_vreg.gather [hbm4b:s1+s3], $0x80, v3, vm0, $0xb8;
	[tilespmem:$0x1E800] =	vst v63  }
0x42: {  	s28 =	simm.s32 $0x5800  }
0x43: {  	[tilespmem:s28], [sflag:$0x1] =	stream.indirect_vreg.gather [hbm4b:s5+s3], $0x80, v3, vm0, $0xb8;
	[tilespmem:$0x1E800] =	vst v63  }
0x44: {  	s9 =	simm.s32 $0x6000  }
0x45: {  	[tilespmem:s9], [sflag:$0x1] =	stream.indirect_vreg.gather [hbm4b:s6+s3], $0x80, v3, vm0, $0xb8;
	[tilespmem:$0x1E800] =	vst v63  }
0x46: {  	v3 =	vld [tilespmem:$0x80];
	_ =	sdelay $0x4  }
0x47: {  	v34 =	vshrl.u32 v3, $0x3  }
0x48: {  	v4 =	vmul.u32 $0x30, v34  }
0x49: {  	v3 =	vand.u32 $0x7, v3  }
0x4a: {  	v3 =	vor.u32 v3, v4  }
0x4b: {  	v4 =	vperm.xlane v3, v0;
	_ =	sdelay $0x1  }
0x4c: {  	v4 =	vadd.s32 v1, v4;
	_ =	sdelay $0x3  }
0x4d: {  	s11 =	simm.s32 $0x6800;
	v3 =	vperm.xlane v3, v2  }
0x4e: {  	[tilespmem:s11], [sflag:$0x2] =	stream.indirect_vreg.gather [hbm4b:s1+s3], $0x80, v4, vm0, $0xb8;
	[tilespmem:$0x1E800] =	vst v63  }
0x4f: {  	v3 =	vadd.s32 v1, v3;
	s11 =	simm.s32 $0x7000  }
0x50: {  	[tilespmem:s11], [sflag:$0x2] =	stream.indirect_vreg.gather [hbm4b:s5+s3], $0x80, v4, vm0, $0xb8;
	[tilespmem:$0x1E800] =	vst v63  }
0x51: {  	s12 =	simm.s32 $0x7800  }
0x52: {  	[tilespmem:s12], [sflag:$0x2] =	stream.indirect_vreg.gather [hbm4b:s6+s3], $0x80, v4, vm0, $0xb8;
	[tilespmem:$0x1E800] =	vst v63  }
0x53: {  	s13 =	simm.s32 $0x8000  }
0x54: {  	[tilespmem:s13], [sflag:$0x2] =	stream.indirect_vreg.gather [hbm4b:s1+s3], $0x80, v3, vm0, $0xb8;
	[tilespmem:$0x1E800] =	vst v63  }
0x55: {  	s23 =	simm.s32 $0x8800  }
0x56: {  	[tilespmem:s23], [sflag:$0x2] =	stream.indirect_vreg.gather [hbm4b:s5+s3], $0x80, v3, vm0, $0xb8;
	[tilespmem:$0x1E800] =	vst v63  }
0x57: {  	s26 =	simm.s32 $0x9000  }
0x58: {  	[tilespmem:s26], [sflag:$0x2] =	stream.indirect_vreg.gather [hbm4b:s6+s3], $0x80, v3, vm0, $0xb8;
	[tilespmem:$0x1E800] =	vst v63  }
0x59: {  	v3 =	vld [tilespmem:$0x90];
	_ =	sdelay $0x4  }
0x5a: {  	v35 =	vshrl.u32 v3, $0x3  }
0x5b: {  	v4 =	vmul.u32 $0x30, v35  }
0x5c: {  	v3 =	vand.u32 $0x7, v3  }
0x5d: {  	v3 =	vor.u32 v3, v4  }
0x5e: {  	v4 =	vperm.xlane v3, v0;
	_ =	sdelay $0x1  }
0x5f: {  	v4 =	vadd.s32 v1, v4;
	_ =	sdelay $0x3  }
0x60: {  	s28 =	simm.s32 $0x9800;
	v3 =	vperm.xlane v3, v2  }
0x61: {  	[tilespmem:s28], [sflag:$0x2] =	stream.indirect_vreg.gather [hbm4b:s1+s3], $0x80, v4, vm0, $0xb8;
	[tilespmem:$0x1E800] =	vst v63  }
0x62: {  	s9 =	simm.s32 $0xA000;
	v3 =	vadd.s32 v1, v3  }
0x63: {  	[tilespmem:s9], [sflag:$0x2] =	stream.indirect_vreg.gather [hbm4b:s5+s3], $0x80, v4, vm0, $0xb8;
	[tilespmem:$0x1E800] =	vst v63  }
0x64: {  	s12 =	simm.s32 $0xA800  }
0x65: {  	[tilespmem:s12], [sflag:$0x2] =	stream.indirect_vreg.gather [hbm4b:s6+s3], $0x80, v4, vm0, $0xb8;
	[tilespmem:$0x1E800] =	vst v63  }
0x66: {  	s13 =	simm.s32 $0xB000  }
0x67: {  	[tilespmem:s13], [sflag:$0x2] =	stream.indirect_vreg.gather [hbm4b:s1+s3], $0x80, v3, vm0, $0xb8;
	[tilespmem:$0x1E800] =	vst v63  }
0x68: {  	s23 =	simm.s32 $0xB800  }
0x69: {  	[tilespmem:s23], [sflag:$0x2] =	stream.indirect_vreg.gather [hbm4b:s5+s3], $0x80, v3, vm0, $0xb8;
	[tilespmem:$0x1E800] =	vst v63  }
0x6a: {  	s26 =	simm.s32 $0xC000  }
0x6b: {  	[tilespmem:s26], [sflag:$0x2] =	stream.indirect_vreg.gather [hbm4b:s6+s3], $0x80, v3, vm0, $0xb8;
	[tilespmem:$0x1E800] =	vst v63  }
0x6c: {  	_ =	swait.ge [sflag:s24], $0x6000  }
0x6d: {  	[sflag:s24] =	ssyncset.done $0x0  }
0x6e: {  	s23 =	simm.s32 $0x800;
	[sflag:s24] =	ssyncadd.s32 $0xFFFFA000  }
0x6f: {  	[spmem:s7] =	stream.linear.scatter [tilespmem:s23], [sflag:$0x4], $0x6000, $0x38;
	[tilespmem:$0x1E800] =	vst v63  }
0x70: {  	v3 =	vld [tilespmem:$0x100];
	_ =	sdelay $0x4  }
0x71: {  	v36 =	vshrl.u32 v3, $0x3  }
0x72: {  	v4 =	vmul.u32 $0x30, v36  }
0x73: {  	v3 =	vand.u32 $0x7, v3  }
0x74: {  	v3 =	vor.u32 v3, v4  }
0x75: {  	v4 =	vperm.xlane v3, v0;
	_ =	sdelay $0x1  }
0x76: {  	v4 =	vadd.s32 v1, v4;
	_ =	sdelay $0x3  }
0x77: {  	s28 =	simm.s32 $0xC800;
	v3 =	vperm.xlane v3, v2  }
0x78: {  	[tilespmem:s28], [sflag:$0x3] =	stream.indirect_vreg.gather [hbm4b:s1+s3], $0x80, v4, vm0, $0xb8;
	[tilespmem:$0x1E800] =	vst v63  }
0x79: {  	s9 =	simm.s32 $0xD000;
	v3 =	vadd.s32 v1, v3  }
0x7a: {  	[tilespmem:s9], [sflag:$0x3] =	stream.indirect_vreg.gather [hbm4b:s5+s3], $0x80, v4, vm0, $0xb8;
	[tilespmem:$0x1E800] =	vst v63  }
0x7b: {  	s13 =	simm.s32 $0xD800  }
0x7c: {  	[tilespmem:s13], [sflag:$0x3] =	stream.indirect_vreg.gather [hbm4b:s6+s3], $0x80, v4, vm0, $0xb8;
	[tilespmem:$0x1E800] =	vst v63  }
0x7d: {  	s26 =	simm.s32 $0xE000  }
0x7e: {  	[tilespmem:s26], [sflag:$0x3] =	stream.indirect_vreg.gather [hbm4b:s1+s3], $0x80, v3, vm0, $0xb8;
	[tilespmem:$0x1E800] =	vst v63  }
0x7f: {  	s28 =	simm.s32 $0xE800  }
0x80: {  	[tilespmem:s28], [sflag:$0x3] =	stream.indirect_vreg.gather [hbm4b:s5+s3], $0x80, v3, vm0, $0xb8;
	[tilespmem:$0x1E800] =	vst v63  }
0x81: {  	s9 =	simm.s32 $0xF000  }
0x82: {  	[tilespmem:s9], [sflag:$0x3] =	stream.indirect_vreg.gather [hbm4b:s6+s3], $0x80, v3, vm0, $0xb8;
	[tilespmem:$0x1E800] =	vst v63  }
0x83: {  	v3 =	vld [tilespmem:$0x110];
	_ =	sdelay $0x4  }
0x84: {  	v37 =	vshrl.u32 v3, $0x3  }
0x85: {  	v4 =	vmul.u32 $0x30, v37  }
0x86: {  	v3 =	vand.u32 $0x7, v3  }
0x87: {  	v3 =	vor.u32 v3, v4  }
0x88: {  	v4 =	vperm.xlane v3, v0;
	_ =	sdelay $0x1  }
0x89: {  	v4 =	vadd.s32 v1, v4;
	_ =	sdelay $0x3  }
0x8a: {  	s13 =	simm.s32 $0xF800;
	v3 =	vperm.xlane v3, v2  }
0x8b: {  	[tilespmem:s13], [sflag:$0x3] =	stream.indirect_vreg.gather [hbm4b:s1+s3], $0x80, v4, vm0, $0xb8;
	[tilespmem:$0x1E800] =	vst v63  }
0x8c: {  	s26 =	simm.s32 $0x10000;
	v3 =	vadd.s32 v1, v3  }
0x8d: {  	[tilespmem:s26], [sflag:$0x3] =	stream.indirect_vreg.gather [hbm4b:s5+s3], $0x80, v4, vm0, $0xb8;
	[tilespmem:$0x1E800] =	vst v63  }
0x8e: {  	s28 =	simm.s32 $0x10800  }
0x8f: {  	[tilespmem:s28], [sflag:$0x3] =	stream.indirect_vreg.gather [hbm4b:s6+s3], $0x80, v4, vm0, $0xb8;
	[tilespmem:$0x1E800] =	vst v63  }
0x90: {  	s9 =	simm.s32 $0x11000  }
0x91: {  	[tilespmem:s9], [sflag:$0x3] =	stream.indirect_vreg.gather [hbm4b:s1+s3], $0x80, v3, vm0, $0xb8;
	[tilespmem:$0x1E800] =	vst v63  }
0x92: {  	s13 =	simm.s32 $0x11800  }
0x93: {  	[tilespmem:s13], [sflag:$0x3] =	stream.indirect_vreg.gather [hbm4b:s5+s3], $0x80, v3, vm0, $0xb8;
	[tilespmem:$0x1E800] =	vst v63  }
0x94: {  	s26 =	simm.s32 $0x12000  }
0x95: {  	[tilespmem:s26], [sflag:$0x3] =	stream.indirect_vreg.gather [hbm4b:s6+s3], $0x80, v3, vm0, $0xb8;
	[tilespmem:$0x1E800] =	vst v63  }
0x96: {  	_ =	swait.ge [sflag:s20], $0x6000  }
0x97: {  	[sflag:s20] =	ssyncset.done $0x0  }
0x98: {  	s9 =	simm.s32 $0x6800;
	[sflag:s20] =	ssyncadd.s32 $0xFFFFA000  }
0x99: {  	[spmem:s8] =	stream.linear.scatter [tilespmem:s9], [sflag:$0x5], $0x6000, $0x38;
	[tilespmem:$0x1E800] =	vst v63  }
0x9a: {  	s28 =	stileid.u32;
	_ =	swait.ge [sflag:s30], $0x6000  }
0x9b: {  	s12 =	sshll.u32 s28, $0x6;
	s28 =	sshrl.u32 s7, $0x3;
	[sflag:s30] =	ssyncset.done $0x0  }
0x9c: {  	s26 =	sor.u32 $0x1C07, s12;
	s13 =	rddreg [dreg:$0x15];
	[sflag:s30] =	ssyncadd.s32 $0xFFFFA000  }
0x9d: {  	[hbm:s13], [sflag:s26] =	dma.local [spmem:s28], $0xC00  }
0x9e: {  	v3 =	vld [tilespmem:$0x180];
	_ =	sdelay $0x4  }
0x9f: {  	v38 =	vshrl.u32 v3, $0x3  }
0xa0: {  	v4 =	vmul.u32 $0x30, v38  }
0xa1: {  	v3 =	vand.u32 $0x7, v3  }
0xa2: {  	v3 =	vor.u32 v3, v4  }
0xa3: {  	v4 =	vperm.xlane v3, v0;
	_ =	sdelay $0x1  }
0xa4: {  	v4 =	vadd.s32 v1, v4;
	_ =	sdelay $0x3  }
0xa5: {  	v3 =	vperm.xlane v3, v2  }
0xa6: {  	[tilespmem:s23], [sflag:$0x1] =	stream.indirect_vreg.gather [hbm4b:s1+s3], $0x80, v4, vm0, $0xb8;
	[tilespmem:$0x1E800] =	vst v63  }
0xa7: {  	s29 =	simm.s32 $0x1000;
	v3 =	vadd.s32 v1, v3  }
0xa8: {  	[tilespmem:s29], [sflag:$0x1] =	stream.indirect_vreg.gather [hbm4b:s5+s3], $0x80, v4, vm0, $0xb8;
	[tilespmem:$0x1E800] =	vst v63  }
0xa9: {  	s29 =	simm.s32 $0x1800  }
0xaa: {  	[tilespmem:s29], [sflag:$0x1] =	stream.indirect_vreg.gather [hbm4b:s6+s3], $0x80, v4, vm0, $0xb8;
	[tilespmem:$0x1E800] =	vst v63  }
0xab: {  	s25 =	simm.s32 $0x2000  }
0xac: {  	[tilespmem:s25], [sflag:$0x1] =	stream.indirect_vreg.gather [hbm4b:s1+s3], $0x80, v3, vm0, $0xb8;
	[tilespmem:$0x1E800] =	vst v63  }
0xad: {  	s15 =	simm.s32 $0x2800  }
0xae: {  	[tilespmem:s15], [sflag:$0x1] =	stream.indirect_vreg.gather [hbm4b:s5+s3], $0x80, v3, vm0, $0xb8;
	[tilespmem:$0x1E800] =	vst v63  }
0xaf: {  	s22 =	simm.s32 $0x3000  }
0xb0: {  	[tilespmem:s22], [sflag:$0x1] =	stream.indirect_vreg.gather [hbm4b:s6+s3], $0x80, v3, vm0, $0xb8;
	[tilespmem:$0x1E800] =	vst v63  }
0xb1: {  	v3 =	vld [tilespmem:$0x190];
	_ =	sdelay $0x4  }
0xb2: {  	v39 =	vshrl.u32 v3, $0x3  }
0xb3: {  	v4 =	vmul.u32 $0x30, v39  }
0xb4: {  	v3 =	vand.u32 $0x7, v3  }
0xb5: {  	v3 =	vor.u32 v3, v4  }
0xb6: {  	v4 =	vperm.xlane v3, v0;
	_ =	sdelay $0x1  }
0xb7: {  	v4 =	vadd.s32 v1, v4;
	_ =	sdelay $0x3  }
0xb8: {  	s21 =	simm.s32 $0x3800;
	v3 =	vperm.xlane v3, v2  }
0xb9: {  	[tilespmem:s21], [sflag:$0x1] =	stream.indirect_vreg.gather [hbm4b:s1+s3], $0x80, v4, vm0, $0xb8;
	[tilespmem:$0x1E800] =	vst v63  }
0xba: {  	s16 =	simm.s32 $0x4000;
	v3 =	vadd.s32 v1, v3  }
0xbb: {  	[tilespmem:s16], [sflag:$0x1] =	stream.indirect_vreg.gather [hbm4b:s5+s3], $0x80, v4, vm0, $0xb8;
	[tilespmem:$0x1E800] =	vst v63  }
0xbc: {  	s17 =	simm.s32 $0x4800  }
0xbd: {  	[tilespmem:s17], [sflag:$0x1] =	stream.indirect_vreg.gather [hbm4b:s6+s3], $0x80, v4, vm0, $0xb8;
	[tilespmem:$0x1E800] =	vst v63  }
0xbe: {  	s18 =	simm.s32 $0x5000  }
0xbf: {  	[tilespmem:s18], [sflag:$0x1] =	stream.indirect_vreg.gather [hbm4b:s1+s3], $0x80, v3, vm0, $0xb8;
	[tilespmem:$0x1E800] =	vst v63  }
0xc0: {  	s19 =	simm.s32 $0x5800  }
0xc1: {  	[tilespmem:s19], [sflag:$0x1] =	stream.indirect_vreg.gather [hbm4b:s5+s3], $0x80, v3, vm0, $0xb8;
	[tilespmem:$0x1E800] =	vst v63  }
0xc2: {  	s14 =	simm.s32 $0x6000  }
0xc3: {  	[tilespmem:s14], [sflag:$0x1] =	stream.indirect_vreg.gather [hbm4b:s6+s3], $0x80, v3, vm0, $0xb8;
	[tilespmem:$0x1E800] =	vst v63  }
0xc4: {  	_ =	swait.ge [sflag:s31], $0x6000  }
0xc5: {  	[sflag:s31] =	ssyncset.done $0x0  }
0xc6: {  	[sflag:s31] =	ssyncadd.s32 $0xFFFFA000  }
0xc7: {  	_ =	swait.ge [sflag:s2], $0xC00  }
0xc8: {  	[sflag:s2] =	ssyncset.done $0x0  }
0xc9: {  	s11 =	simm.s32 $0xC800;
	[sflag:s2] =	ssyncadd.s32 $0xFFFFF400  }
0xca: {  	[spmem:s7] =	stream.linear.scatter [tilespmem:s11], [sflag:$0x6], $0x6000, $0x38;
	[tilespmem:$0x1E800] =	vst v63  }
0xcb: {  	_ =	swait.ge [sflag:s0], $0x6000  }
0xcc: {  	s12 =	sor.u32 $0x1C08, s12;
	[sflag:s0] =	ssyncset.done $0x0  }
0xcd: {  	s13 =	sshrl.u32 s8, $0x3;
	s23 =	rddreg [dreg:$0x6];
	[sflag:s0] =	ssyncadd.s32 $0xFFFFA000  }
0xce: {  	[hbm:s23], [sflag:s12] =	dma.local [spmem:s13], $0xC00  }
0xcf: {  	v3 =	vld [tilespmem:$0x200];
	_ =	sdelay $0x4  }
0xd0: {  	v40 =	vshrl.u32 v3, $0x3  }
0xd1: {  	v4 =	vmul.u32 $0x30, v40  }
0xd2: {  	v3 =	vand.u32 $0x7, v3  }
0xd3: {  	v3 =	vor.u32 v3, v4  }
0xd4: {  	v4 =	vperm.xlane v3, v0;
	_ =	sdelay $0x1  }
0xd5: {  	v4 =	vadd.s32 v1, v4;
	_ =	sdelay $0x3  }
0xd6: {  	v3 =	vperm.xlane v3, v2  }
0xd7: {  	[tilespmem:s9], [sflag:$0x2] =	stream.indirect_vreg.gather [hbm4b:s1+s3], $0x80, v4, vm0, $0xb8;
	[tilespmem:$0x1E800] =	vst v63  }
0xd8: {  	s25 =	simm.s32 $0x7000;
	v3 =	vadd.s32 v1, v3  }
0xd9: {  	[tilespmem:s25], [sflag:$0x2] =	stream.indirect_vreg.gather [hbm4b:s5+s3], $0x80, v4, vm0, $0xb8;
	[tilespmem:$0x1E800] =	vst v63  }
0xda: {  	s11 =	simm.s32 $0x7800  }
0xdb: {  	[tilespmem:s11], [sflag:$0x2] =	stream.indirect_vreg.gather [hbm4b:s6+s3], $0x80, v4, vm0, $0xb8;
	[tilespmem:$0x1E800] =	vst v63  }
0xdc: {  	s14 =	simm.s32 $0x8000  }
0xdd: {  	[tilespmem:s14], [sflag:$0x2] =	stream.indirect_vreg.gather [hbm4b:s1+s3], $0x80, v3, vm0, $0xb8;
	[tilespmem:$0x1E800] =	vst v63  }
0xde: {  	s17 =	simm.s32 $0x8800  }
0xdf: {  	[tilespmem:s17], [sflag:$0x2] =	stream.indirect_vreg.gather [hbm4b:s5+s3], $0x80, v3, vm0, $0xb8;
	[tilespmem:$0x1E800] =	vst v63  }
0xe0: {  	s23 =	simm.s32 $0x9000  }
0xe1: {  	[tilespmem:s23], [sflag:$0x2] =	stream.indirect_vreg.gather [hbm4b:s6+s3], $0x80, v3, vm0, $0xb8;
	[tilespmem:$0x1E800] =	vst v63  }
0xe2: {  	v3 =	vld [tilespmem:$0x210];
	_ =	sdelay $0x4  }
0xe3: {  	v41 =	vshrl.u32 v3, $0x3  }
0xe4: {  	v4 =	vmul.u32 $0x30, v41  }
0xe5: {  	v3 =	vand.u32 $0x7, v3  }
0xe6: {  	v3 =	vor.u32 v3, v4  }
0xe7: {  	v4 =	vperm.xlane v3, v0;
	_ =	sdelay $0x1  }
0xe8: {  	v4 =	vadd.s32 v1, v4;
	_ =	sdelay $0x3  }
0xe9: {  	s9 =	simm.s32 $0x9800;
	v3 =	vperm.xlane v3, v2  }
0xea: {  	[tilespmem:s9], [sflag:$0x2] =	stream.indirect_vreg.gather [hbm4b:s1+s3], $0x80, v4, vm0, $0xb8;
	[tilespmem:$0x1E800] =	vst v63  }
0xeb: {  	s18 =	simm.s32 $0xA000;
	v3 =	vadd.s32 v1, v3  }
0xec: {  	[tilespmem:s18], [sflag:$0x2] =	stream.indirect_vreg.gather [hbm4b:s5+s3], $0x80, v4, vm0, $0xb8;
	[tilespmem:$0x1E800] =	vst v63  }
0xed: {  	s19 =	simm.s32 $0xA800  }
0xee: {  	[tilespmem:s19], [sflag:$0x2] =	stream.indirect_vreg.gather [hbm4b:s6+s3], $0x80, v4, vm0, $0xb8;
	[tilespmem:$0x1E800] =	vst v63  }
0xef: {  	s21 =	simm.s32 $0xB000  }
0xf0: {  	[tilespmem:s21], [sflag:$0x2] =	stream.indirect_vreg.gather [hbm4b:s1+s3], $0x80, v3, vm0, $0xb8;
	[tilespmem:$0x1E800] =	vst v63  }
0xf1: {  	s22 =	simm.s32 $0xB800  }
0xf2: {  	[tilespmem:s22], [sflag:$0x2] =	stream.indirect_vreg.gather [hbm4b:s5+s3], $0x80, v3, vm0, $0xb8;
	[tilespmem:$0x1E800] =	vst v63  }
0xf3: {  	s11 =	simm.s32 $0xC000  }
0xf4: {  	[tilespmem:s11], [sflag:$0x2] =	stream.indirect_vreg.gather [hbm4b:s6+s3], $0x80, v3, vm0, $0xb8;
	[tilespmem:$0x1E800] =	vst v63  }
0xf5: {  	_ =	swait.ge [sflag:s24], $0x6000  }
0xf6: {  	[sflag:s24] =	ssyncset.done $0x0  }
0xf7: {  	[sflag:s24] =	ssyncadd.s32 $0xFFFFA000  }
0xf8: {  	_ =	swait.ge [sflag:s4], $0xC00  }
0xf9: {  	[sflag:s4] =	ssyncset.done $0x0  }
0xfa: {  	s25 =	simm.s32 $0x800;
	[sflag:s4] =	ssyncadd.s32 $0xFFFFF400  }
0xfb: {  	[spmem:s8] =	stream.linear.scatter [tilespmem:s25], [sflag:$0x4], $0x6000, $0x38;
	[tilespmem:$0x1E800] =	vst v63  }
0xfc: {  	_ =	swait.ge [sflag:s10], $0x6000  }
0xfd: {  	[sflag:s10] =	ssyncset.done $0x0  }
0xfe: {  	s16 =	rddreg [dreg:$0x7];
	[sflag:s10] =	ssyncadd.s32 $0xFFFFA000  }
0xff: {  	[hbm:s16], [sflag:s26] =	dma.local [spmem:s28], $0xC00  }
0x100: {  	v3 =	vld [tilespmem:$0x280];
	_ =	sdelay $0x4  }
0x101: {  	v42 =	vshrl.u32 v3, $0x3  }
0x102: {  	v4 =	vmul.u32 $0x30, v42  }
0x103: {  	v3 =	vand.u32 $0x7, v3  }
0x104: {  	v3 =	vor.u32 v3, v4  }
0x105: {  	v4 =	vperm.xlane v3, v0;
	_ =	sdelay $0x1  }
0x106: {  	v4 =	vadd.s32 v1, v4;
	_ =	sdelay $0x3  }
0x107: {  	s29 =	simm.s32 $0xC800;
	v3 =	vperm.xlane v3, v2  }
0x108: {  	[tilespmem:s29], [sflag:$0x3] =	stream.indirect_vreg.gather [hbm4b:s1+s3], $0x80, v4, vm0, $0xb8;
	[tilespmem:$0x1E800] =	vst v63  }
0x109: {  	v3 =	vadd.s32 v1, v3;
	s29 =	simm.s32 $0xD000  }
0x10a: {  	[tilespmem:s29], [sflag:$0x3] =	stream.indirect_vreg.gather [hbm4b:s5+s3], $0x80, v4, vm0, $0xb8;
	[tilespmem:$0x1E800] =	vst v63  }
0x10b: {  	s29 =	simm.s32 $0xD800  }
0x10c: {  	[tilespmem:s29], [sflag:$0x3] =	stream.indirect_vreg.gather [hbm4b:s6+s3], $0x80, v4, vm0, $0xb8;
	[tilespmem:$0x1E800] =	vst v63  }
0x10d: {  	s29 =	simm.s32 $0xE000  }
0x10e: {  	[tilespmem:s29], [sflag:$0x3] =	stream.indirect_vreg.gather [hbm4b:s1+s3], $0x80, v3, vm0, $0xb8;
	[tilespmem:$0x1E800] =	vst v63  }
0x10f: {  	s29 =	simm.s32 $0xE800  }
0x110: {  	[tilespmem:s29], [sflag:$0x3] =	stream.indirect_vreg.gather [hbm4b:s5+s3], $0x80, v3, vm0, $0xb8;
	[tilespmem:$0x1E800] =	vst v63  }
0x111: {  	s29 =	simm.s32 $0xF000  }
0x112: {  	[tilespmem:s29], [sflag:$0x3] =	stream.indirect_vreg.gather [hbm4b:s6+s3], $0x80, v3, vm0, $0xb8;
	[tilespmem:$0x1E800] =	vst v63  }
0x113: {  	v3 =	vld [tilespmem:$0x290];
	_ =	sdelay $0x4  }
0x114: {  	v43 =	vshrl.u32 v3, $0x3  }
0x115: {  	v4 =	vmul.u32 $0x30, v43  }
0x116: {  	v3 =	vand.u32 $0x7, v3  }
0x117: {  	v3 =	vor.u32 v3, v4  }
0x118: {  	v4 =	vperm.xlane v3, v0;
	_ =	sdelay $0x1  }
0x119: {  	v4 =	vadd.s32 v1, v4;
	_ =	sdelay $0x3  }
0x11a: {  	s29 =	simm.s32 $0xF800;
	v3 =	vperm.xlane v3, v2  }
0x11b: {  	[tilespmem:s29], [sflag:$0x3] =	stream.indirect_vreg.gather [hbm4b:s1+s3], $0x80, v4, vm0, $0xb8;
	[tilespmem:$0x1E800] =	vst v63  }
0x11c: {  	v3 =	vadd.s32 v1, v3;
	s29 =	simm.s32 $0x10000  }
0x11d: {  	[tilespmem:s29], [sflag:$0x3] =	stream.indirect_vreg.gather [hbm4b:s5+s3], $0x80, v4, vm0, $0xb8;
	[tilespmem:$0x1E800] =	vst v63  }
0x11e: {  	s29 =	simm.s32 $0x10800  }
0x11f: {  	[tilespmem:s29], [sflag:$0x3] =	stream.indirect_vreg.gather [hbm4b:s6+s3], $0x80, v4, vm0, $0xb8;
	[tilespmem:$0x1E800] =	vst v63  }
0x120: {  	s29 =	simm.s32 $0x11000  }
0x121: {  	[tilespmem:s29], [sflag:$0x3] =	stream.indirect_vreg.gather [hbm4b:s1+s3], $0x80, v3, vm0, $0xb8;
	[tilespmem:$0x1E800] =	vst v63  }
0x122: {  	s29 =	simm.s32 $0x11800  }
0x123: {  	[tilespmem:s29], [sflag:$0x3] =	stream.indirect_vreg.gather [hbm4b:s5+s3], $0x80, v3, vm0, $0xb8;
	[tilespmem:$0x1E800] =	vst v63  }
0x124: {  	s29 =	simm.s32 $0x12000  }
0x125: {  	[tilespmem:s29], [sflag:$0x3] =	stream.indirect_vreg.gather [hbm4b:s6+s3], $0x80, v3, vm0, $0xb8;
	[tilespmem:$0x1E800] =	vst v63  }
0x126: {  	_ =	swait.ge [sflag:s20], $0x6000  }
0x127: {  	[sflag:s20] =	ssyncset.done $0x0  }
0x128: {  	[sflag:s20] =	ssyncadd.s32 $0xFFFFA000  }
0x129: {  	_ =	swait.ge [sflag:s2], $0xC00  }
0x12a: {  	[sflag:s2] =	ssyncset.done $0x0  }
0x12b: {  	s15 =	simm.s32 $0x6800;
	[sflag:s2] =	ssyncadd.s32 $0xFFFFF400  }
0x12c: {  	[spmem:s7] =	stream.linear.scatter [tilespmem:s15], [sflag:$0x5], $0x6000, $0x38;
	[tilespmem:$0x1E800] =	vst v63  }
0x12d: {  	_ =	swait.ge [sflag:s30], $0x6000  }
0x12e: {  	[sflag:s30] =	ssyncset.done $0x0  }
0x12f: {  	s29 =	rddreg [dreg:$0x8];
	[sflag:s30] =	ssyncadd.s32 $0xFFFFA000  }
0x130: {  	[hbm:s29], [sflag:s12] =	dma.local [spmem:s13], $0xC00  }
0x131: {  	v3 =	vld [tilespmem:$0x300];
	_ =	sdelay $0x4  }
0x132: {  	v44 =	vshrl.u32 v3, $0x3  }
0x133: {  	v4 =	vmul.u32 $0x30, v44  }
0x134: {  	v3 =	vand.u32 $0x7, v3  }
0x135: {  	v3 =	vor.u32 v3, v4  }
0x136: {  	v4 =	vperm.xlane v3, v0;
	_ =	sdelay $0x1  }
0x137: {  	v4 =	vadd.s32 v1, v4;
	_ =	sdelay $0x3  }
0x138: {  	v3 =	vperm.xlane v3, v2  }
0x139: {  	[tilespmem:s25], [sflag:$0x1] =	stream.indirect_vreg.gather [hbm4b:s1+s3], $0x80, v4, vm0, $0xb8;
	[tilespmem:$0x1E800] =	vst v63  }
0x13a: {  	s29 =	simm.s32 $0x1000;
	v3 =	vadd.s32 v1, v3  }
0x13b: {  	[tilespmem:s29], [sflag:$0x1] =	stream.indirect_vreg.gather [hbm4b:s5+s3], $0x80, v4, vm0, $0xb8;
	[tilespmem:$0x1E800] =	vst v63  }
0x13c: {  	s29 =	simm.s32 $0x1800  }
0x13d: {  	[tilespmem:s29], [sflag:$0x1] =	stream.indirect_vreg.gather [hbm4b:s6+s3], $0x80, v4, vm0, $0xb8;
	[tilespmem:$0x1E800] =	vst v63  }
0x13e: {  	s29 =	simm.s32 $0x2000  }
0x13f: {  	[tilespmem:s29], [sflag:$0x1] =	stream.indirect_vreg.gather [hbm4b:s1+s3], $0x80, v3, vm0, $0xb8;
	[tilespmem:$0x1E800] =	vst v63  }
0x140: {  	s29 =	simm.s32 $0x2800  }
0x141: {  	[tilespmem:s29], [sflag:$0x1] =	stream.indirect_vreg.gather [hbm4b:s5+s3], $0x80, v3, vm0, $0xb8;
	[tilespmem:$0x1E800] =	vst v63  }
0x142: {  	s29 =	simm.s32 $0x3000  }
0x143: {  	[tilespmem:s29], [sflag:$0x1] =	stream.indirect_vreg.gather [hbm4b:s6+s3], $0x80, v3, vm0, $0xb8;
	[tilespmem:$0x1E800] =	vst v63  }
0x144: {  	v3 =	vld [tilespmem:$0x310];
	_ =	sdelay $0x4  }
0x145: {  	v45 =	vshrl.u32 v3, $0x3  }
0x146: {  	v4 =	vmul.u32 $0x30, v45  }
0x147: {  	v3 =	vand.u32 $0x7, v3  }
0x148: {  	v3 =	vor.u32 v3, v4  }
0x149: {  	v4 =	vperm.xlane v3, v0;
	_ =	sdelay $0x1  }
0x14a: {  	v4 =	vadd.s32 v1, v4;
	_ =	sdelay $0x3  }
0x14b: {  	s29 =	simm.s32 $0x3800;
	v3 =	vperm.xlane v3, v2  }
0x14c: {  	[tilespmem:s29], [sflag:$0x1] =	stream.indirect_vreg.gather [hbm4b:s1+s3], $0x80, v4, vm0, $0xb8;
	[tilespmem:$0x1E800] =	vst v63  }
0x14d: {  	v3 =	vadd.s32 v1, v3;
	s29 =	simm.s32 $0x4000  }
0x14e: {  	[tilespmem:s29], [sflag:$0x1] =	stream.indirect_vreg.gather [hbm4b:s5+s3], $0x80, v4, vm0, $0xb8;
	[tilespmem:$0x1E800] =	vst v63  }
0x14f: {  	s29 =	simm.s32 $0x4800  }
0x150: {  	[tilespmem:s29], [sflag:$0x1] =	stream.indirect_vreg.gather [hbm4b:s6+s3], $0x80, v4, vm0, $0xb8;
	[tilespmem:$0x1E800] =	vst v63  }
0x151: {  	s29 =	simm.s32 $0x5000  }
0x152: {  	[tilespmem:s29], [sflag:$0x1] =	stream.indirect_vreg.gather [hbm4b:s1+s3], $0x80, v3, vm0, $0xb8;
	[tilespmem:$0x1E800] =	vst v63  }
0x153: {  	s29 =	simm.s32 $0x5800  }
0x154: {  	[tilespmem:s29], [sflag:$0x1] =	stream.indirect_vreg.gather [hbm4b:s5+s3], $0x80, v3, vm0, $0xb8;
	[tilespmem:$0x1E800] =	vst v63  }
0x155: {  	s29 =	simm.s32 $0x6000  }
0x156: {  	[tilespmem:s29], [sflag:$0x1] =	stream.indirect_vreg.gather [hbm4b:s6+s3], $0x80, v3, vm0, $0xb8;
	[tilespmem:$0x1E800] =	vst v63  }
0x157: {  	_ =	swait.ge [sflag:s31], $0x6000  }
0x158: {  	[sflag:s31] =	ssyncset.done $0x0  }
0x159: {  	[sflag:s31] =	ssyncadd.s32 $0xFFFFA000  }
0x15a: {  	_ =	swait.ge [sflag:s4], $0xC00  }
0x15b: {  	[sflag:s4] =	ssyncset.done $0x0  }
0x15c: {  	s16 =	simm.s32 $0xC800;
	[sflag:s4] =	ssyncadd.s32 $0xFFFFF400  }
0x15d: {  	[spmem:s8] =	stream.linear.scatter [tilespmem:s16], [sflag:$0x6], $0x6000, $0x38;
	[tilespmem:$0x1E800] =	vst v63  }
0x15e: {  	_ =	swait.ge [sflag:s0], $0x6000  }
0x15f: {  	[sflag:s0] =	ssyncset.done $0x0  }
0x160: {  	s29 =	rddreg [dreg:$0x9];
	[sflag:s0] =	ssyncadd.s32 $0xFFFFA000  }
0x161: {  	[hbm:s29], [sflag:s26] =	dma.local [spmem:s28], $0xC00  }
0x162: {  	v3 =	vld [tilespmem:$0x380];
	_ =	sdelay $0x4  }
0x163: {  	v46 =	vshrl.u32 v3, $0x3  }
0x164: {  	v4 =	vmul.u32 $0x30, v46  }
0x165: {  	v3 =	vand.u32 $0x7, v3  }
0x166: {  	v3 =	vor.u32 v3, v4  }
0x167: {  	v4 =	vperm.xlane v3, v0;
	_ =	sdelay $0x1  }
0x168: {  	v4 =	vadd.s32 v1, v4;
	_ =	sdelay $0x3  }
0x169: {  	s15 =	simm.s32 $0x6800;
	v3 =	vperm.xlane v3, v2  }
0x16a: {  	[tilespmem:s15], [sflag:$0x2] =	stream.indirect_vreg.gather [hbm4b:s1+s3], $0x80, v4, vm0, $0xb8;
	[tilespmem:$0x1E800] =	vst v63  }
0x16b: {  	v3 =	vadd.s32 v1, v3;
	s15 =	simm.s32 $0x7000  }
0x16c: {  	[tilespmem:s15], [sflag:$0x2] =	stream.indirect_vreg.gather [hbm4b:s5+s3], $0x80, v4, vm0, $0xb8;
	[tilespmem:$0x1E800] =	vst v63  }
0x16d: {  	s15 =	simm.s32 $0x7800  }
0x16e: {  	[tilespmem:s15], [sflag:$0x2] =	stream.indirect_vreg.gather [hbm4b:s6+s3], $0x80, v4, vm0, $0xb8;
	[tilespmem:$0x1E800] =	vst v63  }
0x16f: {  	s15 =	simm.s32 $0x8000  }
0x170: {  	[tilespmem:s15], [sflag:$0x2] =	stream.indirect_vreg.gather [hbm4b:s1+s3], $0x80, v3, vm0, $0xb8;
	[tilespmem:$0x1E800] =	vst v63  }
0x171: {  	_ = 	snop  }
0x172: {  	[tilespmem:s17], [sflag:$0x2] =	stream.indirect_vreg.gather [hbm4b:s5+s3], $0x80, v3, vm0, $0xb8;
	[tilespmem:$0x1E800] =	vst v63  }
0x173: {  	_ = 	snop  }
0x174: {  	[tilespmem:s23], [sflag:$0x2] =	stream.indirect_vreg.gather [hbm4b:s6+s3], $0x80, v3, vm0, $0xb8;
	[tilespmem:$0x1E800] =	vst v63  }
0x175: {  	v3 =	vld [tilespmem:$0x390];
	_ =	sdelay $0x4  }
0x176: {  	v47 =	vshrl.u32 v3, $0x3  }
0x177: {  	v4 =	vmul.u32 $0x30, v47  }
0x178: {  	v3 =	vand.u32 $0x7, v3  }
0x179: {  	v3 =	vor.u32 v3, v4  }
0x17a: {  	v4 =	vperm.xlane v3, v0;
	_ =	sdelay $0x1  }
0x17b: {  	v4 =	vadd.s32 v1, v4;
	_ =	sdelay $0x3  }
0x17c: {  	v3 =	vperm.xlane v3, v2  }
0x17d: {  	[tilespmem:s9], [sflag:$0x2] =	stream.indirect_vreg.gather [hbm4b:s1+s3], $0x80, v4, vm0, $0xb8;
	[tilespmem:$0x1E800] =	vst v63  }
0x17e: {  	v3 =	vadd.s32 v1, v3  }
0x17f: {  	[tilespmem:s18], [sflag:$0x2] =	stream.indirect_vreg.gather [hbm4b:s5+s3], $0x80, v4, vm0, $0xb8;
	[tilespmem:$0x1E800] =	vst v63  }
0x180: {  	_ = 	snop  }
0x181: {  	[tilespmem:s19], [sflag:$0x2] =	stream.indirect_vreg.gather [hbm4b:s6+s3], $0x80, v4, vm0, $0xb8;
	[tilespmem:$0x1E800] =	vst v63  }
0x182: {  	_ = 	snop  }
0x183: {  	[tilespmem:s21], [sflag:$0x2] =	stream.indirect_vreg.gather [hbm4b:s1+s3], $0x80, v3, vm0, $0xb8;
	[tilespmem:$0x1E800] =	vst v63  }
0x184: {  	_ = 	snop  }
0x185: {  	[tilespmem:s22], [sflag:$0x2] =	stream.indirect_vreg.gather [hbm4b:s5+s3], $0x80, v3, vm0, $0xb8;
	[tilespmem:$0x1E800] =	vst v63  }
0x186: {  	_ = 	snop  }
0x187: {  	[tilespmem:s11], [sflag:$0x2] =	stream.indirect_vreg.gather [hbm4b:s6+s3], $0x80, v3, vm0, $0xb8;
	[tilespmem:$0x1E800] =	vst v63  }
0x188: {  	_ =	swait.ge [sflag:s24], $0x6000  }
0x189: {  	[sflag:s24] =	ssyncset.done $0x0  }
0x18a: {  	[sflag:s24] =	ssyncadd.s32 $0xFFFFA000  }
0x18b: {  	_ =	swait.ge [sflag:s2], $0xC00  }
0x18c: {  	[sflag:s2] =	ssyncset.done $0x0  }
0x18d: {  	s25 =	simm.s32 $0x800;
	[sflag:s2] =	ssyncadd.s32 $0xFFFFF400  }
0x18e: {  	[spmem:s7] =	stream.linear.scatter [tilespmem:s25], [sflag:$0x4], $0x6000, $0x38;
	[tilespmem:$0x1E800] =	vst v63  }
0x18f: {  	_ =	swait.ge [sflag:s10], $0x6000  }
0x190: {  	[sflag:s10] =	ssyncset.done $0x0  }
0x191: {  	s18 =	rddreg [dreg:$0xa];
	[sflag:s10] =	ssyncadd.s32 $0xFFFFA000  }
0x192: {  	[hbm:s18], [sflag:s12] =	dma.local [spmem:s13], $0xC00  }
0x193: {  	v3 =	vld [tilespmem:$0x400];
	_ =	sdelay $0x4  }
0x194: {  	v48 =	vshrl.u32 v3, $0x3  }
0x195: {  	v4 =	vmul.u32 $0x30, v48  }
0x196: {  	v3 =	vand.u32 $0x7, v3  }
0x197: {  	v3 =	vor.u32 v3, v4  }
0x198: {  	v4 =	vperm.xlane v3, v0;
	_ =	sdelay $0x1  }
0x199: {  	v4 =	vadd.s32 v1, v4;
	_ =	sdelay $0x3  }
0x19a: {  	s16 =	simm.s32 $0xC800;
	v3 =	vperm.xlane v3, v2  }
0x19b: {  	[tilespmem:s16], [sflag:$0x3] =	stream.indirect_vreg.gather [hbm4b:s1+s3], $0x80, v4, vm0, $0xb8;
	[tilespmem:$0x1E800] =	vst v63  }
0x19c: {  	s9 =	simm.s32 $0xD000;
	v3 =	vadd.s32 v1, v3  }
0x19d: {  	[tilespmem:s9], [sflag:$0x3] =	stream.indirect_vreg.gather [hbm4b:s5+s3], $0x80, v4, vm0, $0xb8;
	[tilespmem:$0x1E800] =	vst v63  }
0x19e: {  	s11 =	simm.s32 $0xD800  }
0x19f: {  	[tilespmem:s11], [sflag:$0x3] =	stream.indirect_vreg.gather [hbm4b:s6+s3], $0x80, v4, vm0, $0xb8;
	[tilespmem:$0x1E800] =	vst v63  }
0x1a0: {  	s15 =	simm.s32 $0xE000  }
0x1a1: {  	[tilespmem:s15], [sflag:$0x3] =	stream.indirect_vreg.gather [hbm4b:s1+s3], $0x80, v3, vm0, $0xb8;
	[tilespmem:$0x1E800] =	vst v63  }
0x1a2: {  	s16 =	simm.s32 $0xE800  }
0x1a3: {  	[tilespmem:s16], [sflag:$0x3] =	stream.indirect_vreg.gather [hbm4b:s5+s3], $0x80, v3, vm0, $0xb8;
	[tilespmem:$0x1E800] =	vst v63  }
0x1a4: {  	s22 =	simm.s32 $0xF000  }
0x1a5: {  	[tilespmem:s22], [sflag:$0x3] =	stream.indirect_vreg.gather [hbm4b:s6+s3], $0x80, v3, vm0, $0xb8;
	[tilespmem:$0x1E800] =	vst v63  }
0x1a6: {  	v3 =	vld [tilespmem:$0x410];
	_ =	sdelay $0x4  }
0x1a7: {  	v49 =	vshrl.u32 v3, $0x3  }
0x1a8: {  	v4 =	vmul.u32 $0x30, v49  }
0x1a9: {  	v3 =	vand.u32 $0x7, v3  }
0x1aa: {  	v3 =	vor.u32 v3, v4  }
0x1ab: {  	v4 =	vperm.xlane v3, v0;
	_ =	sdelay $0x1  }
0x1ac: {  	v4 =	vadd.s32 v1, v4;
	_ =	sdelay $0x3  }
0x1ad: {  	s23 =	simm.s32 $0xF800;
	v3 =	vperm.xlane v3, v2  }
0x1ae: {  	[tilespmem:s23], [sflag:$0x3] =	stream.indirect_vreg.gather [hbm4b:s1+s3], $0x80, v4, vm0, $0xb8;
	[tilespmem:$0x1E800] =	vst v63  }
0x1af: {  	s19 =	simm.s32 $0x10000;
	v3 =	vadd.s32 v1, v3  }
0x1b0: {  	[tilespmem:s19], [sflag:$0x3] =	stream.indirect_vreg.gather [hbm4b:s5+s3], $0x80, v4, vm0, $0xb8;
	[tilespmem:$0x1E800] =	vst v63  }
0x1b1: {  	s21 =	simm.s32 $0x10800  }
0x1b2: {  	[tilespmem:s21], [sflag:$0x3] =	stream.indirect_vreg.gather [hbm4b:s6+s3], $0x80, v4, vm0, $0xb8;
	[tilespmem:$0x1E800] =	vst v63  }
0x1b3: {  	s25 =	simm.s32 $0x11000  }
0x1b4: {  	[tilespmem:s25], [sflag:$0x3] =	stream.indirect_vreg.gather [hbm4b:s1+s3], $0x80, v3, vm0, $0xb8;
	[tilespmem:$0x1E800] =	vst v63  }
0x1b5: {  	s21 =	simm.s32 $0x11800  }
0x1b6: {  	[tilespmem:s21], [sflag:$0x3] =	stream.indirect_vreg.gather [hbm4b:s5+s3], $0x80, v3, vm0, $0xb8;
	[tilespmem:$0x1E800] =	vst v63  }
0x1b7: {  	s25 =	simm.s32 $0x12000  }
0x1b8: {  	[tilespmem:s25], [sflag:$0x3] =	stream.indirect_vreg.gather [hbm4b:s6+s3], $0x80, v3, vm0, $0xb8;
	[tilespmem:$0x1E800] =	vst v63  }
0x1b9: {  	_ =	swait.ge [sflag:s20], $0x6000  }
0x1ba: {  	[sflag:s20] =	ssyncset.done $0x0  }
0x1bb: {  	[sflag:s20] =	ssyncadd.s32 $0xFFFFA000  }
0x1bc: {  	_ =	swait.ge [sflag:s4], $0xC00  }
0x1bd: {  	[sflag:s4] =	ssyncset.done $0x0  }
0x1be: {  	s29 =	simm.s32 $0x6800;
	[sflag:s4] =	ssyncadd.s32 $0xFFFFF400  }
0x1bf: {  	[spmem:s8] =	stream.linear.scatter [tilespmem:s29], [sflag:$0x5], $0x6000, $0x38;
	[tilespmem:$0x1E800] =	vst v63  }
0x1c0: {  	_ =	swait.ge [sflag:s30], $0x6000  }
0x1c1: {  	[sflag:s30] =	ssyncset.done $0x0  }
0x1c2: {  	s29 =	rddreg [dreg:$0xb];
	[sflag:s30] =	ssyncadd.s32 $0xFFFFA000  }
0x1c3: {  	[hbm:s29], [sflag:s26] =	dma.local [spmem:s28], $0xC00  }
0x1c4: {  	v3 =	vld [tilespmem:$0x480];
	_ =	sdelay $0x4  }
0x1c5: {  	v50 =	vshrl.u32 v3, $0x3  }
0x1c6: {  	v4 =	vmul.u32 $0x30, v50  }
0x1c7: {  	v3 =	vand.u32 $0x7, v3  }
0x1c8: {  	v3 =	vor.u32 v3, v4  }
0x1c9: {  	v4 =	vperm.xlane v3, v0;
	_ =	sdelay $0x1  }
0x1ca: {  	v4 =	vadd.s32 v1, v4;
	_ =	sdelay $0x3  }
0x1cb: {  	s17 =	simm.s32 $0x800;
	v3 =	vperm.xlane v3, v2  }
0x1cc: {  	[tilespmem:s17], [sflag:$0x1] =	stream.indirect_vreg.gather [hbm4b:s1+s3], $0x80, v4, vm0, $0xb8;
	[tilespmem:$0x1E800] =	vst v63  }
0x1cd: {  	v3 =	vadd.s32 v1, v3;
	s17 =	simm.s32 $0x1000  }
0x1ce: {  	[tilespmem:s17], [sflag:$0x1] =	stream.indirect_vreg.gather [hbm4b:s5+s3], $0x80, v4, vm0, $0xb8;
	[tilespmem:$0x1E800] =	vst v63  }
0x1cf: {  	s17 =	simm.s32 $0x1800  }
0x1d0: {  	[tilespmem:s17], [sflag:$0x1] =	stream.indirect_vreg.gather [hbm4b:s6+s3], $0x80, v4, vm0, $0xb8;
	[tilespmem:$0x1E800] =	vst v63  }
0x1d1: {  	s17 =	simm.s32 $0x2000  }
0x1d2: {  	[tilespmem:s17], [sflag:$0x1] =	stream.indirect_vreg.gather [hbm4b:s1+s3], $0x80, v3, vm0, $0xb8;
	[tilespmem:$0x1E800] =	vst v63  }
0x1d3: {  	s17 =	simm.s32 $0x2800  }
0x1d4: {  	[tilespmem:s17], [sflag:$0x1] =	stream.indirect_vreg.gather [hbm4b:s5+s3], $0x80, v3, vm0, $0xb8;
	[tilespmem:$0x1E800] =	vst v63  }
0x1d5: {  	s17 =	simm.s32 $0x3000  }
0x1d6: {  	[tilespmem:s17], [sflag:$0x1] =	stream.indirect_vreg.gather [hbm4b:s6+s3], $0x80, v3, vm0, $0xb8;
	[tilespmem:$0x1E800] =	vst v63  }
0x1d7: {  	v3 =	vld [tilespmem:$0x490];
	_ =	sdelay $0x4  }
0x1d8: {  	v51 =	vshrl.u32 v3, $0x3  }
0x1d9: {  	v4 =	vmul.u32 $0x30, v51  }
0x1da: {  	v3 =	vand.u32 $0x7, v3  }
0x1db: {  	v3 =	vor.u32 v3, v4  }
0x1dc: {  	v4 =	vperm.xlane v3, v0;
	_ =	sdelay $0x1  }
0x1dd: {  	v4 =	vadd.s32 v1, v4;
	_ =	sdelay $0x3  }
0x1de: {  	s17 =	simm.s32 $0x3800;
	v3 =	vperm.xlane v3, v2  }
0x1df: {  	[tilespmem:s17], [sflag:$0x1] =	stream.indirect_vreg.gather [hbm4b:s1+s3], $0x80, v4, vm0, $0xb8;
	[tilespmem:$0x1E800] =	vst v63  }
0x1e0: {  	v3 =	vadd.s32 v1, v3;
	s17 =	simm.s32 $0x4000  }
0x1e1: {  	[tilespmem:s17], [sflag:$0x1] =	stream.indirect_vreg.gather [hbm4b:s5+s3], $0x80, v4, vm0, $0xb8;
	[tilespmem:$0x1E800] =	vst v63  }
0x1e2: {  	s17 =	simm.s32 $0x4800  }
0x1e3: {  	[tilespmem:s17], [sflag:$0x1] =	stream.indirect_vreg.gather [hbm4b:s6+s3], $0x80, v4, vm0, $0xb8;
	[tilespmem:$0x1E800] =	vst v63  }
0x1e4: {  	s17 =	simm.s32 $0x5000  }
0x1e5: {  	[tilespmem:s17], [sflag:$0x1] =	stream.indirect_vreg.gather [hbm4b:s1+s3], $0x80, v3, vm0, $0xb8;
	[tilespmem:$0x1E800] =	vst v63  }
0x1e6: {  	s17 =	simm.s32 $0x5800  }
0x1e7: {  	[tilespmem:s17], [sflag:$0x1] =	stream.indirect_vreg.gather [hbm4b:s5+s3], $0x80, v3, vm0, $0xb8;
	[tilespmem:$0x1E800] =	vst v63  }
0x1e8: {  	s17 =	simm.s32 $0x6000  }
0x1e9: {  	[tilespmem:s17], [sflag:$0x1] =	stream.indirect_vreg.gather [hbm4b:s6+s3], $0x80, v3, vm0, $0xb8;
	[tilespmem:$0x1E800] =	vst v63  }
0x1ea: {  	_ =	swait.ge [sflag:s31], $0x6000  }
0x1eb: {  	[sflag:s31] =	ssyncset.done $0x0  }
0x1ec: {  	[sflag:s31] =	ssyncadd.s32 $0xFFFFA000  }
0x1ed: {  	_ =	swait.ge [sflag:s2], $0xC00  }
0x1ee: {  	[sflag:s2] =	ssyncset.done $0x0  }
0x1ef: {  	s18 =	simm.s32 $0xC800;
	[sflag:s2] =	ssyncadd.s32 $0xFFFFF400  }
0x1f0: {  	[spmem:s7] =	stream.linear.scatter [tilespmem:s18], [sflag:$0x6], $0x6000, $0x38;
	[tilespmem:$0x1E800] =	vst v63  }
0x1f1: {  	_ =	swait.ge [sflag:s0], $0x6000  }
0x1f2: {  	[sflag:s0] =	ssyncset.done $0x0  }
0x1f3: {  	s17 =	rddreg [dreg:$0xc];
	[sflag:s0] =	ssyncadd.s32 $0xFFFFA000  }
0x1f4: {  	[hbm:s17], [sflag:s12] =	dma.local [spmem:s13], $0xC00  }
0x1f5: {  	v3 =	vld [tilespmem:$0x500];
	_ =	sdelay $0x4  }
0x1f6: {  	v52 =	vshrl.u32 v3, $0x3  }
0x1f7: {  	v4 =	vmul.u32 $0x30, v52  }
0x1f8: {  	v3 =	vand.u32 $0x7, v3  }
0x1f9: {  	v3 =	vor.u32 v3, v4  }
0x1fa: {  	v4 =	vperm.xlane v3, v0;
	_ =	sdelay $0x1  }
0x1fb: {  	v4 =	vadd.s32 v1, v4;
	_ =	sdelay $0x3  }
0x1fc: {  	s19 =	simm.s32 $0x6800;
	v3 =	vperm.xlane v3, v2  }
0x1fd: {  	[tilespmem:s19], [sflag:$0x2] =	stream.indirect_vreg.gather [hbm4b:s1+s3], $0x80, v4, vm0, $0xb8;
	[tilespmem:$0x1E800] =	vst v63  }
0x1fe: {  	v3 =	vadd.s32 v1, v3;
	s19 =	simm.s32 $0x7000  }
0x1ff: {  	[tilespmem:s19], [sflag:$0x2] =	stream.indirect_vreg.gather [hbm4b:s5+s3], $0x80, v4, vm0, $0xb8;
	[tilespmem:$0x1E800] =	vst v63  }
0x200: {  	s19 =	simm.s32 $0x7800  }
0x201: {  	[tilespmem:s19], [sflag:$0x2] =	stream.indirect_vreg.gather [hbm4b:s6+s3], $0x80, v4, vm0, $0xb8;
	[tilespmem:$0x1E800] =	vst v63  }
0x202: {  	s19 =	simm.s32 $0x8000  }
0x203: {  	[tilespmem:s19], [sflag:$0x2] =	stream.indirect_vreg.gather [hbm4b:s1+s3], $0x80, v3, vm0, $0xb8;
	[tilespmem:$0x1E800] =	vst v63  }
0x204: {  	s19 =	simm.s32 $0x8800  }
0x205: {  	[tilespmem:s19], [sflag:$0x2] =	stream.indirect_vreg.gather [hbm4b:s5+s3], $0x80, v3, vm0, $0xb8;
	[tilespmem:$0x1E800] =	vst v63  }
0x206: {  	s19 =	simm.s32 $0x9000  }
0x207: {  	[tilespmem:s19], [sflag:$0x2] =	stream.indirect_vreg.gather [hbm4b:s6+s3], $0x80, v3, vm0, $0xb8;
	[tilespmem:$0x1E800] =	vst v63  }
0x208: {  	v3 =	vld [tilespmem:$0x510];
	_ =	sdelay $0x4  }
0x209: {  	v53 =	vshrl.u32 v3, $0x3  }
0x20a: {  	v4 =	vmul.u32 $0x30, v53  }
0x20b: {  	v3 =	vand.u32 $0x7, v3  }
0x20c: {  	v3 =	vor.u32 v3, v4  }
0x20d: {  	v4 =	vperm.xlane v3, v0;
	_ =	sdelay $0x1  }
0x20e: {  	v4 =	vadd.s32 v1, v4;
	_ =	sdelay $0x3  }
0x20f: {  	s19 =	simm.s32 $0x9800;
	v3 =	vperm.xlane v3, v2  }
0x210: {  	[tilespmem:s19], [sflag:$0x2] =	stream.indirect_vreg.gather [hbm4b:s1+s3], $0x80, v4, vm0, $0xb8;
	[tilespmem:$0x1E800] =	vst v63  }
0x211: {  	v3 =	vadd.s32 v1, v3;
	s19 =	simm.s32 $0xA000  }
0x212: {  	[tilespmem:s19], [sflag:$0x2] =	stream.indirect_vreg.gather [hbm4b:s5+s3], $0x80, v4, vm0, $0xb8;
	[tilespmem:$0x1E800] =	vst v63  }
0x213: {  	s19 =	simm.s32 $0xA800  }
0x214: {  	[tilespmem:s19], [sflag:$0x2] =	stream.indirect_vreg.gather [hbm4b:s6+s3], $0x80, v4, vm0, $0xb8;
	[tilespmem:$0x1E800] =	vst v63  }
0x215: {  	s19 =	simm.s32 $0xB000  }
0x216: {  	[tilespmem:s19], [sflag:$0x2] =	stream.indirect_vreg.gather [hbm4b:s1+s3], $0x80, v3, vm0, $0xb8;
	[tilespmem:$0x1E800] =	vst v63  }
0x217: {  	s19 =	simm.s32 $0xB800  }
0x218: {  	[tilespmem:s19], [sflag:$0x2] =	stream.indirect_vreg.gather [hbm4b:s5+s3], $0x80, v3, vm0, $0xb8;
	[tilespmem:$0x1E800] =	vst v63  }
0x219: {  	s19 =	simm.s32 $0xC000  }
0x21a: {  	[tilespmem:s19], [sflag:$0x2] =	stream.indirect_vreg.gather [hbm4b:s6+s3], $0x80, v3, vm0, $0xb8;
	[tilespmem:$0x1E800] =	vst v63  }
0x21b: {  	_ =	swait.ge [sflag:s24], $0x6000  }
0x21c: {  	[sflag:s24] =	ssyncset.done $0x0  }
0x21d: {  	[sflag:s24] =	ssyncadd.s32 $0xFFFFA000  }
0x21e: {  	_ =	swait.ge [sflag:s4], $0xC00  }
0x21f: {  	[sflag:s4] =	ssyncset.done $0x0  }
0x220: {  	s29 =	simm.s32 $0x800;
	[sflag:s4] =	ssyncadd.s32 $0xFFFFF400  }
0x221: {  	[spmem:s8] =	stream.linear.scatter [tilespmem:s29], [sflag:$0x4], $0x6000, $0x38;
	[tilespmem:$0x1E800] =	vst v63  }
0x222: {  	_ =	swait.ge [sflag:s10], $0x6000  }
0x223: {  	[sflag:s10] =	ssyncset.done $0x0  }
0x224: {  	s19 =	rddreg [dreg:$0xd];
	[sflag:s10] =	ssyncadd.s32 $0xFFFFA000  }
0x225: {  	[hbm:s19], [sflag:s26] =	dma.local [spmem:s28], $0xC00  }
0x226: {  	v3 =	vld [tilespmem:$0x580];
	_ =	sdelay $0x4  }
0x227: {  	v54 =	vshrl.u32 v3, $0x3  }
0x228: {  	v4 =	vmul.u32 $0x30, v54  }
0x229: {  	v3 =	vand.u32 $0x7, v3  }
0x22a: {  	v3 =	vor.u32 v3, v4  }
0x22b: {  	v4 =	vperm.xlane v3, v0;
	_ =	sdelay $0x1  }
0x22c: {  	v4 =	vadd.s32 v1, v4;
	_ =	sdelay $0x3  }
0x22d: {  	s18 =	simm.s32 $0xC800;
	v3 =	vperm.xlane v3, v2  }
0x22e: {  	[tilespmem:s18], [sflag:$0x3] =	stream.indirect_vreg.gather [hbm4b:s1+s3], $0x80, v4, vm0, $0xb8;
	[tilespmem:$0x1E800] =	vst v63  }
0x22f: {  	v3 =	vadd.s32 v1, v3  }
0x230: {  	[tilespmem:s9], [sflag:$0x3] =	stream.indirect_vreg.gather [hbm4b:s5+s3], $0x80, v4, vm0, $0xb8;
	[tilespmem:$0x1E800] =	vst v63  }
0x231: {  	_ = 	snop  }
0x232: {  	[tilespmem:s11], [sflag:$0x3] =	stream.indirect_vreg.gather [hbm4b:s6+s3], $0x80, v4, vm0, $0xb8;
	[tilespmem:$0x1E800] =	vst v63  }
0x233: {  	_ = 	snop  }
0x234: {  	[tilespmem:s15], [sflag:$0x3] =	stream.indirect_vreg.gather [hbm4b:s1+s3], $0x80, v3, vm0, $0xb8;
	[tilespmem:$0x1E800] =	vst v63  }
0x235: {  	_ = 	snop  }
0x236: {  	[tilespmem:s16], [sflag:$0x3] =	stream.indirect_vreg.gather [hbm4b:s5+s3], $0x80, v3, vm0, $0xb8;
	[tilespmem:$0x1E800] =	vst v63  }
0x237: {  	_ = 	snop  }
0x238: {  	[tilespmem:s22], [sflag:$0x3] =	stream.indirect_vreg.gather [hbm4b:s6+s3], $0x80, v3, vm0, $0xb8;
	[tilespmem:$0x1E800] =	vst v63  }
0x239: {  	v3 =	vld [tilespmem:$0x590];
	_ =	sdelay $0x4  }
0x23a: {  	v55 =	vshrl.u32 v3, $0x3  }
0x23b: {  	v4 =	vmul.u32 $0x30, v55  }
0x23c: {  	v3 =	vand.u32 $0x7, v3  }
0x23d: {  	v3 =	vor.u32 v3, v4  }
0x23e: {  	v4 =	vperm.xlane v3, v0;
	_ =	sdelay $0x1  }
0x23f: {  	v4 =	vadd.s32 v1, v4;
	_ =	sdelay $0x3  }
0x240: {  	v3 =	vperm.xlane v3, v2  }
0x241: {  	[tilespmem:s23], [sflag:$0x3] =	stream.indirect_vreg.gather [hbm4b:s1+s3], $0x80, v4, vm0, $0xb8;
	[tilespmem:$0x1E800] =	vst v63  }
0x242: {  	s19 =	simm.s32 $0x10000;
	v3 =	vadd.s32 v1, v3  }
0x243: {  	[tilespmem:s19], [sflag:$0x3] =	stream.indirect_vreg.gather [hbm4b:s5+s3], $0x80, v4, vm0, $0xb8;
	[tilespmem:$0x1E800] =	vst v63  }
0x244: {  	s19 =	simm.s32 $0x10800  }
0x245: {  	[tilespmem:s19], [sflag:$0x3] =	stream.indirect_vreg.gather [hbm4b:s6+s3], $0x80, v4, vm0, $0xb8;
	[tilespmem:$0x1E800] =	vst v63  }
0x246: {  	s19 =	simm.s32 $0x11000  }
0x247: {  	[tilespmem:s19], [sflag:$0x3] =	stream.indirect_vreg.gather [hbm4b:s1+s3], $0x80, v3, vm0, $0xb8;
	[tilespmem:$0x1E800] =	vst v63  }
0x248: {  	_ = 	snop  }
0x249: {  	[tilespmem:s21], [sflag:$0x3] =	stream.indirect_vreg.gather [hbm4b:s5+s3], $0x80, v3, vm0, $0xb8;
	[tilespmem:$0x1E800] =	vst v63  }
0x24a: {  	_ = 	snop  }
0x24b: {  	[tilespmem:s25], [sflag:$0x3] =	stream.indirect_vreg.gather [hbm4b:s6+s3], $0x80, v3, vm0, $0xb8;
	[tilespmem:$0x1E800] =	vst v63  }
0x24c: {  	_ =	swait.ge [sflag:s20], $0x6000  }
0x24d: {  	[sflag:s20] =	ssyncset.done $0x0  }
0x24e: {  	[sflag:s20] =	ssyncadd.s32 $0xFFFFA000  }
0x24f: {  	_ =	swait.ge [sflag:s2], $0xC00  }
0x250: {  	[sflag:s2] =	ssyncset.done $0x0  }
0x251: {  	s17 =	simm.s32 $0x6800;
	[sflag:s2] =	ssyncadd.s32 $0xFFFFF400  }
0x252: {  	[spmem:s7] =	stream.linear.scatter [tilespmem:s17], [sflag:$0x5], $0x6000, $0x38;
	[tilespmem:$0x1E800] =	vst v63  }
0x253: {  	_ =	swait.ge [sflag:s30], $0x6000  }
0x254: {  	[sflag:s30] =	ssyncset.done $0x0  }
0x255: {  	s14 =	rddreg [dreg:$0xe];
	[sflag:s30] =	ssyncadd.s32 $0xFFFFA000  }
0x256: {  	[hbm:s14], [sflag:s12] =	dma.local [spmem:s13], $0xC00  }
0x257: {  	v3 =	vld [tilespmem:$0x600];
	_ =	sdelay $0x4  }
0x258: {  	v56 =	vshrl.u32 v3, $0x3  }
0x259: {  	v4 =	vmul.u32 $0x30, v56  }
0x25a: {  	v3 =	vand.u32 $0x7, v3  }
0x25b: {  	v3 =	vor.u32 v3, v4  }
0x25c: {  	v4 =	vperm.xlane v3, v0;
	_ =	sdelay $0x1  }
0x25d: {  	v4 =	vadd.s32 v1, v4;
	_ =	sdelay $0x3  }
0x25e: {  	v3 =	vperm.xlane v3, v2  }
0x25f: {  	[tilespmem:s29], [sflag:$0x1] =	stream.indirect_vreg.gather [hbm4b:s1+s3], $0x80, v4, vm0, $0xb8;
	[tilespmem:$0x1E800] =	vst v63  }
0x260: {  	s14 =	simm.s32 $0x1000;
	v3 =	vadd.s32 v1, v3  }
0x261: {  	[tilespmem:s14], [sflag:$0x1] =	stream.indirect_vreg.gather [hbm4b:s5+s3], $0x80, v4, vm0, $0xb8;
	[tilespmem:$0x1E800] =	vst v63  }
0x262: {  	s14 =	simm.s32 $0x1800  }
0x263: {  	[tilespmem:s14], [sflag:$0x1] =	stream.indirect_vreg.gather [hbm4b:s6+s3], $0x80, v4, vm0, $0xb8;
	[tilespmem:$0x1E800] =	vst v63  }
0x264: {  	s14 =	simm.s32 $0x2000  }
0x265: {  	[tilespmem:s14], [sflag:$0x1] =	stream.indirect_vreg.gather [hbm4b:s1+s3], $0x80, v3, vm0, $0xb8;
	[tilespmem:$0x1E800] =	vst v63  }
0x266: {  	s14 =	simm.s32 $0x2800  }
0x267: {  	[tilespmem:s14], [sflag:$0x1] =	stream.indirect_vreg.gather [hbm4b:s5+s3], $0x80, v3, vm0, $0xb8;
	[tilespmem:$0x1E800] =	vst v63  }
0x268: {  	s14 =	simm.s32 $0x3000  }
0x269: {  	[tilespmem:s14], [sflag:$0x1] =	stream.indirect_vreg.gather [hbm4b:s6+s3], $0x80, v3, vm0, $0xb8;
	[tilespmem:$0x1E800] =	vst v63  }
0x26a: {  	v3 =	vld [tilespmem:$0x610];
	_ =	sdelay $0x4  }
0x26b: {  	v57 =	vshrl.u32 v3, $0x3  }
0x26c: {  	v4 =	vmul.u32 $0x30, v57  }
0x26d: {  	v3 =	vand.u32 $0x7, v3  }
0x26e: {  	v3 =	vor.u32 v3, v4  }
0x26f: {  	v4 =	vperm.xlane v3, v0;
	_ =	sdelay $0x1  }
0x270: {  	v4 =	vadd.s32 v1, v4;
	_ =	sdelay $0x3  }
0x271: {  	s14 =	simm.s32 $0x3800;
	v3 =	vperm.xlane v3, v2  }
0x272: {  	[tilespmem:s14], [sflag:$0x1] =	stream.indirect_vreg.gather [hbm4b:s1+s3], $0x80, v4, vm0, $0xb8;
	[tilespmem:$0x1E800] =	vst v63  }
0x273: {  	v3 =	vadd.s32 v1, v3;
	s14 =	simm.s32 $0x4000  }
0x274: {  	[tilespmem:s14], [sflag:$0x1] =	stream.indirect_vreg.gather [hbm4b:s5+s3], $0x80, v4, vm0, $0xb8;
	[tilespmem:$0x1E800] =	vst v63  }
0x275: {  	s14 =	simm.s32 $0x4800  }
0x276: {  	[tilespmem:s14], [sflag:$0x1] =	stream.indirect_vreg.gather [hbm4b:s6+s3], $0x80, v4, vm0, $0xb8;
	[tilespmem:$0x1E800] =	vst v63  }
0x277: {  	s14 =	simm.s32 $0x5000  }
0x278: {  	[tilespmem:s14], [sflag:$0x1] =	stream.indirect_vreg.gather [hbm4b:s1+s3], $0x80, v3, vm0, $0xb8;
	[tilespmem:$0x1E800] =	vst v63  }
0x279: {  	s14 =	simm.s32 $0x5800  }
0x27a: {  	[tilespmem:s14], [sflag:$0x1] =	stream.indirect_vreg.gather [hbm4b:s5+s3], $0x80, v3, vm0, $0xb8;
	[tilespmem:$0x1E800] =	vst v63  }
0x27b: {  	s14 =	simm.s32 $0x6000  }
0x27c: {  	[tilespmem:s14], [sflag:$0x1] =	stream.indirect_vreg.gather [hbm4b:s6+s3], $0x80, v3, vm0, $0xb8;
	[tilespmem:$0x1E800] =	vst v63  }
0x27d: {  	_ =	swait.ge [sflag:s31], $0x6000  }
0x27e: {  	[sflag:s31] =	ssyncset.done $0x0  }
0x27f: {  	[sflag:s31] =	ssyncadd.s32 $0xFFFFA000  }
0x280: {  	_ =	swait.ge [sflag:s4], $0xC00  }
0x281: {  	[sflag:s4] =	ssyncset.done $0x0  }
0x282: {  	[sflag:s4] =	ssyncadd.s32 $0xFFFFF400  }
0x283: {  	[spmem:s8] =	stream.linear.scatter [tilespmem:s18], [sflag:$0x6], $0x6000, $0x38;
	[tilespmem:$0x1E800] =	vst v63  }
0x284: {  	_ =	swait.ge [sflag:s0], $0x6000  }
0x285: {  	[sflag:s0] =	ssyncset.done $0x0  }
0x286: {  	s14 =	rddreg [dreg:$0xf];
	[sflag:s0] =	ssyncadd.s32 $0xFFFFA000  }
0x287: {  	[hbm:s14], [sflag:s26] =	dma.local [spmem:s28], $0xC00  }
0x288: {  	v3 =	vld [tilespmem:$0x680];
	_ =	sdelay $0x4  }
0x289: {  	v58 =	vshrl.u32 v3, $0x3  }
0x28a: {  	v4 =	vmul.u32 $0x30, v58  }
0x28b: {  	v3 =	vand.u32 $0x7, v3  }
0x28c: {  	v3 =	vor.u32 v3, v4  }
0x28d: {  	v4 =	vperm.xlane v3, v0;
	_ =	sdelay $0x1  }
0x28e: {  	v4 =	vadd.s32 v1, v4;
	_ =	sdelay $0x3  }
0x28f: {  	v3 =	vperm.xlane v3, v2  }
0x290: {  	[tilespmem:s17], [sflag:$0x2] =	stream.indirect_vreg.gather [hbm4b:s1+s3], $0x80, v4, vm0, $0xb8;
	[tilespmem:$0x1E800] =	vst v63  }
0x291: {  	s14 =	simm.s32 $0x7000;
	v3 =	vadd.s32 v1, v3  }
0x292: {  	[tilespmem:s14], [sflag:$0x2] =	stream.indirect_vreg.gather [hbm4b:s5+s3], $0x80, v4, vm0, $0xb8;
	[tilespmem:$0x1E800] =	vst v63  }
0x293: {  	s14 =	simm.s32 $0x7800  }
0x294: {  	[tilespmem:s14], [sflag:$0x2] =	stream.indirect_vreg.gather [hbm4b:s6+s3], $0x80, v4, vm0, $0xb8;
	[tilespmem:$0x1E800] =	vst v63  }
0x295: {  	s14 =	simm.s32 $0x8000  }
0x296: {  	[tilespmem:s14], [sflag:$0x2] =	stream.indirect_vreg.gather [hbm4b:s1+s3], $0x80, v3, vm0, $0xb8;
	[tilespmem:$0x1E800] =	vst v63  }
0x297: {  	s14 =	simm.s32 $0x8800  }
0x298: {  	[tilespmem:s14], [sflag:$0x2] =	stream.indirect_vreg.gather [hbm4b:s5+s3], $0x80, v3, vm0, $0xb8;
	[tilespmem:$0x1E800] =	vst v63  }
0x299: {  	s14 =	simm.s32 $0x9000  }
0x29a: {  	[tilespmem:s14], [sflag:$0x2] =	stream.indirect_vreg.gather [hbm4b:s6+s3], $0x80, v3, vm0, $0xb8;
	[tilespmem:$0x1E800] =	vst v63  }
0x29b: {  	v3 =	vld [tilespmem:$0x690];
	_ =	sdelay $0x4  }
0x29c: {  	v59 =	vshrl.u32 v3, $0x3  }
0x29d: {  	v4 =	vmul.u32 $0x30, v59  }
0x29e: {  	v3 =	vand.u32 $0x7, v3  }
0x29f: {  	v3 =	vor.u32 v3, v4  }
0x2a0: {  	v4 =	vperm.xlane v3, v0;
	_ =	sdelay $0x1  }
0x2a1: {  	v4 =	vadd.s32 v1, v4;
	_ =	sdelay $0x3  }
0x2a2: {  	s14 =	simm.s32 $0x9800;
	v3 =	vperm.xlane v3, v2  }
0x2a3: {  	[tilespmem:s14], [sflag:$0x2] =	stream.indirect_vreg.gather [hbm4b:s1+s3], $0x80, v4, vm0, $0xb8;
	[tilespmem:$0x1E800] =	vst v63  }
0x2a4: {  	v3 =	vadd.s32 v1, v3;
	s14 =	simm.s32 $0xA000  }
0x2a5: {  	[tilespmem:s14], [sflag:$0x2] =	stream.indirect_vreg.gather [hbm4b:s5+s3], $0x80, v4, vm0, $0xb8;
	[tilespmem:$0x1E800] =	vst v63  }
0x2a6: {  	s14 =	simm.s32 $0xA800  }
0x2a7: {  	[tilespmem:s14], [sflag:$0x2] =	stream.indirect_vreg.gather [hbm4b:s6+s3], $0x80, v4, vm0, $0xb8;
	[tilespmem:$0x1E800] =	vst v63  }
0x2a8: {  	s14 =	simm.s32 $0xB000  }
0x2a9: {  	[tilespmem:s14], [sflag:$0x2] =	stream.indirect_vreg.gather [hbm4b:s1+s3], $0x80, v3, vm0, $0xb8;
	[tilespmem:$0x1E800] =	vst v63  }
0x2aa: {  	s14 =	simm.s32 $0xB800  }
0x2ab: {  	[tilespmem:s14], [sflag:$0x2] =	stream.indirect_vreg.gather [hbm4b:s5+s3], $0x80, v3, vm0, $0xb8;
	[tilespmem:$0x1E800] =	vst v63  }
0x2ac: {  	s14 =	simm.s32 $0xC000  }
0x2ad: {  	[tilespmem:s14], [sflag:$0x2] =	stream.indirect_vreg.gather [hbm4b:s6+s3], $0x80, v3, vm0, $0xb8;
	[tilespmem:$0x1E800] =	vst v63  }
0x2ae: {  	_ =	swait.ge [sflag:s24], $0x6000  }
0x2af: {  	[sflag:s24] =	ssyncset.done $0x0  }
0x2b0: {  	[sflag:s24] =	ssyncadd.s32 $0xFFFFA000  }
0x2b1: {  	_ =	swait.ge [sflag:s2], $0xC00  }
0x2b2: {  	[sflag:s2] =	ssyncset.done $0x0  }
0x2b3: {  	[sflag:s2] =	ssyncadd.s32 $0xFFFFF400  }
0x2b4: {  	[spmem:s7] =	stream.linear.scatter [tilespmem:s29], [sflag:$0x4], $0x6000, $0x38;
	[tilespmem:$0x1E800] =	vst v63  }
0x2b5: {  	_ =	swait.ge [sflag:s10], $0x6000  }
0x2b6: {  	[sflag:s10] =	ssyncset.done $0x0  }
0x2b7: {  	s14 =	rddreg [dreg:$0x10];
	[sflag:s10] =	ssyncadd.s32 $0xFFFFA000  }
0x2b8: {  	[hbm:s14], [sflag:s12] =	dma.local [spmem:s13], $0xC00  }
0x2b9: {  	v3 =	vld [tilespmem:$0x700];
	_ =	sdelay $0x4  }
0x2ba: {  	v60 =	vshrl.u32 v3, $0x3  }
0x2bb: {  	v4 =	vmul.u32 $0x30, v60  }
0x2bc: {  	v3 =	vand.u32 $0x7, v3  }
0x2bd: {  	v3 =	vor.u32 v3, v4  }
0x2be: {  	v4 =	vperm.xlane v3, v0;
	_ =	sdelay $0x1  }
0x2bf: {  	v4 =	vadd.s32 v1, v4;
	_ =	sdelay $0x3  }
0x2c0: {  	v3 =	vperm.xlane v3, v2  }
0x2c1: {  	[tilespmem:s18], [sflag:$0x3] =	stream.indirect_vreg.gather [hbm4b:s1+s3], $0x80, v4, vm0, $0xb8;
	[tilespmem:$0x1E800] =	vst v63  }
0x2c2: {  	s9 =	simm.s32 $0xD000;
	v3 =	vadd.s32 v1, v3  }
0x2c3: {  	[tilespmem:s9], [sflag:$0x3] =	stream.indirect_vreg.gather [hbm4b:s5+s3], $0x80, v4, vm0, $0xb8;
	[tilespmem:$0x1E800] =	vst v63  }
0x2c4: {  	s11 =	simm.s32 $0xD800  }
0x2c5: {  	[tilespmem:s11], [sflag:$0x3] =	stream.indirect_vreg.gather [hbm4b:s6+s3], $0x80, v4, vm0, $0xb8;
	[tilespmem:$0x1E800] =	vst v63  }
0x2c6: {  	s15 =	simm.s32 $0xE000  }
0x2c7: {  	[tilespmem:s15], [sflag:$0x3] =	stream.indirect_vreg.gather [hbm4b:s1+s3], $0x80, v3, vm0, $0xb8;
	[tilespmem:$0x1E800] =	vst v63  }
0x2c8: {  	s16 =	simm.s32 $0xE800  }
0x2c9: {  	[tilespmem:s16], [sflag:$0x3] =	stream.indirect_vreg.gather [hbm4b:s5+s3], $0x80, v3, vm0, $0xb8;
	[tilespmem:$0x1E800] =	vst v63  }
0x2ca: {  	s22 =	simm.s32 $0xF000  }
0x2cb: {  	[tilespmem:s22], [sflag:$0x3] =	stream.indirect_vreg.gather [hbm4b:s6+s3], $0x80, v3, vm0, $0xb8;
	[tilespmem:$0x1E800] =	vst v63  }
0x2cc: {  	v3 =	vld [tilespmem:$0x710];
	_ =	sdelay $0x4  }
0x2cd: {  	v61 =	vshrl.u32 v3, $0x3  }
0x2ce: {  	v4 =	vmul.u32 $0x30, v61  }
0x2cf: {  	v3 =	vand.u32 $0x7, v3  }
0x2d0: {  	v3 =	vor.u32 v3, v4  }
0x2d1: {  	v4 =	vperm.xlane v3, v0;
	_ =	sdelay $0x1  }
0x2d2: {  	v4 =	vadd.s32 v1, v4;
	_ =	sdelay $0x3  }
0x2d3: {  	s23 =	simm.s32 $0xF800;
	v3 =	vperm.xlane v3, v2  }
0x2d4: {  	[tilespmem:s23], [sflag:$0x3] =	stream.indirect_vreg.gather [hbm4b:s1+s3], $0x80, v4, vm0, $0xb8;
	[tilespmem:$0x1E800] =	vst v63  }
0x2d5: {  	s15 =	simm.s32 $0x10000;
	v3 =	vadd.s32 v1, v3  }
0x2d6: {  	[tilespmem:s15], [sflag:$0x3] =	stream.indirect_vreg.gather [hbm4b:s5+s3], $0x80, v4, vm0, $0xb8;
	[tilespmem:$0x1E800] =	vst v63  }
0x2d7: {  	s16 =	simm.s32 $0x10800  }
0x2d8: {  	[tilespmem:s16], [sflag:$0x3] =	stream.indirect_vreg.gather [hbm4b:s6+s3], $0x80, v4, vm0, $0xb8;
	[tilespmem:$0x1E800] =	vst v63  }
0x2d9: {  	s19 =	simm.s32 $0x11000  }
0x2da: {  	[tilespmem:s19], [sflag:$0x3] =	stream.indirect_vreg.gather [hbm4b:s1+s3], $0x80, v3, vm0, $0xb8;
	[tilespmem:$0x1E800] =	vst v63  }
0x2db: {  	s21 =	simm.s32 $0x11800  }
0x2dc: {  	[tilespmem:s21], [sflag:$0x3] =	stream.indirect_vreg.gather [hbm4b:s5+s3], $0x80, v3, vm0, $0xb8;
	[tilespmem:$0x1E800] =	vst v63  }
0x2dd: {  	s25 =	simm.s32 $0x12000  }
0x2de: {  	[tilespmem:s25], [sflag:$0x3] =	stream.indirect_vreg.gather [hbm4b:s6+s3], $0x80, v3, vm0, $0xb8;
	[tilespmem:$0x1E800] =	vst v63  }
0x2df: {  	_ =	swait.ge [sflag:s20], $0x6000  }
0x2e0: {  	[sflag:s20] =	ssyncset.done $0x0  }
0x2e1: {  	[sflag:s20] =	ssyncadd.s32 $0xFFFFA000  }
0x2e2: {  	_ =	swait.ge [sflag:s4], $0xC00  }
0x2e3: {  	[sflag:s4] =	ssyncset.done $0x0  }
0x2e4: {  	[sflag:s4] =	ssyncadd.s32 $0xFFFFF400  }
0x2e5: {  	[spmem:s8] =	stream.linear.scatter [tilespmem:s17], [sflag:$0x5], $0x6000, $0x38;
	[tilespmem:$0x1E800] =	vst v63  }
0x2e6: {  	_ =	swait.ge [sflag:s30], $0x6000  }
0x2e7: {  	[sflag:s30] =	ssyncset.done $0x0  }
0x2e8: {  	s19 =	rddreg [dreg:$0x11];
	[sflag:s30] =	ssyncadd.s32 $0xFFFFA000  }
0x2e9: {  	[hbm:s19], [sflag:s26] =	dma.local [spmem:s28], $0xC00  }
0x2ea: {  	v3 =	vld [tilespmem:$0x780];
	_ =	sdelay $0x4  }
0x2eb: {  	v62 =	vshrl.u32 v3, $0x3  }
0x2ec: {  	v4 =	vmul.u32 $0x30, v62  }
0x2ed: {  	v3 =	vand.u32 $0x7, v3  }
0x2ee: {  	v3 =	vor.u32 v3, v4  }
0x2ef: {  	v4 =	vperm.xlane v3, v0;
	_ =	sdelay $0x1  }
0x2f0: {  	v4 =	vadd.s32 v1, v4;
	_ =	sdelay $0x3  }
0x2f1: {  	v3 =	vperm.xlane v3, v2  }
0x2f2: {  	[tilespmem:s29], [sflag:$0x1] =	stream.indirect_vreg.gather [hbm4b:s1+s3], $0x80, v4, vm0, $0xb8;
	[tilespmem:$0x1E800] =	vst v63  }
0x2f3: {  	s21 =	simm.s32 $0x1000;
	v3 =	vadd.s32 v1, v3  }
0x2f4: {  	[tilespmem:s21], [sflag:$0x1] =	stream.indirect_vreg.gather [hbm4b:s5+s3], $0x80, v4, vm0, $0xb8;
	[tilespmem:$0x1E800] =	vst v63  }
0x2f5: {  	s22 =	simm.s32 $0x1800  }
0x2f6: {  	[tilespmem:s22], [sflag:$0x1] =	stream.indirect_vreg.gather [hbm4b:s6+s3], $0x80, v4, vm0, $0xb8;
	[tilespmem:$0x1E800] =	vst v63  }
0x2f7: {  	s23 =	simm.s32 $0x2000  }
0x2f8: {  	[tilespmem:s23], [sflag:$0x1] =	stream.indirect_vreg.gather [hbm4b:s1+s3], $0x80, v3, vm0, $0xb8;
	[tilespmem:$0x1E800] =	vst v63  }
0x2f9: {  	s25 =	simm.s32 $0x2800  }
0x2fa: {  	[tilespmem:s25], [sflag:$0x1] =	stream.indirect_vreg.gather [hbm4b:s5+s3], $0x80, v3, vm0, $0xb8;
	[tilespmem:$0x1E800] =	vst v63  }
0x2fb: {  	s11 =	simm.s32 $0x3000  }
0x2fc: {  	[tilespmem:s11], [sflag:$0x1] =	stream.indirect_vreg.gather [hbm4b:s6+s3], $0x80, v3, vm0, $0xb8;
	[tilespmem:$0x1E800] =	vst v63  }
0x2fd: {  	v3 =	vld [tilespmem:$0x790];
	_ =	sdelay $0x4  }
0x2fe: {  	v63 =	vshrl.u32 v3, $0x3  }
0x2ff: {  	v4 =	vmul.u32 $0x30, v63  }
0x300: {  	v3 =	vand.u32 $0x7, v3  }
0x301: {  	v3 =	vor.u32 v3, v4  }
0x302: {  	v4 =	vperm.xlane v3, v0;
	_ =	sdelay $0x1  }
0x303: {  	v4 =	vadd.s32 v1, v4;
	_ =	sdelay $0x3  }
0x304: {  	s14 =	simm.s32 $0x3800;
	v3 =	vperm.xlane v3, v2  }
0x305: {  	[tilespmem:s14], [sflag:$0x1] =	stream.indirect_vreg.gather [hbm4b:s1+s3], $0x80, v4, vm0, $0xb8;
	[tilespmem:$0x1E800] =	vst v63  }
0x306: {  	s15 =	simm.s32 $0x4000;
	v3 =	vadd.s32 v1, v3  }
0x307: {  	[tilespmem:s15], [sflag:$0x1] =	stream.indirect_vreg.gather [hbm4b:s5+s3], $0x80, v4, vm0, $0xb8;
	[tilespmem:$0x1E800] =	vst v63  }
0x308: {  	s16 =	simm.s32 $0x4800  }
0x309: {  	[tilespmem:s16], [sflag:$0x1] =	stream.indirect_vreg.gather [hbm4b:s6+s3], $0x80, v4, vm0, $0xb8;
	[tilespmem:$0x1E800] =	vst v63  }
0x30a: {  	s17 =	simm.s32 $0x5000  }
0x30b: {  	[tilespmem:s17], [sflag:$0x1] =	stream.indirect_vreg.gather [hbm4b:s1+s3], $0x80, v3, vm0, $0xb8;
	[tilespmem:$0x1E800] =	vst v63  }
0x30c: {  	s19 =	simm.s32 $0x5800  }
0x30d: {  	[tilespmem:s19], [sflag:$0x1] =	stream.indirect_vreg.gather [hbm4b:s5+s3], $0x80, v3, vm0, $0xb8;
	[tilespmem:$0x1E800] =	vst v63  }
0x30e: {  	s21 =	simm.s32 $0x6000  }
0x30f: {  	[tilespmem:s21], [sflag:$0x1] =	stream.indirect_vreg.gather [hbm4b:s6+s3], $0x80, v3, vm0, $0xb8;
	[tilespmem:$0x1E800] =	vst v63  }
0x310: {  	_ =	swait.ge [sflag:s31], $0x6000  }
0x311: {  	[sflag:s31] =	ssyncset.done $0x0  }
0x312: {  	[sflag:s31] =	ssyncadd.s32 $0xFFFFA000  }
0x313: {  	_ =	swait.ge [sflag:s2], $0xC00  }
0x314: {  	[sflag:s2] =	ssyncset.done $0x0  }
0x315: {  	[sflag:s2] =	ssyncadd.s32 $0xFFFFF400  }
0x316: {  	[spmem:s7] =	stream.linear.scatter [tilespmem:s18], [sflag:$0x6], $0x6000, $0x38;
	[tilespmem:$0x1E800] =	vst v63  }
0x317: {  	_ =	swait.ge [sflag:s0], $0x6000  }
0x318: {  	[sflag:s0] =	ssyncset.done $0x0  }
0x319: {  	s22 =	rddreg [dreg:$0x12];
	[sflag:s0] =	ssyncadd.s32 $0xFFFFA000  }
0x31a: {  	[hbm:s22], [sflag:s12] =	dma.local [spmem:s13], $0xC00  }
0x31b: {  	_ =	swait.ge [sflag:s24], $0x6000  }
0x31c: {  	[sflag:s24] =	ssyncset.done $0x0  }
0x31d: {  	[sflag:s24] =	ssyncadd.s32 $0xFFFFA000  }
0x31e: {  	_ =	swait.ge [sflag:s4], $0xC00  }
0x31f: {  	[sflag:s4] =	ssyncset.done $0x0  }
0x320: {  	[sflag:s4] =	ssyncadd.s32 $0xFFFFF400  }
0x321: {  	[spmem:s8] =	stream.linear.scatter [tilespmem:s29], [sflag:$0x4], $0x6000, $0x38;
	[tilespmem:$0x1E800] =	vst v63  }
0x322: {  	s23 =	rddreg [dreg:$0x16];
	_ =	swait.ge [sflag:s10], $0x6000  }
0x323: {  	[sflag:s10] =	ssyncset.done $0x0  }
0x324: {  	s25 =	rddreg [dreg:$0x13];
	[sflag:s10] =	ssyncadd.s32 $0xFFFFA000  }
0x325: {  	[hbm:s25], [sflag:s26] =	dma.local [spmem:s28], $0xC00  }
0x326: {  	_ =	swait.ge [sflag:s30], $0x6000  }
0x327: {  	[sflag:s30] =	ssyncset.done $0x0  }
0x328: {  	s29 =	rddreg [dreg:$0x14];
	[sflag:s30] =	ssyncadd.s32 $0xFFFFA000  }
0x329: {  	[hbm:s29], [sflag:s12] =	dma.local [spmem:s13], $0xC00  }
0x32a: {  	p0 =	sne.s32 s23, $0x1;
	_ =	swait.ge [sflag:s2], $0xC00  }
.Ltmp0:
0x32b: {  	[sflag:s2] =	ssyncset.done $0x0;
	(pc) =	sbr.rel @p0 .LBB2_1-.Ltmp0, $4  }
0x32c: {  	[sflag:s2] =	ssyncadd.s32 $0xFFFFF400  }
0x32d: {  	_ =	swait.ge [sflag:s4], $0xC00  }
0x32e: {  	[sflag:s4] =	ssyncset.done $0x0  }
0x32f: {  	s9 =	sadd.s32 $0xFFFFFFFF, s23;
	[sflag:s4] =	ssyncadd.s32 $0xFFFFF400  }
0x330: {  	_ =	sfence.sel $0x180000  }
0x331: {  	[bflag:$0x0] =	sbarrier.arrive $0xFFFF  }
0x332: {  	_ =	strace $0x90000047  }
0x333: {  	s0 =	stileid.u32;
	[bflag:$0x2] =	sbarrier.arrive $0xFFFF  }
0x334: {  	p0 =	sne.s32 s0, $0x0;
	s0 =	rddreg [dreg:$0x4]  }
0x335: {  	s0 =	sadd.s32 @!p0 $0x100000, s0  }
0x336: {  	[sflag:s0] =	ssyncadd.tile.s32 @!p0 $0x1;
	_ =	shalt  }
.Lfunc_end2:
_tile_overlayer_lowered:
.L_overlay_start_2:
0x337: {  	(tag) =	ssettag $0x2  }
0x338: {  	s0 =	rddreg [dreg:$0x0];
	s2 =	stileid.u32  }
0x339: {  	s1 =	rddreg [dreg:$0x1];
	p0 =	sne.s32 s2, $0x0  }
0x33a: {  	s3 =	rddreg [dreg:$0x2];
	[bflag:$0x3] =	sbarrier.arrive $0xFFFF;
	s2 =	simm.s32 @!p0 $0x1C09  }
0x33b: {  	[timem:s3], [sflag:s2] =	dma.local @!p0 [hbm:s0], s1  }
0x33c: {  	s0 =	simm.s32 @!p0 $0x9  }
0x33d: {  	_ =	swait.ge @!p0 [sflag:s0], s1  }
0x33e: {  	s1 =	ssub.s32 @!p0 $0x0, s1;
	[sflag:s0] =	ssyncset.done @!p0 $0x0  }
0x33f: {  	[sflag:s0] =	ssyncadd.s32 @!p0 s1  }
0x340: {  	[bflag:$0x3] =	sbarrier.arrive $0xFFFF  }
0x341: {  	_ =	shalt  }

</sc_bundles>
